<compile_context>
chip_gen: v7x
topology: tpu7x:2x2x1
jax: 0.10.2.dev20260603
libtpu: 0.0.44.dev20260713+nightly
codegen_flags: <defaults>
</compile_context>

<pallas_src>
import functools

import jax
import jax.numpy as jnp
from jax import lax
from jax.experimental import pallas as pl
from jax.experimental.pallas import tpu as pltpu
from jax.experimental.pallas import tpu_sc as plsc

_ROWS = 128
_COLS = 32768
_LANES = 16
_VREGS_PER_ROW = _COLS // _LANES
_NUM_WORKERS = 32
_ROWS_PER_WORKER = _ROWS // _NUM_WORKERS
_REGION = 512
_CAND_BUF = _REGION * _LANES
_NEWTON_ITERS = 12
_UNROLL = 16
_SENTINEL = -1.0e30


def _sc_process_row(row_v, cand_v, stat_m, stat_t, r):
    def max_body(i, carry):
        a0, a1 = carry
        base = i * _UNROLL
        for u in range(0, _UNROLL, 2):
            a0 = jnp.maximum(a0, row_v[pl.ds((base + u) * _LANES, _LANES)])
            a1 = jnp.maximum(a1, row_v[pl.ds((base + u + 1) * _LANES, _LANES)])
        return a0, a1

    neg = jnp.full((_LANES,), -3.0e38, jnp.float32)
    a0, a1 = lax.fori_loop(0, _VREGS_PER_ROW // _UNROLL, max_body, (neg, neg))
    m = jnp.max(jnp.maximum(a0, a1))
    thr_v = jnp.full((_LANES,), m - 2.0, jnp.float32)

    def flt_body(i, off_v):
        base = i * _UNROLL
        vs = [row_v[pl.ds((base + u) * _LANES, _LANES)] for u in range(_UNROLL)]
        msks = [v >= thr_v for v in vs]
        pcs = [plsc.all_reduce_population_count(mk) for mk in msks]
        pre = off_v
        for u in range(_UNROLL):
            pos = pre + plsc.cumsum(msks[u].astype(jnp.int32)) - 1
            pos = jnp.minimum(pos, _CAND_BUF - 1)
            plsc.store_scatter(cand_v, [pos], vs[u], mask=msks[u])
            pre = pre + pcs[u]
        return pre

    off_v = lax.fori_loop(0, _VREGS_PER_ROW // _UNROLL, flt_body,
                          jnp.zeros((_LANES,), jnp.int32))
    n_cand = off_v[0]
    cand_v[pl.ds(jnp.minimum(n_cand, _CAND_BUF - _LANES), _LANES)] = jnp.full(
        (_LANES,), _SENTINEL, jnp.float32)
    n_vregs = (n_cand + _LANES - 1) >> 4

    m_v = jnp.full((_LANES,), m, jnp.float32)

    def nrm_body(i, carry):
        c = cand_v[pl.ds(i * _LANES, _LANES)]
        cand_v[pl.ds(i * _LANES, _LANES)] = (c - m_v) * 0.5
        return carry

    lax.fori_loop(0, n_vregs, nrm_body, 0)

    def newton_body(kk, tau_v):
        def acc_body(i, carry):
            fa, sa = carry
            c = cand_v[pl.ds(i * _LANES, _LANES)]
            p = jnp.maximum(c - tau_v, 0.0)
            return fa + p * p, sa + p

        z = jnp.zeros((_LANES,), jnp.float32)
        fa, sa = lax.fori_loop(0, n_vregs, acc_body, (z, z))
        f_v = jnp.full((_LANES,), jnp.sum(fa), jnp.float32)
        s_v = jnp.full((_LANES,), jnp.sum(sa), jnp.float32)
        return tau_v + (f_v - 1.0) / jnp.maximum(2.0 * s_v, 1e-30)

    tau_v = lax.fori_loop(0, _NEWTON_ITERS, newton_body,
                          jnp.full((_LANES,), -1.0, jnp.float32))

    stat_m[r] = m_v
    stat_t[r] = tau_v


def _sc_stats_kernel(rpw, x_hbm, maxs_hbm, taus_hbm,
                     row0_v, row1_v, cand_v, stat_m, stat_t, sem0, sem1):
    wid = lax.axis_index("s") * 2 + lax.axis_index("c")
    base_row = wid * rpw
    bufs = (row0_v, row1_v)
    sems = (sem0, sem1)

    pltpu.async_copy(x_hbm.at[base_row], bufs[0], sems[0])
    for r in range(rpw):
        b = r % 2
        if r + 1 < rpw:
            pltpu.async_copy(x_hbm.at[base_row + r + 1],
                             bufs[1 - b], sems[1 - b])
        pltpu.make_async_copy(x_hbm.at[base_row + r], bufs[b],
                              sems[b]).wait()
        _sc_process_row(bufs[b], cand_v, stat_m, stat_t, r)

    pltpu.sync_copy(stat_m, maxs_hbm.at[pl.ds(base_row, rpw)])
    pltpu.sync_copy(stat_t, taus_hbm.at[pl.ds(base_row, rpw)])


def _sc_stats(x):
    rows = x.shape[0]
    rpw = rows // _NUM_WORKERS
    mesh = plsc.VectorSubcoreMesh(core_axis_name="c", subcore_axis_name="s")
    kfn = functools.partial(
        pl.kernel,
        out_type=[
            jax.ShapeDtypeStruct((rows, _LANES), jnp.float32),
            jax.ShapeDtypeStruct((rows, _LANES), jnp.float32),
        ],
        mesh=mesh,
        scratch_types=[
            pltpu.VMEM((_COLS,), jnp.float32),
            pltpu.VMEM((_COLS,), jnp.float32),
            pltpu.VMEM((_CAND_BUF,), jnp.float32),
            pltpu.VMEM((rpw, _LANES), jnp.float32),
            pltpu.VMEM((rpw, _LANES), jnp.float32),
            pltpu.SemaphoreType.DMA,
            pltpu.SemaphoreType.DMA,
        ],
        compiler_params=pltpu.CompilerParams(needs_layout_passes=False),
    )(functools.partial(_sc_stats_kernel, rpw))
    return kfn(x)


_TC_BLOCK_ROWS = 16


def _tc_finish_block(x_ref, maxs_ref, taus_ref, o_ref):
    m = maxs_ref[:, 0:1]
    tau = taus_ref[:, 0:1]
    t = jnp.maximum((x_ref[...] - m) * 0.5 - tau, 0.0)
    o_ref[...] = t * t


def kernel(logits):
    maxs, taus = _sc_stats(logits)
    grid = (_ROWS // _TC_BLOCK_ROWS,)
    return pl.pallas_call(
        _tc_finish_block,
        grid=grid,
        in_specs=[
            pl.BlockSpec((_TC_BLOCK_ROWS, _COLS), lambda i: (i, 0)),
            pl.BlockSpec((_TC_BLOCK_ROWS, _LANES), lambda i: (i, 0)),
            pl.BlockSpec((_TC_BLOCK_ROWS, _LANES), lambda i: (i, 0)),
        ],
        out_specs=pl.BlockSpec((_TC_BLOCK_ROWS, _COLS), lambda i: (i, 0)),
        out_shape=jax.ShapeDtypeStruct((_ROWS, _COLS), logits.dtype),
    )(logits, maxs, taus)

# --- scband reference (transcript-rebuilt; emitter-appended) ---
"""Pipeline reference for scband-em15-temp-25829933318538 (READ-ONLY COPY).

The authoritative reference and input builder live on the scoring server;
editing this copy changes nothing except your own understanding.
"""

import jax, jax.numpy as jnp
import numpy as np


def setup_inputs(seed: int = 0) -> dict:
    key = jax.random.key(seed)
    logits = jax.random.normal(key, (128, 32768), dtype=jnp.float32)
    return {"logits": logits}


def _entmax15_fwd(x):
    # Faithful translation of Entmax15Function.forward (dim=-1)
    x = x - jnp.max(x, axis=-1, keepdims=True)
    x = x / 2.0
    Xsrt = -jnp.sort(-x, axis=-1)  # descending sort
    d = x.shape[-1]
    rho = jnp.arange(1, d + 1, dtype=x.dtype)
    mean = jnp.cumsum(Xsrt, axis=-1) / rho
    mean_sq = jnp.cumsum(Xsrt * Xsrt, axis=-1) / rho
    ss = rho * (mean_sq - mean * mean)
    delta = (1.0 - ss) / rho
    delta_nz = jnp.clip(delta, 0.0, None)
    tau = mean - jnp.sqrt(delta_nz)
    support_size = jnp.sum((tau <= Xsrt).astype(jnp.int32), axis=-1, keepdims=True)
    tau_star = jnp.take_along_axis(tau, support_size - 1, axis=-1)
    out = jnp.clip(x - tau_star, 0.0, None) ** 2
    return out


def reference(logits):
    # EM15Temp with sample_soft=True -> forward_with_tau; tau = max_temp = 1.0 at init
    tau_temp = 1.0
    return _entmax15_fwd(logits / tau_temp)

if __name__ == "__main__":
    import jax
    _d = setup_inputs()
    print(jax.jit(kernel)(*tuple(_d.values())))

</pallas_src>

<mosaic_0001>
#map = affine_map<(d0, d1) -> (0, 0)>
module attributes {stable_mosaic.version = 14 : i64} {
  func.func @_sc_stats_kernel(%arg0: i32, %arg1: i32, %arg2: memref<128x32768xf32, #tpu.memory_space<hbm>>, %arg3: memref<128x16xf32, #tpu.memory_space<hbm>>, %arg4: memref<128x16xf32, #tpu.memory_space<hbm>>, %arg5: memref<32768xf32, #tpu.memory_space<vmem>>, %arg6: memref<32768xf32, #tpu.memory_space<vmem>>, %arg7: memref<8192xf32, #tpu.memory_space<vmem>>, %arg8: memref<4x16xf32, #tpu.memory_space<vmem>>, %arg9: memref<4x16xf32, #tpu.memory_space<vmem>>, %arg10: memref<!tpu.dma_semaphore, #tpu.memory_space<semaphore_mem>>, %arg11: memref<!tpu.dma_semaphore, #tpu.memory_space<semaphore_mem>>) attributes {dimension_semantics = [#tpu.dimension_semantics<core_parallel>, #tpu.dimension_semantics<subcore_parallel>], iteration_bounds = array<i64: 2, 16>, scalar_prefetch = 0 : i64, scratch_operands = 7 : i64, tpu.core_type = #tpu.core_type<sc_vector_subcore>, window_params = [{transform_indices = #map}, {transform_indices = #map}, {transform_indices = #map}]} {
    %mul3A = arith.constant 2 : i32
    %mul3A_0 = arith.muli %arg1, %mul3A : i32
    %add3A = arith.addi %mul3A_0, %arg0 : i32
    %mul3A_1 = arith.constant 4 : i32
    %mul3A_2 = arith.muli %add3A, %mul3A_1 : i32
    %dma_start3A = arith.constant 0 : i32
    %dma_start3A_3 = tpu.memref_slice %arg2[%mul3A_2, %dma_start3A] : memref<128x32768xf32, #tpu.memory_space<hbm>> -> memref<1x32768xf32, #tpu.memory_space<hbm>>
    %dma_start3A_4 = tpu.memref_squeeze %dma_start3A_3 : memref<1x32768xf32, #tpu.memory_space<hbm>> -> memref<32768xf32, #tpu.memory_space<hbm>>
    %dma_start3A_5 = arith.constant 0 : i32
    %dma_start3A_6 = tpu.memref_slice %arg2[%mul3A_2, %dma_start3A_5] : memref<128x32768xf32, #tpu.memory_space<hbm>> -> memref<1x32768xf32, #tpu.memory_space<hbm>>
    %dma_start3A_7 = tpu.memref_squeeze %dma_start3A_6 : memref<1x32768xf32, #tpu.memory_space<hbm>> -> memref<32768xf32, #tpu.memory_space<hbm>>
    tpu.enqueue_dma source(%dma_start3A_7 : memref<32768xf32, #tpu.memory_space<hbm>>) target(%arg5 : memref<32768xf32, #tpu.memory_space<vmem>>) target_semaphore(%arg10 : memref<!tpu.dma_semaphore, #tpu.memory_space<semaphore_mem>>)
    %add3A_8 = arith.constant 0 : i32
    %add3A_9 = arith.addi %mul3A_2, %add3A_8 : i32
    %add3A_10 = arith.constant 1 : i32
    %add3A_11 = arith.addi %add3A_9, %add3A_10 : i32
    %dma_start3A_12 = arith.constant 0 : i32
    %dma_start3A_13 = tpu.memref_slice %arg2[%add3A_11, %dma_start3A_12] : memref<128x32768xf32, #tpu.memory_space<hbm>> -> memref<1x32768xf32, #tpu.memory_space<hbm>>
    %dma_start3A_14 = tpu.memref_squeeze %dma_start3A_13 : memref<1x32768xf32, #tpu.memory_space<hbm>> -> memref<32768xf32, #tpu.memory_space<hbm>>
    %dma_start3A_15 = arith.constant 0 : i32
    %dma_start3A_16 = tpu.memref_slice %arg2[%add3A_11, %dma_start3A_15] : memref<128x32768xf32, #tpu.memory_space<hbm>> -> memref<1x32768xf32, #tpu.memory_space<hbm>>
    %dma_start3A_17 = tpu.memref_squeeze %dma_start3A_16 : memref<1x32768xf32, #tpu.memory_space<hbm>> -> memref<32768xf32, #tpu.memory_space<hbm>>
    tpu.enqueue_dma source(%dma_start3A_17 : memref<32768xf32, #tpu.memory_space<hbm>>) target(%arg6 : memref<32768xf32, #tpu.memory_space<vmem>>) target_semaphore(%arg11 : memref<!tpu.dma_semaphore, #tpu.memory_space<semaphore_mem>>)
    %add3A_18 = arith.constant 0 : i32
    %add3A_19 = arith.addi %mul3A_2, %add3A_18 : i32
    %dma_wait3A = arith.constant 0 : i32
    %dma_wait3A_20 = tpu.memref_slice %arg2[%add3A_19, %dma_wait3A] : memref<128x32768xf32, #tpu.memory_space<hbm>> -> memref<1x32768xf32, #tpu.memory_space<hbm>>
    %dma_wait3A_21 = tpu.memref_squeeze %dma_wait3A_20 : memref<1x32768xf32, #tpu.memory_space<hbm>> -> memref<32768xf32, #tpu.memory_space<hbm>>
    %dma_wait3A_22 = arith.constant 0 : i32
    %dma_wait3A_23 = tpu.memref_slice %arg2[%add3A_19, %dma_wait3A_22] : memref<128x32768xf32, #tpu.memory_space<hbm>> -> memref<1x32768xf32, #tpu.memory_space<hbm>>
    %dma_wait3A_24 = tpu.memref_squeeze %dma_wait3A_23 : memref<1x32768xf32, #tpu.memory_space<hbm>> -> memref<32768xf32, #tpu.memory_space<hbm>>
    tpu.wait_dma2 semaphore(%arg10 : memref<!tpu.dma_semaphore, #tpu.memory_space<semaphore_mem>>) src(%dma_wait3A_24 : memref<32768xf32, #tpu.memory_space<hbm>>) dst(%arg5 : memref<32768xf32, #tpu.memory_space<vmem>>)
    %broadcast_in_dim3A = arith.constant -3.000000e+38 : f32
    %broadcast_in_dim3A_25 = vector.broadcast %broadcast_in_dim3A : f32 to vector<16xf32>
    %scan3A = arith.constant 0 : i32
    %scan3A_26 = arith.constant 128 : i32
    %scan3A_27 = arith.addi %scan3A, %scan3A_26 : i32
    %scan3A_28 = arith.constant 1 : i32
    %scan3A_29:2 = scf.for %scan3A_318 = %scan3A to %scan3A_27 step %scan3A_28 iter_args(%scan3A_319 = %broadcast_in_dim3A_25, %scan3A_320 = %broadcast_in_dim3A_25) -> (vector<16xf32>, vector<16xf32>)  : i32 {
      %mul3A_321 = arith.constant 16 : i32
      %mul3A_322 = arith.muli %scan3A_318, %mul3A_321 : i32
      %add3A_323 = arith.constant 0 : i32
      %add3A_324 = arith.addi %mul3A_322, %add3A_323 : i32
      %mul3A_325 = arith.constant 16 : i32
      %mul3A_326 = arith.muli %add3A_324, %mul3A_325 : i32
      %get3A = arith.index_cast %mul3A_326 : i32 to index
      %get3A_327 = tpu.vector_load %arg5[%get3A] {strides = array<i32>} : memref<32768xf32, #tpu.memory_space<vmem>>, vector<16xf32>,
      %max3A_328 = arith.maximumf %scan3A_319, %get3A_327 : vector<16xf32>
      %add3A_329 = arith.constant 0 : i32
      %add3A_330 = arith.addi %mul3A_322, %add3A_329 : i32
      %add3A_331 = arith.constant 1 : i32
      %add3A_332 = arith.addi %add3A_330, %add3A_331 : i32
      %mul3A_333 = arith.constant 16 : i32
      %mul3A_334 = arith.muli %add3A_332, %mul3A_333 : i32
      %get3A_335 = arith.index_cast %mul3A_334 : i32 to index
      %get3A_336 = tpu.vector_load %arg5[%get3A_335] {strides = array<i32>} : memref<32768xf32, #tpu.memory_space<vmem>>, vector<16xf32>,
      %max3A_337 = arith.maximumf %scan3A_320, %get3A_336 : vector<16xf32>
      %add3A_338 = arith.constant 2 : i32
      %add3A_339 = arith.addi %mul3A_322, %add3A_338 : i32
      %mul3A_340 = arith.constant 16 : i32
      %mul3A_341 = arith.muli %add3A_339, %mul3A_340 : i32
      %get3A_342 = arith.index_cast %mul3A_341 : i32 to index
      %get3A_343 = tpu.vector_load %arg5[%get3A_342] {strides = array<i32>} : memref<32768xf32, #tpu.memory_space<vmem>>, vector<16xf32>,
      %max3A_344 = arith.maximumf %max3A_328, %get3A_343 : vector<16xf32>
      %add3A_345 = arith.constant 2 : i32
      %add3A_346 = arith.addi %mul3A_322, %add3A_345 : i32
      %add3A_347 = arith.constant 1 : i32
      %add3A_348 = arith.addi %add3A_346, %add3A_347 : i32
      %mul3A_349 = arith.constant 16 : i32
      %mul3A_350 = arith.muli %add3A_348, %mul3A_349 : i32
      %get3A_351 = arith.index_cast %mul3A_350 : i32 to index
      %get3A_352 = tpu.vector_load %arg5[%get3A_351] {strides = array<i32>} : memref<32768xf32, #tpu.memory_space<vmem>>, vector<16xf32>,
      %max3A_353 = arith.maximumf %max3A_337, %get3A_352 : vector<16xf32>
      %add3A_354 = arith.constant 4 : i32
      %add3A_355 = arith.addi %mul3A_322, %add3A_354 : i32
      %mul3A_356 = arith.constant 16 : i32
      %mul3A_357 = arith.muli %add3A_355, %mul3A_356 : i32
      %get3A_358 = arith.index_cast %mul3A_357 : i32 to index
      %get3A_359 = tpu.vector_load %arg5[%get3A_358] {strides = array<i32>} : memref<32768xf32, #tpu.memory_space<vmem>>, vector<16xf32>,
      %max3A_360 = arith.maximumf %max3A_344, %get3A_359 : vector<16xf32>
      %add3A_361 = arith.constant 4 : i32
      %add3A_362 = arith.addi %mul3A_322, %add3A_361 : i32
      %add3A_363 = arith.constant 1 : i32
      %add3A_364 = arith.addi %add3A_362, %add3A_363 : i32
      %mul3A_365 = arith.constant 16 : i32
      %mul3A_366 = arith.muli %add3A_364, %mul3A_365 : i32
      %get3A_367 = arith.index_cast %mul3A_366 : i32 to index
      %get3A_368 = tpu.vector_load %arg5[%get3A_367] {strides = array<i32>} : memref<32768xf32, #tpu.memory_space<vmem>>, vector<16xf32>,
      %max3A_369 = arith.maximumf %max3A_353, %get3A_368 : vector<16xf32>
      %add3A_370 = arith.constant 6 : i32
      %add3A_371 = arith.addi %mul3A_322, %add3A_370 : i32
      %mul3A_372 = arith.constant 16 : i32
      %mul3A_373 = arith.muli %add3A_371, %mul3A_372 : i32
      %get3A_374 = arith.index_cast %mul3A_373 : i32 to index
      %get3A_375 = tpu.vector_load %arg5[%get3A_374] {strides = array<i32>} : memref<32768xf32, #tpu.memory_space<vmem>>, vector<16xf32>,
      %max3A_376 = arith.maximumf %max3A_360, %get3A_375 : vector<16xf32>
      %add3A_377 = arith.constant 6 : i32
      %add3A_378 = arith.addi %mul3A_322, %add3A_377 : i32
      %add3A_379 = arith.constant 1 : i32
      %add3A_380 = arith.addi %add3A_378, %add3A_379 : i32
      %mul3A_381 = arith.constant 16 : i32
      %mul3A_382 = arith.muli %add3A_380, %mul3A_381 : i32
      %get3A_383 = arith.index_cast %mul3A_382 : i32 to index
      %get3A_384 = tpu.vector_load %arg5[%get3A_383] {strides = array<i32>} : memref<32768xf32, #tpu.memory_space<vmem>>, vector<16xf32>,
      %max3A_385 = arith.maximumf %max3A_369, %get3A_384 : vector<16xf32>
      %add3A_386 = arith.constant 8 : i32
      %add3A_387 = arith.addi %mul3A_322, %add3A_386 : i32
      %mul3A_388 = arith.constant 16 : i32
      %mul3A_389 = arith.muli %add3A_387, %mul3A_388 : i32
      %get3A_390 = arith.index_cast %mul3A_389 : i32 to index
      %get3A_391 = tpu.vector_load %arg5[%get3A_390] {strides = array<i32>} : memref<32768xf32, #tpu.memory_space<vmem>>, vector<16xf32>,
      %max3A_392 = arith.maximumf %max3A_376, %get3A_391 : vector<16xf32>
      %add3A_393 = arith.constant 8 : i32
      %add3A_394 = arith.addi %mul3A_322, %add3A_393 : i32
      %add3A_395 = arith.constant 1 : i32
      %add3A_396 = arith.addi %add3A_394, %add3A_395 : i32
      %mul3A_397 = arith.constant 16 : i32
      %mul3A_398 = arith.muli %add3A_396, %mul3A_397 : i32
      %get3A_399 = arith.index_cast %mul3A_398 : i32 to index
      %get3A_400 = tpu.vector_load %arg5[%get3A_399] {strides = array<i32>} : memref<32768xf32, #tpu.memory_space<vmem>>, vector<16xf32>,
      %max3A_401 = arith.maximumf %max3A_385, %get3A_400 : vector<16xf32>
      %add3A_402 = arith.constant 10 : i32
      %add3A_403 = arith.addi %mul3A_322, %add3A_402 : i32
      %mul3A_404 = arith.constant 16 : i32
      %mul3A_405 = arith.muli %add3A_403, %mul3A_404 : i32
      %get3A_406 = arith.index_cast %mul3A_405 : i32 to index
      %get3A_407 = tpu.vector_load %arg5[%get3A_406] {strides = array<i32>} : memref<32768xf32, #tpu.memory_space<vmem>>, vector<16xf32>,
      %max3A_408 = arith.maximumf %max3A_392, %get3A_407 : vector<16xf32>
      %add3A_409 = arith.constant 10 : i32
      %add3A_410 = arith.addi %mul3A_322, %add3A_409 : i32
      %add3A_411 = arith.constant 1 : i32
      %add3A_412 = arith.addi %add3A_410, %add3A_411 : i32
      %mul3A_413 = arith.constant 16 : i32
      %mul3A_414 = arith.muli %add3A_412, %mul3A_413 : i32
      %get3A_415 = arith.index_cast %mul3A_414 : i32 to index
      %get3A_416 = tpu.vector_load %arg5[%get3A_415] {strides = array<i32>} : memref<32768xf32, #tpu.memory_space<vmem>>, vector<16xf32>,
      %max3A_417 = arith.maximumf %max3A_401, %get3A_416 : vector<16xf32>
      %add3A_418 = arith.constant 12 : i32
      %add3A_419 = arith.addi %mul3A_322, %add3A_418 : i32
      %mul3A_420 = arith.constant 16 : i32
      %mul3A_421 = arith.muli %add3A_419, %mul3A_420 : i32
      %get3A_422 = arith.index_cast %mul3A_421 : i32 to index
      %get3A_423 = tpu.vector_load %arg5[%get3A_422] {strides = array<i32>} : memref<32768xf32, #tpu.memory_space<vmem>>, vector<16xf32>,
      %max3A_424 = arith.maximumf %max3A_408, %get3A_423 : vector<16xf32>
      %add3A_425 = arith.constant 12 : i32
      %add3A_426 = arith.addi %mul3A_322, %add3A_425 : i32
      %add3A_427 = arith.constant 1 : i32
      %add3A_428 = arith.addi %add3A_426, %add3A_427 : i32
      %mul3A_429 = arith.constant 16 : i32
      %mul3A_430 = arith.muli %add3A_428, %mul3A_429 : i32
      %get3A_431 = arith.index_cast %mul3A_430 : i32 to index
      %get3A_432 = tpu.vector_load %arg5[%get3A_431] {strides = array<i32>} : memref<32768xf32, #tpu.memory_space<vmem>>, vector<16xf32>,
      %max3A_433 = arith.maximumf %max3A_417, %get3A_432 : vector<16xf32>
      %add3A_434 = arith.constant 14 : i32
      %add3A_435 = arith.addi %mul3A_322, %add3A_434 : i32
      %mul3A_436 = arith.constant 16 : i32
      %mul3A_437 = arith.muli %add3A_435, %mul3A_436 : i32
      %get3A_438 = arith.index_cast %mul3A_437 : i32 to index
      %get3A_439 = tpu.vector_load %arg5[%get3A_438] {strides = array<i32>} : memref<32768xf32, #tpu.memory_space<vmem>>, vector<16xf32>,
      %max3A_440 = arith.maximumf %max3A_424, %get3A_439 : vector<16xf32>
      %add3A_441 = arith.constant 14 : i32
      %add3A_442 = arith.addi %mul3A_322, %add3A_441 : i32
      %add3A_443 = arith.constant 1 : i32
      %add3A_444 = arith.addi %add3A_442, %add3A_443 : i32
      %mul3A_445 = arith.constant 16 : i32
      %mul3A_446 = arith.muli %add3A_444, %mul3A_445 : i32
      %get3A_447 = arith.index_cast %mul3A_446 : i32 to index
      %get3A_448 = tpu.vector_load %arg5[%get3A_447] {strides = array<i32>} : memref<32768xf32, #tpu.memory_space<vmem>>, vector<16xf32>,
      %max3A_449 = arith.maximumf %max3A_433, %get3A_448 : vector<16xf32>
      scf.yield %max3A_440, %max3A_449 : vector<16xf32>, vector<16xf32>
    }
    %scan3A_30 = arith.constant 128 : i32
    %max3A = arith.maximumf %scan3A_29#0, %scan3A_29#1 : vector<16xf32>
    %reduce_max3A = arith.constant true
    %reduce_max3A_31 = vector.broadcast %reduce_max3A : i1 to vector<16xi1>
    %reduce_max3A_32 = tpu.scan <max>, %max3A masked %reduce_max3A_31 : vector<16xf32>, vector<16xi1> -> vector<16xf32>
    %reduce_max3A_33 = vector.extract %reduce_max3A_32[15] : f32 from vector<16xf32>
    %sub3A = arith.constant 2.000000e+00 : f32
    %sub3A_34 = arith.subf %reduce_max3A_33, %sub3A : f32
    %broadcast_in_dim3A_35 = vector.broadcast %sub3A_34 : f32 to vector<16xf32>
    %broadcast_in_dim3A_36 = arith.constant 0 : i32
    %broadcast_in_dim3A_37 = vector.broadcast %broadcast_in_dim3A_36 : i32 to vector<16xi32>
    %scan3A_38 = arith.constant 0 : i32
    %scan3A_39 = arith.constant 128 : i32
    %scan3A_40 = arith.addi %scan3A_38, %scan3A_39 : i32
    %scan3A_41 = arith.constant 1 : i32
    %scan3A_42 = scf.for %scan3A_318 = %scan3A_38 to %scan3A_40 step %scan3A_41 iter_args(%scan3A_319 = %broadcast_in_dim3A_37) -> (vector<16xi32>)  : i32 {
      %mul3A_320 = arith.constant 16 : i32
      %mul3A_321 = arith.muli %scan3A_318, %mul3A_320 : i32
      %add3A_322 = arith.constant 0 : i32
      %add3A_323 = arith.addi %mul3A_321, %add3A_322 : i32
      %mul3A_324 = arith.constant 16 : i32
      %mul3A_325 = arith.muli %add3A_323, %mul3A_324 : i32
      %get3A = arith.index_cast %mul3A_325 : i32 to index
      %get3A_326 = tpu.vector_load %arg5[%get3A] {strides = array<i32>} : memref<32768xf32, #tpu.memory_space<vmem>>, vector<16xf32>,
      %add3A_327 = arith.constant 1 : i32
      %add3A_328 = arith.addi %mul3A_321, %add3A_327 : i32
      %mul3A_329 = arith.constant 16 : i32
      %mul3A_330 = arith.muli %add3A_328, %mul3A_329 : i32
      %get3A_331 = arith.index_cast %mul3A_330 : i32 to index
      %get3A_332 = tpu.vector_load %arg5[%get3A_331] {strides = array<i32>} : memref<32768xf32, #tpu.memory_space<vmem>>, vector<16xf32>,
      %add3A_333 = arith.constant 2 : i32
      %add3A_334 = arith.addi %mul3A_321, %add3A_333 : i32
      %mul3A_335 = arith.constant 16 : i32
      %mul3A_336 = arith.muli %add3A_334, %mul3A_335 : i32
      %get3A_337 = arith.index_cast %mul3A_336 : i32 to index
      %get3A_338 = tpu.vector_load %arg5[%get3A_337] {strides = array<i32>} : memref<32768xf32, #tpu.memory_space<vmem>>, vector<16xf32>,
      %add3A_339 = arith.constant 3 : i32
      %add3A_340 = arith.addi %mul3A_321, %add3A_339 : i32
      %mul3A_341 = arith.constant 16 : i32
      %mul3A_342 = arith.muli %add3A_340, %mul3A_341 : i32
      %get3A_343 = arith.index_cast %mul3A_342 : i32 to index
      %get3A_344 = tpu.vector_load %arg5[%get3A_343] {strides = array<i32>} : memref<32768xf32, #tpu.memory_space<vmem>>, vector<16xf32>,
      %add3A_345 = arith.constant 4 : i32
      %add3A_346 = arith.addi %mul3A_321, %add3A_345 : i32
      %mul3A_347 = arith.constant 16 : i32
      %mul3A_348 = arith.muli %add3A_346, %mul3A_347 : i32
      %get3A_349 = arith.index_cast %mul3A_348 : i32 to index
      %get3A_350 = tpu.vector_load %arg5[%get3A_349] {strides = array<i32>} : memref<32768xf32, #tpu.memory_space<vmem>>, vector<16xf32>,
      %add3A_351 = arith.constant 5 : i32
      %add3A_352 = arith.addi %mul3A_321, %add3A_351 : i32
      %mul3A_353 = arith.constant 16 : i32
      %mul3A_354 = arith.muli %add3A_352, %mul3A_353 : i32
      %get3A_355 = arith.index_cast %mul3A_354 : i32 to index
      %get3A_356 = tpu.vector_load %arg5[%get3A_355] {strides = array<i32>} : memref<32768xf32, #tpu.memory_space<vmem>>, vector<16xf32>,
      %add3A_357 = arith.constant 6 : i32
      %add3A_358 = arith.addi %mul3A_321, %add3A_357 : i32
      %mul3A_359 = arith.constant 16 : i32
      %mul3A_360 = arith.muli %add3A_358, %mul3A_359 : i32
      %get3A_361 = arith.index_cast %mul3A_360 : i32 to index
      %get3A_362 = tpu.vector_load %arg5[%get3A_361] {strides = array<i32>} : memref<32768xf32, #tpu.memory_space<vmem>>, vector<16xf32>,
      %add3A_363 = arith.constant 7 : i32
      %add3A_364 = arith.addi %mul3A_321, %add3A_363 : i32
      %mul3A_365 = arith.constant 16 : i32
      %mul3A_366 = arith.muli %add3A_364, %mul3A_365 : i32
      %get3A_367 = arith.index_cast %mul3A_366 : i32 to index
      %get3A_368 = tpu.vector_load %arg5[%get3A_367] {strides = array<i32>} : memref<32768xf32, #tpu.memory_space<vmem>>, vector<16xf32>,
      %add3A_369 = arith.constant 8 : i32
      %add3A_370 = arith.addi %mul3A_321, %add3A_369 : i32
      %mul3A_371 = arith.constant 16 : i32
      %mul3A_372 = arith.muli %add3A_370, %mul3A_371 : i32
      %get3A_373 = arith.index_cast %mul3A_372 : i32 to index
      %get3A_374 = tpu.vector_load %arg5[%get3A_373] {strides = array<i32>} : memref<32768xf32, #tpu.memory_space<vmem>>, vector<16xf32>,
      %add3A_375 = arith.constant 9 : i32
      %add3A_376 = arith.addi %mul3A_321, %add3A_375 : i32
      %mul3A_377 = arith.constant 16 : i32
      %mul3A_378 = arith.muli %add3A_376, %mul3A_377 : i32
      %get3A_379 = arith.index_cast %mul3A_378 : i32 to index
      %get3A_380 = tpu.vector_load %arg5[%get3A_379] {strides = array<i32>} : memref<32768xf32, #tpu.memory_space<vmem>>, vector<16xf32>,
      %add3A_381 = arith.constant 10 : i32
      %add3A_382 = arith.addi %mul3A_321, %add3A_381 : i32
      %mul3A_383 = arith.constant 16 : i32
      %mul3A_384 = arith.muli %add3A_382, %mul3A_383 : i32
      %get3A_385 = arith.index_cast %mul3A_384 : i32 to index
      %get3A_386 = tpu.vector_load %arg5[%get3A_385] {strides = array<i32>} : memref<32768xf32, #tpu.memory_space<vmem>>, vector<16xf32>,
      %add3A_387 = arith.constant 11 : i32
      %add3A_388 = arith.addi %mul3A_321, %add3A_387 : i32
      %mul3A_389 = arith.constant 16 : i32
      %mul3A_390 = arith.muli %add3A_388, %mul3A_389 : i32
      %get3A_391 = arith.index_cast %mul3A_390 : i32 to index
      %get3A_392 = tpu.vector_load %arg5[%get3A_391] {strides = array<i32>} : memref<32768xf32, #tpu.memory_space<vmem>>, vector<16xf32>,
      %add3A_393 = arith.constant 12 : i32
      %add3A_394 = arith.addi %mul3A_321, %add3A_393 : i32
      %mul3A_395 = arith.constant 16 : i32
      %mul3A_396 = arith.muli %add3A_394, %mul3A_395 : i32
      %get3A_397 = arith.index_cast %mul3A_396 : i32 to index
      %get3A_398 = tpu.vector_load %arg5[%get3A_397] {strides = array<i32>} : memref<32768xf32, #tpu.memory_space<vmem>>, vector<16xf32>,
      %add3A_399 = arith.constant 13 : i32
      %add3A_400 = arith.addi %mul3A_321, %add3A_399 : i32
      %mul3A_401 = arith.constant 16 : i32
      %mul3A_402 = arith.muli %add3A_400, %mul3A_401 : i32
      %get3A_403 = arith.index_cast %mul3A_402 : i32 to index
      %get3A_404 = tpu.vector_load %arg5[%get3A_403] {strides = array<i32>} : memref<32768xf32, #tpu.memory_space<vmem>>, vector<16xf32>,
      %add3A_405 = arith.constant 14 : i32
      %add3A_406 = arith.addi %mul3A_321, %add3A_405 : i32
      %mul3A_407 = arith.constant 16 : i32
      %mul3A_408 = arith.muli %add3A_406, %mul3A_407 : i32
      %get3A_409 = arith.index_cast %mul3A_408 : i32 to index
      %get3A_410 = tpu.vector_load %arg5[%get3A_409] {strides = array<i32>} : memref<32768xf32, #tpu.memory_space<vmem>>, vector<16xf32>,
      %add3A_411 = arith.constant 15 : i32
      %add3A_412 = arith.addi %mul3A_321, %add3A_411 : i32
      %mul3A_413 = arith.constant 16 : i32
      %mul3A_414 = arith.muli %add3A_412, %mul3A_413 : i32
      %get3A_415 = arith.index_cast %mul3A_414 : i32 to index
      %get3A_416 = tpu.vector_load %arg5[%get3A_415] {strides = array<i32>} : memref<32768xf32, #tpu.memory_space<vmem>>, vector<16xf32>,
      %ge3A = arith.cmpf oge, %get3A_326, %broadcast_in_dim3A_35 : vector<16xf32>
      %ge3A_417 = arith.cmpf oge, %get3A_332, %broadcast_in_dim3A_35 : vector<16xf32>
      %ge3A_418 = arith.cmpf oge, %get3A_338, %broadcast_in_dim3A_35 : vector<16xf32>
      %ge3A_419 = arith.cmpf oge, %get3A_344, %broadcast_in_dim3A_35 : vector<16xf32>
      %ge3A_420 = arith.cmpf oge, %get3A_350, %broadcast_in_dim3A_35 : vector<16xf32>
      %ge3A_421 = arith.cmpf oge, %get3A_356, %broadcast_in_dim3A_35 : vector<16xf32>
      %ge3A_422 = arith.cmpf oge, %get3A_362, %broadcast_in_dim3A_35 : vector<16xf32>
      %ge3A_423 = arith.cmpf oge, %get3A_368, %broadcast_in_dim3A_35 : vector<16xf32>
      %ge3A_424 = arith.cmpf oge, %get3A_374, %broadcast_in_dim3A_35 : vector<16xf32>
      %ge3A_425 = arith.cmpf oge, %get3A_380, %broadcast_in_dim3A_35 : vector<16xf32>
      %ge3A_426 = arith.cmpf oge, %get3A_386, %broadcast_in_dim3A_35 : vector<16xf32>
      %ge3A_427 = arith.cmpf oge, %get3A_392, %broadcast_in_dim3A_35 : vector<16xf32>
      %ge3A_428 = arith.cmpf oge, %get3A_398, %broadcast_in_dim3A_35 : vector<16xf32>
      %ge3A_429 = arith.cmpf oge, %get3A_404, %broadcast_in_dim3A_35 : vector<16xf32>
      %ge3A_430 = arith.cmpf oge, %get3A_410, %broadcast_in_dim3A_35 : vector<16xf32>
      %ge3A_431 = arith.cmpf oge, %get3A_416, %broadcast_in_dim3A_35 : vector<16xf32>
      %all_reduce_population_count3A = tpu.all_reduce %ge3A {dim = 0 : i64, kind = #tpu.reduction_kind<sum>} : vector<16xi1> -> vector<16xi32>
      %all_reduce_population_count3A_432 = tpu.all_reduce %ge3A_417 {dim = 0 : i64, kind = #tpu.reduction_kind<sum>} : vector<16xi1> -> vector<16xi32>
      %all_reduce_population_count3A_433 = tpu.all_reduce %ge3A_418 {dim = 0 : i64, kind = #tpu.reduction_kind<sum>} : vector<16xi1> -> vector<16xi32>
      %all_reduce_population_count3A_434 = tpu.all_reduce %ge3A_419 {dim = 0 : i64, kind = #tpu.reduction_kind<sum>} : vector<16xi1> -> vector<16xi32>
      %all_reduce_population_count3A_435 = tpu.all_reduce %ge3A_420 {dim = 0 : i64, kind = #tpu.reduction_kind<sum>} : vector<16xi1> -> vector<16xi32>
      %all_reduce_population_count3A_436 = tpu.all_reduce %ge3A_421 {dim = 0 : i64, kind = #tpu.reduction_kind<sum>} : vector<16xi1> -> vector<16xi32>
      %all_reduce_population_count3A_437 = tpu.all_reduce %ge3A_422 {dim = 0 : i64, kind = #tpu.reduction_kind<sum>} : vector<16xi1> -> vector<16xi32>
      %all_reduce_population_count3A_438 = tpu.all_reduce %ge3A_423 {dim = 0 : i64, kind = #tpu.reduction_kind<sum>} : vector<16xi1> -> vector<16xi32>
      %all_reduce_population_count3A_439 = tpu.all_reduce %ge3A_424 {dim = 0 : i64, kind = #tpu.reduction_kind<sum>} : vector<16xi1> -> vector<16xi32>
      %all_reduce_population_count3A_440 = tpu.all_reduce %ge3A_425 {dim = 0 : i64, kind = #tpu.reduction_kind<sum>} : vector<16xi1> -> vector<16xi32>
      %all_reduce_population_count3A_441 = tpu.all_reduce %ge3A_426 {dim = 0 : i64, kind = #tpu.reduction_kind<sum>} : vector<16xi1> -> vector<16xi32>
      %all_reduce_population_count3A_442 = tpu.all_reduce %ge3A_427 {dim = 0 : i64, kind = #tpu.reduction_kind<sum>} : vector<16xi1> -> vector<16xi32>
      %all_reduce_population_count3A_443 = tpu.all_reduce %ge3A_428 {dim = 0 : i64, kind = #tpu.reduction_kind<sum>} : vector<16xi1> -> vector<16xi32>
      %all_reduce_population_count3A_444 = tpu.all_reduce %ge3A_429 {dim = 0 : i64, kind = #tpu.reduction_kind<sum>} : vector<16xi1> -> vector<16xi32>
      %all_reduce_population_count3A_445 = tpu.all_reduce %ge3A_430 {dim = 0 : i64, kind = #tpu.reduction_kind<sum>} : vector<16xi1> -> vector<16xi32>
      %all_reduce_population_count3A_446 = tpu.all_reduce %ge3A_431 {dim = 0 : i64, kind = #tpu.reduction_kind<sum>} : vector<16xi1> -> vector<16xi32>
      %convert_element_type3A = arith.extui %ge3A : vector<16xi1> to vector<16xi32>
      %broadcast_in_dim3A_447 = arith.constant true
      %broadcast_in_dim3A_448 = vector.broadcast %broadcast_in_dim3A_447 : i1 to vector<16xi1>
      %masked_cumsum3A = tpu.scan <sum>, %convert_element_type3A masked %broadcast_in_dim3A_448 : vector<16xi32>, vector<16xi1> -> vector<16xi32>
      %add3A_449 = arith.addi %scan3A_319, %masked_cumsum3A : vector<16xi32>
      %sub3A_450 = arith.constant 1 : i32
      %sub3A_451 = vector.broadcast %sub3A_450 : i32 to vector<16xi32>
      %sub3A_452 = arith.subi %add3A_449, %sub3A_451 : vector<16xi32>
      %min3A_453 = arith.constant 8191 : i32
      %min3A_454 = vector.broadcast %min3A_453 : i32 to vector<16xi32>
      %min3A_455 = arith.minsi %sub3A_452, %min3A_454 : vector<16xi32>
      tpu.vector_store_idx %arg7[%min3A_455], %get3A_326 masked %ge3A : memref<8192xf32, #tpu.memory_space<vmem>>[vector<16xi32>], vector<16xf32>, vector<16xi1>
      %add3A_456 = arith.addi %scan3A_319, %all_reduce_population_count3A : vector<16xi32>
      %convert_element_type3A_457 = arith.extui %ge3A_417 : vector<16xi1> to vector<16xi32>
      %broadcast_in_dim3A_458 = arith.constant true
      %broadcast_in_dim3A_459 = vector.broadcast %broadcast_in_dim3A_458 : i1 to vector<16xi1>
      %masked_cumsum3A_460 = tpu.scan <sum>, %convert_element_type3A_457 masked %broadcast_in_dim3A_459 : vector<16xi32>, vector<16xi1> -> vector<16xi32>
      %add3A_461 = arith.addi %add3A_456, %masked_cumsum3A_460 : vector<16xi32>
      %sub3A_462 = arith.constant 1 : i32
      %sub3A_463 = vector.broadcast %sub3A_462 : i32 to vector<16xi32>
      %sub3A_464 = arith.subi %add3A_461, %sub3A_463 : vector<16xi32>
      %min3A_465 = arith.constant 8191 : i32
      %min3A_466 = vector.broadcast %min3A_465 : i32 to vector<16xi32>
      %min3A_467 = arith.minsi %sub3A_464, %min3A_466 : vector<16xi32>
      tpu.vector_store_idx %arg7[%min3A_467], %get3A_332 masked %ge3A_417 : memref<8192xf32, #tpu.memory_space<vmem>>[vector<16xi32>], vector<16xf32>, vector<16xi1>
      %add3A_468 = arith.addi %add3A_456, %all_reduce_population_count3A_432 : vector<16xi32>
      %convert_element_type3A_469 = arith.extui %ge3A_418 : vector<16xi1> to vector<16xi32>
      %broadcast_in_dim3A_470 = arith.constant true
      %broadcast_in_dim3A_471 = vector.broadcast %broadcast_in_dim3A_470 : i1 to vector<16xi1>
      %masked_cumsum3A_472 = tpu.scan <sum>, %convert_element_type3A_469 masked %broadcast_in_dim3A_471 : vector<16xi32>, vector<16xi1> -> vector<16xi32>
      %add3A_473 = arith.addi %add3A_468, %masked_cumsum3A_472 : vector<16xi32>
      %sub3A_474 = arith.constant 1 : i32
      %sub3A_475 = vector.broadcast %sub3A_474 : i32 to vector<16xi32>
      %sub3A_476 = arith.subi %add3A_473, %sub3A_475 : vector<16xi32>
      %min3A_477 = arith.constant 8191 : i32
      %min3A_478 = vector.broadcast %min3A_477 : i32 to vector<16xi32>
      %min3A_479 = arith.minsi %sub3A_476, %min3A_478 : vector<16xi32>
      tpu.vector_store_idx %arg7[%min3A_479], %get3A_338 masked %ge3A_418 : memref<8192xf32, #tpu.memory_space<vmem>>[vector<16xi32>], vector<16xf32>, vector<16xi1>
      %add3A_480 = arith.addi %add3A_468, %all_reduce_population_count3A_433 : vector<16xi32>
      %convert_element_type3A_481 = arith.extui %ge3A_419 : vector<16xi1> to vector<16xi32>
      %broadcast_in_dim3A_482 = arith.constant true
      %broadcast_in_dim3A_483 = vector.broadcast %broadcast_in_dim3A_482 : i1 to vector<16xi1>
      %masked_cumsum3A_484 = tpu.scan <sum>, %convert_element_type3A_481 masked %broadcast_in_dim3A_483 : vector<16xi32>, vector<16xi1> -> vector<16xi32>
      %add3A_485 = arith.addi %add3A_480, %masked_cumsum3A_484 : vector<16xi32>
      %sub3A_486 = arith.constant 1 : i32
      %sub3A_487 = vector.broadcast %sub3A_486 : i32 to vector<16xi32>
      %sub3A_488 = arith.subi %add3A_485, %sub3A_487 : vector<16xi32>
      %min3A_489 = arith.constant 8191 : i32
      %min3A_490 = vector.broadcast %min3A_489 : i32 to vector<16xi32>
      %min3A_491 = arith.minsi %sub3A_488, %min3A_490 : vector<16xi32>
      tpu.vector_store_idx %arg7[%min3A_491], %get3A_344 masked %ge3A_419 : memref<8192xf32, #tpu.memory_space<vmem>>[vector<16xi32>], vector<16xf32>, vector<16xi1>
      %add3A_492 = arith.addi %add3A_480, %all_reduce_population_count3A_434 : vector<16xi32>
      %convert_element_type3A_493 = arith.extui %ge3A_420 : vector<16xi1> to vector<16xi32>
      %broadcast_in_dim3A_494 = arith.constant true
      %broadcast_in_dim3A_495 = vector.broadcast %broadcast_in_dim3A_494 : i1 to vector<16xi1>
      %masked_cumsum3A_496 = tpu.scan <sum>, %convert_element_type3A_493 masked %broadcast_in_dim3A_495 : vector<16xi32>, vector<16xi1> -> vector<16xi32>
      %add3A_497 = arith.addi %add3A_492, %masked_cumsum3A_496 : vector<16xi32>
      %sub3A_498 = arith.constant 1 : i32
      %sub3A_499 = vector.broadcast %sub3A_498 : i32 to vector<16xi32>
      %sub3A_500 = arith.subi %add3A_497, %sub3A_499 : vector<16xi32>
      %min3A_501 = arith.constant 8191 : i32
      %min3A_502 = vector.broadcast %min3A_501 : i32 to vector<16xi32>
      %min3A_503 = arith.minsi %sub3A_500, %min3A_502 : vector<16xi32>
      tpu.vector_store_idx %arg7[%min3A_503], %get3A_350 masked %ge3A_420 : memref<8192xf32, #tpu.memory_space<vmem>>[vector<16xi32>], vector<16xf32>, vector<16xi1>
      %add3A_504 = arith.addi %add3A_492, %all_reduce_population_count3A_435 : vector<16xi32>
      %convert_element_type3A_505 = arith.extui %ge3A_421 : vector<16xi1> to vector<16xi32>
      %broadcast_in_dim3A_506 = arith.constant true
      %broadcast_in_dim3A_507 = vector.broadcast %broadcast_in_dim3A_506 : i1 to vector<16xi1>
      %masked_cumsum3A_508 = tpu.scan <sum>, %convert_element_type3A_505 masked %broadcast_in_dim3A_507 : vector<16xi32>, vector<16xi1> -> vector<16xi32>
      %add3A_509 = arith.addi %add3A_504, %masked_cumsum3A_508 : vector<16xi32>
      %sub3A_510 = arith.constant 1 : i32
      %sub3A_511 = vector.broadcast %sub3A_510 : i32 to vector<16xi32>
      %sub3A_512 = arith.subi %add3A_509, %sub3A_511 : vector<16xi32>
      %min3A_513 = arith.constant 8191 : i32
      %min3A_514 = vector.broadcast %min3A_513 : i32 to vector<16xi32>
      %min3A_515 = arith.minsi %sub3A_512, %min3A_514 : vector<16xi32>
      tpu.vector_store_idx %arg7[%min3A_515], %get3A_356 masked %ge3A_421 : memref<8192xf32, #tpu.memory_space<vmem>>[vector<16xi32>], vector<16xf32>, vector<16xi1>
      %add3A_516 = arith.addi %add3A_504, %all_reduce_population_count3A_436 : vector<16xi32>
      %convert_element_type3A_517 = arith.extui %ge3A_422 : vector<16xi1> to vector<16xi32>
      %broadcast_in_dim3A_518 = arith.constant true
      %broadcast_in_dim3A_519 = vector.broadcast %broadcast_in_dim3A_518 : i1 to vector<16xi1>
      %masked_cumsum3A_520 = tpu.scan <sum>, %convert_element_type3A_517 masked %broadcast_in_dim3A_519 : vector<16xi32>, vector<16xi1> -> vector<16xi32>
      %add3A_521 = arith.addi %add3A_516, %masked_cumsum3A_520 : vector<16xi32>
      %sub3A_522 = arith.constant 1 : i32
      %sub3A_523 = vector.broadcast %sub3A_522 : i32 to vector<16xi32>
      %sub3A_524 = arith.subi %add3A_521, %sub3A_523 : vector<16xi32>
      %min3A_525 = arith.constant 8191 : i32
      %min3A_526 = vector.broadcast %min3A_525 : i32 to vector<16xi32>
      %min3A_527 = arith.minsi %sub3A_524, %min3A_526 : vector<16xi32>
      tpu.vector_store_idx %arg7[%min3A_527], %get3A_362 masked %ge3A_422 : memref<8192xf32, #tpu.memory_space<vmem>>[vector<16xi32>], vector<16xf32>, vector<16xi1>
      %add3A_528 = arith.addi %add3A_516, %all_reduce_population_count3A_437 : vector<16xi32>
      %convert_element_type3A_529 = arith.extui %ge3A_423 : vector<16xi1> to vector<16xi32>
      %broadcast_in_dim3A_530 = arith.constant true
      %broadcast_in_dim3A_531 = vector.broadcast %broadcast_in_dim3A_530 : i1 to vector<16xi1>
      %masked_cumsum3A_532 = tpu.scan <sum>, %convert_element_type3A_529 masked %broadcast_in_dim3A_531 : vector<16xi32>, vector<16xi1> -> vector<16xi32>
      %add3A_533 = arith.addi %add3A_528, %masked_cumsum3A_532 : vector<16xi32>
      %sub3A_534 = arith.constant 1 : i32
      %sub3A_535 = vector.broadcast %sub3A_534 : i32 to vector<16xi32>
      %sub3A_536 = arith.subi %add3A_533, %sub3A_535 : vector<16xi32>
      %min3A_537 = arith.constant 8191 : i32
      %min3A_538 = vector.broadcast %min3A_537 : i32 to vector<16xi32>
      %min3A_539 = arith.minsi %sub3A_536, %min3A_538 : vector<16xi32>
      tpu.vector_store_idx %arg7[%min3A_539], %get3A_368 masked %ge3A_423 : memref<8192xf32, #tpu.memory_space<vmem>>[vector<16xi32>], vector<16xf32>, vector<16xi1>
      %add3A_540 = arith.addi %add3A_528, %all_reduce_population_count3A_438 : vector<16xi32>
      %convert_element_type3A_541 = arith.extui %ge3A_424 : vector<16xi1> to vector<16xi32>
      %broadcast_in_dim3A_542 = arith.constant true
      %broadcast_in_dim3A_543 = vector.broadcast %broadcast_in_dim3A_542 : i1 to vector<16xi1>
      %masked_cumsum3A_544 = tpu.scan <sum>, %convert_element_type3A_541 masked %broadcast_in_dim3A_543 : vector<16xi32>, vector<16xi1> -> vector<16xi32>
      %add3A_545 = arith.addi %add3A_540, %masked_cumsum3A_544 : vector<16xi32>
      %sub3A_546 = arith.constant 1 : i32
      %sub3A_547 = vector.broadcast %sub3A_546 : i32 to vector<16xi32>
      %sub3A_548 = arith.subi %add3A_545, %sub3A_547 : vector<16xi32>
      %min3A_549 = arith.constant 8191 : i32
      %min3A_550 = vector.broadcast %min3A_549 : i32 to vector<16xi32>
      %min3A_551 = arith.minsi %sub3A_548, %min3A_550 : vector<16xi32>
      tpu.vector_store_idx %arg7[%min3A_551], %get3A_374 masked %ge3A_424 : memref<8192xf32, #tpu.memory_space<vmem>>[vector<16xi32>], vector<16xf32>, vector<16xi1>
      %add3A_552 = arith.addi %add3A_540, %all_reduce_population_count3A_439 : vector<16xi32>
      %convert_element_type3A_553 = arith.extui %ge3A_425 : vector<16xi1> to vector<16xi32>
      %broadcast_in_dim3A_554 = arith.constant true
      %broadcast_in_dim3A_555 = vector.broadcast %broadcast_in_dim3A_554 : i1 to vector<16xi1>
      %masked_cumsum3A_556 = tpu.scan <sum>, %convert_element_type3A_553 masked %broadcast_in_dim3A_555 : vector<16xi32>, vector<16xi1> -> vector<16xi32>
      %add3A_557 = arith.addi %add3A_552, %masked_cumsum3A_556 : vector<16xi32>
      %sub3A_558 = arith.constant 1 : i32
      %sub3A_559 = vector.broadcast %sub3A_558 : i32 to vector<16xi32>
      %sub3A_560 = arith.subi %add3A_557, %sub3A_559 : vector<16xi32>
      %min3A_561 = arith.constant 8191 : i32
      %min3A_562 = vector.broadcast %min3A_561 : i32 to vector<16xi32>
      %min3A_563 = arith.minsi %sub3A_560, %min3A_562 : vector<16xi32>
      tpu.vector_store_idx %arg7[%min3A_563], %get3A_380 masked %ge3A_425 : memref<8192xf32, #tpu.memory_space<vmem>>[vector<16xi32>], vector<16xf32>, vector<16xi1>
      %add3A_564 = arith.addi %add3A_552, %all_reduce_population_count3A_440 : vector<16xi32>
      %convert_element_type3A_565 = arith.extui %ge3A_426 : vector<16xi1> to vector<16xi32>
      %broadcast_in_dim3A_566 = arith.constant true
      %broadcast_in_dim3A_567 = vector.broadcast %broadcast_in_dim3A_566 : i1 to vector<16xi1>
      %masked_cumsum3A_568 = tpu.scan <sum>, %convert_element_type3A_565 masked %broadcast_in_dim3A_567 : vector<16xi32>, vector<16xi1> -> vector<16xi32>
      %add3A_569 = arith.addi %add3A_564, %masked_cumsum3A_568 : vector<16xi32>
      %sub3A_570 = arith.constant 1 : i32
      %sub3A_571 = vector.broadcast %sub3A_570 : i32 to vector<16xi32>
      %sub3A_572 = arith.subi %add3A_569, %sub3A_571 : vector<16xi32>
      %min3A_573 = arith.constant 8191 : i32
      %min3A_574 = vector.broadcast %min3A_573 : i32 to vector<16xi32>
      %min3A_575 = arith.minsi %sub3A_572, %min3A_574 : vector<16xi32>
      tpu.vector_store_idx %arg7[%min3A_575], %get3A_386 masked %ge3A_426 : memref<8192xf32, #tpu.memory_space<vmem>>[vector<16xi32>], vector<16xf32>, vector<16xi1>
      %add3A_576 = arith.addi %add3A_564, %all_reduce_population_count3A_441 : vector<16xi32>
      %convert_element_type3A_577 = arith.extui %ge3A_427 : vector<16xi1> to vector<16xi32>
      %broadcast_in_dim3A_578 = arith.constant true
      %broadcast_in_dim3A_579 = vector.broadcast %broadcast_in_dim3A_578 : i1 to vector<16xi1>
      %masked_cumsum3A_580 = tpu.scan <sum>, %convert_element_type3A_577 masked %broadcast_in_dim3A_579 : vector<16xi32>, vector<16xi1> -> vector<16xi32>
      %add3A_581 = arith.addi %add3A_576, %masked_cumsum3A_580 : vector<16xi32>
      %sub3A_582 = arith.constant 1 : i32
      %sub3A_583 = vector.broadcast %sub3A_582 : i32 to vector<16xi32>
      %sub3A_584 = arith.subi %add3A_581, %sub3A_583 : vector<16xi32>
      %min3A_585 = arith.constant 8191 : i32
      %min3A_586 = vector.broadcast %min3A_585 : i32 to vector<16xi32>
      %min3A_587 = arith.minsi %sub3A_584, %min3A_586 : vector<16xi32>
      tpu.vector_store_idx %arg7[%min3A_587], %get3A_392 masked %ge3A_427 : memref<8192xf32, #tpu.memory_space<vmem>>[vector<16xi32>], vector<16xf32>, vector<16xi1>
      %add3A_588 = arith.addi %add3A_576, %all_reduce_population_count3A_442 : vector<16xi32>
      %convert_element_type3A_589 = arith.extui %ge3A_428 : vector<16xi1> to vector<16xi32>
      %broadcast_in_dim3A_590 = arith.constant true
      %broadcast_in_dim3A_591 = vector.broadcast %broadcast_in_dim3A_590 : i1 to vector<16xi1>
      %masked_cumsum3A_592 = tpu.scan <sum>, %convert_element_type3A_589 masked %broadcast_in_dim3A_591 : vector<16xi32>, vector<16xi1> -> vector<16xi32>
      %add3A_593 = arith.addi %add3A_588, %masked_cumsum3A_592 : vector<16xi32>
      %sub3A_594 = arith.constant 1 : i32
      %sub3A_595 = vector.broadcast %sub3A_594 : i32 to vector<16xi32>
      %sub3A_596 = arith.subi %add3A_593, %sub3A_595 : vector<16xi32>
      %min3A_597 = arith.constant 8191 : i32
      %min3A_598 = vector.broadcast %min3A_597 : i32 to vector<16xi32>
      %min3A_599 = arith.minsi %sub3A_596, %min3A_598 : vector<16xi32>
      tpu.vector_store_idx %arg7[%min3A_599], %get3A_398 masked %ge3A_428 : memref<8192xf32, #tpu.memory_space<vmem>>[vector<16xi32>], vector<16xf32>, vector<16xi1>
      %add3A_600 = arith.addi %add3A_588, %all_reduce_population_count3A_443 : vector<16xi32>
      %convert_element_type3A_601 = arith.extui %ge3A_429 : vector<16xi1> to vector<16xi32>
      %broadcast_in_dim3A_602 = arith.constant true
      %broadcast_in_dim3A_603 = vector.broadcast %broadcast_in_dim3A_602 : i1 to vector<16xi1>
      %masked_cumsum3A_604 = tpu.scan <sum>, %convert_element_type3A_601 masked %broadcast_in_dim3A_603 : vector<16xi32>, vector<16xi1> -> vector<16xi32>
      %add3A_605 = arith.addi %add3A_600, %masked_cumsum3A_604 : vector<16xi32>
      %sub3A_606 = arith.constant 1 : i32
      %sub3A_607 = vector.broadcast %sub3A_606 : i32 to vector<16xi32>
      %sub3A_608 = arith.subi %add3A_605, %sub3A_607 : vector<16xi32>
      %min3A_609 = arith.constant 8191 : i32
      %min3A_610 = vector.broadcast %min3A_609 : i32 to vector<16xi32>
      %min3A_611 = arith.minsi %sub3A_608, %min3A_610 : vector<16xi32>
      tpu.vector_store_idx %arg7[%min3A_611], %get3A_404 masked %ge3A_429 : memref<8192xf32, #tpu.memory_space<vmem>>[vector<16xi32>], vector<16xf32>, vector<16xi1>
      %add3A_612 = arith.addi %add3A_600, %all_reduce_population_count3A_444 : vector<16xi32>
      %convert_element_type3A_613 = arith.extui %ge3A_430 : vector<16xi1> to vector<16xi32>
      %broadcast_in_dim3A_614 = arith.constant true
      %broadcast_in_dim3A_615 = vector.broadcast %broadcast_in_dim3A_614 : i1 to vector<16xi1>
      %masked_cumsum3A_616 = tpu.scan <sum>, %convert_element_type3A_613 masked %broadcast_in_dim3A_615 : vector<16xi32>, vector<16xi1> -> vector<16xi32>
      %add3A_617 = arith.addi %add3A_612, %masked_cumsum3A_616 : vector<16xi32>
      %sub3A_618 = arith.constant 1 : i32
      %sub3A_619 = vector.broadcast %sub3A_618 : i32 to vector<16xi32>
      %sub3A_620 = arith.subi %add3A_617, %sub3A_619 : vector<16xi32>
      %min3A_621 = arith.constant 8191 : i32
      %min3A_622 = vector.broadcast %min3A_621 : i32 to vector<16xi32>
      %min3A_623 = arith.minsi %sub3A_620, %min3A_622 : vector<16xi32>
      tpu.vector_store_idx %arg7[%min3A_623], %get3A_410 masked %ge3A_430 : memref<8192xf32, #tpu.memory_space<vmem>>[vector<16xi32>], vector<16xf32>, vector<16xi1>
      %add3A_624 = arith.addi %add3A_612, %all_reduce_population_count3A_445 : vector<16xi32>
      %convert_element_type3A_625 = arith.extui %ge3A_431 : vector<16xi1> to vector<16xi32>
      %broadcast_in_dim3A_626 = arith.constant true
      %broadcast_in_dim3A_627 = vector.broadcast %broadcast_in_dim3A_626 : i1 to vector<16xi1>
      %masked_cumsum3A_628 = tpu.scan <sum>, %convert_element_type3A_625 masked %broadcast_in_dim3A_627 : vector<16xi32>, vector<16xi1> -> vector<16xi32>
      %add3A_629 = arith.addi %add3A_624, %masked_cumsum3A_628 : vector<16xi32>
      %sub3A_630 = arith.constant 1 : i32
      %sub3A_631 = vector.broadcast %sub3A_630 : i32 to vector<16xi32>
      %sub3A_632 = arith.subi %add3A_629, %sub3A_631 : vector<16xi32>
      %min3A_633 = arith.constant 8191 : i32
      %min3A_634 = vector.broadcast %min3A_633 : i32 to vector<16xi32>
      %min3A_635 = arith.minsi %sub3A_632, %min3A_634 : vector<16xi32>
      tpu.vector_store_idx %arg7[%min3A_635], %get3A_416 masked %ge3A_431 : memref<8192xf32, #tpu.memory_space<vmem>>[vector<16xi32>], vector<16xf32>, vector<16xi1>
      %add3A_636 = arith.addi %add3A_624, %all_reduce_population_count3A_446 : vector<16xi32>
      scf.yield %add3A_636 : vector<16xi32>
    }
    %scan3A_43 = arith.constant 128 : i32
    %slice3A = vector.extract_strided_slice %scan3A_42 {offsets = [0], sizes = [1], strides = [1]} : vector<16xi32> to vector<1xi32>
    %squeeze3A = vector.extract %slice3A[0] : i32 from vector<1xi32>
    %broadcast_in_dim3A_44 = arith.constant -1.000000e+30 : f32
    %broadcast_in_dim3A_45 = vector.broadcast %broadcast_in_dim3A_44 : f32 to vector<16xf32>
    %min3A = arith.constant 8176 : i32
    %min3A_46 = arith.minsi %squeeze3A, %min3A : i32
    %swap3A = arith.index_cast %min3A_46 : i32 to index
    %swap3A_47 = tpu.vector_load %arg7[%swap3A] {strides = array<i32>} : memref<8192xf32, #tpu.memory_space<vmem>>, vector<16xf32>,
    tpu.vector_store %arg7[%swap3A], %broadcast_in_dim3A_45 {strides = array<i32>} : memref<8192xf32, #tpu.memory_space<vmem>>, vector<16xf32>,
    %add3A_48 = arith.constant 16 : i32
    %add3A_49 = arith.addi %squeeze3A, %add3A_48 : i32
    %sub3A_50 = arith.constant 1 : i32
    %sub3A_51 = arith.subi %add3A_49, %sub3A_50 : i32
    %shift_right_arithmetic3A = arith.constant 4 : i32
    %shift_right_arithmetic3A_52 = arith.shrsi %sub3A_51, %shift_right_arithmetic3A : i32
    %broadcast_in_dim3A_53 = vector.broadcast %reduce_max3A_33 : f32 to vector<16xf32>
    %while3A = arith.constant 0 : i32
    %while3A_54 = arith.constant 0 : i32
    %while3A_55 = arith.subi %shift_right_arithmetic3A_52, %while3A_54 : i32
    %while3A_56 = arith.addi %while3A_54, %while3A_55 : i32
    %while3A_57 = arith.constant 1 : i32
    %while3A_58 = arith.divsi %while3A_55, %while3A_57 : i32
    %while3A_59 = arith.muli %while3A_58, %while3A_57 : i32
    %while3A_60 = arith.addi %while3A_54, %while3A_59 : i32
    %while3A_61 = arith.constant 1 : i32
    scf.for %while3A_318 = %while3A_54 to %while3A_60 step %while3A_61  : i32 {
      %mul3A_319 = arith.constant 16 : i32
      %mul3A_320 = arith.muli %while3A_318, %mul3A_319 : i32
      %get3A = arith.index_cast %mul3A_320 : i32 to index
      %get3A_321 = tpu.vector_load %arg7[%get3A] {strides = array<i32>} : memref<8192xf32, #tpu.memory_space<vmem>>, vector<16xf32>,
      %sub3A_322 = arith.subf %get3A_321, %broadcast_in_dim3A_53 : vector<16xf32>
      %mul3A_323 = arith.constant 5.000000e-01 : f32
      %mul3A_324 = vector.broadcast %mul3A_323 : f32 to vector<16xf32>
      %mul3A_325 = arith.mulf %sub3A_322, %mul3A_324 : vector<16xf32>
      %mul3A_326 = arith.constant 16 : i32
      %mul3A_327 = arith.muli %while3A_318, %mul3A_326 : i32
      %swap3A_328 = arith.index_cast %mul3A_327 : i32 to index
      %swap3A_329 = tpu.vector_load %arg7[%swap3A_328] {strides = array<i32>} : memref<8192xf32, #tpu.memory_space<vmem>>, vector<16xf32>,
      tpu.vector_store %arg7[%swap3A_328], %mul3A_325 {strides = array<i32>} : memref<8192xf32, #tpu.memory_space<vmem>>, vector<16xf32>,
    }
    %while3A_62 = arith.constant 1 : i32
    scf.for %while3A_318 = %while3A_60 to %while3A_56 step %while3A_62  : i32 {
      %mul3A_319 = arith.constant 16 : i32
      %mul3A_320 = arith.muli %while3A_318, %mul3A_319 : i32
      %get3A = arith.index_cast %mul3A_320 : i32 to index
      %get3A_321 = tpu.vector_load %arg7[%get3A] {strides = array<i32>} : memref<8192xf32, #tpu.memory_space<vmem>>, vector<16xf32>,
      %sub3A_322 = arith.subf %get3A_321, %broadcast_in_dim3A_53 : vector<16xf32>
      %mul3A_323 = arith.constant 5.000000e-01 : f32
      %mul3A_324 = vector.broadcast %mul3A_323 : f32 to vector<16xf32>
      %mul3A_325 = arith.mulf %sub3A_322, %mul3A_324 : vector<16xf32>
      %mul3A_326 = arith.constant 16 : i32
      %mul3A_327 = arith.muli %while3A_318, %mul3A_326 : i32
      %swap3A_328 = arith.index_cast %mul3A_327 : i32 to index
      %swap3A_329 = tpu.vector_load %arg7[%swap3A_328] {strides = array<i32>} : memref<8192xf32, #tpu.memory_space<vmem>>, vector<16xf32>,
      tpu.vector_store %arg7[%swap3A_328], %mul3A_325 {strides = array<i32>} : memref<8192xf32, #tpu.memory_space<vmem>>, vector<16xf32>,
    }
    %broadcast_in_dim3A_63 = arith.constant -1.000000e+00 : f32
    %broadcast_in_dim3A_64 = vector.broadcast %broadcast_in_dim3A_63 : f32 to vector<16xf32>
    %scan3A_65 = arith.constant 0 : i32
    %scan3A_66 = arith.constant 12 : i32
    %scan3A_67 = arith.addi %scan3A_65, %scan3A_66 : i32
    %scan3A_68 = arith.constant 1 : i32
    %scan3A_69 = scf.for %scan3A_318 = %scan3A_65 to %scan3A_67 step %scan3A_68 iter_args(%scan3A_319 = %broadcast_in_dim3A_64) -> (vector<16xf32>)  : i32 {
      %broadcast_in_dim3A_320 = arith.constant 0.000000e+00 : f32
      %broadcast_in_dim3A_321 = vector.broadcast %broadcast_in_dim3A_320 : f32 to vector<16xf32>
      %while3A_322 = arith.constant 0 : i32
      %while3A_323 = arith.subi %shift_right_arithmetic3A_52, %while3A_322 : i32
      %while3A_324 = arith.addi %while3A_322, %while3A_323 : i32
      %while3A_325 = arith.constant 1 : i32
      %while3A_326 = arith.divsi %while3A_323, %while3A_325 : i32
      %while3A_327 = arith.muli %while3A_326, %while3A_325 : i32
      %while3A_328 = arith.addi %while3A_322, %while3A_327 : i32
      %while3A_329 = arith.constant 1 : i32
      %while3A_330:2 = scf.for %while3A_352 = %while3A_322 to %while3A_328 step %while3A_329 iter_args(%while3A_353 = %broadcast_in_dim3A_321, %while3A_354 = %broadcast_in_dim3A_321) -> (vector<16xf32>, vector<16xf32>)  : i32 {
        %mul3A_355 = arith.constant 16 : i32
        %mul3A_356 = arith.muli %while3A_352, %mul3A_355 : i32
        %get3A = arith.index_cast %mul3A_356 : i32 to index
        %get3A_357 = tpu.vector_load %arg7[%get3A] {strides = array<i32>} : memref<8192xf32, #tpu.memory_space<vmem>>, vector<16xf32>,
        %sub3A_358 = arith.subf %get3A_357, %scan3A_319 : vector<16xf32>
        %max3A_359 = arith.constant 0.000000e+00 : f32
        %max3A_360 = vector.broadcast %max3A_359 : f32 to vector<16xf32>
        %max3A_361 = arith.maximumf %sub3A_358, %max3A_360 : vector<16xf32>
        %mul3A_362 = arith.mulf %max3A_361, %max3A_361 : vector<16xf32>
        %add3A_363 = arith.addf %while3A_353, %mul3A_362 : vector<16xf32>
        %add3A_364 = arith.addf %while3A_354, %max3A_361 : vector<16xf32>
        scf.yield %add3A_363, %add3A_364 : vector<16xf32>, vector<16xf32>
      }
      %while3A_331 = arith.constant 1 : i32
      %while3A_332:2 = scf.for %while3A_352 = %while3A_328 to %while3A_324 step %while3A_331 iter_args(%while3A_353 = %while3A_330#0, %while3A_354 = %while3A_330#1) -> (vector<16xf32>, vector<16xf32>)  : i32 {
        %mul3A_355 = arith.constant 16 : i32
        %mul3A_356 = arith.muli %while3A_352, %mul3A_355 : i32
        %get3A = arith.index_cast %mul3A_356 : i32 to index
        %get3A_357 = tpu.vector_load %arg7[%get3A] {strides = array<i32>} : memref<8192xf32, #tpu.memory_space<vmem>>, vector<16xf32>,
        %sub3A_358 = arith.subf %get3A_357, %scan3A_319 : vector<16xf32>
        %max3A_359 = arith.constant 0.000000e+00 : f32
        %max3A_360 = vector.broadcast %max3A_359 : f32 to vector<16xf32>
        %max3A_361 = arith.maximumf %sub3A_358, %max3A_360 : vector<16xf32>
        %mul3A_362 = arith.mulf %max3A_361, %max3A_361 : vector<16xf32>
        %add3A_363 = arith.addf %while3A_353, %mul3A_362 : vector<16xf32>
        %add3A_364 = arith.addf %while3A_354, %max3A_361 : vector<16xf32>
        scf.yield %add3A_363, %add3A_364 : vector<16xf32>, vector<16xf32>
      }
      %reduce_sum3A = arith.constant true
      %reduce_sum3A_333 = vector.broadcast %reduce_sum3A : i1 to vector<16xi1>
      %reduce_sum3A_334 = tpu.scan <sum>, %while3A_332#0 masked %reduce_sum3A_333 : vector<16xf32>, vector<16xi1> -> vector<16xf32>
      %reduce_sum3A_335 = vector.extract %reduce_sum3A_334[15] : f32 from vector<16xf32>
      %broadcast_in_dim3A_336 = vector.broadcast %reduce_sum3A_335 : f32 to vector<16xf32>
      %reduce_sum3A_337 = arith.constant true
      %reduce_sum3A_338 = vector.broadcast %reduce_sum3A_337 : i1 to vector<16xi1>
      %reduce_sum3A_339 = tpu.scan <sum>, %while3A_332#1 masked %reduce_sum3A_338 : vector<16xf32>, vector<16xi1> -> vector<16xf32>
      %reduce_sum3A_340 = vector.extract %reduce_sum3A_339[15] : f32 from vector<16xf32>
      %broadcast_in_dim3A_341 = vector.broadcast %reduce_sum3A_340 : f32 to vector<16xf32>
      %sub3A_342 = arith.constant 1.000000e+00 : f32
      %sub3A_343 = vector.broadcast %sub3A_342 : f32 to vector<16xf32>
      %sub3A_344 = arith.subf %broadcast_in_dim3A_336, %sub3A_343 : vector<16xf32>
      %mul3A_345 = arith.constant 2.000000e+00 : f32
      %mul3A_346 = vector.broadcast %mul3A_345 : f32 to vector<16xf32>
      %mul3A_347 = arith.mulf %mul3A_346, %broadcast_in_dim3A_341 : vector<16xf32>
      %max3A_348 = arith.constant 1.000000e-30 : f32
      %max3A_349 = vector.broadcast %max3A_348 : f32 to vector<16xf32>
      %max3A_350 = arith.maximumf %mul3A_347, %max3A_349 : vector<16xf32>
      %div3A = arith.divf %sub3A_344, %max3A_350 : vector<16xf32>
      %add3A_351 = arith.addf %scan3A_319, %div3A : vector<16xf32>
      scf.yield %add3A_351 : vector<16xf32>
    }
    %scan3A_70 = arith.constant 12 : i32
    %swap3A_71 = arith.constant 0 : i32
    %swap3A_72 = arith.index_cast %swap3A_71 : i32 to index
    %swap3A_73 = arith.constant 0 : index
    %swap3A_74 = tpu.vector_load %arg8[%swap3A_72, %swap3A_73] {strides = array<i32>} : memref<4x16xf32, #tpu.memory_space<vmem>>, vector<16xf32>,
    tpu.vector_store %arg8[%swap3A_72, %swap3A_73], %broadcast_in_dim3A_53 {strides = array<i32>} : memref<4x16xf32, #tpu.memory_space<vmem>>, vector<16xf32>,
    %swap3A_75 = arith.constant 0 : i32
    %swap3A_76 = arith.index_cast %swap3A_75 : i32 to index
    %swap3A_77 = arith.constant 0 : index
    %swap3A_78 = tpu.vector_load %arg9[%swap3A_76, %swap3A_77] {strides = array<i32>} : memref<4x16xf32, #tpu.memory_space<vmem>>, vector<16xf32>,
    tpu.vector_store %arg9[%swap3A_76, %swap3A_77], %scan3A_69 {strides = array<i32>} : memref<4x16xf32, #tpu.memory_space<vmem>>, vector<16xf32>,
    %add3A_79 = arith.constant 1 : i32
    %add3A_80 = arith.addi %mul3A_2, %add3A_79 : i32
    %add3A_81 = arith.constant 1 : i32
    %add3A_82 = arith.addi %add3A_80, %add3A_81 : i32
    %dma_start3A_83 = arith.constant 0 : i32
    %dma_start3A_84 = tpu.memref_slice %arg2[%add3A_82, %dma_start3A_83] : memref<128x32768xf32, #tpu.memory_space<hbm>> -> memref<1x32768xf32, #tpu.memory_space<hbm>>
    %dma_start3A_85 = tpu.memref_squeeze %dma_start3A_84 : memref<1x32768xf32, #tpu.memory_space<hbm>> -> memref<32768xf32, #tpu.memory_space<hbm>>
    %dma_start3A_86 = arith.constant 0 : i32
    %dma_start3A_87 = tpu.memref_slice %arg2[%add3A_82, %dma_start3A_86] : memref<128x32768xf32, #tpu.memory_space<hbm>> -> memref<1x32768xf32, #tpu.memory_space<hbm>>
    %dma_start3A_88 = tpu.memref_squeeze %dma_start3A_87 : memref<1x32768xf32, #tpu.memory_space<hbm>> -> memref<32768xf32, #tpu.memory_space<hbm>>
    tpu.enqueue_dma source(%dma_start3A_88 : memref<32768xf32, #tpu.memory_space<hbm>>) target(%arg5 : memref<32768xf32, #tpu.memory_space<vmem>>) target_semaphore(%arg10 : memref<!tpu.dma_semaphore, #tpu.memory_space<semaphore_mem>>)
    %add3A_89 = arith.constant 1 : i32
    %add3A_90 = arith.addi %mul3A_2, %add3A_89 : i32
    %dma_wait3A_91 = arith.constant 0 : i32
    %dma_wait3A_92 = tpu.memref_slice %arg2[%add3A_90, %dma_wait3A_91] : memref<128x32768xf32, #tpu.memory_space<hbm>> -> memref<1x32768xf32, #tpu.memory_space<hbm>>
    %dma_wait3A_93 = tpu.memref_squeeze %dma_wait3A_92 : memref<1x32768xf32, #tpu.memory_space<hbm>> -> memref<32768xf32, #tpu.memory_space<hbm>>
    %dma_wait3A_94 = arith.constant 0 : i32
    %dma_wait3A_95 = tpu.memref_slice %arg2[%add3A_90, %dma_wait3A_94] : memref<128x32768xf32, #tpu.memory_space<hbm>> -> memref<1x32768xf32, #tpu.memory_space<hbm>>
    %dma_wait3A_96 = tpu.memref_squeeze %dma_wait3A_95 : memref<1x32768xf32, #tpu.memory_space<hbm>> -> memref<32768xf32, #tpu.memory_space<hbm>>
    tpu.wait_dma2 semaphore(%arg11 : memref<!tpu.dma_semaphore, #tpu.memory_space<semaphore_mem>>) src(%dma_wait3A_96 : memref<32768xf32, #tpu.memory_space<hbm>>) dst(%arg6 : memref<32768xf32, #tpu.memory_space<vmem>>)
    %broadcast_in_dim3A_97 = arith.constant -3.000000e+38 : f32
    %broadcast_in_dim3A_98 = vector.broadcast %broadcast_in_dim3A_97 : f32 to vector<16xf32>
    %scan3A_99 = arith.constant 0 : i32
    %scan3A_100 = arith.constant 128 : i32
    %scan3A_101 = arith.addi %scan3A_99, %scan3A_100 : i32
    %scan3A_102 = arith.constant 1 : i32
    %scan3A_103:2 = scf.for %scan3A_318 = %scan3A_99 to %scan3A_101 step %scan3A_102 iter_args(%scan3A_319 = %broadcast_in_dim3A_98, %scan3A_320 = %broadcast_in_dim3A_98) -> (vector<16xf32>, vector<16xf32>)  : i32 {
      %mul3A_321 = arith.constant 16 : i32
      %mul3A_322 = arith.muli %scan3A_318, %mul3A_321 : i32
      %add3A_323 = arith.constant 0 : i32
      %add3A_324 = arith.addi %mul3A_322, %add3A_323 : i32
      %mul3A_325 = arith.constant 16 : i32
      %mul3A_326 = arith.muli %add3A_324, %mul3A_325 : i32
      %get3A = arith.index_cast %mul3A_326 : i32 to index
      %get3A_327 = tpu.vector_load %arg6[%get3A] {strides = array<i32>} : memref<32768xf32, #tpu.memory_space<vmem>>, vector<16xf32>,
      %max3A_328 = arith.maximumf %scan3A_319, %get3A_327 : vector<16xf32>
      %add3A_329 = arith.constant 0 : i32
      %add3A_330 = arith.addi %mul3A_322, %add3A_329 : i32
      %add3A_331 = arith.constant 1 : i32
      %add3A_332 = arith.addi %add3A_330, %add3A_331 : i32
      %mul3A_333 = arith.constant 16 : i32
      %mul3A_334 = arith.muli %add3A_332, %mul3A_333 : i32
      %get3A_335 = arith.index_cast %mul3A_334 : i32 to index
      %get3A_336 = tpu.vector_load %arg6[%get3A_335] {strides = array<i32>} : memref<32768xf32, #tpu.memory_space<vmem>>, vector<16xf32>,
      %max3A_337 = arith.maximumf %scan3A_320, %get3A_336 : vector<16xf32>
      %add3A_338 = arith.constant 2 : i32
      %add3A_339 = arith.addi %mul3A_322, %add3A_338 : i32
      %mul3A_340 = arith.constant 16 : i32
      %mul3A_341 = arith.muli %add3A_339, %mul3A_340 : i32
      %get3A_342 = arith.index_cast %mul3A_341 : i32 to index
      %get3A_343 = tpu.vector_load %arg6[%get3A_342] {strides = array<i32>} : memref<32768xf32, #tpu.memory_space<vmem>>, vector<16xf32>,
      %max3A_344 = arith.maximumf %max3A_328, %get3A_343 : vector<16xf32>
      %add3A_345 = arith.constant 2 : i32
      %add3A_346 = arith.addi %mul3A_322, %add3A_345 : i32
      %add3A_347 = arith.constant 1 : i32
      %add3A_348 = arith.addi %add3A_346, %add3A_347 : i32
      %mul3A_349 = arith.constant 16 : i32
      %mul3A_350 = arith.muli %add3A_348, %mul3A_349 : i32
      %get3A_351 = arith.index_cast %mul3A_350 : i32 to index
      %get3A_352 = tpu.vector_load %arg6[%get3A_351] {strides = array<i32>} : memref<32768xf32, #tpu.memory_space<vmem>>, vector<16xf32>,
      %max3A_353 = arith.maximumf %max3A_337, %get3A_352 : vector<16xf32>
      %add3A_354 = arith.constant 4 : i32
      %add3A_355 = arith.addi %mul3A_322, %add3A_354 : i32
      %mul3A_356 = arith.constant 16 : i32
      %mul3A_357 = arith.muli %add3A_355, %mul3A_356 : i32
      %get3A_358 = arith.index_cast %mul3A_357 : i32 to index
      %get3A_359 = tpu.vector_load %arg6[%get3A_358] {strides = array<i32>} : memref<32768xf32, #tpu.memory_space<vmem>>, vector<16xf32>,
      %max3A_360 = arith.maximumf %max3A_344, %get3A_359 : vector<16xf32>
      %add3A_361 = arith.constant 4 : i32
      %add3A_362 = arith.addi %mul3A_322, %add3A_361 : i32
      %add3A_363 = arith.constant 1 : i32
      %add3A_364 = arith.addi %add3A_362, %add3A_363 : i32
      %mul3A_365 = arith.constant 16 : i32
      %mul3A_366 = arith.muli %add3A_364, %mul3A_365 : i32
      %get3A_367 = arith.index_cast %mul3A_366 : i32 to index
      %get3A_368 = tpu.vector_load %arg6[%get3A_367] {strides = array<i32>} : memref<32768xf32, #tpu.memory_space<vmem>>, vector<16xf32>,
      %max3A_369 = arith.maximumf %max3A_353, %get3A_368 : vector<16xf32>
      %add3A_370 = arith.constant 6 : i32
      %add3A_371 = arith.addi %mul3A_322, %add3A_370 : i32
      %mul3A_372 = arith.constant 16 : i32
      %mul3A_373 = arith.muli %add3A_371, %mul3A_372 : i32
      %get3A_374 = arith.index_cast %mul3A_373 : i32 to index
      %get3A_375 = tpu.vector_load %arg6[%get3A_374] {strides = array<i32>} : memref<32768xf32, #tpu.memory_space<vmem>>, vector<16xf32>,
      %max3A_376 = arith.maximumf %max3A_360, %get3A_375 : vector<16xf32>
      %add3A_377 = arith.constant 6 : i32
      %add3A_378 = arith.addi %mul3A_322, %add3A_377 : i32
      %add3A_379 = arith.constant 1 : i32
      %add3A_380 = arith.addi %add3A_378, %add3A_379 : i32
      %mul3A_381 = arith.constant 16 : i32
      %mul3A_382 = arith.muli %add3A_380, %mul3A_381 : i32
      %get3A_383 = arith.index_cast %mul3A_382 : i32 to index
      %get3A_384 = tpu.vector_load %arg6[%get3A_383] {strides = array<i32>} : memref<32768xf32, #tpu.memory_space<vmem>>, vector<16xf32>,
      %max3A_385 = arith.maximumf %max3A_369, %get3A_384 : vector<16xf32>
      %add3A_386 = arith.constant 8 : i32
      %add3A_387 = arith.addi %mul3A_322, %add3A_386 : i32
      %mul3A_388 = arith.constant 16 : i32
      %mul3A_389 = arith.muli %add3A_387, %mul3A_388 : i32
      %get3A_390 = arith.index_cast %mul3A_389 : i32 to index
      %get3A_391 = tpu.vector_load %arg6[%get3A_390] {strides = array<i32>} : memref<32768xf32, #tpu.memory_space<vmem>>, vector<16xf32>,
      %max3A_392 = arith.maximumf %max3A_376, %get3A_391 : vector<16xf32>
      %add3A_393 = arith.constant 8 : i32
      %add3A_394 = arith.addi %mul3A_322, %add3A_393 : i32
      %add3A_395 = arith.constant 1 : i32
      %add3A_396 = arith.addi %add3A_394, %add3A_395 : i32
      %mul3A_397 = arith.constant 16 : i32
      %mul3A_398 = arith.muli %add3A_396, %mul3A_397 : i32
      %get3A_399 = arith.index_cast %mul3A_398 : i32 to index
      %get3A_400 = tpu.vector_load %arg6[%get3A_399] {strides = array<i32>} : memref<32768xf32, #tpu.memory_space<vmem>>, vector<16xf32>,
      %max3A_401 = arith.maximumf %max3A_385, %get3A_400 : vector<16xf32>
      %add3A_402 = arith.constant 10 : i32
      %add3A_403 = arith.addi %mul3A_322, %add3A_402 : i32
      %mul3A_404 = arith.constant 16 : i32
      %mul3A_405 = arith.muli %add3A_403, %mul3A_404 : i32
      %get3A_406 = arith.index_cast %mul3A_405 : i32 to index
      %get3A_407 = tpu.vector_load %arg6[%get3A_406] {strides = array<i32>} : memref<32768xf32, #tpu.memory_space<vmem>>, vector<16xf32>,
      %max3A_408 = arith.maximumf %max3A_392, %get3A_407 : vector<16xf32>
      %add3A_409 = arith.constant 10 : i32
      %add3A_410 = arith.addi %mul3A_322, %add3A_409 : i32
      %add3A_411 = arith.constant 1 : i32
      %add3A_412 = arith.addi %add3A_410, %add3A_411 : i32
      %mul3A_413 = arith.constant 16 : i32
      %mul3A_414 = arith.muli %add3A_412, %mul3A_413 : i32
      %get3A_415 = arith.index_cast %mul3A_414 : i32 to index
      %get3A_416 = tpu.vector_load %arg6[%get3A_415] {strides = array<i32>} : memref<32768xf32, #tpu.memory_space<vmem>>, vector<16xf32>,
      %max3A_417 = arith.maximumf %max3A_401, %get3A_416 : vector<16xf32>
      %add3A_418 = arith.constant 12 : i32
      %add3A_419 = arith.addi %mul3A_322, %add3A_418 : i32
      %mul3A_420 = arith.constant 16 : i32
      %mul3A_421 = arith.muli %add3A_419, %mul3A_420 : i32
      %get3A_422 = arith.index_cast %mul3A_421 : i32 to index
      %get3A_423 = tpu.vector_load %arg6[%get3A_422] {strides = array<i32>} : memref<32768xf32, #tpu.memory_space<vmem>>, vector<16xf32>,
      %max3A_424 = arith.maximumf %max3A_408, %get3A_423 : vector<16xf32>
      %add3A_425 = arith.constant 12 : i32
      %add3A_426 = arith.addi %mul3A_322, %add3A_425 : i32
      %add3A_427 = arith.constant 1 : i32
      %add3A_428 = arith.addi %add3A_426, %add3A_427 : i32
      %mul3A_429 = arith.constant 16 : i32
      %mul3A_430 = arith.muli %add3A_428, %mul3A_429 : i32
      %get3A_431 = arith.index_cast %mul3A_430 : i32 to index
      %get3A_432 = tpu.vector_load %arg6[%get3A_431] {strides = array<i32>} : memref<32768xf32, #tpu.memory_space<vmem>>, vector<16xf32>,
      %max3A_433 = arith.maximumf %max3A_417, %get3A_432 : vector<16xf32>
      %add3A_434 = arith.constant 14 : i32
      %add3A_435 = arith.addi %mul3A_322, %add3A_434 : i32
      %mul3A_436 = arith.constant 16 : i32
      %mul3A_437 = arith.muli %add3A_435, %mul3A_436 : i32
      %get3A_438 = arith.index_cast %mul3A_437 : i32 to index
      %get3A_439 = tpu.vector_load %arg6[%get3A_438] {strides = array<i32>} : memref<32768xf32, #tpu.memory_space<vmem>>, vector<16xf32>,
      %max3A_440 = arith.maximumf %max3A_424, %get3A_439 : vector<16xf32>
      %add3A_441 = arith.constant 14 : i32
      %add3A_442 = arith.addi %mul3A_322, %add3A_441 : i32
      %add3A_443 = arith.constant 1 : i32
      %add3A_444 = arith.addi %add3A_442, %add3A_443 : i32
      %mul3A_445 = arith.constant 16 : i32
      %mul3A_446 = arith.muli %add3A_444, %mul3A_445 : i32
      %get3A_447 = arith.index_cast %mul3A_446 : i32 to index
      %get3A_448 = tpu.vector_load %arg6[%get3A_447] {strides = array<i32>} : memref<32768xf32, #tpu.memory_space<vmem>>, vector<16xf32>,
      %max3A_449 = arith.maximumf %max3A_433, %get3A_448 : vector<16xf32>
      scf.yield %max3A_440, %max3A_449 : vector<16xf32>, vector<16xf32>
    }
    %scan3A_104 = arith.constant 128 : i32
    %max3A_105 = arith.maximumf %scan3A_103#0, %scan3A_103#1 : vector<16xf32>
    %reduce_max3A_106 = arith.constant true
    %reduce_max3A_107 = vector.broadcast %reduce_max3A_106 : i1 to vector<16xi1>
    %reduce_max3A_108 = tpu.scan <max>, %max3A_105 masked %reduce_max3A_107 : vector<16xf32>, vector<16xi1> -> vector<16xf32>
    %reduce_max3A_109 = vector.extract %reduce_max3A_108[15] : f32 from vector<16xf32>
    %sub3A_110 = arith.constant 2.000000e+00 : f32
    %sub3A_111 = arith.subf %reduce_max3A_109, %sub3A_110 : f32
    %broadcast_in_dim3A_112 = vector.broadcast %sub3A_111 : f32 to vector<16xf32>
    %broadcast_in_dim3A_113 = arith.constant 0 : i32
    %broadcast_in_dim3A_114 = vector.broadcast %broadcast_in_dim3A_113 : i32 to vector<16xi32>
    %scan3A_115 = arith.constant 0 : i32
    %scan3A_116 = arith.constant 128 : i32
    %scan3A_117 = arith.addi %scan3A_115, %scan3A_116 : i32
    %scan3A_118 = arith.constant 1 : i32
    %scan3A_119 = scf.for %scan3A_318 = %scan3A_115 to %scan3A_117 step %scan3A_118 iter_args(%scan3A_319 = %broadcast_in_dim3A_114) -> (vector<16xi32>)  : i32 {
      %mul3A_320 = arith.constant 16 : i32
      %mul3A_321 = arith.muli %scan3A_318, %mul3A_320 : i32
      %add3A_322 = arith.constant 0 : i32
      %add3A_323 = arith.addi %mul3A_321, %add3A_322 : i32
      %mul3A_324 = arith.constant 16 : i32
      %mul3A_325 = arith.muli %add3A_323, %mul3A_324 : i32
      %get3A = arith.index_cast %mul3A_325 : i32 to index
      %get3A_326 = tpu.vector_load %arg6[%get3A] {strides = array<i32>} : memref<32768xf32, #tpu.memory_space<vmem>>, vector<16xf32>,
      %add3A_327 = arith.constant 1 : i32
      %add3A_328 = arith.addi %mul3A_321, %add3A_327 : i32
      %mul3A_329 = arith.constant 16 : i32
      %mul3A_330 = arith.muli %add3A_328, %mul3A_329 : i32
      %get3A_331 = arith.index_cast %mul3A_330 : i32 to index
      %get3A_332 = tpu.vector_load %arg6[%get3A_331] {strides = array<i32>} : memref<32768xf32, #tpu.memory_space<vmem>>, vector<16xf32>,
      %add3A_333 = arith.constant 2 : i32
      %add3A_334 = arith.addi %mul3A_321, %add3A_333 : i32
      %mul3A_335 = arith.constant 16 : i32
      %mul3A_336 = arith.muli %add3A_334, %mul3A_335 : i32
      %get3A_337 = arith.index_cast %mul3A_336 : i32 to index
      %get3A_338 = tpu.vector_load %arg6[%get3A_337] {strides = array<i32>} : memref<32768xf32, #tpu.memory_space<vmem>>, vector<16xf32>,
      %add3A_339 = arith.constant 3 : i32
      %add3A_340 = arith.addi %mul3A_321, %add3A_339 : i32
      %mul3A_341 = arith.constant 16 : i32
      %mul3A_342 = arith.muli %add3A_340, %mul3A_341 : i32
      %get3A_343 = arith.index_cast %mul3A_342 : i32 to index
      %get3A_344 = tpu.vector_load %arg6[%get3A_343] {strides = array<i32>} : memref<32768xf32, #tpu.memory_space<vmem>>, vector<16xf32>,
      %add3A_345 = arith.constant 4 : i32
      %add3A_346 = arith.addi %mul3A_321, %add3A_345 : i32
      %mul3A_347 = arith.constant 16 : i32
      %mul3A_348 = arith.muli %add3A_346, %mul3A_347 : i32
      %get3A_349 = arith.index_cast %mul3A_348 : i32 to index
      %get3A_350 = tpu.vector_load %arg6[%get3A_349] {strides = array<i32>} : memref<32768xf32, #tpu.memory_space<vmem>>, vector<16xf32>,
      %add3A_351 = arith.constant 5 : i32
      %add3A_352 = arith.addi %mul3A_321, %add3A_351 : i32
      %mul3A_353 = arith.constant 16 : i32
      %mul3A_354 = arith.muli %add3A_352, %mul3A_353 : i32
      %get3A_355 = arith.index_cast %mul3A_354 : i32 to index
      %get3A_356 = tpu.vector_load %arg6[%get3A_355] {strides = array<i32>} : memref<32768xf32, #tpu.memory_space<vmem>>, vector<16xf32>,
      %add3A_357 = arith.constant 6 : i32
      %add3A_358 = arith.addi %mul3A_321, %add3A_357 : i32
      %mul3A_359 = arith.constant 16 : i32
      %mul3A_360 = arith.muli %add3A_358, %mul3A_359 : i32
      %get3A_361 = arith.index_cast %mul3A_360 : i32 to index
      %get3A_362 = tpu.vector_load %arg6[%get3A_361] {strides = array<i32>} : memref<32768xf32, #tpu.memory_space<vmem>>, vector<16xf32>,
      %add3A_363 = arith.constant 7 : i32
      %add3A_364 = arith.addi %mul3A_321, %add3A_363 : i32
      %mul3A_365 = arith.constant 16 : i32
      %mul3A_366 = arith.muli %add3A_364, %mul3A_365 : i32
      %get3A_367 = arith.index_cast %mul3A_366 : i32 to index
      %get3A_368 = tpu.vector_load %arg6[%get3A_367] {strides = array<i32>} : memref<32768xf32, #tpu.memory_space<vmem>>, vector<16xf32>,
      %add3A_369 = arith.constant 8 : i32
      %add3A_370 = arith.addi %mul3A_321, %add3A_369 : i32
      %mul3A_371 = arith.constant 16 : i32
      %mul3A_372 = arith.muli %add3A_370, %mul3A_371 : i32
      %get3A_373 = arith.index_cast %mul3A_372 : i32 to index
      %get3A_374 = tpu.vector_load %arg6[%get3A_373] {strides = array<i32>} : memref<32768xf32, #tpu.memory_space<vmem>>, vector<16xf32>,
      %add3A_375 = arith.constant 9 : i32
      %add3A_376 = arith.addi %mul3A_321, %add3A_375 : i32
      %mul3A_377 = arith.constant 16 : i32
      %mul3A_378 = arith.muli %add3A_376, %mul3A_377 : i32
      %get3A_379 = arith.index_cast %mul3A_378 : i32 to index
      %get3A_380 = tpu.vector_load %arg6[%get3A_379] {strides = array<i32>} : memref<32768xf32, #tpu.memory_space<vmem>>, vector<16xf32>,
      %add3A_381 = arith.constant 10 : i32
      %add3A_382 = arith.addi %mul3A_321, %add3A_381 : i32
      %mul3A_383 = arith.constant 16 : i32
      %mul3A_384 = arith.muli %add3A_382, %mul3A_383 : i32
      %get3A_385 = arith.index_cast %mul3A_384 : i32 to index
      %get3A_386 = tpu.vector_load %arg6[%get3A_385] {strides = array<i32>} : memref<32768xf32, #tpu.memory_space<vmem>>, vector<16xf32>,
      %add3A_387 = arith.constant 11 : i32
      %add3A_388 = arith.addi %mul3A_321, %add3A_387 : i32
      %mul3A_389 = arith.constant 16 : i32
      %mul3A_390 = arith.muli %add3A_388, %mul3A_389 : i32
      %get3A_391 = arith.index_cast %mul3A_390 : i32 to index
      %get3A_392 = tpu.vector_load %arg6[%get3A_391] {strides = array<i32>} : memref<32768xf32, #tpu.memory_space<vmem>>, vector<16xf32>,
      %add3A_393 = arith.constant 12 : i32
      %add3A_394 = arith.addi %mul3A_321, %add3A_393 : i32
      %mul3A_395 = arith.constant 16 : i32
      %mul3A_396 = arith.muli %add3A_394, %mul3A_395 : i32
      %get3A_397 = arith.index_cast %mul3A_396 : i32 to index
      %get3A_398 = tpu.vector_load %arg6[%get3A_397] {strides = array<i32>} : memref<32768xf32, #tpu.memory_space<vmem>>, vector<16xf32>,
      %add3A_399 = arith.constant 13 : i32
      %add3A_400 = arith.addi %mul3A_321, %add3A_399 : i32
      %mul3A_401 = arith.constant 16 : i32
      %mul3A_402 = arith.muli %add3A_400, %mul3A_401 : i32
      %get3A_403 = arith.index_cast %mul3A_402 : i32 to index
      %get3A_404 = tpu.vector_load %arg6[%get3A_403] {strides = array<i32>} : memref<32768xf32, #tpu.memory_space<vmem>>, vector<16xf32>,
      %add3A_405 = arith.constant 14 : i32
      %add3A_406 = arith.addi %mul3A_321, %add3A_405 : i32
      %mul3A_407 = arith.constant 16 : i32
      %mul3A_408 = arith.muli %add3A_406, %mul3A_407 : i32
      %get3A_409 = arith.index_cast %mul3A_408 : i32 to index
      %get3A_410 = tpu.vector_load %arg6[%get3A_409] {strides = array<i32>} : memref<32768xf32, #tpu.memory_space<vmem>>, vector<16xf32>,
      %add3A_411 = arith.constant 15 : i32
      %add3A_412 = arith.addi %mul3A_321, %add3A_411 : i32
      %mul3A_413 = arith.constant 16 : i32
      %mul3A_414 = arith.muli %add3A_412, %mul3A_413 : i32
      %get3A_415 = arith.index_cast %mul3A_414 : i32 to index
      %get3A_416 = tpu.vector_load %arg6[%get3A_415] {strides = array<i32>} : memref<32768xf32, #tpu.memory_space<vmem>>, vector<16xf32>,
      %ge3A = arith.cmpf oge, %get3A_326, %broadcast_in_dim3A_112 : vector<16xf32>
      %ge3A_417 = arith.cmpf oge, %get3A_332, %broadcast_in_dim3A_112 : vector<16xf32>
      %ge3A_418 = arith.cmpf oge, %get3A_338, %broadcast_in_dim3A_112 : vector<16xf32>
      %ge3A_419 = arith.cmpf oge, %get3A_344, %broadcast_in_dim3A_112 : vector<16xf32>
      %ge3A_420 = arith.cmpf oge, %get3A_350, %broadcast_in_dim3A_112 : vector<16xf32>
      %ge3A_421 = arith.cmpf oge, %get3A_356, %broadcast_in_dim3A_112 : vector<16xf32>
      %ge3A_422 = arith.cmpf oge, %get3A_362, %broadcast_in_dim3A_112 : vector<16xf32>
      %ge3A_423 = arith.cmpf oge, %get3A_368, %broadcast_in_dim3A_112 : vector<16xf32>
      %ge3A_424 = arith.cmpf oge, %get3A_374, %broadcast_in_dim3A_112 : vector<16xf32>
      %ge3A_425 = arith.cmpf oge, %get3A_380, %broadcast_in_dim3A_112 : vector<16xf32>
      %ge3A_426 = arith.cmpf oge, %get3A_386, %broadcast_in_dim3A_112 : vector<16xf32>
      %ge3A_427 = arith.cmpf oge, %get3A_392, %broadcast_in_dim3A_112 : vector<16xf32>
      %ge3A_428 = arith.cmpf oge, %get3A_398, %broadcast_in_dim3A_112 : vector<16xf32>
      %ge3A_429 = arith.cmpf oge, %get3A_404, %broadcast_in_dim3A_112 : vector<16xf32>
      %ge3A_430 = arith.cmpf oge, %get3A_410, %broadcast_in_dim3A_112 : vector<16xf32>
      %ge3A_431 = arith.cmpf oge, %get3A_416, %broadcast_in_dim3A_112 : vector<16xf32>
      %all_reduce_population_count3A = tpu.all_reduce %ge3A {dim = 0 : i64, kind = #tpu.reduction_kind<sum>} : vector<16xi1> -> vector<16xi32>
      %all_reduce_population_count3A_432 = tpu.all_reduce %ge3A_417 {dim = 0 : i64, kind = #tpu.reduction_kind<sum>} : vector<16xi1> -> vector<16xi32>
      %all_reduce_population_count3A_433 = tpu.all_reduce %ge3A_418 {dim = 0 : i64, kind = #tpu.reduction_kind<sum>} : vector<16xi1> -> vector<16xi32>
      %all_reduce_population_count3A_434 = tpu.all_reduce %ge3A_419 {dim = 0 : i64, kind = #tpu.reduction_kind<sum>} : vector<16xi1> -> vector<16xi32>
      %all_reduce_population_count3A_435 = tpu.all_reduce %ge3A_420 {dim = 0 : i64, kind = #tpu.reduction_kind<sum>} : vector<16xi1> -> vector<16xi32>
      %all_reduce_population_count3A_436 = tpu.all_reduce %ge3A_421 {dim = 0 : i64, kind = #tpu.reduction_kind<sum>} : vector<16xi1> -> vector<16xi32>
      %all_reduce_population_count3A_437 = tpu.all_reduce %ge3A_422 {dim = 0 : i64, kind = #tpu.reduction_kind<sum>} : vector<16xi1> -> vector<16xi32>
      %all_reduce_population_count3A_438 = tpu.all_reduce %ge3A_423 {dim = 0 : i64, kind = #tpu.reduction_kind<sum>} : vector<16xi1> -> vector<16xi32>
      %all_reduce_population_count3A_439 = tpu.all_reduce %ge3A_424 {dim = 0 : i64, kind = #tpu.reduction_kind<sum>} : vector<16xi1> -> vector<16xi32>
      %all_reduce_population_count3A_440 = tpu.all_reduce %ge3A_425 {dim = 0 : i64, kind = #tpu.reduction_kind<sum>} : vector<16xi1> -> vector<16xi32>
      %all_reduce_population_count3A_441 = tpu.all_reduce %ge3A_426 {dim = 0 : i64, kind = #tpu.reduction_kind<sum>} : vector<16xi1> -> vector<16xi32>
      %all_reduce_population_count3A_442 = tpu.all_reduce %ge3A_427 {dim = 0 : i64, kind = #tpu.reduction_kind<sum>} : vector<16xi1> -> vector<16xi32>
      %all_reduce_population_count3A_443 = tpu.all_reduce %ge3A_428 {dim = 0 : i64, kind = #tpu.reduction_kind<sum>} : vector<16xi1> -> vector<16xi32>
      %all_reduce_population_count3A_444 = tpu.all_reduce %ge3A_429 {dim = 0 : i64, kind = #tpu.reduction_kind<sum>} : vector<16xi1> -> vector<16xi32>
      %all_reduce_population_count3A_445 = tpu.all_reduce %ge3A_430 {dim = 0 : i64, kind = #tpu.reduction_kind<sum>} : vector<16xi1> -> vector<16xi32>
      %all_reduce_population_count3A_446 = tpu.all_reduce %ge3A_431 {dim = 0 : i64, kind = #tpu.reduction_kind<sum>} : vector<16xi1> -> vector<16xi32>
      %convert_element_type3A = arith.extui %ge3A : vector<16xi1> to vector<16xi32>
      %broadcast_in_dim3A_447 = arith.constant true
      %broadcast_in_dim3A_448 = vector.broadcast %broadcast_in_dim3A_447 : i1 to vector<16xi1>
      %masked_cumsum3A = tpu.scan <sum>, %convert_element_type3A masked %broadcast_in_dim3A_448 : vector<16xi32>, vector<16xi1> -> vector<16xi32>
      %add3A_449 = arith.addi %scan3A_319, %masked_cumsum3A : vector<16xi32>
      %sub3A_450 = arith.constant 1 : i32
      %sub3A_451 = vector.broadcast %sub3A_450 : i32 to vector<16xi32>
      %sub3A_452 = arith.subi %add3A_449, %sub3A_451 : vector<16xi32>
      %min3A_453 = arith.constant 8191 : i32
      %min3A_454 = vector.broadcast %min3A_453 : i32 to vector<16xi32>
      %min3A_455 = arith.minsi %sub3A_452, %min3A_454 : vector<16xi32>
      tpu.vector_store_idx %arg7[%min3A_455], %get3A_326 masked %ge3A : memref<8192xf32, #tpu.memory_space<vmem>>[vector<16xi32>], vector<16xf32>, vector<16xi1>
      %add3A_456 = arith.addi %scan3A_319, %all_reduce_population_count3A : vector<16xi32>
      %convert_element_type3A_457 = arith.extui %ge3A_417 : vector<16xi1> to vector<16xi32>
      %broadcast_in_dim3A_458 = arith.constant true
      %broadcast_in_dim3A_459 = vector.broadcast %broadcast_in_dim3A_458 : i1 to vector<16xi1>
      %masked_cumsum3A_460 = tpu.scan <sum>, %convert_element_type3A_457 masked %broadcast_in_dim3A_459 : vector<16xi32>, vector<16xi1> -> vector<16xi32>
      %add3A_461 = arith.addi %add3A_456, %masked_cumsum3A_460 : vector<16xi32>
      %sub3A_462 = arith.constant 1 : i32
      %sub3A_463 = vector.broadcast %sub3A_462 : i32 to vector<16xi32>
      %sub3A_464 = arith.subi %add3A_461, %sub3A_463 : vector<16xi32>
      %min3A_465 = arith.constant 8191 : i32
      %min3A_466 = vector.broadcast %min3A_465 : i32 to vector<16xi32>
      %min3A_467 = arith.minsi %sub3A_464, %min3A_466 : vector<16xi32>
      tpu.vector_store_idx %arg7[%min3A_467], %get3A_332 masked %ge3A_417 : memref<8192xf32, #tpu.memory_space<vmem>>[vector<16xi32>], vector<16xf32>, vector<16xi1>
      %add3A_468 = arith.addi %add3A_456, %all_reduce_population_count3A_432 : vector<16xi32>
      %convert_element_type3A_469 = arith.extui %ge3A_418 : vector<16xi1> to vector<16xi32>
      %broadcast_in_dim3A_470 = arith.constant true
      %broadcast_in_dim3A_471 = vector.broadcast %broadcast_in_dim3A_470 : i1 to vector<16xi1>
      %masked_cumsum3A_472 = tpu.scan <sum>, %convert_element_type3A_469 masked %broadcast_in_dim3A_471 : vector<16xi32>, vector<16xi1> -> vector<16xi32>
      %add3A_473 = arith.addi %add3A_468, %masked_cumsum3A_472 : vector<16xi32>
      %sub3A_474 = arith.constant 1 : i32
      %sub3A_475 = vector.broadcast %sub3A_474 : i32 to vector<16xi32>
      %sub3A_476 = arith.subi %add3A_473, %sub3A_475 : vector<16xi32>
      %min3A_477 = arith.constant 8191 : i32
      %min3A_478 = vector.broadcast %min3A_477 : i32 to vector<16xi32>
      %min3A_479 = arith.minsi %sub3A_476, %min3A_478 : vector<16xi32>
      tpu.vector_store_idx %arg7[%min3A_479], %get3A_338 masked %ge3A_418 : memref<8192xf32, #tpu.memory_space<vmem>>[vector<16xi32>], vector<16xf32>, vector<16xi1>
      %add3A_480 = arith.addi %add3A_468, %all_reduce_population_count3A_433 : vector<16xi32>
      %convert_element_type3A_481 = arith.extui %ge3A_419 : vector<16xi1> to vector<16xi32>
      %broadcast_in_dim3A_482 = arith.constant true
      %broadcast_in_dim3A_483 = vector.broadcast %broadcast_in_dim3A_482 : i1 to vector<16xi1>
      %masked_cumsum3A_484 = tpu.scan <sum>, %convert_element_type3A_481 masked %broadcast_in_dim3A_483 : vector<16xi32>, vector<16xi1> -> vector<16xi32>
      %add3A_485 = arith.addi %add3A_480, %masked_cumsum3A_484 : vector<16xi32>
      %sub3A_486 = arith.constant 1 : i32
      %sub3A_487 = vector.broadcast %sub3A_486 : i32 to vector<16xi32>
      %sub3A_488 = arith.subi %add3A_485, %sub3A_487 : vector<16xi32>
      %min3A_489 = arith.constant 8191 : i32
      %min3A_490 = vector.broadcast %min3A_489 : i32 to vector<16xi32>
      %min3A_491 = arith.minsi %sub3A_488, %min3A_490 : vector<16xi32>
      tpu.vector_store_idx %arg7[%min3A_491], %get3A_344 masked %ge3A_419 : memref<8192xf32, #tpu.memory_space<vmem>>[vector<16xi32>], vector<16xf32>, vector<16xi1>
      %add3A_492 = arith.addi %add3A_480, %all_reduce_population_count3A_434 : vector<16xi32>
      %convert_element_type3A_493 = arith.extui %ge3A_420 : vector<16xi1> to vector<16xi32>
      %broadcast_in_dim3A_494 = arith.constant true
      %broadcast_in_dim3A_495 = vector.broadcast %broadcast_in_dim3A_494 : i1 to vector<16xi1>
      %masked_cumsum3A_496 = tpu.scan <sum>, %convert_element_type3A_493 masked %broadcast_in_dim3A_495 : vector<16xi32>, vector<16xi1> -> vector<16xi32>
      %add3A_497 = arith.addi %add3A_492, %masked_cumsum3A_496 : vector<16xi32>
      %sub3A_498 = arith.constant 1 : i32
      %sub3A_499 = vector.broadcast %sub3A_498 : i32 to vector<16xi32>
      %sub3A_500 = arith.subi %add3A_497, %sub3A_499 : vector<16xi32>
      %min3A_501 = arith.constant 8191 : i32
      %min3A_502 = vector.broadcast %min3A_501 : i32 to vector<16xi32>
      %min3A_503 = arith.minsi %sub3A_500, %min3A_502 : vector<16xi32>
      tpu.vector_store_idx %arg7[%min3A_503], %get3A_350 masked %ge3A_420 : memref<8192xf32, #tpu.memory_space<vmem>>[vector<16xi32>], vector<16xf32>, vector<16xi1>
      %add3A_504 = arith.addi %add3A_492, %all_reduce_population_count3A_435 : vector<16xi32>
      %convert_element_type3A_505 = arith.extui %ge3A_421 : vector<16xi1> to vector<16xi32>
      %broadcast_in_dim3A_506 = arith.constant true
      %broadcast_in_dim3A_507 = vector.broadcast %broadcast_in_dim3A_506 : i1 to vector<16xi1>
      %masked_cumsum3A_508 = tpu.scan <sum>, %convert_element_type3A_505 masked %broadcast_in_dim3A_507 : vector<16xi32>, vector<16xi1> -> vector<16xi32>
      %add3A_509 = arith.addi %add3A_504, %masked_cumsum3A_508 : vector<16xi32>
      %sub3A_510 = arith.constant 1 : i32
      %sub3A_511 = vector.broadcast %sub3A_510 : i32 to vector<16xi32>
      %sub3A_512 = arith.subi %add3A_509, %sub3A_511 : vector<16xi32>
      %min3A_513 = arith.constant 8191 : i32
      %min3A_514 = vector.broadcast %min3A_513 : i32 to vector<16xi32>
      %min3A_515 = arith.minsi %sub3A_512, %min3A_514 : vector<16xi32>
      tpu.vector_store_idx %arg7[%min3A_515], %get3A_356 masked %ge3A_421 : memref<8192xf32, #tpu.memory_space<vmem>>[vector<16xi32>], vector<16xf32>, vector<16xi1>
      %add3A_516 = arith.addi %add3A_504, %all_reduce_population_count3A_436 : vector<16xi32>
      %convert_element_type3A_517 = arith.extui %ge3A_422 : vector<16xi1> to vector<16xi32>
      %broadcast_in_dim3A_518 = arith.constant true
      %broadcast_in_dim3A_519 = vector.broadcast %broadcast_in_dim3A_518 : i1 to vector<16xi1>
      %masked_cumsum3A_520 = tpu.scan <sum>, %convert_element_type3A_517 masked %broadcast_in_dim3A_519 : vector<16xi32>, vector<16xi1> -> vector<16xi32>
      %add3A_521 = arith.addi %add3A_516, %masked_cumsum3A_520 : vector<16xi32>
      %sub3A_522 = arith.constant 1 : i32
      %sub3A_523 = vector.broadcast %sub3A_522 : i32 to vector<16xi32>
      %sub3A_524 = arith.subi %add3A_521, %sub3A_523 : vector<16xi32>
      %min3A_525 = arith.constant 8191 : i32
      %min3A_526 = vector.broadcast %min3A_525 : i32 to vector<16xi32>
      %min3A_527 = arith.minsi %sub3A_524, %min3A_526 : vector<16xi32>
      tpu.vector_store_idx %arg7[%min3A_527], %get3A_362 masked %ge3A_422 : memref<8192xf32, #tpu.memory_space<vmem>>[vector<16xi32>], vector<16xf32>, vector<16xi1>
      %add3A_528 = arith.addi %add3A_516, %all_reduce_population_count3A_437 : vector<16xi32>
      %convert_element_type3A_529 = arith.extui %ge3A_423 : vector<16xi1> to vector<16xi32>
      %broadcast_in_dim3A_530 = arith.constant true
      %broadcast_in_dim3A_531 = vector.broadcast %broadcast_in_dim3A_530 : i1 to vector<16xi1>
      %masked_cumsum3A_532 = tpu.scan <sum>, %convert_element_type3A_529 masked %broadcast_in_dim3A_531 : vector<16xi32>, vector<16xi1> -> vector<16xi32>
      %add3A_533 = arith.addi %add3A_528, %masked_cumsum3A_532 : vector<16xi32>
      %sub3A_534 = arith.constant 1 : i32
      %sub3A_535 = vector.broadcast %sub3A_534 : i32 to vector<16xi32>
      %sub3A_536 = arith.subi %add3A_533, %sub3A_535 : vector<16xi32>
      %min3A_537 = arith.constant 8191 : i32
      %min3A_538 = vector.broadcast %min3A_537 : i32 to vector<16xi32>
      %min3A_539 = arith.minsi %sub3A_536, %min3A_538 : vector<16xi32>
      tpu.vector_store_idx %arg7[%min3A_539], %get3A_368 masked %ge3A_423 : memref<8192xf32, #tpu.memory_space<vmem>>[vector<16xi32>], vector<16xf32>, vector<16xi1>
      %add3A_540 = arith.addi %add3A_528, %all_reduce_population_count3A_438 : vector<16xi32>
      %convert_element_type3A_541 = arith.extui %ge3A_424 : vector<16xi1> to vector<16xi32>
      %broadcast_in_dim3A_542 = arith.constant true
      %broadcast_in_dim3A_543 = vector.broadcast %broadcast_in_dim3A_542 : i1 to vector<16xi1>
      %masked_cumsum3A_544 = tpu.scan <sum>, %convert_element_type3A_541 masked %broadcast_in_dim3A_543 : vector<16xi32>, vector<16xi1> -> vector<16xi32>
      %add3A_545 = arith.addi %add3A_540, %masked_cumsum3A_544 : vector<16xi32>
      %sub3A_546 = arith.constant 1 : i32
      %sub3A_547 = vector.broadcast %sub3A_546 : i32 to vector<16xi32>
      %sub3A_548 = arith.subi %add3A_545, %sub3A_547 : vector<16xi32>
      %min3A_549 = arith.constant 8191 : i32
      %min3A_550 = vector.broadcast %min3A_549 : i32 to vector<16xi32>
      %min3A_551 = arith.minsi %sub3A_548, %min3A_550 : vector<16xi32>
      tpu.vector_store_idx %arg7[%min3A_551], %get3A_374 masked %ge3A_424 : memref<8192xf32, #tpu.memory_space<vmem>>[vector<16xi32>], vector<16xf32>, vector<16xi1>
      %add3A_552 = arith.addi %add3A_540, %all_reduce_population_count3A_439 : vector<16xi32>
      %convert_element_type3A_553 = arith.extui %ge3A_425 : vector<16xi1> to vector<16xi32>
      %broadcast_in_dim3A_554 = arith.constant true
      %broadcast_in_dim3A_555 = vector.broadcast %broadcast_in_dim3A_554 : i1 to vector<16xi1>
      %masked_cumsum3A_556 = tpu.scan <sum>, %convert_element_type3A_553 masked %broadcast_in_dim3A_555 : vector<16xi32>, vector<16xi1> -> vector<16xi32>
      %add3A_557 = arith.addi %add3A_552, %masked_cumsum3A_556 : vector<16xi32>
      %sub3A_558 = arith.constant 1 : i32
      %sub3A_559 = vector.broadcast %sub3A_558 : i32 to vector<16xi32>
      %sub3A_560 = arith.subi %add3A_557, %sub3A_559 : vector<16xi32>
      %min3A_561 = arith.constant 8191 : i32
      %min3A_562 = vector.broadcast %min3A_561 : i32 to vector<16xi32>
      %min3A_563 = arith.minsi %sub3A_560, %min3A_562 : vector<16xi32>
      tpu.vector_store_idx %arg7[%min3A_563], %get3A_380 masked %ge3A_425 : memref<8192xf32, #tpu.memory_space<vmem>>[vector<16xi32>], vector<16xf32>, vector<16xi1>
      %add3A_564 = arith.addi %add3A_552, %all_reduce_population_count3A_440 : vector<16xi32>
      %convert_element_type3A_565 = arith.extui %ge3A_426 : vector<16xi1> to vector<16xi32>
      %broadcast_in_dim3A_566 = arith.constant true
      %broadcast_in_dim3A_567 = vector.broadcast %broadcast_in_dim3A_566 : i1 to vector<16xi1>
      %masked_cumsum3A_568 = tpu.scan <sum>, %convert_element_type3A_565 masked %broadcast_in_dim3A_567 : vector<16xi32>, vector<16xi1> -> vector<16xi32>
      %add3A_569 = arith.addi %add3A_564, %masked_cumsum3A_568 : vector<16xi32>
      %sub3A_570 = arith.constant 1 : i32
      %sub3A_571 = vector.broadcast %sub3A_570 : i32 to vector<16xi32>
      %sub3A_572 = arith.subi %add3A_569, %sub3A_571 : vector<16xi32>
      %min3A_573 = arith.constant 8191 : i32
      %min3A_574 = vector.broadcast %min3A_573 : i32 to vector<16xi32>
      %min3A_575 = arith.minsi %sub3A_572, %min3A_574 : vector<16xi32>
      tpu.vector_store_idx %arg7[%min3A_575], %get3A_386 masked %ge3A_426 : memref<8192xf32, #tpu.memory_space<vmem>>[vector<16xi32>], vector<16xf32>, vector<16xi1>
      %add3A_576 = arith.addi %add3A_564, %all_reduce_population_count3A_441 : vector<16xi32>
      %convert_element_type3A_577 = arith.extui %ge3A_427 : vector<16xi1> to vector<16xi32>
      %broadcast_in_dim3A_578 = arith.constant true
      %broadcast_in_dim3A_579 = vector.broadcast %broadcast_in_dim3A_578 : i1 to vector<16xi1>
      %masked_cumsum3A_580 = tpu.scan <sum>, %convert_element_type3A_577 masked %broadcast_in_dim3A_579 : vector<16xi32>, vector<16xi1> -> vector<16xi32>
      %add3A_581 = arith.addi %add3A_576, %masked_cumsum3A_580 : vector<16xi32>
      %sub3A_582 = arith.constant 1 : i32
      %sub3A_583 = vector.broadcast %sub3A_582 : i32 to vector<16xi32>
      %sub3A_584 = arith.subi %add3A_581, %sub3A_583 : vector<16xi32>
      %min3A_585 = arith.constant 8191 : i32
      %min3A_586 = vector.broadcast %min3A_585 : i32 to vector<16xi32>
      %min3A_587 = arith.minsi %sub3A_584, %min3A_586 : vector<16xi32>
      tpu.vector_store_idx %arg7[%min3A_587], %get3A_392 masked %ge3A_427 : memref<8192xf32, #tpu.memory_space<vmem>>[vector<16xi32>], vector<16xf32>, vector<16xi1>
      %add3A_588 = arith.addi %add3A_576, %all_reduce_population_count3A_442 : vector<16xi32>
      %convert_element_type3A_589 = arith.extui %ge3A_428 : vector<16xi1> to vector<16xi32>
      %broadcast_in_dim3A_590 = arith.constant true
      %broadcast_in_dim3A_591 = vector.broadcast %broadcast_in_dim3A_590 : i1 to vector<16xi1>
      %masked_cumsum3A_592 = tpu.scan <sum>, %convert_element_type3A_589 masked %broadcast_in_dim3A_591 : vector<16xi32>, vector<16xi1> -> vector<16xi32>
      %add3A_593 = arith.addi %add3A_588, %masked_cumsum3A_592 : vector<16xi32>
      %sub3A_594 = arith.constant 1 : i32
      %sub3A_595 = vector.broadcast %sub3A_594 : i32 to vector<16xi32>
      %sub3A_596 = arith.subi %add3A_593, %sub3A_595 : vector<16xi32>
      %min3A_597 = arith.constant 8191 : i32
      %min3A_598 = vector.broadcast %min3A_597 : i32 to vector<16xi32>
      %min3A_599 = arith.minsi %sub3A_596, %min3A_598 : vector<16xi32>
      tpu.vector_store_idx %arg7[%min3A_599], %get3A_398 masked %ge3A_428 : memref<8192xf32, #tpu.memory_space<vmem>>[vector<16xi32>], vector<16xf32>, vector<16xi1>
      %add3A_600 = arith.addi %add3A_588, %all_reduce_population_count3A_443 : vector<16xi32>
      %convert_element_type3A_601 = arith.extui %ge3A_429 : vector<16xi1> to vector<16xi32>
      %broadcast_in_dim3A_602 = arith.constant true
      %broadcast_in_dim3A_603 = vector.broadcast %broadcast_in_dim3A_602 : i1 to vector<16xi1>
      %masked_cumsum3A_604 = tpu.scan <sum>, %convert_element_type3A_601 masked %broadcast_in_dim3A_603 : vector<16xi32>, vector<16xi1> -> vector<16xi32>
      %add3A_605 = arith.addi %add3A_600, %masked_cumsum3A_604 : vector<16xi32>
      %sub3A_606 = arith.constant 1 : i32
      %sub3A_607 = vector.broadcast %sub3A_606 : i32 to vector<16xi32>
      %sub3A_608 = arith.subi %add3A_605, %sub3A_607 : vector<16xi32>
      %min3A_609 = arith.constant 8191 : i32
      %min3A_610 = vector.broadcast %min3A_609 : i32 to vector<16xi32>
      %min3A_611 = arith.minsi %sub3A_608, %min3A_610 : vector<16xi32>
      tpu.vector_store_idx %arg7[%min3A_611], %get3A_404 masked %ge3A_429 : memref<8192xf32, #tpu.memory_space<vmem>>[vector<16xi32>], vector<16xf32>, vector<16xi1>
      %add3A_612 = arith.addi %add3A_600, %all_reduce_population_count3A_444 : vector<16xi32>
      %convert_element_type3A_613 = arith.extui %ge3A_430 : vector<16xi1> to vector<16xi32>
      %broadcast_in_dim3A_614 = arith.constant true
      %broadcast_in_dim3A_615 = vector.broadcast %broadcast_in_dim3A_614 : i1 to vector<16xi1>
      %masked_cumsum3A_616 = tpu.scan <sum>, %convert_element_type3A_613 masked %broadcast_in_dim3A_615 : vector<16xi32>, vector<16xi1> -> vector<16xi32>
      %add3A_617 = arith.addi %add3A_612, %masked_cumsum3A_616 : vector<16xi32>
      %sub3A_618 = arith.constant 1 : i32
      %sub3A_619 = vector.broadcast %sub3A_618 : i32 to vector<16xi32>
      %sub3A_620 = arith.subi %add3A_617, %sub3A_619 : vector<16xi32>
      %min3A_621 = arith.constant 8191 : i32
      %min3A_622 = vector.broadcast %min3A_621 : i32 to vector<16xi32>
      %min3A_623 = arith.minsi %sub3A_620, %min3A_622 : vector<16xi32>
      tpu.vector_store_idx %arg7[%min3A_623], %get3A_410 masked %ge3A_430 : memref<8192xf32, #tpu.memory_space<vmem>>[vector<16xi32>], vector<16xf32>, vector<16xi1>
      %add3A_624 = arith.addi %add3A_612, %all_reduce_population_count3A_445 : vector<16xi32>
      %convert_element_type3A_625 = arith.extui %ge3A_431 : vector<16xi1> to vector<16xi32>
      %broadcast_in_dim3A_626 = arith.constant true
      %broadcast_in_dim3A_627 = vector.broadcast %broadcast_in_dim3A_626 : i1 to vector<16xi1>
      %masked_cumsum3A_628 = tpu.scan <sum>, %convert_element_type3A_625 masked %broadcast_in_dim3A_627 : vector<16xi32>, vector<16xi1> -> vector<16xi32>
      %add3A_629 = arith.addi %add3A_624, %masked_cumsum3A_628 : vector<16xi32>
      %sub3A_630 = arith.constant 1 : i32
      %sub3A_631 = vector.broadcast %sub3A_630 : i32 to vector<16xi32>
      %sub3A_632 = arith.subi %add3A_629, %sub3A_631 : vector<16xi32>
      %min3A_633 = arith.constant 8191 : i32
      %min3A_634 = vector.broadcast %min3A_633 : i32 to vector<16xi32>
      %min3A_635 = arith.minsi %sub3A_632, %min3A_634 : vector<16xi32>
      tpu.vector_store_idx %arg7[%min3A_635], %get3A_416 masked %ge3A_431 : memref<8192xf32, #tpu.memory_space<vmem>>[vector<16xi32>], vector<16xf32>, vector<16xi1>
      %add3A_636 = arith.addi %add3A_624, %all_reduce_population_count3A_446 : vector<16xi32>
      scf.yield %add3A_636 : vector<16xi32>
    }
    %scan3A_120 = arith.constant 128 : i32
    %slice3A_121 = vector.extract_strided_slice %scan3A_119 {offsets = [0], sizes = [1], strides = [1]} : vector<16xi32> to vector<1xi32>
    %squeeze3A_122 = vector.extract %slice3A_121[0] : i32 from vector<1xi32>
    %broadcast_in_dim3A_123 = arith.constant -1.000000e+30 : f32
    %broadcast_in_dim3A_124 = vector.broadcast %broadcast_in_dim3A_123 : f32 to vector<16xf32>
    %min3A_125 = arith.constant 8176 : i32
    %min3A_126 = arith.minsi %squeeze3A_122, %min3A_125 : i32
    %swap3A_127 = arith.index_cast %min3A_126 : i32 to index
    %swap3A_128 = tpu.vector_load %arg7[%swap3A_127] {strides = array<i32>} : memref<8192xf32, #tpu.memory_space<vmem>>, vector<16xf32>,
    tpu.vector_store %arg7[%swap3A_127], %broadcast_in_dim3A_124 {strides = array<i32>} : memref<8192xf32, #tpu.memory_space<vmem>>, vector<16xf32>,
    %add3A_129 = arith.constant 16 : i32
    %add3A_130 = arith.addi %squeeze3A_122, %add3A_129 : i32
    %sub3A_131 = arith.constant 1 : i32
    %sub3A_132 = arith.subi %add3A_130, %sub3A_131 : i32
    %shift_right_arithmetic3A_133 = arith.constant 4 : i32
    %shift_right_arithmetic3A_134 = arith.shrsi %sub3A_132, %shift_right_arithmetic3A_133 : i32
    %broadcast_in_dim3A_135 = vector.broadcast %reduce_max3A_109 : f32 to vector<16xf32>
    %while3A_136 = arith.constant 0 : i32
    %while3A_137 = arith.constant 0 : i32
    %while3A_138 = arith.subi %shift_right_arithmetic3A_134, %while3A_137 : i32
    %while3A_139 = arith.addi %while3A_137, %while3A_138 : i32
    %while3A_140 = arith.constant 1 : i32
    %while3A_141 = arith.divsi %while3A_138, %while3A_140 : i32
    %while3A_142 = arith.muli %while3A_141, %while3A_140 : i32
    %while3A_143 = arith.addi %while3A_137, %while3A_142 : i32
    %while3A_144 = arith.constant 1 : i32
    scf.for %while3A_318 = %while3A_137 to %while3A_143 step %while3A_144  : i32 {
      %mul3A_319 = arith.constant 16 : i32
      %mul3A_320 = arith.muli %while3A_318, %mul3A_319 : i32
      %get3A = arith.index_cast %mul3A_320 : i32 to index
      %get3A_321 = tpu.vector_load %arg7[%get3A] {strides = array<i32>} : memref<8192xf32, #tpu.memory_space<vmem>>, vector<16xf32>,
      %sub3A_322 = arith.subf %get3A_321, %broadcast_in_dim3A_135 : vector<16xf32>
      %mul3A_323 = arith.constant 5.000000e-01 : f32
      %mul3A_324 = vector.broadcast %mul3A_323 : f32 to vector<16xf32>
      %mul3A_325 = arith.mulf %sub3A_322, %mul3A_324 : vector<16xf32>
      %mul3A_326 = arith.constant 16 : i32
      %mul3A_327 = arith.muli %while3A_318, %mul3A_326 : i32
      %swap3A_328 = arith.index_cast %mul3A_327 : i32 to index
      %swap3A_329 = tpu.vector_load %arg7[%swap3A_328] {strides = array<i32>} : memref<8192xf32, #tpu.memory_space<vmem>>, vector<16xf32>,
      tpu.vector_store %arg7[%swap3A_328], %mul3A_325 {strides = array<i32>} : memref<8192xf32, #tpu.memory_space<vmem>>, vector<16xf32>,
    }
    %while3A_145 = arith.constant 1 : i32
    scf.for %while3A_318 = %while3A_143 to %while3A_139 step %while3A_145  : i32 {
      %mul3A_319 = arith.constant 16 : i32
      %mul3A_320 = arith.muli %while3A_318, %mul3A_319 : i32
      %get3A = arith.index_cast %mul3A_320 : i32 to index
      %get3A_321 = tpu.vector_load %arg7[%get3A] {strides = array<i32>} : memref<8192xf32, #tpu.memory_space<vmem>>, vector<16xf32>,
      %sub3A_322 = arith.subf %get3A_321, %broadcast_in_dim3A_135 : vector<16xf32>
      %mul3A_323 = arith.constant 5.000000e-01 : f32
      %mul3A_324 = vector.broadcast %mul3A_323 : f32 to vector<16xf32>
      %mul3A_325 = arith.mulf %sub3A_322, %mul3A_324 : vector<16xf32>
      %mul3A_326 = arith.constant 16 : i32
      %mul3A_327 = arith.muli %while3A_318, %mul3A_326 : i32
      %swap3A_328 = arith.index_cast %mul3A_327 : i32 to index
      %swap3A_329 = tpu.vector_load %arg7[%swap3A_328] {strides = array<i32>} : memref<8192xf32, #tpu.memory_space<vmem>>, vector<16xf32>,
      tpu.vector_store %arg7[%swap3A_328], %mul3A_325 {strides = array<i32>} : memref<8192xf32, #tpu.memory_space<vmem>>, vector<16xf32>,
    }
    %broadcast_in_dim3A_146 = arith.constant -1.000000e+00 : f32
    %broadcast_in_dim3A_147 = vector.broadcast %broadcast_in_dim3A_146 : f32 to vector<16xf32>
    %scan3A_148 = arith.constant 0 : i32
    %scan3A_149 = arith.constant 12 : i32
    %scan3A_150 = arith.addi %scan3A_148, %scan3A_149 : i32
    %scan3A_151 = arith.constant 1 : i32
    %scan3A_152 = scf.for %scan3A_318 = %scan3A_148 to %scan3A_150 step %scan3A_151 iter_args(%scan3A_319 = %broadcast_in_dim3A_147) -> (vector<16xf32>)  : i32 {
      %broadcast_in_dim3A_320 = arith.constant 0.000000e+00 : f32
      %broadcast_in_dim3A_321 = vector.broadcast %broadcast_in_dim3A_320 : f32 to vector<16xf32>
      %while3A_322 = arith.constant 0 : i32
      %while3A_323 = arith.subi %shift_right_arithmetic3A_134, %while3A_322 : i32
      %while3A_324 = arith.addi %while3A_322, %while3A_323 : i32
      %while3A_325 = arith.constant 1 : i32
      %while3A_326 = arith.divsi %while3A_323, %while3A_325 : i32
      %while3A_327 = arith.muli %while3A_326, %while3A_325 : i32
      %while3A_328 = arith.addi %while3A_322, %while3A_327 : i32
      %while3A_329 = arith.constant 1 : i32
      %while3A_330:2 = scf.for %while3A_352 = %while3A_322 to %while3A_328 step %while3A_329 iter_args(%while3A_353 = %broadcast_in_dim3A_321, %while3A_354 = %broadcast_in_dim3A_321) -> (vector<16xf32>, vector<16xf32>)  : i32 {
        %mul3A_355 = arith.constant 16 : i32
        %mul3A_356 = arith.muli %while3A_352, %mul3A_355 : i32
        %get3A = arith.index_cast %mul3A_356 : i32 to index
        %get3A_357 = tpu.vector_load %arg7[%get3A] {strides = array<i32>} : memref<8192xf32, #tpu.memory_space<vmem>>, vector<16xf32>,
        %sub3A_358 = arith.subf %get3A_357, %scan3A_319 : vector<16xf32>
        %max3A_359 = arith.constant 0.000000e+00 : f32
        %max3A_360 = vector.broadcast %max3A_359 : f32 to vector<16xf32>
        %max3A_361 = arith.maximumf %sub3A_358, %max3A_360 : vector<16xf32>
        %mul3A_362 = arith.mulf %max3A_361, %max3A_361 : vector<16xf32>
        %add3A_363 = arith.addf %while3A_353, %mul3A_362 : vector<16xf32>
        %add3A_364 = arith.addf %while3A_354, %max3A_361 : vector<16xf32>
        scf.yield %add3A_363, %add3A_364 : vector<16xf32>, vector<16xf32>
      }
      %while3A_331 = arith.constant 1 : i32
      %while3A_332:2 = scf.for %while3A_352 = %while3A_328 to %while3A_324 step %while3A_331 iter_args(%while3A_353 = %while3A_330#0, %while3A_354 = %while3A_330#1) -> (vector<16xf32>, vector<16xf32>)  : i32 {
        %mul3A_355 = arith.constant 16 : i32
        %mul3A_356 = arith.muli %while3A_352, %mul3A_355 : i32
        %get3A = arith.index_cast %mul3A_356 : i32 to index
        %get3A_357 = tpu.vector_load %arg7[%get3A] {strides = array<i32>} : memref<8192xf32, #tpu.memory_space<vmem>>, vector<16xf32>,
        %sub3A_358 = arith.subf %get3A_357, %scan3A_319 : vector<16xf32>
        %max3A_359 = arith.constant 0.000000e+00 : f32
        %max3A_360 = vector.broadcast %max3A_359 : f32 to vector<16xf32>
        %max3A_361 = arith.maximumf %sub3A_358, %max3A_360 : vector<16xf32>
        %mul3A_362 = arith.mulf %max3A_361, %max3A_361 : vector<16xf32>
        %add3A_363 = arith.addf %while3A_353, %mul3A_362 : vector<16xf32>
        %add3A_364 = arith.addf %while3A_354, %max3A_361 : vector<16xf32>
        scf.yield %add3A_363, %add3A_364 : vector<16xf32>, vector<16xf32>
      }
      %reduce_sum3A = arith.constant true
      %reduce_sum3A_333 = vector.broadcast %reduce_sum3A : i1 to vector<16xi1>
      %reduce_sum3A_334 = tpu.scan <sum>, %while3A_332#0 masked %reduce_sum3A_333 : vector<16xf32>, vector<16xi1> -> vector<16xf32>
      %reduce_sum3A_335 = vector.extract %reduce_sum3A_334[15] : f32 from vector<16xf32>
      %broadcast_in_dim3A_336 = vector.broadcast %reduce_sum3A_335 : f32 to vector<16xf32>
      %reduce_sum3A_337 = arith.constant true
      %reduce_sum3A_338 = vector.broadcast %reduce_sum3A_337 : i1 to vector<16xi1>
      %reduce_sum3A_339 = tpu.scan <sum>, %while3A_332#1 masked %reduce_sum3A_338 : vector<16xf32>, vector<16xi1> -> vector<16xf32>
      %reduce_sum3A_340 = vector.extract %reduce_sum3A_339[15] : f32 from vector<16xf32>
      %broadcast_in_dim3A_341 = vector.broadcast %reduce_sum3A_340 : f32 to vector<16xf32>
      %sub3A_342 = arith.constant 1.000000e+00 : f32
      %sub3A_343 = vector.broadcast %sub3A_342 : f32 to vector<16xf32>
      %sub3A_344 = arith.subf %broadcast_in_dim3A_336, %sub3A_343 : vector<16xf32>
      %mul3A_345 = arith.constant 2.000000e+00 : f32
      %mul3A_346 = vector.broadcast %mul3A_345 : f32 to vector<16xf32>
      %mul3A_347 = arith.mulf %mul3A_346, %broadcast_in_dim3A_341 : vector<16xf32>
      %max3A_348 = arith.constant 1.000000e-30 : f32
      %max3A_349 = vector.broadcast %max3A_348 : f32 to vector<16xf32>
      %max3A_350 = arith.maximumf %mul3A_347, %max3A_349 : vector<16xf32>
      %div3A = arith.divf %sub3A_344, %max3A_350 : vector<16xf32>
      %add3A_351 = arith.addf %scan3A_319, %div3A : vector<16xf32>
      scf.yield %add3A_351 : vector<16xf32>
    }
    %scan3A_153 = arith.constant 12 : i32
    %swap3A_154 = arith.constant 1 : i32
    %swap3A_155 = arith.index_cast %swap3A_154 : i32 to index
    %swap3A_156 = arith.constant 0 : index
    %swap3A_157 = tpu.vector_load %arg8[%swap3A_155, %swap3A_156] {strides = array<i32>} : memref<4x16xf32, #tpu.memory_space<vmem>>, vector<16xf32>,
    tpu.vector_store %arg8[%swap3A_155, %swap3A_156], %broadcast_in_dim3A_135 {strides = array<i32>} : memref<4x16xf32, #tpu.memory_space<vmem>>, vector<16xf32>,
    %swap3A_158 = arith.constant 1 : i32
    %swap3A_159 = arith.index_cast %swap3A_158 : i32 to index
    %swap3A_160 = arith.constant 0 : index
    %swap3A_161 = tpu.vector_load %arg9[%swap3A_159, %swap3A_160] {strides = array<i32>} : memref<4x16xf32, #tpu.memory_space<vmem>>, vector<16xf32>,
    tpu.vector_store %arg9[%swap3A_159, %swap3A_160], %scan3A_152 {strides = array<i32>} : memref<4x16xf32, #tpu.memory_space<vmem>>, vector<16xf32>,
    %add3A_162 = arith.constant 2 : i32
    %add3A_163 = arith.addi %mul3A_2, %add3A_162 : i32
    %add3A_164 = arith.constant 1 : i32
    %add3A_165 = arith.addi %add3A_163, %add3A_164 : i32
    %dma_start3A_166 = arith.constant 0 : i32
    %dma_start3A_167 = tpu.memref_slice %arg2[%add3A_165, %dma_start3A_166] : memref<128x32768xf32, #tpu.memory_space<hbm>> -> memref<1x32768xf32, #tpu.memory_space<hbm>>
    %dma_start3A_168 = tpu.memref_squeeze %dma_start3A_167 : memref<1x32768xf32, #tpu.memory_space<hbm>> -> memref<32768xf32, #tpu.memory_space<hbm>>
    %dma_start3A_169 = arith.constant 0 : i32
    %dma_start3A_170 = tpu.memref_slice %arg2[%add3A_165, %dma_start3A_169] : memref<128x32768xf32, #tpu.memory_space<hbm>> -> memref<1x32768xf32, #tpu.memory_space<hbm>>
    %dma_start3A_171 = tpu.memref_squeeze %dma_start3A_170 : memref<1x32768xf32, #tpu.memory_space<hbm>> -> memref<32768xf32, #tpu.memory_space<hbm>>
    tpu.enqueue_dma source(%dma_start3A_171 : memref<32768xf32, #tpu.memory_space<hbm>>) target(%arg6 : memref<32768xf32, #tpu.memory_space<vmem>>) target_semaphore(%arg11 : memref<!tpu.dma_semaphore, #tpu.memory_space<semaphore_mem>>)
    %add3A_172 = arith.constant 2 : i32
    %add3A_173 = arith.addi %mul3A_2, %add3A_172 : i32
    %dma_wait3A_174 = arith.constant 0 : i32
    %dma_wait3A_175 = tpu.memref_slice %arg2[%add3A_173, %dma_wait3A_174] : memref<128x32768xf32, #tpu.memory_space<hbm>> -> memref<1x32768xf32, #tpu.memory_space<hbm>>
    %dma_wait3A_176 = tpu.memref_squeeze %dma_wait3A_175 : memref<1x32768xf32, #tpu.memory_space<hbm>> -> memref<32768xf32, #tpu.memory_space<hbm>>
    %dma_wait3A_177 = arith.constant 0 : i32
    %dma_wait3A_178 = tpu.memref_slice %arg2[%add3A_173, %dma_wait3A_177] : memref<128x32768xf32, #tpu.memory_space<hbm>> -> memref<1x32768xf32, #tpu.memory_space<hbm>>
    %dma_wait3A_179 = tpu.memref_squeeze %dma_wait3A_178 : memref<1x32768xf32, #tpu.memory_space<hbm>> -> memref<32768xf32, #tpu.memory_space<hbm>>
    tpu.wait_dma2 semaphore(%arg10 : memref<!tpu.dma_semaphore, #tpu.memory_space<semaphore_mem>>) src(%dma_wait3A_179 : memref<32768xf32, #tpu.memory_space<hbm>>) dst(%arg5 : memref<32768xf32, #tpu.memory_space<vmem>>)
    %broadcast_in_dim3A_180 = arith.constant -3.000000e+38 : f32
    %broadcast_in_dim3A_181 = vector.broadcast %broadcast_in_dim3A_180 : f32 to vector<16xf32>
    %scan3A_182 = arith.constant 0 : i32
    %scan3A_183 = arith.constant 128 : i32
    %scan3A_184 = arith.addi %scan3A_182, %scan3A_183 : i32
    %scan3A_185 = arith.constant 1 : i32
    %scan3A_186:2 = scf.for %scan3A_318 = %scan3A_182 to %scan3A_184 step %scan3A_185 iter_args(%scan3A_319 = %broadcast_in_dim3A_181, %scan3A_320 = %broadcast_in_dim3A_181) -> (vector<16xf32>, vector<16xf32>)  : i32 {
      %mul3A_321 = arith.constant 16 : i32
      %mul3A_322 = arith.muli %scan3A_318, %mul3A_321 : i32
      %add3A_323 = arith.constant 0 : i32
      %add3A_324 = arith.addi %mul3A_322, %add3A_323 : i32
      %mul3A_325 = arith.constant 16 : i32
      %mul3A_326 = arith.muli %add3A_324, %mul3A_325 : i32
      %get3A = arith.index_cast %mul3A_326 : i32 to index
      %get3A_327 = tpu.vector_load %arg5[%get3A] {strides = array<i32>} : memref<32768xf32, #tpu.memory_space<vmem>>, vector<16xf32>,
      %max3A_328 = arith.maximumf %scan3A_319, %get3A_327 : vector<16xf32>
      %add3A_329 = arith.constant 0 : i32
      %add3A_330 = arith.addi %mul3A_322, %add3A_329 : i32
      %add3A_331 = arith.constant 1 : i32
      %add3A_332 = arith.addi %add3A_330, %add3A_331 : i32
      %mul3A_333 = arith.constant 16 : i32
      %mul3A_334 = arith.muli %add3A_332, %mul3A_333 : i32
      %get3A_335 = arith.index_cast %mul3A_334 : i32 to index
      %get3A_336 = tpu.vector_load %arg5[%get3A_335] {strides = array<i32>} : memref<32768xf32, #tpu.memory_space<vmem>>, vector<16xf32>,
      %max3A_337 = arith.maximumf %scan3A_320, %get3A_336 : vector<16xf32>
      %add3A_338 = arith.constant 2 : i32
      %add3A_339 = arith.addi %mul3A_322, %add3A_338 : i32
      %mul3A_340 = arith.constant 16 : i32
      %mul3A_341 = arith.muli %add3A_339, %mul3A_340 : i32
      %get3A_342 = arith.index_cast %mul3A_341 : i32 to index
      %get3A_343 = tpu.vector_load %arg5[%get3A_342] {strides = array<i32>} : memref<32768xf32, #tpu.memory_space<vmem>>, vector<16xf32>,
      %max3A_344 = arith.maximumf %max3A_328, %get3A_343 : vector<16xf32>
      %add3A_345 = arith.constant 2 : i32
      %add3A_346 = arith.addi %mul3A_322, %add3A_345 : i32
      %add3A_347 = arith.constant 1 : i32
      %add3A_348 = arith.addi %add3A_346, %add3A_347 : i32
      %mul3A_349 = arith.constant 16 : i32
      %mul3A_350 = arith.muli %add3A_348, %mul3A_349 : i32
      %get3A_351 = arith.index_cast %mul3A_350 : i32 to index
      %get3A_352 = tpu.vector_load %arg5[%get3A_351] {strides = array<i32>} : memref<32768xf32, #tpu.memory_space<vmem>>, vector<16xf32>,
      %max3A_353 = arith.maximumf %max3A_337, %get3A_352 : vector<16xf32>
      %add3A_354 = arith.constant 4 : i32
      %add3A_355 = arith.addi %mul3A_322, %add3A_354 : i32
      %mul3A_356 = arith.constant 16 : i32
      %mul3A_357 = arith.muli %add3A_355, %mul3A_356 : i32
      %get3A_358 = arith.index_cast %mul3A_357 : i32 to index
      %get3A_359 = tpu.vector_load %arg5[%get3A_358] {strides = array<i32>} : memref<32768xf32, #tpu.memory_space<vmem>>, vector<16xf32>,
      %max3A_360 = arith.maximumf %max3A_344, %get3A_359 : vector<16xf32>
      %add3A_361 = arith.constant 4 : i32
      %add3A_362 = arith.addi %mul3A_322, %add3A_361 : i32
      %add3A_363 = arith.constant 1 : i32
      %add3A_364 = arith.addi %add3A_362, %add3A_363 : i32
      %mul3A_365 = arith.constant 16 : i32
      %mul3A_366 = arith.muli %add3A_364, %mul3A_365 : i32
      %get3A_367 = arith.index_cast %mul3A_366 : i32 to index
      %get3A_368 = tpu.vector_load %arg5[%get3A_367] {strides = array<i32>} : memref<32768xf32, #tpu.memory_space<vmem>>, vector<16xf32>,
      %max3A_369 = arith.maximumf %max3A_353, %get3A_368 : vector<16xf32>
      %add3A_370 = arith.constant 6 : i32
      %add3A_371 = arith.addi %mul3A_322, %add3A_370 : i32
      %mul3A_372 = arith.constant 16 : i32
      %mul3A_373 = arith.muli %add3A_371, %mul3A_372 : i32
      %get3A_374 = arith.index_cast %mul3A_373 : i32 to index
      %get3A_375 = tpu.vector_load %arg5[%get3A_374] {strides = array<i32>} : memref<32768xf32, #tpu.memory_space<vmem>>, vector<16xf32>,
      %max3A_376 = arith.maximumf %max3A_360, %get3A_375 : vector<16xf32>
      %add3A_377 = arith.constant 6 : i32
      %add3A_378 = arith.addi %mul3A_322, %add3A_377 : i32
      %add3A_379 = arith.constant 1 : i32
      %add3A_380 = arith.addi %add3A_378, %add3A_379 : i32
      %mul3A_381 = arith.constant 16 : i32
      %mul3A_382 = arith.muli %add3A_380, %mul3A_381 : i32
      %get3A_383 = arith.index_cast %mul3A_382 : i32 to index
      %get3A_384 = tpu.vector_load %arg5[%get3A_383] {strides = array<i32>} : memref<32768xf32, #tpu.memory_space<vmem>>, vector<16xf32>,
      %max3A_385 = arith.maximumf %max3A_369, %get3A_384 : vector<16xf32>
      %add3A_386 = arith.constant 8 : i32
      %add3A_387 = arith.addi %mul3A_322, %add3A_386 : i32
      %mul3A_388 = arith.constant 16 : i32
      %mul3A_389 = arith.muli %add3A_387, %mul3A_388 : i32
      %get3A_390 = arith.index_cast %mul3A_389 : i32 to index
      %get3A_391 = tpu.vector_load %arg5[%get3A_390] {strides = array<i32>} : memref<32768xf32, #tpu.memory_space<vmem>>, vector<16xf32>,
      %max3A_392 = arith.maximumf %max3A_376, %get3A_391 : vector<16xf32>
      %add3A_393 = arith.constant 8 : i32
      %add3A_394 = arith.addi %mul3A_322, %add3A_393 : i32
      %add3A_395 = arith.constant 1 : i32
      %add3A_396 = arith.addi %add3A_394, %add3A_395 : i32
      %mul3A_397 = arith.constant 16 : i32
      %mul3A_398 = arith.muli %add3A_396, %mul3A_397 : i32
      %get3A_399 = arith.index_cast %mul3A_398 : i32 to index
      %get3A_400 = tpu.vector_load %arg5[%get3A_399] {strides = array<i32>} : memref<32768xf32, #tpu.memory_space<vmem>>, vector<16xf32>,
      %max3A_401 = arith.maximumf %max3A_385, %get3A_400 : vector<16xf32>
      %add3A_402 = arith.constant 10 : i32
      %add3A_403 = arith.addi %mul3A_322, %add3A_402 : i32
      %mul3A_404 = arith.constant 16 : i32
      %mul3A_405 = arith.muli %add3A_403, %mul3A_404 : i32
      %get3A_406 = arith.index_cast %mul3A_405 : i32 to index
      %get3A_407 = tpu.vector_load %arg5[%get3A_406] {strides = array<i32>} : memref<32768xf32, #tpu.memory_space<vmem>>, vector<16xf32>,
      %max3A_408 = arith.maximumf %max3A_392, %get3A_407 : vector<16xf32>
      %add3A_409 = arith.constant 10 : i32
      %add3A_410 = arith.addi %mul3A_322, %add3A_409 : i32
      %add3A_411 = arith.constant 1 : i32
      %add3A_412 = arith.addi %add3A_410, %add3A_411 : i32
      %mul3A_413 = arith.constant 16 : i32
      %mul3A_414 = arith.muli %add3A_412, %mul3A_413 : i32
      %get3A_415 = arith.index_cast %mul3A_414 : i32 to index
      %get3A_416 = tpu.vector_load %arg5[%get3A_415] {strides = array<i32>} : memref<32768xf32, #tpu.memory_space<vmem>>, vector<16xf32>,
      %max3A_417 = arith.maximumf %max3A_401, %get3A_416 : vector<16xf32>
      %add3A_418 = arith.constant 12 : i32
      %add3A_419 = arith.addi %mul3A_322, %add3A_418 : i32
      %mul3A_420 = arith.constant 16 : i32
      %mul3A_421 = arith.muli %add3A_419, %mul3A_420 : i32
      %get3A_422 = arith.index_cast %mul3A_421 : i32 to index
      %get3A_423 = tpu.vector_load %arg5[%get3A_422] {strides = array<i32>} : memref<32768xf32, #tpu.memory_space<vmem>>, vector<16xf32>,
      %max3A_424 = arith.maximumf %max3A_408, %get3A_423 : vector<16xf32>
      %add3A_425 = arith.constant 12 : i32
      %add3A_426 = arith.addi %mul3A_322, %add3A_425 : i32
      %add3A_427 = arith.constant 1 : i32
      %add3A_428 = arith.addi %add3A_426, %add3A_427 : i32
      %mul3A_429 = arith.constant 16 : i32
      %mul3A_430 = arith.muli %add3A_428, %mul3A_429 : i32
      %get3A_431 = arith.index_cast %mul3A_430 : i32 to index
      %get3A_432 = tpu.vector_load %arg5[%get3A_431] {strides = array<i32>} : memref<32768xf32, #tpu.memory_space<vmem>>, vector<16xf32>,
      %max3A_433 = arith.maximumf %max3A_417, %get3A_432 : vector<16xf32>
      %add3A_434 = arith.constant 14 : i32
      %add3A_435 = arith.addi %mul3A_322, %add3A_434 : i32
      %mul3A_436 = arith.constant 16 : i32
      %mul3A_437 = arith.muli %add3A_435, %mul3A_436 : i32
      %get3A_438 = arith.index_cast %mul3A_437 : i32 to index
      %get3A_439 = tpu.vector_load %arg5[%get3A_438] {strides = array<i32>} : memref<32768xf32, #tpu.memory_space<vmem>>, vector<16xf32>,
      %max3A_440 = arith.maximumf %max3A_424, %get3A_439 : vector<16xf32>
      %add3A_441 = arith.constant 14 : i32
      %add3A_442 = arith.addi %mul3A_322, %add3A_441 : i32
      %add3A_443 = arith.constant 1 : i32
      %add3A_444 = arith.addi %add3A_442, %add3A_443 : i32
      %mul3A_445 = arith.constant 16 : i32
      %mul3A_446 = arith.muli %add3A_444, %mul3A_445 : i32
      %get3A_447 = arith.index_cast %mul3A_446 : i32 to index
      %get3A_448 = tpu.vector_load %arg5[%get3A_447] {strides = array<i32>} : memref<32768xf32, #tpu.memory_space<vmem>>, vector<16xf32>,
      %max3A_449 = arith.maximumf %max3A_433, %get3A_448 : vector<16xf32>
      scf.yield %max3A_440, %max3A_449 : vector<16xf32>, vector<16xf32>
    }
    %scan3A_187 = arith.constant 128 : i32
    %max3A_188 = arith.maximumf %scan3A_186#0, %scan3A_186#1 : vector<16xf32>
    %reduce_max3A_189 = arith.constant true
    %reduce_max3A_190 = vector.broadcast %reduce_max3A_189 : i1 to vector<16xi1>
    %reduce_max3A_191 = tpu.scan <max>, %max3A_188 masked %reduce_max3A_190 : vector<16xf32>, vector<16xi1> -> vector<16xf32>
    %reduce_max3A_192 = vector.extract %reduce_max3A_191[15] : f32 from vector<16xf32>
    %sub3A_193 = arith.constant 2.000000e+00 : f32
    %sub3A_194 = arith.subf %reduce_max3A_192, %sub3A_193 : f32
    %broadcast_in_dim3A_195 = vector.broadcast %sub3A_194 : f32 to vector<16xf32>
    %broadcast_in_dim3A_196 = arith.constant 0 : i32
    %broadcast_in_dim3A_197 = vector.broadcast %broadcast_in_dim3A_196 : i32 to vector<16xi32>
    %scan3A_198 = arith.constant 0 : i32
    %scan3A_199 = arith.constant 128 : i32
    %scan3A_200 = arith.addi %scan3A_198, %scan3A_199 : i32
    %scan3A_201 = arith.constant 1 : i32
    %scan3A_202 = scf.for %scan3A_318 = %scan3A_198 to %scan3A_200 step %scan3A_201 iter_args(%scan3A_319 = %broadcast_in_dim3A_197) -> (vector<16xi32>)  : i32 {
      %mul3A_320 = arith.constant 16 : i32
      %mul3A_321 = arith.muli %scan3A_318, %mul3A_320 : i32
      %add3A_322 = arith.constant 0 : i32
      %add3A_323 = arith.addi %mul3A_321, %add3A_322 : i32
      %mul3A_324 = arith.constant 16 : i32
      %mul3A_325 = arith.muli %add3A_323, %mul3A_324 : i32
      %get3A = arith.index_cast %mul3A_325 : i32 to index
      %get3A_326 = tpu.vector_load %arg5[%get3A] {strides = array<i32>} : memref<32768xf32, #tpu.memory_space<vmem>>, vector<16xf32>,
      %add3A_327 = arith.constant 1 : i32
      %add3A_328 = arith.addi %mul3A_321, %add3A_327 : i32
      %mul3A_329 = arith.constant 16 : i32
      %mul3A_330 = arith.muli %add3A_328, %mul3A_329 : i32
      %get3A_331 = arith.index_cast %mul3A_330 : i32 to index
      %get3A_332 = tpu.vector_load %arg5[%get3A_331] {strides = array<i32>} : memref<32768xf32, #tpu.memory_space<vmem>>, vector<16xf32>,
      %add3A_333 = arith.constant 2 : i32
      %add3A_334 = arith.addi %mul3A_321, %add3A_333 : i32
      %mul3A_335 = arith.constant 16 : i32
      %mul3A_336 = arith.muli %add3A_334, %mul3A_335 : i32
      %get3A_337 = arith.index_cast %mul3A_336 : i32 to index
      %get3A_338 = tpu.vector_load %arg5[%get3A_337] {strides = array<i32>} : memref<32768xf32, #tpu.memory_space<vmem>>, vector<16xf32>,
      %add3A_339 = arith.constant 3 : i32
      %add3A_340 = arith.addi %mul3A_321, %add3A_339 : i32
      %mul3A_341 = arith.constant 16 : i32
      %mul3A_342 = arith.muli %add3A_340, %mul3A_341 : i32
      %get3A_343 = arith.index_cast %mul3A_342 : i32 to index
      %get3A_344 = tpu.vector_load %arg5[%get3A_343] {strides = array<i32>} : memref<32768xf32, #tpu.memory_space<vmem>>, vector<16xf32>,
      %add3A_345 = arith.constant 4 : i32
      %add3A_346 = arith.addi %mul3A_321, %add3A_345 : i32
      %mul3A_347 = arith.constant 16 : i32
      %mul3A_348 = arith.muli %add3A_346, %mul3A_347 : i32
      %get3A_349 = arith.index_cast %mul3A_348 : i32 to index
      %get3A_350 = tpu.vector_load %arg5[%get3A_349] {strides = array<i32>} : memref<32768xf32, #tpu.memory_space<vmem>>, vector<16xf32>,
      %add3A_351 = arith.constant 5 : i32
      %add3A_352 = arith.addi %mul3A_321, %add3A_351 : i32
      %mul3A_353 = arith.constant 16 : i32
      %mul3A_354 = arith.muli %add3A_352, %mul3A_353 : i32
      %get3A_355 = arith.index_cast %mul3A_354 : i32 to index
      %get3A_356 = tpu.vector_load %arg5[%get3A_355] {strides = array<i32>} : memref<32768xf32, #tpu.memory_space<vmem>>, vector<16xf32>,
      %add3A_357 = arith.constant 6 : i32
      %add3A_358 = arith.addi %mul3A_321, %add3A_357 : i32
      %mul3A_359 = arith.constant 16 : i32
      %mul3A_360 = arith.muli %add3A_358, %mul3A_359 : i32
      %get3A_361 = arith.index_cast %mul3A_360 : i32 to index
      %get3A_362 = tpu.vector_load %arg5[%get3A_361] {strides = array<i32>} : memref<32768xf32, #tpu.memory_space<vmem>>, vector<16xf32>,
      %add3A_363 = arith.constant 7 : i32
      %add3A_364 = arith.addi %mul3A_321, %add3A_363 : i32
      %mul3A_365 = arith.constant 16 : i32
      %mul3A_366 = arith.muli %add3A_364, %mul3A_365 : i32
      %get3A_367 = arith.index_cast %mul3A_366 : i32 to index
      %get3A_368 = tpu.vector_load %arg5[%get3A_367] {strides = array<i32>} : memref<32768xf32, #tpu.memory_space<vmem>>, vector<16xf32>,
      %add3A_369 = arith.constant 8 : i32
      %add3A_370 = arith.addi %mul3A_321, %add3A_369 : i32
      %mul3A_371 = arith.constant 16 : i32
      %mul3A_372 = arith.muli %add3A_370, %mul3A_371 : i32
      %get3A_373 = arith.index_cast %mul3A_372 : i32 to index
      %get3A_374 = tpu.vector_load %arg5[%get3A_373] {strides = array<i32>} : memref<32768xf32, #tpu.memory_space<vmem>>, vector<16xf32>,
      %add3A_375 = arith.constant 9 : i32
      %add3A_376 = arith.addi %mul3A_321, %add3A_375 : i32
      %mul3A_377 = arith.constant 16 : i32
      %mul3A_378 = arith.muli %add3A_376, %mul3A_377 : i32
      %get3A_379 = arith.index_cast %mul3A_378 : i32 to index
      %get3A_380 = tpu.vector_load %arg5[%get3A_379] {strides = array<i32>} : memref<32768xf32, #tpu.memory_space<vmem>>, vector<16xf32>,
      %add3A_381 = arith.constant 10 : i32
      %add3A_382 = arith.addi %mul3A_321, %add3A_381 : i32
      %mul3A_383 = arith.constant 16 : i32
      %mul3A_384 = arith.muli %add3A_382, %mul3A_383 : i32
      %get3A_385 = arith.index_cast %mul3A_384 : i32 to index
      %get3A_386 = tpu.vector_load %arg5[%get3A_385] {strides = array<i32>} : memref<32768xf32, #tpu.memory_space<vmem>>, vector<16xf32>,
      %add3A_387 = arith.constant 11 : i32
      %add3A_388 = arith.addi %mul3A_321, %add3A_387 : i32
      %mul3A_389 = arith.constant 16 : i32
      %mul3A_390 = arith.muli %add3A_388, %mul3A_389 : i32
      %get3A_391 = arith.index_cast %mul3A_390 : i32 to index
      %get3A_392 = tpu.vector_load %arg5[%get3A_391] {strides = array<i32>} : memref<32768xf32, #tpu.memory_space<vmem>>, vector<16xf32>,
      %add3A_393 = arith.constant 12 : i32
      %add3A_394 = arith.addi %mul3A_321, %add3A_393 : i32
      %mul3A_395 = arith.constant 16 : i32
      %mul3A_396 = arith.muli %add3A_394, %mul3A_395 : i32
      %get3A_397 = arith.index_cast %mul3A_396 : i32 to index
      %get3A_398 = tpu.vector_load %arg5[%get3A_397] {strides = array<i32>} : memref<32768xf32, #tpu.memory_space<vmem>>, vector<16xf32>,
      %add3A_399 = arith.constant 13 : i32
      %add3A_400 = arith.addi %mul3A_321, %add3A_399 : i32
      %mul3A_401 = arith.constant 16 : i32
      %mul3A_402 = arith.muli %add3A_400, %mul3A_401 : i32
      %get3A_403 = arith.index_cast %mul3A_402 : i32 to index
      %get3A_404 = tpu.vector_load %arg5[%get3A_403] {strides = array<i32>} : memref<32768xf32, #tpu.memory_space<vmem>>, vector<16xf32>,
      %add3A_405 = arith.constant 14 : i32
      %add3A_406 = arith.addi %mul3A_321, %add3A_405 : i32
      %mul3A_407 = arith.constant 16 : i32
      %mul3A_408 = arith.muli %add3A_406, %mul3A_407 : i32
      %get3A_409 = arith.index_cast %mul3A_408 : i32 to index
      %get3A_410 = tpu.vector_load %arg5[%get3A_409] {strides = array<i32>} : memref<32768xf32, #tpu.memory_space<vmem>>, vector<16xf32>,
      %add3A_411 = arith.constant 15 : i32
      %add3A_412 = arith.addi %mul3A_321, %add3A_411 : i32
      %mul3A_413 = arith.constant 16 : i32
      %mul3A_414 = arith.muli %add3A_412, %mul3A_413 : i32
      %get3A_415 = arith.index_cast %mul3A_414 : i32 to index
      %get3A_416 = tpu.vector_load %arg5[%get3A_415] {strides = array<i32>} : memref<32768xf32, #tpu.memory_space<vmem>>, vector<16xf32>,
      %ge3A = arith.cmpf oge, %get3A_326, %broadcast_in_dim3A_195 : vector<16xf32>
      %ge3A_417 = arith.cmpf oge, %get3A_332, %broadcast_in_dim3A_195 : vector<16xf32>
      %ge3A_418 = arith.cmpf oge, %get3A_338, %broadcast_in_dim3A_195 : vector<16xf32>
      %ge3A_419 = arith.cmpf oge, %get3A_344, %broadcast_in_dim3A_195 : vector<16xf32>
      %ge3A_420 = arith.cmpf oge, %get3A_350, %broadcast_in_dim3A_195 : vector<16xf32>
      %ge3A_421 = arith.cmpf oge, %get3A_356, %broadcast_in_dim3A_195 : vector<16xf32>
      %ge3A_422 = arith.cmpf oge, %get3A_362, %broadcast_in_dim3A_195 : vector<16xf32>
      %ge3A_423 = arith.cmpf oge, %get3A_368, %broadcast_in_dim3A_195 : vector<16xf32>
      %ge3A_424 = arith.cmpf oge, %get3A_374, %broadcast_in_dim3A_195 : vector<16xf32>
      %ge3A_425 = arith.cmpf oge, %get3A_380, %broadcast_in_dim3A_195 : vector<16xf32>
      %ge3A_426 = arith.cmpf oge, %get3A_386, %broadcast_in_dim3A_195 : vector<16xf32>
      %ge3A_427 = arith.cmpf oge, %get3A_392, %broadcast_in_dim3A_195 : vector<16xf32>
      %ge3A_428 = arith.cmpf oge, %get3A_398, %broadcast_in_dim3A_195 : vector<16xf32>
      %ge3A_429 = arith.cmpf oge, %get3A_404, %broadcast_in_dim3A_195 : vector<16xf32>
      %ge3A_430 = arith.cmpf oge, %get3A_410, %broadcast_in_dim3A_195 : vector<16xf32>
      %ge3A_431 = arith.cmpf oge, %get3A_416, %broadcast_in_dim3A_195 : vector<16xf32>
      %all_reduce_population_count3A = tpu.all_reduce %ge3A {dim = 0 : i64, kind = #tpu.reduction_kind<sum>} : vector<16xi1> -> vector<16xi32>
      %all_reduce_population_count3A_432 = tpu.all_reduce %ge3A_417 {dim = 0 : i64, kind = #tpu.reduction_kind<sum>} : vector<16xi1> -> vector<16xi32>
      %all_reduce_population_count3A_433 = tpu.all_reduce %ge3A_418 {dim = 0 : i64, kind = #tpu.reduction_kind<sum>} : vector<16xi1> -> vector<16xi32>
      %all_reduce_population_count3A_434 = tpu.all_reduce %ge3A_419 {dim = 0 : i64, kind = #tpu.reduction_kind<sum>} : vector<16xi1> -> vector<16xi32>
      %all_reduce_population_count3A_435 = tpu.all_reduce %ge3A_420 {dim = 0 : i64, kind = #tpu.reduction_kind<sum>} : vector<16xi1> -> vector<16xi32>
      %all_reduce_population_count3A_436 = tpu.all_reduce %ge3A_421 {dim = 0 : i64, kind = #tpu.reduction_kind<sum>} : vector<16xi1> -> vector<16xi32>
      %all_reduce_population_count3A_437 = tpu.all_reduce %ge3A_422 {dim = 0 : i64, kind = #tpu.reduction_kind<sum>} : vector<16xi1> -> vector<16xi32>
      %all_reduce_population_count3A_438 = tpu.all_reduce %ge3A_423 {dim = 0 : i64, kind = #tpu.reduction_kind<sum>} : vector<16xi1> -> vector<16xi32>
      %all_reduce_population_count3A_439 = tpu.all_reduce %ge3A_424 {dim = 0 : i64, kind = #tpu.reduction_kind<sum>} : vector<16xi1> -> vector<16xi32>
      %all_reduce_population_count3A_440 = tpu.all_reduce %ge3A_425 {dim = 0 : i64, kind = #tpu.reduction_kind<sum>} : vector<16xi1> -> vector<16xi32>
      %all_reduce_population_count3A_441 = tpu.all_reduce %ge3A_426 {dim = 0 : i64, kind = #tpu.reduction_kind<sum>} : vector<16xi1> -> vector<16xi32>
      %all_reduce_population_count3A_442 = tpu.all_reduce %ge3A_427 {dim = 0 : i64, kind = #tpu.reduction_kind<sum>} : vector<16xi1> -> vector<16xi32>
      %all_reduce_population_count3A_443 = tpu.all_reduce %ge3A_428 {dim = 0 : i64, kind = #tpu.reduction_kind<sum>} : vector<16xi1> -> vector<16xi32>
      %all_reduce_population_count3A_444 = tpu.all_reduce %ge3A_429 {dim = 0 : i64, kind = #tpu.reduction_kind<sum>} : vector<16xi1> -> vector<16xi32>
      %all_reduce_population_count3A_445 = tpu.all_reduce %ge3A_430 {dim = 0 : i64, kind = #tpu.reduction_kind<sum>} : vector<16xi1> -> vector<16xi32>
      %all_reduce_population_count3A_446 = tpu.all_reduce %ge3A_431 {dim = 0 : i64, kind = #tpu.reduction_kind<sum>} : vector<16xi1> -> vector<16xi32>
      %convert_element_type3A = arith.extui %ge3A : vector<16xi1> to vector<16xi32>
      %broadcast_in_dim3A_447 = arith.constant true
      %broadcast_in_dim3A_448 = vector.broadcast %broadcast_in_dim3A_447 : i1 to vector<16xi1>
      %masked_cumsum3A = tpu.scan <sum>, %convert_element_type3A masked %broadcast_in_dim3A_448 : vector<16xi32>, vector<16xi1> -> vector<16xi32>
      %add3A_449 = arith.addi %scan3A_319, %masked_cumsum3A : vector<16xi32>
      %sub3A_450 = arith.constant 1 : i32
      %sub3A_451 = vector.broadcast %sub3A_450 : i32 to vector<16xi32>
      %sub3A_452 = arith.subi %add3A_449, %sub3A_451 : vector<16xi32>
      %min3A_453 = arith.constant 8191 : i32
      %min3A_454 = vector.broadcast %min3A_453 : i32 to vector<16xi32>
      %min3A_455 = arith.minsi %sub3A_452, %min3A_454 : vector<16xi32>
      tpu.vector_store_idx %arg7[%min3A_455], %get3A_326 masked %ge3A : memref<8192xf32, #tpu.memory_space<vmem>>[vector<16xi32>], vector<16xf32>, vector<16xi1>
      %add3A_456 = arith.addi %scan3A_319, %all_reduce_population_count3A : vector<16xi32>
      %convert_element_type3A_457 = arith.extui %ge3A_417 : vector<16xi1> to vector<16xi32>
      %broadcast_in_dim3A_458 = arith.constant true
      %broadcast_in_dim3A_459 = vector.broadcast %broadcast_in_dim3A_458 : i1 to vector<16xi1>
      %masked_cumsum3A_460 = tpu.scan <sum>, %convert_element_type3A_457 masked %broadcast_in_dim3A_459 : vector<16xi32>, vector<16xi1> -> vector<16xi32>
      %add3A_461 = arith.addi %add3A_456, %masked_cumsum3A_460 : vector<16xi32>
      %sub3A_462 = arith.constant 1 : i32
      %sub3A_463 = vector.broadcast %sub3A_462 : i32 to vector<16xi32>
      %sub3A_464 = arith.subi %add3A_461, %sub3A_463 : vector<16xi32>
      %min3A_465 = arith.constant 8191 : i32
      %min3A_466 = vector.broadcast %min3A_465 : i32 to vector<16xi32>
      %min3A_467 = arith.minsi %sub3A_464, %min3A_466 : vector<16xi32>
      tpu.vector_store_idx %arg7[%min3A_467], %get3A_332 masked %ge3A_417 : memref<8192xf32, #tpu.memory_space<vmem>>[vector<16xi32>], vector<16xf32>, vector<16xi1>
      %add3A_468 = arith.addi %add3A_456, %all_reduce_population_count3A_432 : vector<16xi32>
      %convert_element_type3A_469 = arith.extui %ge3A_418 : vector<16xi1> to vector<16xi32>
      %broadcast_in_dim3A_470 = arith.constant true
      %broadcast_in_dim3A_471 = vector.broadcast %broadcast_in_dim3A_470 : i1 to vector<16xi1>
      %masked_cumsum3A_472 = tpu.scan <sum>, %convert_element_type3A_469 masked %broadcast_in_dim3A_471 : vector<16xi32>, vector<16xi1> -> vector<16xi32>
      %add3A_473 = arith.addi %add3A_468, %masked_cumsum3A_472 : vector<16xi32>
      %sub3A_474 = arith.constant 1 : i32
      %sub3A_475 = vector.broadcast %sub3A_474 : i32 to vector<16xi32>
      %sub3A_476 = arith.subi %add3A_473, %sub3A_475 : vector<16xi32>
      %min3A_477 = arith.constant 8191 : i32
      %min3A_478 = vector.broadcast %min3A_477 : i32 to vector<16xi32>
      %min3A_479 = arith.minsi %sub3A_476, %min3A_478 : vector<16xi32>
      tpu.vector_store_idx %arg7[%min3A_479], %get3A_338 masked %ge3A_418 : memref<8192xf32, #tpu.memory_space<vmem>>[vector<16xi32>], vector<16xf32>, vector<16xi1>
      %add3A_480 = arith.addi %add3A_468, %all_reduce_population_count3A_433 : vector<16xi32>
      %convert_element_type3A_481 = arith.extui %ge3A_419 : vector<16xi1> to vector<16xi32>
      %broadcast_in_dim3A_482 = arith.constant true
      %broadcast_in_dim3A_483 = vector.broadcast %broadcast_in_dim3A_482 : i1 to vector<16xi1>
      %masked_cumsum3A_484 = tpu.scan <sum>, %convert_element_type3A_481 masked %broadcast_in_dim3A_483 : vector<16xi32>, vector<16xi1> -> vector<16xi32>
      %add3A_485 = arith.addi %add3A_480, %masked_cumsum3A_484 : vector<16xi32>
      %sub3A_486 = arith.constant 1 : i32
      %sub3A_487 = vector.broadcast %sub3A_486 : i32 to vector<16xi32>
      %sub3A_488 = arith.subi %add3A_485, %sub3A_487 : vector<16xi32>
      %min3A_489 = arith.constant 8191 : i32
      %min3A_490 = vector.broadcast %min3A_489 : i32 to vector<16xi32>
      %min3A_491 = arith.minsi %sub3A_488, %min3A_490 : vector<16xi32>
      tpu.vector_store_idx %arg7[%min3A_491], %get3A_344 masked %ge3A_419 : memref<8192xf32, #tpu.memory_space<vmem>>[vector<16xi32>], vector<16xf32>, vector<16xi1>
      %add3A_492 = arith.addi %add3A_480, %all_reduce_population_count3A_434 : vector<16xi32>
      %convert_element_type3A_493 = arith.extui %ge3A_420 : vector<16xi1> to vector<16xi32>
      %broadcast_in_dim3A_494 = arith.constant true
      %broadcast_in_dim3A_495 = vector.broadcast %broadcast_in_dim3A_494 : i1 to vector<16xi1>
      %masked_cumsum3A_496 = tpu.scan <sum>, %convert_element_type3A_493 masked %broadcast_in_dim3A_495 : vector<16xi32>, vector<16xi1> -> vector<16xi32>
      %add3A_497 = arith.addi %add3A_492, %masked_cumsum3A_496 : vector<16xi32>
      %sub3A_498 = arith.constant 1 : i32
      %sub3A_499 = vector.broadcast %sub3A_498 : i32 to vector<16xi32>
      %sub3A_500 = arith.subi %add3A_497, %sub3A_499 : vector<16xi32>
      %min3A_501 = arith.constant 8191 : i32
      %min3A_502 = vector.broadcast %min3A_501 : i32 to vector<16xi32>
      %min3A_503 = arith.minsi %sub3A_500, %min3A_502 : vector<16xi32>
      tpu.vector_store_idx %arg7[%min3A_503], %get3A_350 masked %ge3A_420 : memref<8192xf32, #tpu.memory_space<vmem>>[vector<16xi32>], vector<16xf32>, vector<16xi1>
      %add3A_504 = arith.addi %add3A_492, %all_reduce_population_count3A_435 : vector<16xi32>
      %convert_element_type3A_505 = arith.extui %ge3A_421 : vector<16xi1> to vector<16xi32>
      %broadcast_in_dim3A_506 = arith.constant true
      %broadcast_in_dim3A_507 = vector.broadcast %broadcast_in_dim3A_506 : i1 to vector<16xi1>
      %masked_cumsum3A_508 = tpu.scan <sum>, %convert_element_type3A_505 masked %broadcast_in_dim3A_507 : vector<16xi32>, vector<16xi1> -> vector<16xi32>
      %add3A_509 = arith.addi %add3A_504, %masked_cumsum3A_508 : vector<16xi32>
      %sub3A_510 = arith.constant 1 : i32
      %sub3A_511 = vector.broadcast %sub3A_510 : i32 to vector<16xi32>
      %sub3A_512 = arith.subi %add3A_509, %sub3A_511 : vector<16xi32>
      %min3A_513 = arith.constant 8191 : i32
      %min3A_514 = vector.broadcast %min3A_513 : i32 to vector<16xi32>
      %min3A_515 = arith.minsi %sub3A_512, %min3A_514 : vector<16xi32>
      tpu.vector_store_idx %arg7[%min3A_515], %get3A_356 masked %ge3A_421 : memref<8192xf32, #tpu.memory_space<vmem>>[vector<16xi32>], vector<16xf32>, vector<16xi1>
      %add3A_516 = arith.addi %add3A_504, %all_reduce_population_count3A_436 : vector<16xi32>
      %convert_element_type3A_517 = arith.extui %ge3A_422 : vector<16xi1> to vector<16xi32>
      %broadcast_in_dim3A_518 = arith.constant true
      %broadcast_in_dim3A_519 = vector.broadcast %broadcast_in_dim3A_518 : i1 to vector<16xi1>
      %masked_cumsum3A_520 = tpu.scan <sum>, %convert_element_type3A_517 masked %broadcast_in_dim3A_519 : vector<16xi32>, vector<16xi1> -> vector<16xi32>
      %add3A_521 = arith.addi %add3A_516, %masked_cumsum3A_520 : vector<16xi32>
      %sub3A_522 = arith.constant 1 : i32
      %sub3A_523 = vector.broadcast %sub3A_522 : i32 to vector<16xi32>
      %sub3A_524 = arith.subi %add3A_521, %sub3A_523 : vector<16xi32>
      %min3A_525 = arith.constant 8191 : i32
      %min3A_526 = vector.broadcast %min3A_525 : i32 to vector<16xi32>
      %min3A_527 = arith.minsi %sub3A_524, %min3A_526 : vector<16xi32>
      tpu.vector_store_idx %arg7[%min3A_527], %get3A_362 masked %ge3A_422 : memref<8192xf32, #tpu.memory_space<vmem>>[vector<16xi32>], vector<16xf32>, vector<16xi1>
      %add3A_528 = arith.addi %add3A_516, %all_reduce_population_count3A_437 : vector<16xi32>
      %convert_element_type3A_529 = arith.extui %ge3A_423 : vector<16xi1> to vector<16xi32>
      %broadcast_in_dim3A_530 = arith.constant true
      %broadcast_in_dim3A_531 = vector.broadcast %broadcast_in_dim3A_530 : i1 to vector<16xi1>
      %masked_cumsum3A_532 = tpu.scan <sum>, %convert_element_type3A_529 masked %broadcast_in_dim3A_531 : vector<16xi32>, vector<16xi1> -> vector<16xi32>
      %add3A_533 = arith.addi %add3A_528, %masked_cumsum3A_532 : vector<16xi32>
      %sub3A_534 = arith.constant 1 : i32
      %sub3A_535 = vector.broadcast %sub3A_534 : i32 to vector<16xi32>
      %sub3A_536 = arith.subi %add3A_533, %sub3A_535 : vector<16xi32>
      %min3A_537 = arith.constant 8191 : i32
      %min3A_538 = vector.broadcast %min3A_537 : i32 to vector<16xi32>
      %min3A_539 = arith.minsi %sub3A_536, %min3A_538 : vector<16xi32>
      tpu.vector_store_idx %arg7[%min3A_539], %get3A_368 masked %ge3A_423 : memref<8192xf32, #tpu.memory_space<vmem>>[vector<16xi32>], vector<16xf32>, vector<16xi1>
      %add3A_540 = arith.addi %add3A_528, %all_reduce_population_count3A_438 : vector<16xi32>
      %convert_element_type3A_541 = arith.extui %ge3A_424 : vector<16xi1> to vector<16xi32>
      %broadcast_in_dim3A_542 = arith.constant true
      %broadcast_in_dim3A_543 = vector.broadcast %broadcast_in_dim3A_542 : i1 to vector<16xi1>
      %masked_cumsum3A_544 = tpu.scan <sum>, %convert_element_type3A_541 masked %broadcast_in_dim3A_543 : vector<16xi32>, vector<16xi1> -> vector<16xi32>
      %add3A_545 = arith.addi %add3A_540, %masked_cumsum3A_544 : vector<16xi32>
      %sub3A_546 = arith.constant 1 : i32
      %sub3A_547 = vector.broadcast %sub3A_546 : i32 to vector<16xi32>
      %sub3A_548 = arith.subi %add3A_545, %sub3A_547 : vector<16xi32>
      %min3A_549 = arith.constant 8191 : i32
      %min3A_550 = vector.broadcast %min3A_549 : i32 to vector<16xi32>
      %min3A_551 = arith.minsi %sub3A_548, %min3A_550 : vector<16xi32>
      tpu.vector_store_idx %arg7[%min3A_551], %get3A_374 masked %ge3A_424 : memref<8192xf32, #tpu.memory_space<vmem>>[vector<16xi32>], vector<16xf32>, vector<16xi1>
      %add3A_552 = arith.addi %add3A_540, %all_reduce_population_count3A_439 : vector<16xi32>
      %convert_element_type3A_553 = arith.extui %ge3A_425 : vector<16xi1> to vector<16xi32>
      %broadcast_in_dim3A_554 = arith.constant true
      %broadcast_in_dim3A_555 = vector.broadcast %broadcast_in_dim3A_554 : i1 to vector<16xi1>
      %masked_cumsum3A_556 = tpu.scan <sum>, %convert_element_type3A_553 masked %broadcast_in_dim3A_555 : vector<16xi32>, vector<16xi1> -> vector<16xi32>
      %add3A_557 = arith.addi %add3A_552, %masked_cumsum3A_556 : vector<16xi32>
      %sub3A_558 = arith.constant 1 : i32
      %sub3A_559 = vector.broadcast %sub3A_558 : i32 to vector<16xi32>
      %sub3A_560 = arith.subi %add3A_557, %sub3A_559 : vector<16xi32>
      %min3A_561 = arith.constant 8191 : i32
      %min3A_562 = vector.broadcast %min3A_561 : i32 to vector<16xi32>
      %min3A_563 = arith.minsi %sub3A_560, %min3A_562 : vector<16xi32>
      tpu.vector_store_idx %arg7[%min3A_563], %get3A_380 masked %ge3A_425 : memref<8192xf32, #tpu.memory_space<vmem>>[vector<16xi32>], vector<16xf32>, vector<16xi1>
      %add3A_564 = arith.addi %add3A_552, %all_reduce_population_count3A_440 : vector<16xi32>
      %convert_element_type3A_565 = arith.extui %ge3A_426 : vector<16xi1> to vector<16xi32>
      %broadcast_in_dim3A_566 = arith.constant true
      %broadcast_in_dim3A_567 = vector.broadcast %broadcast_in_dim3A_566 : i1 to vector<16xi1>
      %masked_cumsum3A_568 = tpu.scan <sum>, %convert_element_type3A_565 masked %broadcast_in_dim3A_567 : vector<16xi32>, vector<16xi1> -> vector<16xi32>
      %add3A_569 = arith.addi %add3A_564, %masked_cumsum3A_568 : vector<16xi32>
      %sub3A_570 = arith.constant 1 : i32
      %sub3A_571 = vector.broadcast %sub3A_570 : i32 to vector<16xi32>
      %sub3A_572 = arith.subi %add3A_569, %sub3A_571 : vector<16xi32>
      %min3A_573 = arith.constant 8191 : i32
      %min3A_574 = vector.broadcast %min3A_573 : i32 to vector<16xi32>
      %min3A_575 = arith.minsi %sub3A_572, %min3A_574 : vector<16xi32>
      tpu.vector_store_idx %arg7[%min3A_575], %get3A_386 masked %ge3A_426 : memref<8192xf32, #tpu.memory_space<vmem>>[vector<16xi32>], vector<16xf32>, vector<16xi1>
      %add3A_576 = arith.addi %add3A_564, %all_reduce_population_count3A_441 : vector<16xi32>
      %convert_element_type3A_577 = arith.extui %ge3A_427 : vector<16xi1> to vector<16xi32>
      %broadcast_in_dim3A_578 = arith.constant true
      %broadcast_in_dim3A_579 = vector.broadcast %broadcast_in_dim3A_578 : i1 to vector<16xi1>
      %masked_cumsum3A_580 = tpu.scan <sum>, %convert_element_type3A_577 masked %broadcast_in_dim3A_579 : vector<16xi32>, vector<16xi1> -> vector<16xi32>
      %add3A_581 = arith.addi %add3A_576, %masked_cumsum3A_580 : vector<16xi32>
      %sub3A_582 = arith.constant 1 : i32
      %sub3A_583 = vector.broadcast %sub3A_582 : i32 to vector<16xi32>
      %sub3A_584 = arith.subi %add3A_581, %sub3A_583 : vector<16xi32>
      %min3A_585 = arith.constant 8191 : i32
      %min3A_586 = vector.broadcast %min3A_585 : i32 to vector<16xi32>
      %min3A_587 = arith.minsi %sub3A_584, %min3A_586 : vector<16xi32>
      tpu.vector_store_idx %arg7[%min3A_587], %get3A_392 masked %ge3A_427 : memref<8192xf32, #tpu.memory_space<vmem>>[vector<16xi32>], vector<16xf32>, vector<16xi1>
      %add3A_588 = arith.addi %add3A_576, %all_reduce_population_count3A_442 : vector<16xi32>
      %convert_element_type3A_589 = arith.extui %ge3A_428 : vector<16xi1> to vector<16xi32>
      %broadcast_in_dim3A_590 = arith.constant true
      %broadcast_in_dim3A_591 = vector.broadcast %broadcast_in_dim3A_590 : i1 to vector<16xi1>
      %masked_cumsum3A_592 = tpu.scan <sum>, %convert_element_type3A_589 masked %broadcast_in_dim3A_591 : vector<16xi32>, vector<16xi1> -> vector<16xi32>
      %add3A_593 = arith.addi %add3A_588, %masked_cumsum3A_592 : vector<16xi32>
      %sub3A_594 = arith.constant 1 : i32
      %sub3A_595 = vector.broadcast %sub3A_594 : i32 to vector<16xi32>
      %sub3A_596 = arith.subi %add3A_593, %sub3A_595 : vector<16xi32>
      %min3A_597 = arith.constant 8191 : i32
      %min3A_598 = vector.broadcast %min3A_597 : i32 to vector<16xi32>
      %min3A_599 = arith.minsi %sub3A_596, %min3A_598 : vector<16xi32>
      tpu.vector_store_idx %arg7[%min3A_599], %get3A_398 masked %ge3A_428 : memref<8192xf32, #tpu.memory_space<vmem>>[vector<16xi32>], vector<16xf32>, vector<16xi1>
      %add3A_600 = arith.addi %add3A_588, %all_reduce_population_count3A_443 : vector<16xi32>
      %convert_element_type3A_601 = arith.extui %ge3A_429 : vector<16xi1> to vector<16xi32>
      %broadcast_in_dim3A_602 = arith.constant true
      %broadcast_in_dim3A_603 = vector.broadcast %broadcast_in_dim3A_602 : i1 to vector<16xi1>
      %masked_cumsum3A_604 = tpu.scan <sum>, %convert_element_type3A_601 masked %broadcast_in_dim3A_603 : vector<16xi32>, vector<16xi1> -> vector<16xi32>
      %add3A_605 = arith.addi %add3A_600, %masked_cumsum3A_604 : vector<16xi32>
      %sub3A_606 = arith.constant 1 : i32
      %sub3A_607 = vector.broadcast %sub3A_606 : i32 to vector<16xi32>
      %sub3A_608 = arith.subi %add3A_605, %sub3A_607 : vector<16xi32>
      %min3A_609 = arith.constant 8191 : i32
      %min3A_610 = vector.broadcast %min3A_609 : i32 to vector<16xi32>
      %min3A_611 = arith.minsi %sub3A_608, %min3A_610 : vector<16xi32>
      tpu.vector_store_idx %arg7[%min3A_611], %get3A_404 masked %ge3A_429 : memref<8192xf32, #tpu.memory_space<vmem>>[vector<16xi32>], vector<16xf32>, vector<16xi1>
      %add3A_612 = arith.addi %add3A_600, %all_reduce_population_count3A_444 : vector<16xi32>
      %convert_element_type3A_613 = arith.extui %ge3A_430 : vector<16xi1> to vector<16xi32>
      %broadcast_in_dim3A_614 = arith.constant true
      %broadcast_in_dim3A_615 = vector.broadcast %broadcast_in_dim3A_614 : i1 to vector<16xi1>
      %masked_cumsum3A_616 = tpu.scan <sum>, %convert_element_type3A_613 masked %broadcast_in_dim3A_615 : vector<16xi32>, vector<16xi1> -> vector<16xi32>
      %add3A_617 = arith.addi %add3A_612, %masked_cumsum3A_616 : vector<16xi32>
      %sub3A_618 = arith.constant 1 : i32
      %sub3A_619 = vector.broadcast %sub3A_618 : i32 to vector<16xi32>
      %sub3A_620 = arith.subi %add3A_617, %sub3A_619 : vector<16xi32>
      %min3A_621 = arith.constant 8191 : i32
      %min3A_622 = vector.broadcast %min3A_621 : i32 to vector<16xi32>
      %min3A_623 = arith.minsi %sub3A_620, %min3A_622 : vector<16xi32>
      tpu.vector_store_idx %arg7[%min3A_623], %get3A_410 masked %ge3A_430 : memref<8192xf32, #tpu.memory_space<vmem>>[vector<16xi32>], vector<16xf32>, vector<16xi1>
      %add3A_624 = arith.addi %add3A_612, %all_reduce_population_count3A_445 : vector<16xi32>
      %convert_element_type3A_625 = arith.extui %ge3A_431 : vector<16xi1> to vector<16xi32>
      %broadcast_in_dim3A_626 = arith.constant true
      %broadcast_in_dim3A_627 = vector.broadcast %broadcast_in_dim3A_626 : i1 to vector<16xi1>
      %masked_cumsum3A_628 = tpu.scan <sum>, %convert_element_type3A_625 masked %broadcast_in_dim3A_627 : vector<16xi32>, vector<16xi1> -> vector<16xi32>
      %add3A_629 = arith.addi %add3A_624, %masked_cumsum3A_628 : vector<16xi32>
      %sub3A_630 = arith.constant 1 : i32
      %sub3A_631 = vector.broadcast %sub3A_630 : i32 to vector<16xi32>
      %sub3A_632 = arith.subi %add3A_629, %sub3A_631 : vector<16xi32>
      %min3A_633 = arith.constant 8191 : i32
      %min3A_634 = vector.broadcast %min3A_633 : i32 to vector<16xi32>
      %min3A_635 = arith.minsi %sub3A_632, %min3A_634 : vector<16xi32>
      tpu.vector_store_idx %arg7[%min3A_635], %get3A_416 masked %ge3A_431 : memref<8192xf32, #tpu.memory_space<vmem>>[vector<16xi32>], vector<16xf32>, vector<16xi1>
      %add3A_636 = arith.addi %add3A_624, %all_reduce_population_count3A_446 : vector<16xi32>
      scf.yield %add3A_636 : vector<16xi32>
    }
    %scan3A_203 = arith.constant 128 : i32
    %slice3A_204 = vector.extract_strided_slice %scan3A_202 {offsets = [0], sizes = [1], strides = [1]} : vector<16xi32> to vector<1xi32>
    %squeeze3A_205 = vector.extract %slice3A_204[0] : i32 from vector<1xi32>
    %broadcast_in_dim3A_206 = arith.constant -1.000000e+30 : f32
    %broadcast_in_dim3A_207 = vector.broadcast %broadcast_in_dim3A_206 : f32 to vector<16xf32>
    %min3A_208 = arith.constant 8176 : i32
    %min3A_209 = arith.minsi %squeeze3A_205, %min3A_208 : i32
    %swap3A_210 = arith.index_cast %min3A_209 : i32 to index
    %swap3A_211 = tpu.vector_load %arg7[%swap3A_210] {strides = array<i32>} : memref<8192xf32, #tpu.memory_space<vmem>>, vector<16xf32>,
    tpu.vector_store %arg7[%swap3A_210], %broadcast_in_dim3A_207 {strides = array<i32>} : memref<8192xf32, #tpu.memory_space<vmem>>, vector<16xf32>,
    %add3A_212 = arith.constant 16 : i32
    %add3A_213 = arith.addi %squeeze3A_205, %add3A_212 : i32
    %sub3A_214 = arith.constant 1 : i32
    %sub3A_215 = arith.subi %add3A_213, %sub3A_214 : i32
    %shift_right_arithmetic3A_216 = arith.constant 4 : i32
    %shift_right_arithmetic3A_217 = arith.shrsi %sub3A_215, %shift_right_arithmetic3A_216 : i32
    %broadcast_in_dim3A_218 = vector.broadcast %reduce_max3A_192 : f32 to vector<16xf32>
    %while3A_219 = arith.constant 0 : i32
    %while3A_220 = arith.constant 0 : i32
    %while3A_221 = arith.subi %shift_right_arithmetic3A_217, %while3A_220 : i32
    %while3A_222 = arith.addi %while3A_220, %while3A_221 : i32
    %while3A_223 = arith.constant 1 : i32
    %while3A_224 = arith.divsi %while3A_221, %while3A_223 : i32
    %while3A_225 = arith.muli %while3A_224, %while3A_223 : i32
    %while3A_226 = arith.addi %while3A_220, %while3A_225 : i32
    %while3A_227 = arith.constant 1 : i32
    scf.for %while3A_318 = %while3A_220 to %while3A_226 step %while3A_227  : i32 {
      %mul3A_319 = arith.constant 16 : i32
      %mul3A_320 = arith.muli %while3A_318, %mul3A_319 : i32
      %get3A = arith.index_cast %mul3A_320 : i32 to index
      %get3A_321 = tpu.vector_load %arg7[%get3A] {strides = array<i32>} : memref<8192xf32, #tpu.memory_space<vmem>>, vector<16xf32>,
      %sub3A_322 = arith.subf %get3A_321, %broadcast_in_dim3A_218 : vector<16xf32>
      %mul3A_323 = arith.constant 5.000000e-01 : f32
      %mul3A_324 = vector.broadcast %mul3A_323 : f32 to vector<16xf32>
      %mul3A_325 = arith.mulf %sub3A_322, %mul3A_324 : vector<16xf32>
      %mul3A_326 = arith.constant 16 : i32
      %mul3A_327 = arith.muli %while3A_318, %mul3A_326 : i32
      %swap3A_328 = arith.index_cast %mul3A_327 : i32 to index
      %swap3A_329 = tpu.vector_load %arg7[%swap3A_328] {strides = array<i32>} : memref<8192xf32, #tpu.memory_space<vmem>>, vector<16xf32>,
      tpu.vector_store %arg7[%swap3A_328], %mul3A_325 {strides = array<i32>} : memref<8192xf32, #tpu.memory_space<vmem>>, vector<16xf32>,
    }
    %while3A_228 = arith.constant 1 : i32
    scf.for %while3A_318 = %while3A_226 to %while3A_222 step %while3A_228  : i32 {
      %mul3A_319 = arith.constant 16 : i32
      %mul3A_320 = arith.muli %while3A_318, %mul3A_319 : i32
      %get3A = arith.index_cast %mul3A_320 : i32 to index
      %get3A_321 = tpu.vector_load %arg7[%get3A] {strides = array<i32>} : memref<8192xf32, #tpu.memory_space<vmem>>, vector<16xf32>,
      %sub3A_322 = arith.subf %get3A_321, %broadcast_in_dim3A_218 : vector<16xf32>
      %mul3A_323 = arith.constant 5.000000e-01 : f32
      %mul3A_324 = vector.broadcast %mul3A_323 : f32 to vector<16xf32>
      %mul3A_325 = arith.mulf %sub3A_322, %mul3A_324 : vector<16xf32>
      %mul3A_326 = arith.constant 16 : i32
      %mul3A_327 = arith.muli %while3A_318, %mul3A_326 : i32
      %swap3A_328 = arith.index_cast %mul3A_327 : i32 to index
      %swap3A_329 = tpu.vector_load %arg7[%swap3A_328] {strides = array<i32>} : memref<8192xf32, #tpu.memory_space<vmem>>, vector<16xf32>,
      tpu.vector_store %arg7[%swap3A_328], %mul3A_325 {strides = array<i32>} : memref<8192xf32, #tpu.memory_space<vmem>>, vector<16xf32>,
    }
    %broadcast_in_dim3A_229 = arith.constant -1.000000e+00 : f32
    %broadcast_in_dim3A_230 = vector.broadcast %broadcast_in_dim3A_229 : f32 to vector<16xf32>
    %scan3A_231 = arith.constant 0 : i32
    %scan3A_232 = arith.constant 12 : i32
    %scan3A_233 = arith.addi %scan3A_231, %scan3A_232 : i32
    %scan3A_234 = arith.constant 1 : i32
    %scan3A_235 = scf.for %scan3A_318 = %scan3A_231 to %scan3A_233 step %scan3A_234 iter_args(%scan3A_319 = %broadcast_in_dim3A_230) -> (vector<16xf32>)  : i32 {
      %broadcast_in_dim3A_320 = arith.constant 0.000000e+00 : f32
      %broadcast_in_dim3A_321 = vector.broadcast %broadcast_in_dim3A_320 : f32 to vector<16xf32>
      %while3A_322 = arith.constant 0 : i32
      %while3A_323 = arith.subi %shift_right_arithmetic3A_217, %while3A_322 : i32
      %while3A_324 = arith.addi %while3A_322, %while3A_323 : i32
      %while3A_325 = arith.constant 1 : i32
      %while3A_326 = arith.divsi %while3A_323, %while3A_325 : i32
      %while3A_327 = arith.muli %while3A_326, %while3A_325 : i32
      %while3A_328 = arith.addi %while3A_322, %while3A_327 : i32
      %while3A_329 = arith.constant 1 : i32
      %while3A_330:2 = scf.for %while3A_352 = %while3A_322 to %while3A_328 step %while3A_329 iter_args(%while3A_353 = %broadcast_in_dim3A_321, %while3A_354 = %broadcast_in_dim3A_321) -> (vector<16xf32>, vector<16xf32>)  : i32 {
        %mul3A_355 = arith.constant 16 : i32
        %mul3A_356 = arith.muli %while3A_352, %mul3A_355 : i32
        %get3A = arith.index_cast %mul3A_356 : i32 to index
        %get3A_357 = tpu.vector_load %arg7[%get3A] {strides = array<i32>} : memref<8192xf32, #tpu.memory_space<vmem>>, vector<16xf32>,
        %sub3A_358 = arith.subf %get3A_357, %scan3A_319 : vector<16xf32>
        %max3A_359 = arith.constant 0.000000e+00 : f32
        %max3A_360 = vector.broadcast %max3A_359 : f32 to vector<16xf32>
        %max3A_361 = arith.maximumf %sub3A_358, %max3A_360 : vector<16xf32>
        %mul3A_362 = arith.mulf %max3A_361, %max3A_361 : vector<16xf32>
        %add3A_363 = arith.addf %while3A_353, %mul3A_362 : vector<16xf32>
        %add3A_364 = arith.addf %while3A_354, %max3A_361 : vector<16xf32>
        scf.yield %add3A_363, %add3A_364 : vector<16xf32>, vector<16xf32>
      }
      %while3A_331 = arith.constant 1 : i32
      %while3A_332:2 = scf.for %while3A_352 = %while3A_328 to %while3A_324 step %while3A_331 iter_args(%while3A_353 = %while3A_330#0, %while3A_354 = %while3A_330#1) -> (vector<16xf32>, vector<16xf32>)  : i32 {
        %mul3A_355 = arith.constant 16 : i32
        %mul3A_356 = arith.muli %while3A_352, %mul3A_355 : i32
        %get3A = arith.index_cast %mul3A_356 : i32 to index
        %get3A_357 = tpu.vector_load %arg7[%get3A] {strides = array<i32>} : memref<8192xf32, #tpu.memory_space<vmem>>, vector<16xf32>,
        %sub3A_358 = arith.subf %get3A_357, %scan3A_319 : vector<16xf32>
        %max3A_359 = arith.constant 0.000000e+00 : f32
        %max3A_360 = vector.broadcast %max3A_359 : f32 to vector<16xf32>
        %max3A_361 = arith.maximumf %sub3A_358, %max3A_360 : vector<16xf32>
        %mul3A_362 = arith.mulf %max3A_361, %max3A_361 : vector<16xf32>
        %add3A_363 = arith.addf %while3A_353, %mul3A_362 : vector<16xf32>
        %add3A_364 = arith.addf %while3A_354, %max3A_361 : vector<16xf32>
        scf.yield %add3A_363, %add3A_364 : vector<16xf32>, vector<16xf32>
      }
      %reduce_sum3A = arith.constant true
      %reduce_sum3A_333 = vector.broadcast %reduce_sum3A : i1 to vector<16xi1>
      %reduce_sum3A_334 = tpu.scan <sum>, %while3A_332#0 masked %reduce_sum3A_333 : vector<16xf32>, vector<16xi1> -> vector<16xf32>
      %reduce_sum3A_335 = vector.extract %reduce_sum3A_334[15] : f32 from vector<16xf32>
      %broadcast_in_dim3A_336 = vector.broadcast %reduce_sum3A_335 : f32 to vector<16xf32>
      %reduce_sum3A_337 = arith.constant true
      %reduce_sum3A_338 = vector.broadcast %reduce_sum3A_337 : i1 to vector<16xi1>
      %reduce_sum3A_339 = tpu.scan <sum>, %while3A_332#1 masked %reduce_sum3A_338 : vector<16xf32>, vector<16xi1> -> vector<16xf32>
      %reduce_sum3A_340 = vector.extract %reduce_sum3A_339[15] : f32 from vector<16xf32>
      %broadcast_in_dim3A_341 = vector.broadcast %reduce_sum3A_340 : f32 to vector<16xf32>
      %sub3A_342 = arith.constant 1.000000e+00 : f32
      %sub3A_343 = vector.broadcast %sub3A_342 : f32 to vector<16xf32>
      %sub3A_344 = arith.subf %broadcast_in_dim3A_336, %sub3A_343 : vector<16xf32>
      %mul3A_345 = arith.constant 2.000000e+00 : f32
      %mul3A_346 = vector.broadcast %mul3A_345 : f32 to vector<16xf32>
      %mul3A_347 = arith.mulf %mul3A_346, %broadcast_in_dim3A_341 : vector<16xf32>
      %max3A_348 = arith.constant 1.000000e-30 : f32
      %max3A_349 = vector.broadcast %max3A_348 : f32 to vector<16xf32>
      %max3A_350 = arith.maximumf %mul3A_347, %max3A_349 : vector<16xf32>
      %div3A = arith.divf %sub3A_344, %max3A_350 : vector<16xf32>
      %add3A_351 = arith.addf %scan3A_319, %div3A : vector<16xf32>
      scf.yield %add3A_351 : vector<16xf32>
    }
    %scan3A_236 = arith.constant 12 : i32
    %swap3A_237 = arith.constant 2 : i32
    %swap3A_238 = arith.index_cast %swap3A_237 : i32 to index
    %swap3A_239 = arith.constant 0 : index
    %swap3A_240 = tpu.vector_load %arg8[%swap3A_238, %swap3A_239] {strides = array<i32>} : memref<4x16xf32, #tpu.memory_space<vmem>>, vector<16xf32>,
    tpu.vector_store %arg8[%swap3A_238, %swap3A_239], %broadcast_in_dim3A_218 {strides = array<i32>} : memref<4x16xf32, #tpu.memory_space<vmem>>, vector<16xf32>,
    %swap3A_241 = arith.constant 2 : i32
    %swap3A_242 = arith.index_cast %swap3A_241 : i32 to index
    %swap3A_243 = arith.constant 0 : index
    %swap3A_244 = tpu.vector_load %arg9[%swap3A_242, %swap3A_243] {strides = array<i32>} : memref<4x16xf32, #tpu.memory_space<vmem>>, vector<16xf32>,
    tpu.vector_store %arg9[%swap3A_242, %swap3A_243], %scan3A_235 {strides = array<i32>} : memref<4x16xf32, #tpu.memory_space<vmem>>, vector<16xf32>,
    %add3A_245 = arith.constant 3 : i32
    %add3A_246 = arith.addi %mul3A_2, %add3A_245 : i32
    %dma_wait3A_247 = arith.constant 0 : i32
    %dma_wait3A_248 = tpu.memref_slice %arg2[%add3A_246, %dma_wait3A_247] : memref<128x32768xf32, #tpu.memory_space<hbm>> -> memref<1x32768xf32, #tpu.memory_space<hbm>>
    %dma_wait3A_249 = tpu.memref_squeeze %dma_wait3A_248 : memref<1x32768xf32, #tpu.memory_space<hbm>> -> memref<32768xf32, #tpu.memory_space<hbm>>
    %dma_wait3A_250 = arith.constant 0 : i32
    %dma_wait3A_251 = tpu.memref_slice %arg2[%add3A_246, %dma_wait3A_250] : memref<128x32768xf32, #tpu.memory_space<hbm>> -> memref<1x32768xf32, #tpu.memory_space<hbm>>
    %dma_wait3A_252 = tpu.memref_squeeze %dma_wait3A_251 : memref<1x32768xf32, #tpu.memory_space<hbm>> -> memref<32768xf32, #tpu.memory_space<hbm>>
    tpu.wait_dma2 semaphore(%arg11 : memref<!tpu.dma_semaphore, #tpu.memory_space<semaphore_mem>>) src(%dma_wait3A_252 : memref<32768xf32, #tpu.memory_space<hbm>>) dst(%arg6 : memref<32768xf32, #tpu.memory_space<vmem>>)
    %broadcast_in_dim3A_253 = arith.constant -3.000000e+38 : f32
    %broadcast_in_dim3A_254 = vector.broadcast %broadcast_in_dim3A_253 : f32 to vector<16xf32>
    %scan3A_255 = arith.constant 0 : i32
    %scan3A_256 = arith.constant 128 : i32
    %scan3A_257 = arith.addi %scan3A_255, %scan3A_256 : i32
    %scan3A_258 = arith.constant 1 : i32
    %scan3A_259:2 = scf.for %scan3A_318 = %scan3A_255 to %scan3A_257 step %scan3A_258 iter_args(%scan3A_319 = %broadcast_in_dim3A_254, %scan3A_320 = %broadcast_in_dim3A_254) -> (vector<16xf32>, vector<16xf32>)  : i32 {
      %mul3A_321 = arith.constant 16 : i32
      %mul3A_322 = arith.muli %scan3A_318, %mul3A_321 : i32
      %add3A_323 = arith.constant 0 : i32
      %add3A_324 = arith.addi %mul3A_322, %add3A_323 : i32
      %mul3A_325 = arith.constant 16 : i32
      %mul3A_326 = arith.muli %add3A_324, %mul3A_325 : i32
      %get3A = arith.index_cast %mul3A_326 : i32 to index
      %get3A_327 = tpu.vector_load %arg6[%get3A] {strides = array<i32>} : memref<32768xf32, #tpu.memory_space<vmem>>, vector<16xf32>,
      %max3A_328 = arith.maximumf %scan3A_319, %get3A_327 : vector<16xf32>
      %add3A_329 = arith.constant 0 : i32
      %add3A_330 = arith.addi %mul3A_322, %add3A_329 : i32
      %add3A_331 = arith.constant 1 : i32
      %add3A_332 = arith.addi %add3A_330, %add3A_331 : i32
      %mul3A_333 = arith.constant 16 : i32
      %mul3A_334 = arith.muli %add3A_332, %mul3A_333 : i32
      %get3A_335 = arith.index_cast %mul3A_334 : i32 to index
      %get3A_336 = tpu.vector_load %arg6[%get3A_335] {strides = array<i32>} : memref<32768xf32, #tpu.memory_space<vmem>>, vector<16xf32>,
      %max3A_337 = arith.maximumf %scan3A_320, %get3A_336 : vector<16xf32>
      %add3A_338 = arith.constant 2 : i32
      %add3A_339 = arith.addi %mul3A_322, %add3A_338 : i32
      %mul3A_340 = arith.constant 16 : i32
      %mul3A_341 = arith.muli %add3A_339, %mul3A_340 : i32
      %get3A_342 = arith.index_cast %mul3A_341 : i32 to index
      %get3A_343 = tpu.vector_load %arg6[%get3A_342] {strides = array<i32>} : memref<32768xf32, #tpu.memory_space<vmem>>, vector<16xf32>,
      %max3A_344 = arith.maximumf %max3A_328, %get3A_343 : vector<16xf32>
      %add3A_345 = arith.constant 2 : i32
      %add3A_346 = arith.addi %mul3A_322, %add3A_345 : i32
      %add3A_347 = arith.constant 1 : i32
      %add3A_348 = arith.addi %add3A_346, %add3A_347 : i32
      %mul3A_349 = arith.constant 16 : i32
      %mul3A_350 = arith.muli %add3A_348, %mul3A_349 : i32
      %get3A_351 = arith.index_cast %mul3A_350 : i32 to index
      %get3A_352 = tpu.vector_load %arg6[%get3A_351] {strides = array<i32>} : memref<32768xf32, #tpu.memory_space<vmem>>, vector<16xf32>,
      %max3A_353 = arith.maximumf %max3A_337, %get3A_352 : vector<16xf32>
      %add3A_354 = arith.constant 4 : i32
      %add3A_355 = arith.addi %mul3A_322, %add3A_354 : i32
      %mul3A_356 = arith.constant 16 : i32
      %mul3A_357 = arith.muli %add3A_355, %mul3A_356 : i32
      %get3A_358 = arith.index_cast %mul3A_357 : i32 to index
      %get3A_359 = tpu.vector_load %arg6[%get3A_358] {strides = array<i32>} : memref<32768xf32, #tpu.memory_space<vmem>>, vector<16xf32>,
      %max3A_360 = arith.maximumf %max3A_344, %get3A_359 : vector<16xf32>
      %add3A_361 = arith.constant 4 : i32
      %add3A_362 = arith.addi %mul3A_322, %add3A_361 : i32
      %add3A_363 = arith.constant 1 : i32
      %add3A_364 = arith.addi %add3A_362, %add3A_363 : i32
      %mul3A_365 = arith.constant 16 : i32
      %mul3A_366 = arith.muli %add3A_364, %mul3A_365 : i32
      %get3A_367 = arith.index_cast %mul3A_366 : i32 to index
      %get3A_368 = tpu.vector_load %arg6[%get3A_367] {strides = array<i32>} : memref<32768xf32, #tpu.memory_space<vmem>>, vector<16xf32>,
      %max3A_369 = arith.maximumf %max3A_353, %get3A_368 : vector<16xf32>
      %add3A_370 = arith.constant 6 : i32
      %add3A_371 = arith.addi %mul3A_322, %add3A_370 : i32
      %mul3A_372 = arith.constant 16 : i32
      %mul3A_373 = arith.muli %add3A_371, %mul3A_372 : i32
      %get3A_374 = arith.index_cast %mul3A_373 : i32 to index
      %get3A_375 = tpu.vector_load %arg6[%get3A_374] {strides = array<i32>} : memref<32768xf32, #tpu.memory_space<vmem>>, vector<16xf32>,
      %max3A_376 = arith.maximumf %max3A_360, %get3A_375 : vector<16xf32>
      %add3A_377 = arith.constant 6 : i32
      %add3A_378 = arith.addi %mul3A_322, %add3A_377 : i32
      %add3A_379 = arith.constant 1 : i32
      %add3A_380 = arith.addi %add3A_378, %add3A_379 : i32
      %mul3A_381 = arith.constant 16 : i32
      %mul3A_382 = arith.muli %add3A_380, %mul3A_381 : i32
      %get3A_383 = arith.index_cast %mul3A_382 : i32 to index
      %get3A_384 = tpu.vector_load %arg6[%get3A_383] {strides = array<i32>} : memref<32768xf32, #tpu.memory_space<vmem>>, vector<16xf32>,
      %max3A_385 = arith.maximumf %max3A_369, %get3A_384 : vector<16xf32>
      %add3A_386 = arith.constant 8 : i32
      %add3A_387 = arith.addi %mul3A_322, %add3A_386 : i32
      %mul3A_388 = arith.constant 16 : i32
      %mul3A_389 = arith.muli %add3A_387, %mul3A_388 : i32
      %get3A_390 = arith.index_cast %mul3A_389 : i32 to index
      %get3A_391 = tpu.vector_load %arg6[%get3A_390] {strides = array<i32>} : memref<32768xf32, #tpu.memory_space<vmem>>, vector<16xf32>,
      %max3A_392 = arith.maximumf %max3A_376, %get3A_391 : vector<16xf32>
      %add3A_393 = arith.constant 8 : i32
      %add3A_394 = arith.addi %mul3A_322, %add3A_393 : i32
      %add3A_395 = arith.constant 1 : i32
      %add3A_396 = arith.addi %add3A_394, %add3A_395 : i32
      %mul3A_397 = arith.constant 16 : i32
      %mul3A_398 = arith.muli %add3A_396, %mul3A_397 : i32
      %get3A_399 = arith.index_cast %mul3A_398 : i32 to index
      %get3A_400 = tpu.vector_load %arg6[%get3A_399] {strides = array<i32>} : memref<32768xf32, #tpu.memory_space<vmem>>, vector<16xf32>,
      %max3A_401 = arith.maximumf %max3A_385, %get3A_400 : vector<16xf32>
      %add3A_402 = arith.constant 10 : i32
      %add3A_403 = arith.addi %mul3A_322, %add3A_402 : i32
      %mul3A_404 = arith.constant 16 : i32
      %mul3A_405 = arith.muli %add3A_403, %mul3A_404 : i32
      %get3A_406 = arith.index_cast %mul3A_405 : i32 to index
      %get3A_407 = tpu.vector_load %arg6[%get3A_406] {strides = array<i32>} : memref<32768xf32, #tpu.memory_space<vmem>>, vector<16xf32>,
      %max3A_408 = arith.maximumf %max3A_392, %get3A_407 : vector<16xf32>
      %add3A_409 = arith.constant 10 : i32
      %add3A_410 = arith.addi %mul3A_322, %add3A_409 : i32
      %add3A_411 = arith.constant 1 : i32
      %add3A_412 = arith.addi %add3A_410, %add3A_411 : i32
      %mul3A_413 = arith.constant 16 : i32
      %mul3A_414 = arith.muli %add3A_412, %mul3A_413 : i32
      %get3A_415 = arith.index_cast %mul3A_414 : i32 to index
      %get3A_416 = tpu.vector_load %arg6[%get3A_415] {strides = array<i32>} : memref<32768xf32, #tpu.memory_space<vmem>>, vector<16xf32>,
      %max3A_417 = arith.maximumf %max3A_401, %get3A_416 : vector<16xf32>
      %add3A_418 = arith.constant 12 : i32
      %add3A_419 = arith.addi %mul3A_322, %add3A_418 : i32
      %mul3A_420 = arith.constant 16 : i32
      %mul3A_421 = arith.muli %add3A_419, %mul3A_420 : i32
      %get3A_422 = arith.index_cast %mul3A_421 : i32 to index
      %get3A_423 = tpu.vector_load %arg6[%get3A_422] {strides = array<i32>} : memref<32768xf32, #tpu.memory_space<vmem>>, vector<16xf32>,
      %max3A_424 = arith.maximumf %max3A_408, %get3A_423 : vector<16xf32>
      %add3A_425 = arith.constant 12 : i32
      %add3A_426 = arith.addi %mul3A_322, %add3A_425 : i32
      %add3A_427 = arith.constant 1 : i32
      %add3A_428 = arith.addi %add3A_426, %add3A_427 : i32
      %mul3A_429 = arith.constant 16 : i32
      %mul3A_430 = arith.muli %add3A_428, %mul3A_429 : i32
      %get3A_431 = arith.index_cast %mul3A_430 : i32 to index
      %get3A_432 = tpu.vector_load %arg6[%get3A_431] {strides = array<i32>} : memref<32768xf32, #tpu.memory_space<vmem>>, vector<16xf32>,
      %max3A_433 = arith.maximumf %max3A_417, %get3A_432 : vector<16xf32>
      %add3A_434 = arith.constant 14 : i32
      %add3A_435 = arith.addi %mul3A_322, %add3A_434 : i32
      %mul3A_436 = arith.constant 16 : i32
      %mul3A_437 = arith.muli %add3A_435, %mul3A_436 : i32
      %get3A_438 = arith.index_cast %mul3A_437 : i32 to index
      %get3A_439 = tpu.vector_load %arg6[%get3A_438] {strides = array<i32>} : memref<32768xf32, #tpu.memory_space<vmem>>, vector<16xf32>,
      %max3A_440 = arith.maximumf %max3A_424, %get3A_439 : vector<16xf32>
      %add3A_441 = arith.constant 14 : i32
      %add3A_442 = arith.addi %mul3A_322, %add3A_441 : i32
      %add3A_443 = arith.constant 1 : i32
      %add3A_444 = arith.addi %add3A_442, %add3A_443 : i32
      %mul3A_445 = arith.constant 16 : i32
      %mul3A_446 = arith.muli %add3A_444, %mul3A_445 : i32
      %get3A_447 = arith.index_cast %mul3A_446 : i32 to index
      %get3A_448 = tpu.vector_load %arg6[%get3A_447] {strides = array<i32>} : memref<32768xf32, #tpu.memory_space<vmem>>, vector<16xf32>,
      %max3A_449 = arith.maximumf %max3A_433, %get3A_448 : vector<16xf32>
      scf.yield %max3A_440, %max3A_449 : vector<16xf32>, vector<16xf32>
    }
    %scan3A_260 = arith.constant 128 : i32
    %max3A_261 = arith.maximumf %scan3A_259#0, %scan3A_259#1 : vector<16xf32>
    %reduce_max3A_262 = arith.constant true
    %reduce_max3A_263 = vector.broadcast %reduce_max3A_262 : i1 to vector<16xi1>
    %reduce_max3A_264 = tpu.scan <max>, %max3A_261 masked %reduce_max3A_263 : vector<16xf32>, vector<16xi1> -> vector<16xf32>
    %reduce_max3A_265 = vector.extract %reduce_max3A_264[15] : f32 from vector<16xf32>
    %sub3A_266 = arith.constant 2.000000e+00 : f32
    %sub3A_267 = arith.subf %reduce_max3A_265, %sub3A_266 : f32
    %broadcast_in_dim3A_268 = vector.broadcast %sub3A_267 : f32 to vector<16xf32>
    %broadcast_in_dim3A_269 = arith.constant 0 : i32
    %broadcast_in_dim3A_270 = vector.broadcast %broadcast_in_dim3A_269 : i32 to vector<16xi32>
    %scan3A_271 = arith.constant 0 : i32
    %scan3A_272 = arith.constant 128 : i32
    %scan3A_273 = arith.addi %scan3A_271, %scan3A_272 : i32
    %scan3A_274 = arith.constant 1 : i32
    %scan3A_275 = scf.for %scan3A_318 = %scan3A_271 to %scan3A_273 step %scan3A_274 iter_args(%scan3A_319 = %broadcast_in_dim3A_270) -> (vector<16xi32>)  : i32 {
      %mul3A_320 = arith.constant 16 : i32
      %mul3A_321 = arith.muli %scan3A_318, %mul3A_320 : i32
      %add3A_322 = arith.constant 0 : i32
      %add3A_323 = arith.addi %mul3A_321, %add3A_322 : i32
      %mul3A_324 = arith.constant 16 : i32
      %mul3A_325 = arith.muli %add3A_323, %mul3A_324 : i32
      %get3A = arith.index_cast %mul3A_325 : i32 to index
      %get3A_326 = tpu.vector_load %arg6[%get3A] {strides = array<i32>} : memref<32768xf32, #tpu.memory_space<vmem>>, vector<16xf32>,
      %add3A_327 = arith.constant 1 : i32
      %add3A_328 = arith.addi %mul3A_321, %add3A_327 : i32
      %mul3A_329 = arith.constant 16 : i32
      %mul3A_330 = arith.muli %add3A_328, %mul3A_329 : i32
      %get3A_331 = arith.index_cast %mul3A_330 : i32 to index
      %get3A_332 = tpu.vector_load %arg6[%get3A_331] {strides = array<i32>} : memref<32768xf32, #tpu.memory_space<vmem>>, vector<16xf32>,
      %add3A_333 = arith.constant 2 : i32
      %add3A_334 = arith.addi %mul3A_321, %add3A_333 : i32
      %mul3A_335 = arith.constant 16 : i32
      %mul3A_336 = arith.muli %add3A_334, %mul3A_335 : i32
      %get3A_337 = arith.index_cast %mul3A_336 : i32 to index
      %get3A_338 = tpu.vector_load %arg6[%get3A_337] {strides = array<i32>} : memref<32768xf32, #tpu.memory_space<vmem>>, vector<16xf32>,
      %add3A_339 = arith.constant 3 : i32
      %add3A_340 = arith.addi %mul3A_321, %add3A_339 : i32
      %mul3A_341 = arith.constant 16 : i32
      %mul3A_342 = arith.muli %add3A_340, %mul3A_341 : i32
      %get3A_343 = arith.index_cast %mul3A_342 : i32 to index
      %get3A_344 = tpu.vector_load %arg6[%get3A_343] {strides = array<i32>} : memref<32768xf32, #tpu.memory_space<vmem>>, vector<16xf32>,
      %add3A_345 = arith.constant 4 : i32
      %add3A_346 = arith.addi %mul3A_321, %add3A_345 : i32
      %mul3A_347 = arith.constant 16 : i32
      %mul3A_348 = arith.muli %add3A_346, %mul3A_347 : i32
      %get3A_349 = arith.index_cast %mul3A_348 : i32 to index
      %get3A_350 = tpu.vector_load %arg6[%get3A_349] {strides = array<i32>} : memref<32768xf32, #tpu.memory_space<vmem>>, vector<16xf32>,
      %add3A_351 = arith.constant 5 : i32
      %add3A_352 = arith.addi %mul3A_321, %add3A_351 : i32
      %mul3A_353 = arith.constant 16 : i32
      %mul3A_354 = arith.muli %add3A_352, %mul3A_353 : i32
      %get3A_355 = arith.index_cast %mul3A_354 : i32 to index
      %get3A_356 = tpu.vector_load %arg6[%get3A_355] {strides = array<i32>} : memref<32768xf32, #tpu.memory_space<vmem>>, vector<16xf32>,
      %add3A_357 = arith.constant 6 : i32
      %add3A_358 = arith.addi %mul3A_321, %add3A_357 : i32
      %mul3A_359 = arith.constant 16 : i32
      %mul3A_360 = arith.muli %add3A_358, %mul3A_359 : i32
      %get3A_361 = arith.index_cast %mul3A_360 : i32 to index
      %get3A_362 = tpu.vector_load %arg6[%get3A_361] {strides = array<i32>} : memref<32768xf32, #tpu.memory_space<vmem>>, vector<16xf32>,
      %add3A_363 = arith.constant 7 : i32
      %add3A_364 = arith.addi %mul3A_321, %add3A_363 : i32
      %mul3A_365 = arith.constant 16 : i32
      %mul3A_366 = arith.muli %add3A_364, %mul3A_365 : i32
      %get3A_367 = arith.index_cast %mul3A_366 : i32 to index
      %get3A_368 = tpu.vector_load %arg6[%get3A_367] {strides = array<i32>} : memref<32768xf32, #tpu.memory_space<vmem>>, vector<16xf32>,
      %add3A_369 = arith.constant 8 : i32
      %add3A_370 = arith.addi %mul3A_321, %add3A_369 : i32
      %mul3A_371 = arith.constant 16 : i32
      %mul3A_372 = arith.muli %add3A_370, %mul3A_371 : i32
      %get3A_373 = arith.index_cast %mul3A_372 : i32 to index
      %get3A_374 = tpu.vector_load %arg6[%get3A_373] {strides = array<i32>} : memref<32768xf32, #tpu.memory_space<vmem>>, vector<16xf32>,
      %add3A_375 = arith.constant 9 : i32
      %add3A_376 = arith.addi %mul3A_321, %add3A_375 : i32
      %mul3A_377 = arith.constant 16 : i32
      %mul3A_378 = arith.muli %add3A_376, %mul3A_377 : i32
      %get3A_379 = arith.index_cast %mul3A_378 : i32 to index
      %get3A_380 = tpu.vector_load %arg6[%get3A_379] {strides = array<i32>} : memref<32768xf32, #tpu.memory_space<vmem>>, vector<16xf32>,
      %add3A_381 = arith.constant 10 : i32
      %add3A_382 = arith.addi %mul3A_321, %add3A_381 : i32
      %mul3A_383 = arith.constant 16 : i32
      %mul3A_384 = arith.muli %add3A_382, %mul3A_383 : i32
      %get3A_385 = arith.index_cast %mul3A_384 : i32 to index
      %get3A_386 = tpu.vector_load %arg6[%get3A_385] {strides = array<i32>} : memref<32768xf32, #tpu.memory_space<vmem>>, vector<16xf32>,
      %add3A_387 = arith.constant 11 : i32
      %add3A_388 = arith.addi %mul3A_321, %add3A_387 : i32
      %mul3A_389 = arith.constant 16 : i32
      %mul3A_390 = arith.muli %add3A_388, %mul3A_389 : i32
      %get3A_391 = arith.index_cast %mul3A_390 : i32 to index
      %get3A_392 = tpu.vector_load %arg6[%get3A_391] {strides = array<i32>} : memref<32768xf32, #tpu.memory_space<vmem>>, vector<16xf32>,
      %add3A_393 = arith.constant 12 : i32
      %add3A_394 = arith.addi %mul3A_321, %add3A_393 : i32
      %mul3A_395 = arith.constant 16 : i32
      %mul3A_396 = arith.muli %add3A_394, %mul3A_395 : i32
      %get3A_397 = arith.index_cast %mul3A_396 : i32 to index
      %get3A_398 = tpu.vector_load %arg6[%get3A_397] {strides = array<i32>} : memref<32768xf32, #tpu.memory_space<vmem>>, vector<16xf32>,
      %add3A_399 = arith.constant 13 : i32
      %add3A_400 = arith.addi %mul3A_321, %add3A_399 : i32
      %mul3A_401 = arith.constant 16 : i32
      %mul3A_402 = arith.muli %add3A_400, %mul3A_401 : i32
      %get3A_403 = arith.index_cast %mul3A_402 : i32 to index
      %get3A_404 = tpu.vector_load %arg6[%get3A_403] {strides = array<i32>} : memref<32768xf32, #tpu.memory_space<vmem>>, vector<16xf32>,
      %add3A_405 = arith.constant 14 : i32
      %add3A_406 = arith.addi %mul3A_321, %add3A_405 : i32
      %mul3A_407 = arith.constant 16 : i32
      %mul3A_408 = arith.muli %add3A_406, %mul3A_407 : i32
      %get3A_409 = arith.index_cast %mul3A_408 : i32 to index
      %get3A_410 = tpu.vector_load %arg6[%get3A_409] {strides = array<i32>} : memref<32768xf32, #tpu.memory_space<vmem>>, vector<16xf32>,
      %add3A_411 = arith.constant 15 : i32
      %add3A_412 = arith.addi %mul3A_321, %add3A_411 : i32
      %mul3A_413 = arith.constant 16 : i32
      %mul3A_414 = arith.muli %add3A_412, %mul3A_413 : i32
      %get3A_415 = arith.index_cast %mul3A_414 : i32 to index
      %get3A_416 = tpu.vector_load %arg6[%get3A_415] {strides = array<i32>} : memref<32768xf32, #tpu.memory_space<vmem>>, vector<16xf32>,
      %ge3A = arith.cmpf oge, %get3A_326, %broadcast_in_dim3A_268 : vector<16xf32>
      %ge3A_417 = arith.cmpf oge, %get3A_332, %broadcast_in_dim3A_268 : vector<16xf32>
      %ge3A_418 = arith.cmpf oge, %get3A_338, %broadcast_in_dim3A_268 : vector<16xf32>
      %ge3A_419 = arith.cmpf oge, %get3A_344, %broadcast_in_dim3A_268 : vector<16xf32>
      %ge3A_420 = arith.cmpf oge, %get3A_350, %broadcast_in_dim3A_268 : vector<16xf32>
      %ge3A_421 = arith.cmpf oge, %get3A_356, %broadcast_in_dim3A_268 : vector<16xf32>
      %ge3A_422 = arith.cmpf oge, %get3A_362, %broadcast_in_dim3A_268 : vector<16xf32>
      %ge3A_423 = arith.cmpf oge, %get3A_368, %broadcast_in_dim3A_268 : vector<16xf32>
      %ge3A_424 = arith.cmpf oge, %get3A_374, %broadcast_in_dim3A_268 : vector<16xf32>
      %ge3A_425 = arith.cmpf oge, %get3A_380, %broadcast_in_dim3A_268 : vector<16xf32>
      %ge3A_426 = arith.cmpf oge, %get3A_386, %broadcast_in_dim3A_268 : vector<16xf32>
      %ge3A_427 = arith.cmpf oge, %get3A_392, %broadcast_in_dim3A_268 : vector<16xf32>
      %ge3A_428 = arith.cmpf oge, %get3A_398, %broadcast_in_dim3A_268 : vector<16xf32>
      %ge3A_429 = arith.cmpf oge, %get3A_404, %broadcast_in_dim3A_268 : vector<16xf32>
      %ge3A_430 = arith.cmpf oge, %get3A_410, %broadcast_in_dim3A_268 : vector<16xf32>
      %ge3A_431 = arith.cmpf oge, %get3A_416, %broadcast_in_dim3A_268 : vector<16xf32>
      %all_reduce_population_count3A = tpu.all_reduce %ge3A {dim = 0 : i64, kind = #tpu.reduction_kind<sum>} : vector<16xi1> -> vector<16xi32>
      %all_reduce_population_count3A_432 = tpu.all_reduce %ge3A_417 {dim = 0 : i64, kind = #tpu.reduction_kind<sum>} : vector<16xi1> -> vector<16xi32>
      %all_reduce_population_count3A_433 = tpu.all_reduce %ge3A_418 {dim = 0 : i64, kind = #tpu.reduction_kind<sum>} : vector<16xi1> -> vector<16xi32>
      %all_reduce_population_count3A_434 = tpu.all_reduce %ge3A_419 {dim = 0 : i64, kind = #tpu.reduction_kind<sum>} : vector<16xi1> -> vector<16xi32>
      %all_reduce_population_count3A_435 = tpu.all_reduce %ge3A_420 {dim = 0 : i64, kind = #tpu.reduction_kind<sum>} : vector<16xi1> -> vector<16xi32>
      %all_reduce_population_count3A_436 = tpu.all_reduce %ge3A_421 {dim = 0 : i64, kind = #tpu.reduction_kind<sum>} : vector<16xi1> -> vector<16xi32>
      %all_reduce_population_count3A_437 = tpu.all_reduce %ge3A_422 {dim = 0 : i64, kind = #tpu.reduction_kind<sum>} : vector<16xi1> -> vector<16xi32>
      %all_reduce_population_count3A_438 = tpu.all_reduce %ge3A_423 {dim = 0 : i64, kind = #tpu.reduction_kind<sum>} : vector<16xi1> -> vector<16xi32>
      %all_reduce_population_count3A_439 = tpu.all_reduce %ge3A_424 {dim = 0 : i64, kind = #tpu.reduction_kind<sum>} : vector<16xi1> -> vector<16xi32>
      %all_reduce_population_count3A_440 = tpu.all_reduce %ge3A_425 {dim = 0 : i64, kind = #tpu.reduction_kind<sum>} : vector<16xi1> -> vector<16xi32>
      %all_reduce_population_count3A_441 = tpu.all_reduce %ge3A_426 {dim = 0 : i64, kind = #tpu.reduction_kind<sum>} : vector<16xi1> -> vector<16xi32>
      %all_reduce_population_count3A_442 = tpu.all_reduce %ge3A_427 {dim = 0 : i64, kind = #tpu.reduction_kind<sum>} : vector<16xi1> -> vector<16xi32>
      %all_reduce_population_count3A_443 = tpu.all_reduce %ge3A_428 {dim = 0 : i64, kind = #tpu.reduction_kind<sum>} : vector<16xi1> -> vector<16xi32>
      %all_reduce_population_count3A_444 = tpu.all_reduce %ge3A_429 {dim = 0 : i64, kind = #tpu.reduction_kind<sum>} : vector<16xi1> -> vector<16xi32>
      %all_reduce_population_count3A_445 = tpu.all_reduce %ge3A_430 {dim = 0 : i64, kind = #tpu.reduction_kind<sum>} : vector<16xi1> -> vector<16xi32>
      %all_reduce_population_count3A_446 = tpu.all_reduce %ge3A_431 {dim = 0 : i64, kind = #tpu.reduction_kind<sum>} : vector<16xi1> -> vector<16xi32>
      %convert_element_type3A = arith.extui %ge3A : vector<16xi1> to vector<16xi32>
      %broadcast_in_dim3A_447 = arith.constant true
      %broadcast_in_dim3A_448 = vector.broadcast %broadcast_in_dim3A_447 : i1 to vector<16xi1>
      %masked_cumsum3A = tpu.scan <sum>, %convert_element_type3A masked %broadcast_in_dim3A_448 : vector<16xi32>, vector<16xi1> -> vector<16xi32>
      %add3A_449 = arith.addi %scan3A_319, %masked_cumsum3A : vector<16xi32>
      %sub3A_450 = arith.constant 1 : i32
      %sub3A_451 = vector.broadcast %sub3A_450 : i32 to vector<16xi32>
      %sub3A_452 = arith.subi %add3A_449, %sub3A_451 : vector<16xi32>
      %min3A_453 = arith.constant 8191 : i32
      %min3A_454 = vector.broadcast %min3A_453 : i32 to vector<16xi32>
      %min3A_455 = arith.minsi %sub3A_452, %min3A_454 : vector<16xi32>
      tpu.vector_store_idx %arg7[%min3A_455], %get3A_326 masked %ge3A : memref<8192xf32, #tpu.memory_space<vmem>>[vector<16xi32>], vector<16xf32>, vector<16xi1>
      %add3A_456 = arith.addi %scan3A_319, %all_reduce_population_count3A : vector<16xi32>
      %convert_element_type3A_457 = arith.extui %ge3A_417 : vector<16xi1> to vector<16xi32>
      %broadcast_in_dim3A_458 = arith.constant true
      %broadcast_in_dim3A_459 = vector.broadcast %broadcast_in_dim3A_458 : i1 to vector<16xi1>
      %masked_cumsum3A_460 = tpu.scan <sum>, %convert_element_type3A_457 masked %broadcast_in_dim3A_459 : vector<16xi32>, vector<16xi1> -> vector<16xi32>
      %add3A_461 = arith.addi %add3A_456, %masked_cumsum3A_460 : vector<16xi32>
      %sub3A_462 = arith.constant 1 : i32
      %sub3A_463 = vector.broadcast %sub3A_462 : i32 to vector<16xi32>
      %sub3A_464 = arith.subi %add3A_461, %sub3A_463 : vector<16xi32>
      %min3A_465 = arith.constant 8191 : i32
      %min3A_466 = vector.broadcast %min3A_465 : i32 to vector<16xi32>
      %min3A_467 = arith.minsi %sub3A_464, %min3A_466 : vector<16xi32>
      tpu.vector_store_idx %arg7[%min3A_467], %get3A_332 masked %ge3A_417 : memref<8192xf32, #tpu.memory_space<vmem>>[vector<16xi32>], vector<16xf32>, vector<16xi1>
      %add3A_468 = arith.addi %add3A_456, %all_reduce_population_count3A_432 : vector<16xi32>
      %convert_element_type3A_469 = arith.extui %ge3A_418 : vector<16xi1> to vector<16xi32>
      %broadcast_in_dim3A_470 = arith.constant true
      %broadcast_in_dim3A_471 = vector.broadcast %broadcast_in_dim3A_470 : i1 to vector<16xi1>
      %masked_cumsum3A_472 = tpu.scan <sum>, %convert_element_type3A_469 masked %broadcast_in_dim3A_471 : vector<16xi32>, vector<16xi1> -> vector<16xi32>
      %add3A_473 = arith.addi %add3A_468, %masked_cumsum3A_472 : vector<16xi32>
      %sub3A_474 = arith.constant 1 : i32
      %sub3A_475 = vector.broadcast %sub3A_474 : i32 to vector<16xi32>
      %sub3A_476 = arith.subi %add3A_473, %sub3A_475 : vector<16xi32>
      %min3A_477 = arith.constant 8191 : i32
      %min3A_478 = vector.broadcast %min3A_477 : i32 to vector<16xi32>
      %min3A_479 = arith.minsi %sub3A_476, %min3A_478 : vector<16xi32>
      tpu.vector_store_idx %arg7[%min3A_479], %get3A_338 masked %ge3A_418 : memref<8192xf32, #tpu.memory_space<vmem>>[vector<16xi32>], vector<16xf32>, vector<16xi1>
      %add3A_480 = arith.addi %add3A_468, %all_reduce_population_count3A_433 : vector<16xi32>
      %convert_element_type3A_481 = arith.extui %ge3A_419 : vector<16xi1> to vector<16xi32>
      %broadcast_in_dim3A_482 = arith.constant true
      %broadcast_in_dim3A_483 = vector.broadcast %broadcast_in_dim3A_482 : i1 to vector<16xi1>
      %masked_cumsum3A_484 = tpu.scan <sum>, %convert_element_type3A_481 masked %broadcast_in_dim3A_483 : vector<16xi32>, vector<16xi1> -> vector<16xi32>
      %add3A_485 = arith.addi %add3A_480, %masked_cumsum3A_484 : vector<16xi32>
      %sub3A_486 = arith.constant 1 : i32
      %sub3A_487 = vector.broadcast %sub3A_486 : i32 to vector<16xi32>
      %sub3A_488 = arith.subi %add3A_485, %sub3A_487 : vector<16xi32>
      %min3A_489 = arith.constant 8191 : i32
      %min3A_490 = vector.broadcast %min3A_489 : i32 to vector<16xi32>
      %min3A_491 = arith.minsi %sub3A_488, %min3A_490 : vector<16xi32>
      tpu.vector_store_idx %arg7[%min3A_491], %get3A_344 masked %ge3A_419 : memref<8192xf32, #tpu.memory_space<vmem>>[vector<16xi32>], vector<16xf32>, vector<16xi1>
      %add3A_492 = arith.addi %add3A_480, %all_reduce_population_count3A_434 : vector<16xi32>
      %convert_element_type3A_493 = arith.extui %ge3A_420 : vector<16xi1> to vector<16xi32>
      %broadcast_in_dim3A_494 = arith.constant true
      %broadcast_in_dim3A_495 = vector.broadcast %broadcast_in_dim3A_494 : i1 to vector<16xi1>
      %masked_cumsum3A_496 = tpu.scan <sum>, %convert_element_type3A_493 masked %broadcast_in_dim3A_495 : vector<16xi32>, vector<16xi1> -> vector<16xi32>
      %add3A_497 = arith.addi %add3A_492, %masked_cumsum3A_496 : vector<16xi32>
      %sub3A_498 = arith.constant 1 : i32
      %sub3A_499 = vector.broadcast %sub3A_498 : i32 to vector<16xi32>
      %sub3A_500 = arith.subi %add3A_497, %sub3A_499 : vector<16xi32>
      %min3A_501 = arith.constant 8191 : i32
      %min3A_502 = vector.broadcast %min3A_501 : i32 to vector<16xi32>
      %min3A_503 = arith.minsi %sub3A_500, %min3A_502 : vector<16xi32>
      tpu.vector_store_idx %arg7[%min3A_503], %get3A_350 masked %ge3A_420 : memref<8192xf32, #tpu.memory_space<vmem>>[vector<16xi32>], vector<16xf32>, vector<16xi1>
      %add3A_504 = arith.addi %add3A_492, %all_reduce_population_count3A_435 : vector<16xi32>
      %convert_element_type3A_505 = arith.extui %ge3A_421 : vector<16xi1> to vector<16xi32>
      %broadcast_in_dim3A_506 = arith.constant true
      %broadcast_in_dim3A_507 = vector.broadcast %broadcast_in_dim3A_506 : i1 to vector<16xi1>
      %masked_cumsum3A_508 = tpu.scan <sum>, %convert_element_type3A_505 masked %broadcast_in_dim3A_507 : vector<16xi32>, vector<16xi1> -> vector<16xi32>
      %add3A_509 = arith.addi %add3A_504, %masked_cumsum3A_508 : vector<16xi32>
      %sub3A_510 = arith.constant 1 : i32
      %sub3A_511 = vector.broadcast %sub3A_510 : i32 to vector<16xi32>
      %sub3A_512 = arith.subi %add3A_509, %sub3A_511 : vector<16xi32>
      %min3A_513 = arith.constant 8191 : i32
      %min3A_514 = vector.broadcast %min3A_513 : i32 to vector<16xi32>
      %min3A_515 = arith.minsi %sub3A_512, %min3A_514 : vector<16xi32>
      tpu.vector_store_idx %arg7[%min3A_515], %get3A_356 masked %ge3A_421 : memref<8192xf32, #tpu.memory_space<vmem>>[vector<16xi32>], vector<16xf32>, vector<16xi1>
      %add3A_516 = arith.addi %add3A_504, %all_reduce_population_count3A_436 : vector<16xi32>
      %convert_element_type3A_517 = arith.extui %ge3A_422 : vector<16xi1> to vector<16xi32>
      %broadcast_in_dim3A_518 = arith.constant true
      %broadcast_in_dim3A_519 = vector.broadcast %broadcast_in_dim3A_518 : i1 to vector<16xi1>
      %masked_cumsum3A_520 = tpu.scan <sum>, %convert_element_type3A_517 masked %broadcast_in_dim3A_519 : vector<16xi32>, vector<16xi1> -> vector<16xi32>
      %add3A_521 = arith.addi %add3A_516, %masked_cumsum3A_520 : vector<16xi32>
      %sub3A_522 = arith.constant 1 : i32
      %sub3A_523 = vector.broadcast %sub3A_522 : i32 to vector<16xi32>
      %sub3A_524 = arith.subi %add3A_521, %sub3A_523 : vector<16xi32>
      %min3A_525 = arith.constant 8191 : i32
      %min3A_526 = vector.broadcast %min3A_525 : i32 to vector<16xi32>
      %min3A_527 = arith.minsi %sub3A_524, %min3A_526 : vector<16xi32>
      tpu.vector_store_idx %arg7[%min3A_527], %get3A_362 masked %ge3A_422 : memref<8192xf32, #tpu.memory_space<vmem>>[vector<16xi32>], vector<16xf32>, vector<16xi1>
      %add3A_528 = arith.addi %add3A_516, %all_reduce_population_count3A_437 : vector<16xi32>
      %convert_element_type3A_529 = arith.extui %ge3A_423 : vector<16xi1> to vector<16xi32>
      %broadcast_in_dim3A_530 = arith.constant true
      %broadcast_in_dim3A_531 = vector.broadcast %broadcast_in_dim3A_530 : i1 to vector<16xi1>
      %masked_cumsum3A_532 = tpu.scan <sum>, %convert_element_type3A_529 masked %broadcast_in_dim3A_531 : vector<16xi32>, vector<16xi1> -> vector<16xi32>
      %add3A_533 = arith.addi %add3A_528, %masked_cumsum3A_532 : vector<16xi32>
      %sub3A_534 = arith.constant 1 : i32
      %sub3A_535 = vector.broadcast %sub3A_534 : i32 to vector<16xi32>
      %sub3A_536 = arith.subi %add3A_533, %sub3A_535 : vector<16xi32>
      %min3A_537 = arith.constant 8191 : i32
      %min3A_538 = vector.broadcast %min3A_537 : i32 to vector<16xi32>
      %min3A_539 = arith.minsi %sub3A_536, %min3A_538 : vector<16xi32>
      tpu.vector_store_idx %arg7[%min3A_539], %get3A_368 masked %ge3A_423 : memref<8192xf32, #tpu.memory_space<vmem>>[vector<16xi32>], vector<16xf32>, vector<16xi1>
      %add3A_540 = arith.addi %add3A_528, %all_reduce_population_count3A_438 : vector<16xi32>
      %convert_element_type3A_541 = arith.extui %ge3A_424 : vector<16xi1> to vector<16xi32>
      %broadcast_in_dim3A_542 = arith.constant true
      %broadcast_in_dim3A_543 = vector.broadcast %broadcast_in_dim3A_542 : i1 to vector<16xi1>
      %masked_cumsum3A_544 = tpu.scan <sum>, %convert_element_type3A_541 masked %broadcast_in_dim3A_543 : vector<16xi32>, vector<16xi1> -> vector<16xi32>
      %add3A_545 = arith.addi %add3A_540, %masked_cumsum3A_544 : vector<16xi32>
      %sub3A_546 = arith.constant 1 : i32
      %sub3A_547 = vector.broadcast %sub3A_546 : i32 to vector<16xi32>
      %sub3A_548 = arith.subi %add3A_545, %sub3A_547 : vector<16xi32>
      %min3A_549 = arith.constant 8191 : i32
      %min3A_550 = vector.broadcast %min3A_549 : i32 to vector<16xi32>
      %min3A_551 = arith.minsi %sub3A_548, %min3A_550 : vector<16xi32>
      tpu.vector_store_idx %arg7[%min3A_551], %get3A_374 masked %ge3A_424 : memref<8192xf32, #tpu.memory_space<vmem>>[vector<16xi32>], vector<16xf32>, vector<16xi1>
      %add3A_552 = arith.addi %add3A_540, %all_reduce_population_count3A_439 : vector<16xi32>
      %convert_element_type3A_553 = arith.extui %ge3A_425 : vector<16xi1> to vector<16xi32>
      %broadcast_in_dim3A_554 = arith.constant true
      %broadcast_in_dim3A_555 = vector.broadcast %broadcast_in_dim3A_554 : i1 to vector<16xi1>
      %masked_cumsum3A_556 = tpu.scan <sum>, %convert_element_type3A_553 masked %broadcast_in_dim3A_555 : vector<16xi32>, vector<16xi1> -> vector<16xi32>
      %add3A_557 = arith.addi %add3A_552, %masked_cumsum3A_556 : vector<16xi32>
      %sub3A_558 = arith.constant 1 : i32
      %sub3A_559 = vector.broadcast %sub3A_558 : i32 to vector<16xi32>
      %sub3A_560 = arith.subi %add3A_557, %sub3A_559 : vector<16xi32>
      %min3A_561 = arith.constant 8191 : i32
      %min3A_562 = vector.broadcast %min3A_561 : i32 to vector<16xi32>
      %min3A_563 = arith.minsi %sub3A_560, %min3A_562 : vector<16xi32>
      tpu.vector_store_idx %arg7[%min3A_563], %get3A_380 masked %ge3A_425 : memref<8192xf32, #tpu.memory_space<vmem>>[vector<16xi32>], vector<16xf32>, vector<16xi1>
      %add3A_564 = arith.addi %add3A_552, %all_reduce_population_count3A_440 : vector<16xi32>
      %convert_element_type3A_565 = arith.extui %ge3A_426 : vector<16xi1> to vector<16xi32>
      %broadcast_in_dim3A_566 = arith.constant true
      %broadcast_in_dim3A_567 = vector.broadcast %broadcast_in_dim3A_566 : i1 to vector<16xi1>
      %masked_cumsum3A_568 = tpu.scan <sum>, %convert_element_type3A_565 masked %broadcast_in_dim3A_567 : vector<16xi32>, vector<16xi1> -> vector<16xi32>
      %add3A_569 = arith.addi %add3A_564, %masked_cumsum3A_568 : vector<16xi32>
      %sub3A_570 = arith.constant 1 : i32
      %sub3A_571 = vector.broadcast %sub3A_570 : i32 to vector<16xi32>
      %sub3A_572 = arith.subi %add3A_569, %sub3A_571 : vector<16xi32>
      %min3A_573 = arith.constant 8191 : i32
      %min3A_574 = vector.broadcast %min3A_573 : i32 to vector<16xi32>
      %min3A_575 = arith.minsi %sub3A_572, %min3A_574 : vector<16xi32>
      tpu.vector_store_idx %arg7[%min3A_575], %get3A_386 masked %ge3A_426 : memref<8192xf32, #tpu.memory_space<vmem>>[vector<16xi32>], vector<16xf32>, vector<16xi1>
      %add3A_576 = arith.addi %add3A_564, %all_reduce_population_count3A_441 : vector<16xi32>
      %convert_element_type3A_577 = arith.extui %ge3A_427 : vector<16xi1> to vector<16xi32>
      %broadcast_in_dim3A_578 = arith.constant true
      %broadcast_in_dim3A_579 = vector.broadcast %broadcast_in_dim3A_578 : i1 to vector<16xi1>
      %masked_cumsum3A_580 = tpu.scan <sum>, %convert_element_type3A_577 masked %broadcast_in_dim3A_579 : vector<16xi32>, vector<16xi1> -> vector<16xi32>
      %add3A_581 = arith.addi %add3A_576, %masked_cumsum3A_580 : vector<16xi32>
      %sub3A_582 = arith.constant 1 : i32
      %sub3A_583 = vector.broadcast %sub3A_582 : i32 to vector<16xi32>
      %sub3A_584 = arith.subi %add3A_581, %sub3A_583 : vector<16xi32>
      %min3A_585 = arith.constant 8191 : i32
      %min3A_586 = vector.broadcast %min3A_585 : i32 to vector<16xi32>
      %min3A_587 = arith.minsi %sub3A_584, %min3A_586 : vector<16xi32>
      tpu.vector_store_idx %arg7[%min3A_587], %get3A_392 masked %ge3A_427 : memref<8192xf32, #tpu.memory_space<vmem>>[vector<16xi32>], vector<16xf32>, vector<16xi1>
      %add3A_588 = arith.addi %add3A_576, %all_reduce_population_count3A_442 : vector<16xi32>
      %convert_element_type3A_589 = arith.extui %ge3A_428 : vector<16xi1> to vector<16xi32>
      %broadcast_in_dim3A_590 = arith.constant true
      %broadcast_in_dim3A_591 = vector.broadcast %broadcast_in_dim3A_590 : i1 to vector<16xi1>
      %masked_cumsum3A_592 = tpu.scan <sum>, %convert_element_type3A_589 masked %broadcast_in_dim3A_591 : vector<16xi32>, vector<16xi1> -> vector<16xi32>
      %add3A_593 = arith.addi %add3A_588, %masked_cumsum3A_592 : vector<16xi32>
      %sub3A_594 = arith.constant 1 : i32
      %sub3A_595 = vector.broadcast %sub3A_594 : i32 to vector<16xi32>
      %sub3A_596 = arith.subi %add3A_593, %sub3A_595 : vector<16xi32>
      %min3A_597 = arith.constant 8191 : i32
      %min3A_598 = vector.broadcast %min3A_597 : i32 to vector<16xi32>
      %min3A_599 = arith.minsi %sub3A_596, %min3A_598 : vector<16xi32>
      tpu.vector_store_idx %arg7[%min3A_599], %get3A_398 masked %ge3A_428 : memref<8192xf32, #tpu.memory_space<vmem>>[vector<16xi32>], vector<16xf32>, vector<16xi1>
      %add3A_600 = arith.addi %add3A_588, %all_reduce_population_count3A_443 : vector<16xi32>
      %convert_element_type3A_601 = arith.extui %ge3A_429 : vector<16xi1> to vector<16xi32>
      %broadcast_in_dim3A_602 = arith.constant true
      %broadcast_in_dim3A_603 = vector.broadcast %broadcast_in_dim3A_602 : i1 to vector<16xi1>
      %masked_cumsum3A_604 = tpu.scan <sum>, %convert_element_type3A_601 masked %broadcast_in_dim3A_603 : vector<16xi32>, vector<16xi1> -> vector<16xi32>
      %add3A_605 = arith.addi %add3A_600, %masked_cumsum3A_604 : vector<16xi32>
      %sub3A_606 = arith.constant 1 : i32
      %sub3A_607 = vector.broadcast %sub3A_606 : i32 to vector<16xi32>
      %sub3A_608 = arith.subi %add3A_605, %sub3A_607 : vector<16xi32>
      %min3A_609 = arith.constant 8191 : i32
      %min3A_610 = vector.broadcast %min3A_609 : i32 to vector<16xi32>
      %min3A_611 = arith.minsi %sub3A_608, %min3A_610 : vector<16xi32>
      tpu.vector_store_idx %arg7[%min3A_611], %get3A_404 masked %ge3A_429 : memref<8192xf32, #tpu.memory_space<vmem>>[vector<16xi32>], vector<16xf32>, vector<16xi1>
      %add3A_612 = arith.addi %add3A_600, %all_reduce_population_count3A_444 : vector<16xi32>
      %convert_element_type3A_613 = arith.extui %ge3A_430 : vector<16xi1> to vector<16xi32>
      %broadcast_in_dim3A_614 = arith.constant true
      %broadcast_in_dim3A_615 = vector.broadcast %broadcast_in_dim3A_614 : i1 to vector<16xi1>
      %masked_cumsum3A_616 = tpu.scan <sum>, %convert_element_type3A_613 masked %broadcast_in_dim3A_615 : vector<16xi32>, vector<16xi1> -> vector<16xi32>
      %add3A_617 = arith.addi %add3A_612, %masked_cumsum3A_616 : vector<16xi32>
      %sub3A_618 = arith.constant 1 : i32
      %sub3A_619 = vector.broadcast %sub3A_618 : i32 to vector<16xi32>
      %sub3A_620 = arith.subi %add3A_617, %sub3A_619 : vector<16xi32>
      %min3A_621 = arith.constant 8191 : i32
      %min3A_622 = vector.broadcast %min3A_621 : i32 to vector<16xi32>
      %min3A_623 = arith.minsi %sub3A_620, %min3A_622 : vector<16xi32>
      tpu.vector_store_idx %arg7[%min3A_623], %get3A_410 masked %ge3A_430 : memref<8192xf32, #tpu.memory_space<vmem>>[vector<16xi32>], vector<16xf32>, vector<16xi1>
      %add3A_624 = arith.addi %add3A_612, %all_reduce_population_count3A_445 : vector<16xi32>
      %convert_element_type3A_625 = arith.extui %ge3A_431 : vector<16xi1> to vector<16xi32>
      %broadcast_in_dim3A_626 = arith.constant true
      %broadcast_in_dim3A_627 = vector.broadcast %broadcast_in_dim3A_626 : i1 to vector<16xi1>
      %masked_cumsum3A_628 = tpu.scan <sum>, %convert_element_type3A_625 masked %broadcast_in_dim3A_627 : vector<16xi32>, vector<16xi1> -> vector<16xi32>
      %add3A_629 = arith.addi %add3A_624, %masked_cumsum3A_628 : vector<16xi32>
      %sub3A_630 = arith.constant 1 : i32
      %sub3A_631 = vector.broadcast %sub3A_630 : i32 to vector<16xi32>
      %sub3A_632 = arith.subi %add3A_629, %sub3A_631 : vector<16xi32>
      %min3A_633 = arith.constant 8191 : i32
      %min3A_634 = vector.broadcast %min3A_633 : i32 to vector<16xi32>
      %min3A_635 = arith.minsi %sub3A_632, %min3A_634 : vector<16xi32>
      tpu.vector_store_idx %arg7[%min3A_635], %get3A_416 masked %ge3A_431 : memref<8192xf32, #tpu.memory_space<vmem>>[vector<16xi32>], vector<16xf32>, vector<16xi1>
      %add3A_636 = arith.addi %add3A_624, %all_reduce_population_count3A_446 : vector<16xi32>
      scf.yield %add3A_636 : vector<16xi32>
    }
    %scan3A_276 = arith.constant 128 : i32
    %slice3A_277 = vector.extract_strided_slice %scan3A_275 {offsets = [0], sizes = [1], strides = [1]} : vector<16xi32> to vector<1xi32>
    %squeeze3A_278 = vector.extract %slice3A_277[0] : i32 from vector<1xi32>
    %broadcast_in_dim3A_279 = arith.constant -1.000000e+30 : f32
    %broadcast_in_dim3A_280 = vector.broadcast %broadcast_in_dim3A_279 : f32 to vector<16xf32>
    %min3A_281 = arith.constant 8176 : i32
    %min3A_282 = arith.minsi %squeeze3A_278, %min3A_281 : i32
    %swap3A_283 = arith.index_cast %min3A_282 : i32 to index
    %swap3A_284 = tpu.vector_load %arg7[%swap3A_283] {strides = array<i32>} : memref<8192xf32, #tpu.memory_space<vmem>>, vector<16xf32>,
    tpu.vector_store %arg7[%swap3A_283], %broadcast_in_dim3A_280 {strides = array<i32>} : memref<8192xf32, #tpu.memory_space<vmem>>, vector<16xf32>,
    %add3A_285 = arith.constant 16 : i32
    %add3A_286 = arith.addi %squeeze3A_278, %add3A_285 : i32
    %sub3A_287 = arith.constant 1 : i32
    %sub3A_288 = arith.subi %add3A_286, %sub3A_287 : i32
    %shift_right_arithmetic3A_289 = arith.constant 4 : i32
    %shift_right_arithmetic3A_290 = arith.shrsi %sub3A_288, %shift_right_arithmetic3A_289 : i32
    %broadcast_in_dim3A_291 = vector.broadcast %reduce_max3A_265 : f32 to vector<16xf32>
    %while3A_292 = arith.constant 0 : i32
    %while3A_293 = arith.constant 0 : i32
    %while3A_294 = arith.subi %shift_right_arithmetic3A_290, %while3A_293 : i32
    %while3A_295 = arith.addi %while3A_293, %while3A_294 : i32
    %while3A_296 = arith.constant 1 : i32
    %while3A_297 = arith.divsi %while3A_294, %while3A_296 : i32
    %while3A_298 = arith.muli %while3A_297, %while3A_296 : i32
    %while3A_299 = arith.addi %while3A_293, %while3A_298 : i32
    %while3A_300 = arith.constant 1 : i32
    scf.for %while3A_318 = %while3A_293 to %while3A_299 step %while3A_300  : i32 {
      %mul3A_319 = arith.constant 16 : i32
      %mul3A_320 = arith.muli %while3A_318, %mul3A_319 : i32
      %get3A = arith.index_cast %mul3A_320 : i32 to index
      %get3A_321 = tpu.vector_load %arg7[%get3A] {strides = array<i32>} : memref<8192xf32, #tpu.memory_space<vmem>>, vector<16xf32>,
      %sub3A_322 = arith.subf %get3A_321, %broadcast_in_dim3A_291 : vector<16xf32>
      %mul3A_323 = arith.constant 5.000000e-01 : f32
      %mul3A_324 = vector.broadcast %mul3A_323 : f32 to vector<16xf32>
      %mul3A_325 = arith.mulf %sub3A_322, %mul3A_324 : vector<16xf32>
      %mul3A_326 = arith.constant 16 : i32
      %mul3A_327 = arith.muli %while3A_318, %mul3A_326 : i32
      %swap3A_328 = arith.index_cast %mul3A_327 : i32 to index
      %swap3A_329 = tpu.vector_load %arg7[%swap3A_328] {strides = array<i32>} : memref<8192xf32, #tpu.memory_space<vmem>>, vector<16xf32>,
      tpu.vector_store %arg7[%swap3A_328], %mul3A_325 {strides = array<i32>} : memref<8192xf32, #tpu.memory_space<vmem>>, vector<16xf32>,
    }
    %while3A_301 = arith.constant 1 : i32
    scf.for %while3A_318 = %while3A_299 to %while3A_295 step %while3A_301  : i32 {
      %mul3A_319 = arith.constant 16 : i32
      %mul3A_320 = arith.muli %while3A_318, %mul3A_319 : i32
      %get3A = arith.index_cast %mul3A_320 : i32 to index
      %get3A_321 = tpu.vector_load %arg7[%get3A] {strides = array<i32>} : memref<8192xf32, #tpu.memory_space<vmem>>, vector<16xf32>,
      %sub3A_322 = arith.subf %get3A_321, %broadcast_in_dim3A_291 : vector<16xf32>
      %mul3A_323 = arith.constant 5.000000e-01 : f32
      %mul3A_324 = vector.broadcast %mul3A_323 : f32 to vector<16xf32>
      %mul3A_325 = arith.mulf %sub3A_322, %mul3A_324 : vector<16xf32>
      %mul3A_326 = arith.constant 16 : i32
      %mul3A_327 = arith.muli %while3A_318, %mul3A_326 : i32
      %swap3A_328 = arith.index_cast %mul3A_327 : i32 to index
      %swap3A_329 = tpu.vector_load %arg7[%swap3A_328] {strides = array<i32>} : memref<8192xf32, #tpu.memory_space<vmem>>, vector<16xf32>,
      tpu.vector_store %arg7[%swap3A_328], %mul3A_325 {strides = array<i32>} : memref<8192xf32, #tpu.memory_space<vmem>>, vector<16xf32>,
    }
    %broadcast_in_dim3A_302 = arith.constant -1.000000e+00 : f32
    %broadcast_in_dim3A_303 = vector.broadcast %broadcast_in_dim3A_302 : f32 to vector<16xf32>
    %scan3A_304 = arith.constant 0 : i32
    %scan3A_305 = arith.constant 12 : i32
    %scan3A_306 = arith.addi %scan3A_304, %scan3A_305 : i32
    %scan3A_307 = arith.constant 1 : i32
    %scan3A_308 = scf.for %scan3A_318 = %scan3A_304 to %scan3A_306 step %scan3A_307 iter_args(%scan3A_319 = %broadcast_in_dim3A_303) -> (vector<16xf32>)  : i32 {
      %broadcast_in_dim3A_320 = arith.constant 0.000000e+00 : f32
      %broadcast_in_dim3A_321 = vector.broadcast %broadcast_in_dim3A_320 : f32 to vector<16xf32>
      %while3A_322 = arith.constant 0 : i32
      %while3A_323 = arith.subi %shift_right_arithmetic3A_290, %while3A_322 : i32
      %while3A_324 = arith.addi %while3A_322, %while3A_323 : i32
      %while3A_325 = arith.constant 1 : i32
      %while3A_326 = arith.divsi %while3A_323, %while3A_325 : i32
      %while3A_327 = arith.muli %while3A_326, %while3A_325 : i32
      %while3A_328 = arith.addi %while3A_322, %while3A_327 : i32
      %while3A_329 = arith.constant 1 : i32
      %while3A_330:2 = scf.for %while3A_352 = %while3A_322 to %while3A_328 step %while3A_329 iter_args(%while3A_353 = %broadcast_in_dim3A_321, %while3A_354 = %broadcast_in_dim3A_321) -> (vector<16xf32>, vector<16xf32>)  : i32 {
        %mul3A_355 = arith.constant 16 : i32
        %mul3A_356 = arith.muli %while3A_352, %mul3A_355 : i32
        %get3A = arith.index_cast %mul3A_356 : i32 to index
        %get3A_357 = tpu.vector_load %arg7[%get3A] {strides = array<i32>} : memref<8192xf32, #tpu.memory_space<vmem>>, vector<16xf32>,
        %sub3A_358 = arith.subf %get3A_357, %scan3A_319 : vector<16xf32>
        %max3A_359 = arith.constant 0.000000e+00 : f32
        %max3A_360 = vector.broadcast %max3A_359 : f32 to vector<16xf32>
        %max3A_361 = arith.maximumf %sub3A_358, %max3A_360 : vector<16xf32>
        %mul3A_362 = arith.mulf %max3A_361, %max3A_361 : vector<16xf32>
        %add3A_363 = arith.addf %while3A_353, %mul3A_362 : vector<16xf32>
        %add3A_364 = arith.addf %while3A_354, %max3A_361 : vector<16xf32>
        scf.yield %add3A_363, %add3A_364 : vector<16xf32>, vector<16xf32>
      }
      %while3A_331 = arith.constant 1 : i32
      %while3A_332:2 = scf.for %while3A_352 = %while3A_328 to %while3A_324 step %while3A_331 iter_args(%while3A_353 = %while3A_330#0, %while3A_354 = %while3A_330#1) -> (vector<16xf32>, vector<16xf32>)  : i32 {
        %mul3A_355 = arith.constant 16 : i32
        %mul3A_356 = arith.muli %while3A_352, %mul3A_355 : i32
        %get3A = arith.index_cast %mul3A_356 : i32 to index
        %get3A_357 = tpu.vector_load %arg7[%get3A] {strides = array<i32>} : memref<8192xf32, #tpu.memory_space<vmem>>, vector<16xf32>,
        %sub3A_358 = arith.subf %get3A_357, %scan3A_319 : vector<16xf32>
        %max3A_359 = arith.constant 0.000000e+00 : f32
        %max3A_360 = vector.broadcast %max3A_359 : f32 to vector<16xf32>
        %max3A_361 = arith.maximumf %sub3A_358, %max3A_360 : vector<16xf32>
        %mul3A_362 = arith.mulf %max3A_361, %max3A_361 : vector<16xf32>
        %add3A_363 = arith.addf %while3A_353, %mul3A_362 : vector<16xf32>
        %add3A_364 = arith.addf %while3A_354, %max3A_361 : vector<16xf32>
        scf.yield %add3A_363, %add3A_364 : vector<16xf32>, vector<16xf32>
      }
      %reduce_sum3A = arith.constant true
      %reduce_sum3A_333 = vector.broadcast %reduce_sum3A : i1 to vector<16xi1>
      %reduce_sum3A_334 = tpu.scan <sum>, %while3A_332#0 masked %reduce_sum3A_333 : vector<16xf32>, vector<16xi1> -> vector<16xf32>
      %reduce_sum3A_335 = vector.extract %reduce_sum3A_334[15] : f32 from vector<16xf32>
      %broadcast_in_dim3A_336 = vector.broadcast %reduce_sum3A_335 : f32 to vector<16xf32>
      %reduce_sum3A_337 = arith.constant true
      %reduce_sum3A_338 = vector.broadcast %reduce_sum3A_337 : i1 to vector<16xi1>
      %reduce_sum3A_339 = tpu.scan <sum>, %while3A_332#1 masked %reduce_sum3A_338 : vector<16xf32>, vector<16xi1> -> vector<16xf32>
      %reduce_sum3A_340 = vector.extract %reduce_sum3A_339[15] : f32 from vector<16xf32>
      %broadcast_in_dim3A_341 = vector.broadcast %reduce_sum3A_340 : f32 to vector<16xf32>
      %sub3A_342 = arith.constant 1.000000e+00 : f32
      %sub3A_343 = vector.broadcast %sub3A_342 : f32 to vector<16xf32>
      %sub3A_344 = arith.subf %broadcast_in_dim3A_336, %sub3A_343 : vector<16xf32>
      %mul3A_345 = arith.constant 2.000000e+00 : f32
      %mul3A_346 = vector.broadcast %mul3A_345 : f32 to vector<16xf32>
      %mul3A_347 = arith.mulf %mul3A_346, %broadcast_in_dim3A_341 : vector<16xf32>
      %max3A_348 = arith.constant 1.000000e-30 : f32
      %max3A_349 = vector.broadcast %max3A_348 : f32 to vector<16xf32>
      %max3A_350 = arith.maximumf %mul3A_347, %max3A_349 : vector<16xf32>
      %div3A = arith.divf %sub3A_344, %max3A_350 : vector<16xf32>
      %add3A_351 = arith.addf %scan3A_319, %div3A : vector<16xf32>
      scf.yield %add3A_351 : vector<16xf32>
    }
    %scan3A_309 = arith.constant 12 : i32
    %swap3A_310 = arith.constant 3 : i32
    %swap3A_311 = arith.index_cast %swap3A_310 : i32 to index
    %swap3A_312 = arith.constant 0 : index
    %swap3A_313 = tpu.vector_load %arg8[%swap3A_311, %swap3A_312] {strides = array<i32>} : memref<4x16xf32, #tpu.memory_space<vmem>>, vector<16xf32>,
    tpu.vector_store %arg8[%swap3A_311, %swap3A_312], %broadcast_in_dim3A_291 {strides = array<i32>} : memref<4x16xf32, #tpu.memory_space<vmem>>, vector<16xf32>,
    %swap3A_314 = arith.constant 3 : i32
    %swap3A_315 = arith.index_cast %swap3A_314 : i32 to index
    %swap3A_316 = arith.constant 0 : index
    %swap3A_317 = tpu.vector_load %arg9[%swap3A_315, %swap3A_316] {strides = array<i32>} : memref<4x16xf32, #tpu.memory_space<vmem>>, vector<16xf32>,
    tpu.vector_store %arg9[%swap3A_315, %swap3A_316], %scan3A_308 {strides = array<i32>} : memref<4x16xf32, #tpu.memory_space<vmem>>, vector<16xf32>,
    "tpu.region"() ({
      %run_scoped3A = tpu.sem_alloc : memref<!tpu.dma_semaphore, #tpu.memory_space<semaphore_mem>>
      %dma_start3A_318 = arith.constant 0 : i32
      %dma_start3A_319 = tpu.memref_slice %arg3[%mul3A_2, %dma_start3A_318] : memref<128x16xf32, #tpu.memory_space<hbm>> -> memref<4x16xf32, #tpu.memory_space<hbm>>
      %dma_start3A_320 = arith.constant 0 : i32
      %dma_start3A_321 = tpu.memref_slice %arg3[%mul3A_2, %dma_start3A_320] : memref<128x16xf32, #tpu.memory_space<hbm>> -> memref<4x16xf32, #tpu.memory_space<hbm>>
      tpu.enqueue_dma source(%arg8 : memref<4x16xf32, #tpu.memory_space<vmem>>) target(%dma_start3A_321 : memref<4x16xf32, #tpu.memory_space<hbm>>) target_semaphore(%run_scoped3A : memref<!tpu.dma_semaphore, #tpu.memory_space<semaphore_mem>>)
      %dma_wait3A_322 = arith.constant 0 : i32
      %dma_wait3A_323 = tpu.memref_slice %arg3[%mul3A_2, %dma_wait3A_322] : memref<128x16xf32, #tpu.memory_space<hbm>> -> memref<4x16xf32, #tpu.memory_space<hbm>>
      %dma_wait3A_324 = arith.constant 0 : i32
      %dma_wait3A_325 = tpu.memref_slice %arg3[%mul3A_2, %dma_wait3A_324] : memref<128x16xf32, #tpu.memory_space<hbm>> -> memref<4x16xf32, #tpu.memory_space<hbm>>
      tpu.wait_dma2 semaphore(%run_scoped3A : memref<!tpu.dma_semaphore, #tpu.memory_space<semaphore_mem>>) src(%arg8 : memref<4x16xf32, #tpu.memory_space<vmem>>) dst(%dma_wait3A_325 : memref<4x16xf32, #tpu.memory_space<hbm>>)
      tpu.yield
    }) : () -> ()
    "tpu.region"() ({
      %run_scoped3A = tpu.sem_alloc : memref<!tpu.dma_semaphore, #tpu.memory_space<semaphore_mem>>
      %dma_start3A_318 = arith.constant 0 : i32
      %dma_start3A_319 = tpu.memref_slice %arg4[%mul3A_2, %dma_start3A_318] : memref<128x16xf32, #tpu.memory_space<hbm>> -> memref<4x16xf32, #tpu.memory_space<hbm>>
      %dma_start3A_320 = arith.constant 0 : i32
      %dma_start3A_321 = tpu.memref_slice %arg4[%mul3A_2, %dma_start3A_320] : memref<128x16xf32, #tpu.memory_space<hbm>> -> memref<4x16xf32, #tpu.memory_space<hbm>>
      tpu.enqueue_dma source(%arg9 : memref<4x16xf32, #tpu.memory_space<vmem>>) target(%dma_start3A_321 : memref<4x16xf32, #tpu.memory_space<hbm>>) target_semaphore(%run_scoped3A : memref<!tpu.dma_semaphore, #tpu.memory_space<semaphore_mem>>)
      %dma_wait3A_322 = arith.constant 0 : i32
      %dma_wait3A_323 = tpu.memref_slice %arg4[%mul3A_2, %dma_wait3A_322] : memref<128x16xf32, #tpu.memory_space<hbm>> -> memref<4x16xf32, #tpu.memory_space<hbm>>
      %dma_wait3A_324 = arith.constant 0 : i32
      %dma_wait3A_325 = tpu.memref_slice %arg4[%mul3A_2, %dma_wait3A_324] : memref<128x16xf32, #tpu.memory_space<hbm>> -> memref<4x16xf32, #tpu.memory_space<hbm>>
      tpu.wait_dma2 semaphore(%run_scoped3A : memref<!tpu.dma_semaphore, #tpu.memory_space<semaphore_mem>>) src(%arg9 : memref<4x16xf32, #tpu.memory_space<vmem>>) dst(%dma_wait3A_325 : memref<4x16xf32, #tpu.memory_space<hbm>>)
      tpu.yield
    }) : () -> ()
    return
  }
}

module attributes {stable_mosaic.version = 14 : i64} {
  func.func @_tc_finish_block(%arg0: i32, %arg1: memref<16x32768xf32, #tpu.memory_space<vmem>>, %arg2: memref<16x16xf32, #tpu.memory_space<vmem>>, %arg3: memref<16x16xf32, #tpu.memory_space<vmem>>, %arg4: memref<16x32768xf32, #tpu.memory_space<vmem>>) attributes {dimension_semantics = [#tpu.dimension_semantics<arbitrary>], iteration_bounds = array<i64: 8>, scalar_prefetch = 0 : i64, scratch_operands = 0 : i64, tpu.core_type = #tpu.core_type<tc>, window_params = [{transform_indices = @transform_0, window_bounds = array<i64: 16, 32768>}, {transform_indices = @transform_1, window_bounds = array<i64: 16, 16>}, {transform_indices = @transform_2, window_bounds = array<i64: 16, 16>}, {transform_indices = @transform_3, window_bounds = array<i64: 16, 32768>}]} {
    %get3A = arith.constant 0 : index
    %get3A_0 = arith.constant 0 : index
    %get3A_1 = vector.load %arg2[%get3A, %get3A_0] : memref<16x16xf32, #tpu.memory_space<vmem>>, vector<16x1xf32>
    %get3A_2 = arith.constant 0 : index
    %get3A_3 = arith.constant 0 : index
    %get3A_4 = vector.load %arg3[%get3A_2, %get3A_3] : memref<16x16xf32, #tpu.memory_space<vmem>>, vector<16x1xf32>
    %get3A_5 = arith.constant 0 : index
    %get3A_6 = arith.constant 0 : index
    %get3A_7 = vector.load %arg1[%get3A_5, %get3A_6] : memref<16x32768xf32, #tpu.memory_space<vmem>>, vector<16x32768xf32>
    %sub3A = vector.broadcast %get3A_1 : vector<16x1xf32> to vector<16x32768xf32>
    %sub3A_8 = arith.subf %get3A_7, %sub3A : vector<16x32768xf32>
    %mul3A = arith.constant 5.000000e-01 : f32
    %mul3A_9 = vector.broadcast %mul3A : f32 to vector<16x32768xf32>
    %mul3A_10 = arith.mulf %sub3A_8, %mul3A_9 : vector<16x32768xf32>
    %sub3A_11 = vector.broadcast %get3A_4 : vector<16x1xf32> to vector<16x32768xf32>
    %sub3A_12 = arith.subf %mul3A_10, %sub3A_11 : vector<16x32768xf32>
    %max3A = arith.constant 0.000000e+00 : f32
    %max3A_13 = vector.broadcast %max3A : f32 to vector<16x32768xf32>
    %max3A_14 = arith.maximumf %sub3A_12, %max3A_13 : vector<16x32768xf32>
    %mul3A_15 = arith.mulf %max3A_14, %max3A_14 : vector<16x32768xf32>
    %swap3A = arith.constant 0 : index
    %swap3A_16 = arith.constant 0 : index
    %swap3A_17 = vector.load %arg4[%swap3A, %swap3A_16] : memref<16x32768xf32, #tpu.memory_space<vmem>>, vector<16x32768xf32>
    tpu.vector_store %arg4[%swap3A, %swap3A_16], %mul3A_15 {strides = array<i32>} : memref<16x32768xf32, #tpu.memory_space<vmem>>, vector<16x32768xf32>,
    return
  }
  func.func @transform_0(%arg0: i32) -> (i32, i32) {
    %c0_i32 = arith.constant 0 : i32
    %c0_i32_0 = arith.constant 0 : i32
    return %arg0, %c0_i32 : i32, i32
  }
  func.func @transform_1(%arg0: i32) -> (i32, i32) {
    %c0_i32 = arith.constant 0 : i32
    %c0_i32_0 = arith.constant 0 : i32
    return %arg0, %c0_i32 : i32, i32
  }
  func.func @transform_2(%arg0: i32) -> (i32, i32) {
    %c0_i32 = arith.constant 0 : i32
    %c0_i32_0 = arith.constant 0 : i32
    return %arg0, %c0_i32 : i32, i32
  }
  func.func @transform_3(%arg0: i32) -> (i32, i32) {
    %c0_i32 = arith.constant 0 : i32
    %c0_i32_0 = arith.constant 0 : i32
    return %arg0, %c0_i32 : i32, i32
  }
}

</mosaic_0001>

<sc_bundles>
// kernel: kernel.4.cloned.1.call-start
scs
__scs_entry_jumppad:
0x0: {  	(pc) =	sbr.rel $0x88, $3  }
0x1: {  	(tag) =	ssettag $0x0;
	lr =	simm.s32 $0x1  }
0x2: {  	[smem:$0x3FA0] =	sst lr;
	_ =	strace $0xD0000000  }
0x3: {  	_ = 	snop  }
0x4: {  	_ = 	snop  }
0x5: {  	_ = 	snop  }
0x6: {  	_ = 	snop  }
0x7: {  	_ = 	snop  }
__scs_overlays_trampoline_lowered:
0x8: {  	[smem:$0x3FAF] =	sst s0  }
0x9: {  	[smem:$0x3FB0] =	sst s1  }
0xa: {  	[smem:$0x3FB1] =	sst s2  }
0xb: {  	[smem:$0x3FB2] =	sst s3  }
0xc: {  	[smem:$0x3FB3] =	sst s4  }
0xd: {  	[smem:$0x3FB4] =	sst s5  }
0xe: {  	[smem:$0x3FB5] =	sst s6  }
0xf: {  	[smem:$0x3FB6] =	sst s7  }
0x10: {  	[smem:$0x3FB7] =	sst s8  }
0x11: {  	[smem:$0x3FB8] =	sst s9;
	s0 =	simm.s32 @!p0 $0x0  }
0x12: {  	s1 =	sld [smem:$0x3F9E];
	s0 =	simm.s32 @p0 $0x1  }
0x13: {  	[smem:$0x3FB9] =	sst s0;
	s0 =	simm.s32 @!p1 $0x0  }
0x14: {  	s2 =	sld [smem:$0x3F9D];
	s0 =	simm.s32 @p1 $0x1  }
0x15: {  	[smem:$0x3FBA] =	sst s0;
	s0 =	simm.s32 @!p2 $0x0  }
0x16: {  	s3 =	sld [smem:$0x3FDB];
	s0 =	simm.s32 @p2 $0x1  }
0x17: {  	s4 =	simm.s32 $0x1BF5;
	[smem:$0x3FBC] =	sst s0  }
0x18: {  	s0 =	sld [smem:$0x3F9F];
	_ =	swait.ge [sflag:s4], $0x0  }
0x19: {  	s7 =	sld [smem:$0x3FA0]  }
0x1a: {  	s8 =	sadd.s32 $0xFFFFE003, lr  }
0x1b: {  	s9 =	sadd.s32 $0xFFFFFEF7, lr;
	s5 =	simm.s32 $0xFFFFFFFF;
	p2 =	slt.u32 s8, $0xFFFFF086  }
0x1c: {  	p1 =	slt.u32 s9, $0xF7A;
	s5 =	simm.s32 @!p2 $0x0  }
0x1d: {  	s5 =	simm.s32 @p1 $0x1;
	p0 =	seq.s32 s7, s2  }
0x1e: {  	s7 =	smul.u32 @!p0 $0xF7A, s2;
	p2 =	seq.s32 @!p0 s5, $0x0  }
0x1f: {  	s9 =	smul.u32 $0xF7A, s1;
	s8 =	simm.s32 @!p0 $0x1BF5;
	p2 =	por !p2, p0  }
0x20: {  	[sflag:s8] =	ssyncset.s32 @!p0 $0xFFFFF086;
	s6 =	sadd.s32 @!p0 s3, s7;
	s7 =	simm.s32 @!p0 $0x108  }
0x21: {  	s3 =	sadd.s32 s3, s9;
	s6 =	sadd.s32 @!p0 $0x88, s6;
	s7 =	simm.s32 @p2 $0x1082  }
0x22: {  	[simem:s7], [sflag:s8] =	dma.local @!p0 [hbm:s6], $0xF7A  }
0x23: {  	s9 =	sor.u32 $0xD0000000, s2;
	s6 =	simm.s32 $0x108;
	_ =	swait.ge @!p0 [sflag:s8], $0x0  }
0x24: {  	s3 =	sadd.s32 $0x88, s3;
	s6 =	simm.s32 @!p1 $0x1082;
	[sflag:s4] =	ssyncset.s32 $0xFFFFF086  }
0x25: {  	[simem:s6], [sflag:s4] =	dma.local [hbm:s3], $0xF7A  }
0x26: {  	[smem:$0x3FA0] =	sst s1;
	(tag) =	ssettag s2;
	_ =	strace s9  }
0x27: {  	s1 =	sld [smem:$0x3FB0]  }
0x28: {  	s2 =	sld [smem:$0x3FB1]  }
0x29: {  	s4 =	sld [smem:$0x3FB3]  }
0x2a: {  	p0 =	seq.s32 s5, $0x0;
	s5 =	sld [smem:$0x3FB4]  }
0x2b: {  	s6 =	sld [smem:$0x3FB5]  }
0x2c: {  	s7 =	sld [smem:$0x3FB6]  }
0x2d: {  	s3 =	simm.s32 $0x108;
	s8 =	sld [smem:$0x3FB7]  }
0x2e: {  	s3 =	simm.s32 @!p0 $0x1082;
	s9 =	sld [smem:$0x3FB8]  }
0x2f: {  	lr =	sadd.s32 s0, s3;
	s0 =	sld [smem:$0x3FAF]  }
0x30: {  	s3 =	sld [smem:$0x3FB2]  }
0x31: {  	[smem:$0x3FBB] =	sst s10  }
0x32: {  	s10 =	sld [smem:$0x3FB9];
	_ =	sdelay $0x3  }
0x33: {  	p0 =	seq.s32 s10, $0x1;
	s10 =	sld [smem:$0x3FBB];
	_ =	sdelay $0x3  }
0x34: {  	[smem:$0x3FBB] =	sst s10  }
0x35: {  	s10 =	sld [smem:$0x3FBA];
	_ =	sdelay $0x3  }
0x36: {  	p1 =	seq.s32 s10, $0x1;
	s10 =	sld [smem:$0x3FBB];
	_ =	sdelay $0x3  }
0x37: {  	[smem:$0x3FBB] =	sst s10  }
0x38: {  	s10 =	sld [smem:$0x3FBC]  }
0x39: {  	_ = 	snop;
	(pc) =	sbr.ind lr, $3  }
0x3a: {  	_ = 	snop  }
0x3b: {  	_ = 	snop  }
0x3c: {  	p2 =	seq.s32 s10, $0x1;
	s10 =	sld [smem:$0x3FBB]  }
0x3d: {  	_ =	shalt  }
0x3e: {  	_ =	shalt  }
0x3f: {  	_ =	shalt  }
0x40: {  	_ =	shalt  }
0x41: {  	_ =	shalt  }
0x42: {  	_ =	shalt  }
0x43: {  	_ =	shalt  }
0x44: {  	_ =	shalt  }
0x45: {  	_ =	shalt  }
0x46: {  	_ =	shalt  }
0x47: {  	_ =	shalt  }
0x48: {  	_ =	shalt  }
0x49: {  	_ =	shalt  }
0x4a: {  	_ =	shalt  }
0x4b: {  	_ =	shalt  }
0x4c: {  	_ =	shalt  }
0x4d: {  	_ =	shalt  }
0x4e: {  	_ =	shalt  }
0x4f: {  	_ =	shalt  }
0x50: {  	_ =	shalt  }
0x51: {  	_ =	shalt  }
0x52: {  	_ =	shalt  }
0x53: {  	_ =	shalt  }
0x54: {  	_ =	shalt  }
0x55: {  	_ =	shalt  }
0x56: {  	_ =	shalt  }
0x57: {  	_ =	shalt  }
0x58: {  	_ =	shalt  }
0x59: {  	_ =	shalt  }
0x5a: {  	_ =	shalt  }
0x5b: {  	_ =	shalt  }
0x5c: {  	_ =	shalt  }
0x5d: {  	_ =	shalt  }
0x5e: {  	_ =	shalt  }
0x5f: {  	_ =	shalt  }
0x60: {  	_ =	shalt  }
0x61: {  	_ =	shalt  }
0x62: {  	_ =	shalt  }
0x63: {  	_ =	shalt  }
0x64: {  	_ =	shalt  }
0x65: {  	_ =	shalt  }
0x66: {  	_ =	shalt  }
0x67: {  	_ =	shalt  }
0x68: {  	_ =	shalt  }
0x69: {  	_ =	shalt  }
0x6a: {  	_ =	shalt  }
0x6b: {  	_ =	shalt  }
0x6c: {  	_ =	shalt  }
0x6d: {  	_ =	shalt  }
0x6e: {  	_ =	shalt  }
0x6f: {  	_ =	shalt  }
0x70: {  	_ =	shalt  }
0x71: {  	_ =	shalt  }
0x72: {  	_ =	shalt  }
0x73: {  	_ =	shalt  }
0x74: {  	_ =	shalt  }
0x75: {  	_ =	shalt  }
0x76: {  	_ =	shalt  }
0x77: {  	_ =	shalt  }
0x78: {  	_ =	shalt  }
0x79: {  	_ =	shalt  }
0x7a: {  	_ =	shalt  }
0x7b: {  	_ =	shalt  }
0x7c: {  	_ =	shalt  }
0x7d: {  	_ =	shalt  }
0x7e: {  	_ =	shalt  }
0x7f: {  	_ =	shalt  }
0x80: {  	_ =	shalt  }
0x81: {  	_ =	shalt  }
0x82: {  	_ =	shalt  }
0x83: {  	_ =	shalt  }
0x84: {  	_ =	shalt  }
0x85: {  	_ =	shalt  }
0x86: {  	_ =	shalt  }
0x87: {  	_ =	shalt  }
.Lfunc_end0:
.L_simem_size_0:
called_computation_lowered:
.L_overlay_start_0:
0x88: {  	s2 =	sld [smem:$0x3FD9]  }
0x89: {  	s3 =	sld [smem:$0x3FFE];
	_ =	sdelay $0x1  }
0x8a: {  	s1 =	srdreg.scid  }
0x8b: {  	s0 =	sand.u32 $0x1, s1  }
0x8c: {  	s17 =	sshll.u32 s0, $0xA;
	s2 =	sadd.s32 s3, s2  }
0x8d: {  	s2 =	sadd.s32 s2, s17  }
0x8e: {  	[smem:$0x3FC7] =	sst s2  }
0x8f: {  	_ = 	snop  }
0x90: {  	s2 =	sld [smem:$0x3FC9]  }
0x91: {  	s18 =	sld [smem:$0x3FD0];
	(tm) =	ssettm $0x1  }
0x92: {  	s4 =	sld [smem:$0x3FFB];
	_ =	sdelay $0x3  }
0x93: {  	_ =	strace s4  }
0x94: {  	s4 =	sld [smem:$0x3FFC];
	_ =	sdelay $0x3  }
0x95: {  	_ =	strace s4  }
0x96: {  	s4 =	sld [smem:$0x3FFD];
	_ =	sdelay $0x3  }
0x97: {  	_ =	strace s4  }
0x98: {  	_ =	strace $0x8FFFFFFF  }
0x99: {  	s19 =	sld [smem:$0x3FDB];
	_ =	sdelay $0x1  }
0x9a: {  	s5 =	simm.s32 $_scs_section_size  }
0x9b: {  	s6 =	simm.s32 $_size__tile_overlayer_lowered;
	s7 =	simm.s32 $_tile_overlayer_lowered  }
0x9c: {  	s22 =	simm.s32 $0x1BFF;
	s21 =	sshll.u32 s7, $0x1;
	s4 =	sadd.s32 s5, s19  }
0x9d: {  	s8 =	simm.s32 $0x0;
	s20 =	sshll.u32 s6, $0x1;
	s6 =	sadd.s32 s21, s4  }
0x9e: {  	[timem:s8], [sflag:s22] =	dma.local [hbm:s6], s20  }
0x9f: {  	_ =	swait.ge [sflag:s22], s20  }
0xa0: {  	s5 =	ssub.s32 $0x0, s20;
	[sflag:s22] =	ssyncset.done $0x0  }
0xa1: {  	[sflag:s22] =	ssyncadd.s32 s5;
	_ =	sdelay $0x1  }
0xa2: {  	s23 =	simm.s32 $0x1B8B  }
0xa3: {  	_ =	swait.ge [sflag:s23], $0x1  }
0xa4: {  	[sflag:s23] =	ssyncset.done $0x0  }
0xa5: {  	s25 =	simm.s32 $0x1B8E;
	s24 =	sld [smem:$0x3FFE];
	[sflag:s23] =	ssyncadd.s32 $0xFFFFFFFF  }
0xa6: {  	s26 =	simm.s32 $execute0_lowered;
	[smem:$0x3FD2] =	sst s25  }
0xa7: {  	s6 =	sshll.u32 s26, $0x1;
	_ =	strace $0x80000046;
	[dreg:$0x1] =	wrdreg $0xFFFFFFFF  }
0xa8: {  	s28 =	simm.s32 $_size_execute0_lowered;
	s4 =	sadd.s32 s4, s6;
	[dreg:$0x0] =	wrdreg $0x0  }
0xa9: {  	s6 =	sshll.u32 s28, $0x1;
	[dreg:$0x2] =	wrdreg s4  }
0xaa: {  	[dreg:$0x3] =	wrdreg s6  }
0xab: {  	[dreg:$0x4] =	wrdreg $0xC0  }
0xac: {  	_ =	task [dreg:s8], $0x5FFFF  }
0xad: {  	[dreg:$0x1] =	wrdreg $0xFFFFFFFF  }
0xae: {  	[dreg:$0x0] =	wrdreg $0x60  }
0xaf: {  	[dreg:$0x2] =	wrdreg s2  }
0xb0: {  	[dreg:$0x3] =	wrdreg s18  }
0xb1: {  	[dreg:$0x4] =	wrdreg s24  }
0xb2: {  	[dreg:$0x5] =	wrdreg $0x9  }
0xb3: {  	_ =	task.clear_ibuf [dreg:s8], $0x6FFFF;
	_ =	strace $0x90000046  }
0xb4: {  	s29 =	simm.s32 $0x9;
	_ =	strace $0x80000048  }
0xb5: {  	_ =	swait.ge [sflag:s29], $0x1  }
0xb6: {  	[sflag:s29] =	ssyncadd.s32 $0xFFFFFFFF  }
0xb7: {  	_ =	strace $0x90000048  }
0xb8: {  	_ =	sfence  }
0xb9: {  	s30 =	sld [smem:$0x0];
	_ =	sdelay $0x2  }
0xba: {  	s31 =	sshll.u32 s1, $0xD;
	s1 =	sshrl.u32 s1, $0x2  }
0xbb: {  	s3 =	sand.u32 $0x4000, s31;
	s1 =	sadd.s32 s1, s30  }
0xbc: {  	s0 =	sor.u32 s3, s0;
	s1 =	sshll.u32 s1, $0x11  }
0xbd: {  	s0 =	sor.u32 s1, s0  }
0xbe: {  	s0 =	sadd.s32 $0x8F2B, s0  }
0xbf: {  	[sflag:s0] =	ssyncadd.remote.s32 $0x1  }
0xc0: {  	_ =	sfence.sel $0xFFFF  }
0xc1: {  	[dreg:$0x0] =	wrdreg $0xFFFFFFFF;
	(pc) =	sbr.abs _section_cstart, $3  }
0xc2: {  	[dreg:$0x1] =	wrdreg $0xFFFFFFFF  }
0xc3: {  	_ =	task.clear_ibuf [dreg:s8], $0x2FFFF;
	_ =	strace $0x9FFFFFFF  }
0xc4: {  	(tm) =	ssettm $0x7FFFFFFF  }
0xc5: {  	_ =	shalt  }
tec
execute0_lowered:
.L_overlay_start_1:
0x0: {  	(tag) =	ssettag $0x1  }
0x1: {  	s3 =	rddreg [dreg:$0x0]  }
0x2: {  	s7 =	rddreg [dreg:$0x1]  }
0x3: {  	s4 =	rddreg [dreg:$0x2]  }
0x4: {  	s0 =	rddreg [dreg:$0x3];
	s5 =	srdreg.scid;
	s2 =	simm.s32 $0x0  }
0x5: {  	s1 =	stileid.u32;
	s11 =	simm.s32 $0x400;
	s12 =	simm.s32 $0x8000  }
0x6: {  	s13 =	simm.s32 $0x1;
	s14 =	simm.s32 $0x10000;
	s15 =	simm.s32 $0x2  }
0x7: {  	s16 =	simm.s32 $0x12000;
	s17 =	simm.s32 $0x3;
	s18 =	simm.s32 $0x12200  }
0x8: {  	s19 =	simm.s32 $0x0;
	s5 =	sand.u32 $0x1, s5;
	[smem:$0x7FF] =	sst s2  }
0x9: {  	s8 =	sshll.u32 s1, $0x12;
	s9 =	sshll.u32 s1, $0xA;
	s6 =	sshll.u32 s5, $0x9  }
0xa: {  	_ =	strace $0x80000047;
	s5 =	ssub.s32 $0x2, s5;
	s8 =	sor.u32 s6, s8  }
.Ltmp0:
0xb: {  	s6 =	sor.u32 s6, s9;
	s30 =	sshrl.u32 s5, $0x1;
	(pc) =	sbr.rel .LBB2_1-.Ltmp0, $4  }
0xc: {  	s8 =	sshrl.u32 s8, $0x3;
	s9 =	sshrl.u32 s6, $0x3;
	s10 =	ssub.s32 s5, s30  }
0xd: {  	s3 =	sadd.s32 s3, s8;
	s31 =	sadd.s32 s9, s4;
	s7 =	sadd.s32 s7, s9  }
0xe: {  	s9 =	smax.u32 s10, $0x1;
	s10 =	simm.s32 $0x80;
	s4 =	sadd.s32 $0x10, s3  }
0xf: {  	v0 =	vimm.s32 $0x0;
	v1 =	vimm.f32 $-1.000000020e+30;
	s5 =	sadd.s32 $0x20, s3;
	s6 =	sadd.s32 $0x30, s3;
	s8 =	sadd.s32 $0xE00, s31  }
.LBB2_61:
0x10: {  	[tilespmem:$0x12180] =	vst v2  }
0x11: {  	[tilespmem:$0x12380] =	vst v3  }
0x12: {  	[hbm4b:s7+s2] =	stream.linear.scatter [tilespmem:s16], [sflag:$0x3], $0x200, $0x38;
	[tilespmem:$0x12400] =	vst v63  }
0x13: {  	s19 =	sadd.s32 $0x1, s19;
	_ =	swait.ge [sflag:s17], $0x200  }
0x14: {  	p0 =	sne.s32 s19, s9;
	[sflag:s17] =	ssyncset.done $0x0  }
.Ltmp1:
0x15: {  	[sflag:s17] =	ssyncadd.s32 $0xFFFFFE00;
	(pc) =	sbr.rel @!p0 .LBB2_62-.Ltmp1, $4  }
0x16: {  	[hbm4b:s8+s2] =	stream.linear.scatter [tilespmem:s18], [sflag:$0x3], $0x200, $0x38;
	[tilespmem:$0x12400] =	vst v63  }
0x17: {  	_ =	swait.ge [sflag:s17], $0x200  }
0x18: {  	[sflag:s17] =	ssyncset.done $0x0  }
0x19: {  	[sflag:s17] =	ssyncadd.s32 $0xFFFFFE00  }
.LBB2_1:
0x1a: {  	[tilespmem:s2], [sflag:$0x1] =	stream.strided.gather [hbm4b:s3+s10], $0x8000, s11, s10, $0x38;
	[tilespmem:$0x12400] =	vst v63  }
0x1b: {  	_ = 	snop  }
0x1c: {  	[tilespmem:s12], [sflag:$0x2] =	stream.strided.gather [hbm4b:s4+s10], $0x8000, s11, s10, $0x38;
	[tilespmem:$0x12400] =	vst v63  }
0x1d: {  	_ =	swait.ge [sflag:s13], $0x8000  }
0x1e: {  	[sflag:s13] =	ssyncset.done $0x0  }
0x1f: {  	s20 =	simm.s32 $0x0;
	[sflag:s13] =	ssyncadd.s32 $0xFFFF8000  }
0x20: {  	v2 =	vld [tilespmem:s20+$0xE0]  }
0x21: {  	v4 =	vld [tilespmem:s20+$0xC0]  }
0x22: {  	v3 =	vld [tilespmem:s20+$0xA0]  }
0x23: {  	v5 =	vld [tilespmem:s20+$0x80]  }
0x24: {  	v6 =	vld [tilespmem:s20+$0x60]  }
0x25: {  	v7 =	vld [tilespmem:s20+$0x40]  }
0x26: {  	v8 =	vld [tilespmem:s20+$0x20]  }
0x27: {  	v9 =	vimm.f32 $-3.000000010e+38;
	s21 =	simm.s32 $0x400;
	v10 =	vimm.f32 $-3.000000010e+38;
	v11 =	vld [tilespmem:s20+$0x0]  }
.LBB2_2:
0x28: {  	p0 =	sne.s32 s21, $0x1FC00;
	v12 =	vld [tilespmem:s20+$0x10]  }
0x29: {  	v13 =	vld [tilespmem:s20+$0x30]  }
0x2a: {  	v14 =	vld [tilespmem:s20+$0x50]  }
0x2b: {  	v15 =	vld [tilespmem:s20+$0x70]  }
0x2c: {  	v16 =	vld [tilespmem:s20+$0x90]  }
0x2d: {  	v9 =	vmax.f32 v9, v11;
	v10 =	vmax.f32 v10, v12;
	v11 =	vld [tilespmem:s20+$0xB0]  }
0x2e: {  	v8 =	vmax.f32 v9, v8;
	v9 =	vmax.f32 v10, v13;
	v10 =	vld [tilespmem:s20+$0xD0]  }
0x2f: {  	v7 =	vmax.f32 v8, v7;
	v8 =	vmax.f32 v9, v14;
	v12 =	vld [tilespmem:s20+$0xF0];
	s20 =	sshra.s32 s21, $0x2  }
0x30: {  	v6 =	vmax.f32 v7, v6;
	v13 =	vld [tilespmem:s20+$0xE0];
	v7 =	vmax.f32 v8, v15  }
0x31: {  	v5 =	vmax.f32 v6, v5;
	v14 =	vld [tilespmem:s20+$0xC0];
	v6 =	vmax.f32 v7, v16  }
0x32: {  	v7 =	vmax.f32 v5, v3;
	v3 =	vld [tilespmem:s20+$0xA0];
	v6 =	vmax.f32 v6, v11  }
.Ltmp2:
0x33: {  	v4 =	vmax.f32 v7, v4;
	v5 =	vld [tilespmem:s20+$0x80];
	v7 =	vmax.f32 v6, v10;
	(pc) =	sbr.rel @p0 .LBB2_2-.Ltmp2, $4  }
0x34: {  	v9 =	vmax.f32 v4, v2;
	v6 =	vld [tilespmem:s20+$0x60];
	v10 =	vmax.f32 v7, v12  }
0x35: {  	v7 =	vld [tilespmem:s20+$0x40];
	v2 =	vmov v13  }
0x36: {  	v8 =	vld [tilespmem:s20+$0x20];
	v4 =	vmov v14  }
0x37: {  	s21 =	sadd.s32 $0x400, s21;
	v11 =	vld [tilespmem:s20+$0x0]  }
0x38: {  	v12 =	vld [tilespmem:s20+$0x10]  }
0x39: {  	v13 =	vld [tilespmem:s20+$0x30]  }
0x3a: {  	v14 =	vld [tilespmem:s20+$0x50]  }
0x3b: {  	v15 =	vld [tilespmem:s20+$0x70]  }
0x3c: {  	v16 =	vld [tilespmem:s20+$0x90]  }
0x3d: {  	v9 =	vmax.f32 v9, v11;
	v11 =	vld [tilespmem:s20+$0xB0];
	v10 =	vmax.f32 v10, v12  }
0x3e: {  	v8 =	vmax.f32 v9, v8;
	v9 =	vmax.f32 v10, v13;
	v10 =	vld [tilespmem:s20+$0xD0]  }
0x3f: {  	v7 =	vmax.f32 v8, v7;
	v8 =	vmax.f32 v9, v14;
	v9 =	vld [tilespmem:s20+$0xF0]  }
0x40: {  	v6 =	vmax.f32 v7, v6;
	v7 =	vmax.f32 v8, v15  }
0x41: {  	v5 =	vmax.f32 v6, v5;
	v6 =	vmax.f32 v7, v16  }
0x42: {  	v3 =	vmax.f32 v5, v3;
	v5 =	vmax.f32 v6, v11  }
0x43: {  	v3 =	vmax.f32 v3, v4;
	v4 =	vmax.f32 v5, v10  }
0x44: {  	v2 =	vmax.f32 v3, v2;
	v3 =	vmax.f32 v4, v9  }
0x45: {  	v2 =	vmax.f32 v2, v3  }
0x46: {  	(xrf0) =	vmax.scan.msk.f32 $0xffff, v2;
	_ =	sdelay $0x5  }
0x47: {  	v2, _, _ =	vpop (xrf0)  }
0x48: {  	(v2sf) =	vpush v2, $0xF;
	_ =	sdelay $0x8  }
0x49: {  	s31 =	simm.s32 $0x0  }
0x4a: {  	v23 =	vld [tilespmem:s31+$0x0]  }
0x4b: {  	v16 =	vld [tilespmem:s31+$0x10]  }
0x4c: {  	v11 =	vld [tilespmem:s31+$0x20]  }
0x4d: {  	v5 =	vld [tilespmem:s31+$0x40]  }
0x4e: {  	v3 =	vld [tilespmem:s31+$0x50]  }
0x4f: {  	v4 =	vld [tilespmem:s31+$0x60];
	s21 =	spop (v2sf)  }
0x50: {  	v9 =	vld [tilespmem:s31+$0x30];
	s21 =	sadd.f32 $-2.000000000e+00, s21  }
0x51: {  	v8 =	vld [tilespmem:s31+$0x70]  }
0x52: {  	v12 =	vimm.s32 $0x0;
	v7 =	vmov s21  }
0x53: {  	vm3 =	vge.f32 v11, v7;
	vm13 =	vge.f32 v23, v7;
	vm0 =	vge.f32 v3, v7  }
0x54: {  	vm1 =	vge.f32 v5, v7;
	vm9 =	vge.f32 v16, v7;
	v6 =	vsel vm3, $0x1, v0  }
0x55: {  	vm2 =	vge.f32 v4, v7;
	vm6 =	vge.f32 v9, v7;
	v10 =	vsel vm13, $0x1, v0;
	(xrf0) =	vadd.scan.msk.s32 $0xffff, v6  }
0x56: {  	vm4 =	vge.f32 v8, v7;
	v13 =	vmpcnt.ones.xlane vm13;
	v14 =	vmpcnt.ones.xlane vm1;
	(xrf0) =	vadd.scan.msk.s32 $0xffff, v10  }
0x57: {  	v15 =	vmpcnt.ones.xlane vm0;
	v6 =	vsel vm0, $0x1, v0;
	v10 =	vsel vm1, $0x1, v0  }
0x58: {  	v18 =	vadd.s32 v12, v13;
	v13 =	vsel vm9, $0x1, v0;
	(xrf0) =	vadd.scan.msk.s32 $0xffff, v6;
	v6 =	vimm.s32 $0x0  }
0x59: {  	v17 =	vmpcnt.ones.xlane vm2;
	v6 =	vsel vm1, $0xFFFFFFFF, v6;
	(xrf0) =	vadd.scan.msk.s32 $0xffff, v10;
	v10 =	vimm.s32 $0x0  }
0x5a: {  	v20 =	vsel vm2, $0x1, v0;
	[tilespmem:$0x1FFE0] =	vst v6;
	v6 =	vmpcnt.ones.xlane vm9;
	v10 =	vsel vm0, $0xFFFFFFFF, v10  }
0x5b: {  	v22 =	vmpcnt.ones.xlane vm3;
	v24 =	vmpcnt.ones.xlane vm4;
	(xrf0) =	vadd.scan.msk.s32 $0xffff, v13;
	[tilespmem:$0x1FFF0] =	vst v10;
	v10 =	vld [tilespmem:s31+$0x80];
	v13, _, _ =	vpop (xrf0)  }
0x5c: {  	v33 =	vsel vm4, $0x1, v0;
	v19 =	vadd.s32 v6, v18;
	v6 =	vld [tilespmem:s31+$0xF0];
	(xrf0) =	vadd.scan.msk.s32 $0xffff, v20;
	v20 =	vmpcnt.ones.xlane vm6;
	v25, _, _ =	vpop (xrf0)  }
0x5d: {  	v21 =	vadd.s32 v19, v13;
	v27 =	vadd.s32 v22, v19;
	v25 =	vadd.s32 v25, v12  }
0x5e: {  	v21 =	vadd.s32 $0xFFFFFFFF, v21;
	v19 =	vadd.s32 v20, v27;
	v22 =	vadd.s32 $0xFFFFFFFF, v25  }
0x5f: {  	v13 =	vld [tilespmem:s31+$0x90];
	v26, _, _ =	vpop (xrf0);
	v25 =	vsel vm6, $0x1, v0;
	v28 =	vadd.s32 v14, v19;
	vm15 =	vlt.s32 v21, $0x1FFF  }
0x60: {  	v12 =	vld [tilespmem:s31+$0xE0];
	v20, _, _ =	vpop (xrf0);
	vm0 =	vlt.s32 v22, $0x1FFF;
	vm8 =	vge.f32 v10, v7;
	v29 =	vadd.s32 v15, v28  }
0x61: {  	v61 =	vadd.s32 v28, v26;
	v20 =	vadd.s32 v19, v20;
	vm5 =	vge.f32 v6, v7  }
0x62: {  	v14 =	vld [tilespmem:s31+$0xD0];
	(xrf0) =	vadd.scan.msk.s32 $0xffff, v25;
	v31 =	vnsel vm0, $0x1FFF, v22;
	v32 =	vadd.s32 v17, v29;
	v34 =	vmpcnt.ones.xlane vm8  }
0x63: {  	v15 =	vld [tilespmem:s31+$0xA0];
	v30, _, _ =	vpop (xrf0);
	(xrf0) =	vadd.scan.msk.s32 $0xffff, v33;
	v35 =	vsel vm8, $0x1, v0;
	v33 =	vadd.s32 $0xFFFFFFFF, v61;
	v19 =	vmpcnt.ones.xlane vm5  }
0x64: {  	v17, _, _ =	vpop (xrf0);
	vm10 =	vge.f32 v13, v7;
	v22 =	vsel vm5, $0x1, v0;
	v18 =	vadd.s32 v18, v30  }
0x65: {  	v30 =	vadd.s32 $0xFFFFFFFF, v20;
	vm7 =	vge.f32 v12, v7;
	v25 =	vadd.s32 v29, v17  }
0x66: {  	v17 =	vld [tilespmem:s31+$0xC0];
	v29 =	vadd.s32 $0xFFFFFFFF, v18;
	v28 =	vmpcnt.ones.xlane vm10;
	v18 =	vadd.s32 $0xFFFFFFFF, v25  }
0x67: {  	v26 =	vsel vm10, $0x1, v0;
	vm0 =	vlt.s32 v29, $0x1FFF;
	vm12 =	vlt.s32 v18, $0x1FFF  }
0x68: {  	vm11 =	vge.f32 v14, v7;
	v20 =	vnsel vm12, $0x1FFF, v18;
	v18 =	vld [tilespmem:s31+$0xB0];
	vm12 =	vge.f32 v15, v7  }
0x69: {  	v25 =	vadd.s32 v24, v32;
	v24 =	vmpcnt.ones.xlane vm11;
	v36, _, _ =	vpop (xrf0);
	[tilespmem:v31+s14+$0x0] =	vst.idx.msk vm13, v23;
	v31 =	vmpcnt.ones.xlane vm12  }
0x6a: {  	v23, _, _ =	vpop (xrf0);
	(xrf0) =	vadd.scan.msk.s32 $0xffff, v26;
	v26 =	vnsel vm0, $0x1FFF, v29;
	v36 =	vadd.s32 v27, v36;
	v29 =	vsel vm11, $0x1, v0  }
0x6b: {  	vm0 =	vlt.s32 v30, $0x1FFF;
	v62 =	vsel vm12, $0x1, v0;
	vm13 =	vge.f32 v17, v7;
	(xrf0) =	vadd.scan.msk.s32 $0xffff, v35  }
0x6c: {  	v27 =	vadd.s32 v32, v23;
	v23 =	vnsel vm0, $0x1FFF, v30;
	v30 =	vadd.s32 v34, v25;
	(xrf0) =	vadd.scan.msk.s32 $0xffff, v29  }
0x6d: {  	v32 =	vadd.s32 $0xFFFFFFFF, v36;
	v63 =	vsel vm13, $0x1, v0;
	(xrf0) =	vadd.scan.msk.s32 $0xffff, v62;
	vm14 =	vge.f32 v18, v7  }
0x6e: {  	s20 =	simm.s32 $0x400;
	v29 =	vmpcnt.ones.xlane vm13;
	(xrf0) =	vadd.scan.msk.s32 $0xffff, v63;
	v34 =	vmpcnt.ones.xlane vm14;
	v35 =	vsel vm14, $0x1, v0  }
.LBB2_4:
0x6f: {  	_ = 	snop  }
0x70: {  	v37, _, _ =	vpop (xrf0)  }
0x71: {  	v28 =	vadd.s32 v28, v30;
	v50, _, _ =	vpop (xrf0)  }
0x72: {  	vm0 =	vlt.s32 v32, $0x1FFF;
	v21 =	vnsel vm15, $0x1FFF, v21;
	(xrf0) =	vadd.scan.msk.s32 $0xffff, v35;
	v52, _, _ =	vpop (xrf0)  }
0x73: {  	[tilespmem:v26+s14+$0x0] =	vst.idx.msk vm9, v16;
	v26 =	vsel vm7, $0x1, v0;
	v51 =	vadd.s32 v25, v50;
	(xrf0) =	vadd.scan.msk.s32 $0xffff, v22;
	v25, _, _ =	vpop (xrf0)  }
0x74: {  	v31 =	vadd.s32 v31, v28;
	v25 =	vadd.s32 v28, v25;
	v28, _, _ =	vpop (xrf0);
	(xrf0) =	vadd.scan.msk.s32 $0xffff, v26;
	v26 =	vnsel vm0, $0x1FFF, v32;
	_ =	sdelay $0x1  }
0x75: {  	v30 =	vadd.s32 v30, v37  }
0x76: {  	v30 =	vadd.s32 $0xFFFFFFFF, v30  }
0x77: {  	vm9 =	vlt.s32 v30, $0x1FFF;
	[tilespmem:v21+s14+$0x0] =	vst.idx.msk vm3, v11  }
0x78: {  	[tilespmem:v26+s14+$0x0] =	vst.idx.msk vm6, v9;
	v9 =	vnsel vm9, $0x1FFF, v30;
	v30 =	vld [tilespmem:$0x1FFE0];
	_ =	sdelay $0x1  }
0x79: {  	vm1 =	vlt.s32 v33, $0x1FFF;
	v22 =	vadd.s32 $0xFFFFFFFF, v51  }
0x7a: {  	v27 =	vadd.s32 $0xFFFFFFFF, v27;
	v16 =	vnsel vm1, $0x1FFF, v33;
	vm1 =	vlt.s32 v22, $0x1FFF  }
0x7b: {  	v22 =	vnsel vm1, $0x1FFF, v22;
	vm1 =	vlt.s32 v27, $0x1FFF  }
0x7c: {  	v25 =	vadd.s32 $0xFFFFFFFF, v25;
	v27 =	vnsel vm1, $0x1FFF, v27;
	vm1 =	vnez.u8 v30  }
0x7d: {  	v53 =	vadd.s32 v34, v31;
	vm0 =	vlt.s32 v25, $0x1FFF  }
0x7e: {  	v11 =	vnsel vm0, $0x1FFF, v25;
	v25 =	vadd.s32 v53, v28;
	v28 =	vadd.s32 v29, v53  }
0x7f: {  	v54, _, _ =	vpop (xrf0)  }
0x80: {  	v36 =	vmpcnt.ones.xlane vm7;
	v29, _, _ =	vpop (xrf0)  }
0x81: {  	v21 =	vadd.s32 v31, v54;
	v31 =	vadd.s32 v28, v52;
	v24 =	vadd.s32 v24, v28;
	v28, _, _ =	vpop (xrf0)  }
0x82: {  	[tilespmem:v23+s14+$0x0] =	vst.idx.msk vm1, v5;
	v5 =	vadd.s32 v24, v28;
	v23 =	vadd.s32 v36, v24;
	v24 =	vld [tilespmem:$0x1FFF0];
	_ =	sdelay $0x4  }
0x83: {  	vm3 =	vnez.u8 v24;
	_ =	sdelay $0x4  }
0x84: {  	v21 =	vadd.s32 $0xFFFFFFFF, v21  }
0x85: {  	v25 =	vadd.s32 $0xFFFFFFFF, v25;
	vm0 =	vlt.s32 v21, $0x1FFF;
	v26 =	vadd.s32 $0xFFFFFFFF, v31;
	[tilespmem:v16+s14+$0x0] =	vst.idx.msk vm3, v3  }
0x86: {  	v21 =	vnsel vm0, $0x1FFF, v21;
	vm0 =	vlt.s32 v25, $0x1FFF;
	vm1 =	vlt.s32 v26, $0x1FFF;
	[tilespmem:v20+s14+$0x0] =	vst.idx.msk vm2, v4  }
0x87: {  	v5 =	vadd.s32 $0xFFFFFFFF, v5;
	v16 =	vadd.s32 v23, v29;
	v4 =	vnsel vm0, $0x1FFF, v25;
	[tilespmem:v27+s14+$0x0] =	vst.idx.msk vm4, v8  }
0x88: {  	v3 =	vnsel vm1, $0x1FFF, v26;
	v16 =	vadd.s32 $0xFFFFFFFF, v16;
	vm0 =	vlt.s32 v5, $0x1FFF;
	[tilespmem:v22+s14+$0x0] =	vst.idx.msk vm8, v10  }
0x89: {  	vm1 =	vlt.s32 v16, $0x1FFF;
	v5 =	vnsel vm0, $0x1FFF, v5;
	[tilespmem:v9+s14+$0x0] =	vst.idx.msk vm10, v13  }
0x8a: {  	v8 =	vnsel vm1, $0x1FFF, v16;
	[tilespmem:v11+s14+$0x0] =	vst.idx.msk vm12, v15  }
0x8b: {  	[tilespmem:v21+s14+$0x0] =	vst.idx.msk vm14, v18  }
0x8c: {  	[tilespmem:v4+s14+$0x0] =	vst.idx.msk vm13, v17  }
0x8d: {  	[tilespmem:v3+s14+$0x0] =	vst.idx.msk vm11, v14  }
0x8e: {  	s21 =	smov.u32 s20;
	[tilespmem:v5+s14+$0x0] =	vst.idx.msk vm7, v12  }
0x8f: {  	s21 =	sshra.s32 s21, $0x2;
	[tilespmem:v8+s14+$0x0] =	vst.idx.msk vm5, v6  }
0x90: {  	v11 =	vld [tilespmem:s21+$0x20]  }
0x91: {  	v5 =	vld [tilespmem:s21+$0x40]  }
0x92: {  	v20 =	vld [tilespmem:s21+$0x0]  }
0x93: {  	v3 =	vld [tilespmem:s21+$0x50]  }
0x94: {  	v16 =	vld [tilespmem:s21+$0x10];
	_ =	sdelay $0x1  }
0x95: {  	v4 =	vld [tilespmem:s21+$0x60]  }
0x96: {  	v19 =	vadd.s32 v19, v23;
	v9 =	vld [tilespmem:s21+$0x30];
	vm3 =	vge.f32 v11, v7;
	vm1 =	vge.f32 v5, v7  }
0x97: {  	v8 =	vld [tilespmem:s21+$0x70];
	vm12 =	vge.f32 v20, v7;
	vm0 =	vge.f32 v3, v7;
	v6 =	vsel vm3, $0x1, v0  }
0x98: {  	vm9 =	vge.f32 v16, v7;
	v10 =	vsel vm12, $0x1, v0;
	(xrf0) =	vadd.scan.msk.s32 $0xffff, v6;
	v6 =	vimm.s32 $0x0  }
0x99: {  	v13 =	vmpcnt.ones.xlane vm12;
	v6 =	vsel vm1, $0xFFFFFFFF, v6;
	(xrf0) =	vadd.scan.msk.s32 $0xffff, v10;
	v10 =	vimm.s32 $0x0  }
0x9a: {  	vm2 =	vge.f32 v4, v7;
	v14 =	vmpcnt.ones.xlane vm9;
	[tilespmem:$0x1FFE0] =	vst v6;
	v10 =	vsel vm0, $0xFFFFFFFF, v10  }
0x9b: {  	v18 =	vmpcnt.ones.xlane vm3;
	v25 =	vadd.s32 v19, v13;
	v6 =	vsel vm0, $0x1, v0;
	[tilespmem:$0x1FFF0] =	vst v10;
	v10 =	vld [tilespmem:s21+$0x80]  }
0x9c: {  	vm6 =	vge.f32 v9, v7;
	vm4 =	vge.f32 v8, v7;
	v17 =	vadd.s32 v14, v25;
	(xrf0) =	vadd.scan.msk.s32 $0xffff, v6;
	v6 =	vld [tilespmem:s21+$0xF0]  }
0x9d: {  	v12 =	vsel vm1, $0x1, v0;
	v22 =	vmpcnt.ones.xlane vm1;
	v29 =	vadd.s32 v18, v17;
	v18 =	vld [tilespmem:s21+$0xB0]  }
0x9e: {  	v23 =	vmpcnt.ones.xlane vm0;
	v26 =	vmpcnt.ones.xlane vm6;
	v13 =	vsel vm9, $0x1, v0;
	(xrf0) =	vadd.scan.msk.s32 $0xffff, v12  }
0x9f: {  	v24 =	vmpcnt.ones.xlane vm2;
	v27 =	vmpcnt.ones.xlane vm4;
	v57 =	vsel vm4, $0x1, v0;
	(xrf0) =	vadd.scan.msk.s32 $0xffff, v13;
	v13 =	vld [tilespmem:s21+$0x90];
	v14, _, _ =	vpop (xrf0)  }
0xa0: {  	v12 =	vsel vm2, $0x1, v0;
	v26 =	vadd.s32 v26, v29;
	v21 =	vadd.s32 v17, v14;
	v28, _, _ =	vpop (xrf0)  }
0xa1: {  	(xrf0) =	vadd.scan.msk.s32 $0xffff, v12;
	v19 =	vadd.s32 v28, v19;
	v21 =	vadd.s32 $0xFFFFFFFF, v21;
	vm8 =	vge.f32 v10, v7  }
0xa2: {  	v12 =	vld [tilespmem:s21+$0xE0];
	vm5 =	vge.f32 v6, v7;
	vm14 =	vge.f32 v18, v7;
	v30 =	vadd.s32 $0xFFFFFFFF, v19  }
0xa3: {  	v14 =	vld [tilespmem:s21+$0xD0];
	v28, _, _ =	vpop (xrf0);
	v19 =	vsel vm6, $0x1, v0;
	vm15 =	vlt.s32 v21, $0x1FFF;
	v34 =	vmpcnt.ones.xlane vm14  }
0xa4: {  	v17 =	vld [tilespmem:s21+$0xC0];
	v35 =	vsel vm14, $0x1, v0;
	v31, _, _ =	vpop (xrf0);
	vm0 =	vlt.s32 v30, $0x1FFF;
	vm10 =	vge.f32 v13, v7  }
0xa5: {  	v31 =	vadd.s32 v26, v31;
	v26 =	vadd.s32 v22, v26;
	v55, _, _ =	vpop (xrf0);
	(xrf0) =	vadd.scan.msk.s32 $0xffff, v19;
	v19 =	vmpcnt.ones.xlane vm5  }
0xa6: {  	v30 =	vnsel vm0, $0x1FFF, v30;
	v22 =	vsel vm5, $0x1, v0;
	v23 =	vadd.s32 v23, v26  }
0xa7: {  	vm7 =	vge.f32 v12, v7;
	v25 =	vadd.s32 v25, v55;
	v56 =	vadd.s32 v24, v23;
	v24, _, _ =	vpop (xrf0);
	(xrf0) =	vadd.scan.msk.s32 $0xffff, v57  }
0xa8: {  	v58 =	vadd.s32 $0xFFFFFFFF, v31;
	v59 =	vadd.s32 v26, v28;
	vm11 =	vge.f32 v14, v7  }
0xa9: {  	v15 =	vld [tilespmem:s21+$0xA0];
	v28 =	vmpcnt.ones.xlane vm10;
	v26 =	vsel vm10, $0x1, v0;
	vm13 =	vge.f32 v17, v7  }
0xaa: {  	v32 =	vadd.s32 $0xFFFFFFFF, v25;
	v63 =	vsel vm13, $0x1, v0;
	v23 =	vadd.s32 v23, v24  }
0xab: {  	v33 =	vadd.s32 $0xFFFFFFFF, v59;
	vm0 =	vlt.s32 v32, $0x1FFF;
	v23 =	vadd.s32 $0xFFFFFFFF, v23  }
0xac: {  	p0 =	sne.s32 s20, $0x1FC00;
	v25 =	vadd.s32 v27, v56;
	v24 =	vmpcnt.ones.xlane vm11;
	[tilespmem:v30+s14+$0x0] =	vst.idx.msk vm12, v20;
	vm1 =	vlt.s32 v23, $0x1FFF;
	v27, _, _ =	vpop (xrf0)  }
.Ltmp3:
0xad: {  	v30 =	vmpcnt.ones.xlane vm8;
	v20 =	vnsel vm1, $0x1FFF, v23;
	v23 =	vsel vm8, $0x1, v0;
	v60, _, _ =	vpop (xrf0);
	(xrf0) =	vadd.scan.msk.s32 $0xffff, v26;
	(pc) =	sbr.rel @p0 .LBB2_4-.Ltmp3, $4  }
0xae: {  	vm12 =	vge.f32 v15, v7;
	v61 =	vadd.s32 v29, v27;
	v29 =	vsel vm11, $0x1, v0;
	(xrf0) =	vadd.scan.msk.s32 $0xffff, v23  }
0xaf: {  	v31 =	vmpcnt.ones.xlane vm12;
	v62 =	vsel vm12, $0x1, v0;
	v30 =	vadd.s32 v30, v25;
	(xrf0) =	vadd.scan.msk.s32 $0xffff, v29  }
0xb0: {  	v26 =	vnsel vm0, $0x1FFF, v32;
	vm0 =	vlt.s32 v58, $0x1FFF;
	v32 =	vadd.s32 $0xFFFFFFFF, v61;
	(xrf0) =	vadd.scan.msk.s32 $0xffff, v62  }
0xb1: {  	s20 =	sadd.s32 $0x400, s20;
	v27 =	vadd.s32 v56, v60;
	v23 =	vnsel vm0, $0x1FFF, v58;
	v29 =	vmpcnt.ones.xlane vm13;
	(xrf0) =	vadd.scan.msk.s32 $0xffff, v63  }
0xb2: {  	v7 =	vadd.s32 v28, v30  }
0xb3: {  	v28 =	vadd.s32 v31, v7  }
0xb4: {  	v31 =	vadd.s32 v34, v28  }
0xb5: {  	v43 =	vmpcnt.ones.xlane vm7;
	v29 =	vadd.s32 v29, v31  }
0xb6: {  	v36, _, _ =	vpop (xrf0);
	v24 =	vadd.s32 v24, v29  }
0xb7: {  	v21 =	vnsel vm15, $0x1FFF, v21;
	vm0 =	vlt.s32 v32, $0x1FFF;
	v44, _, _ =	vpop (xrf0);
	v34 =	vadd.s32 v43, v24  }
0xb8: {  	vm15 =	vlt.s32 v33, $0x1FFF;
	v48 =	vsel vm7, $0x1, v0;
	v45, _, _ =	vpop (xrf0);
	v19 =	vadd.s32 v19, v34  }
0xb9: {  	v27 =	vadd.s32 $0xFFFFFFFF, v27;
	v57 =	vld [tilespmem:$0x1FFE0];
	v25 =	vadd.s32 v25, v44;
	v46, _, _ =	vpop (xrf0);
	(v2sf) =	vpush v19, $0x0  }
0xba: {  	v60 =	vld [tilespmem:$0x1FFF0];
	v32 =	vnsel vm0, $0x1FFF, v32;
	v47 =	vadd.s32 $0xFFFFFFFF, v25;
	v7 =	vadd.s32 v7, v46  }
0xbb: {  	(xrf0) =	vadd.scan.msk.s32 $0xffff, v35;
	v49 =	vnsel vm15, $0x1FFF, v33;
	vm15 =	vlt.s32 v47, $0x1FFF;
	v7 =	vadd.s32 $0xFFFFFFFF, v7  }
0xbc: {  	v51 =	vadd.s32 v30, v36;
	(xrf0) =	vadd.scan.msk.s32 $0xffff, v22;
	v22 =	vnsel vm15, $0x1FFF, v47;
	vm15 =	vlt.s32 v7, $0x1FFF  }
0xbd: {  	[tilespmem:v26+s14+$0x0] =	vst.idx.msk vm9, v16;
	v16 =	vadd.s32 $0xFFFFFFFF, v51;
	v7 =	vnsel vm15, $0x1FFF, v7;
	vm15 =	vlt.s32 v27, $0x1FFF  }
0xbe: {  	vm9 =	vlt.s32 v16, $0x1FFF;
	v53 =	vnsel vm15, $0x1FFF, v27;
	vm15 =	vnez.u8 v57  }
0xbf: {  	(xrf0) =	vadd.scan.msk.s32 $0xffff, v48;
	v16 =	vnsel vm9, $0x1FFF, v16;
	vm9 =	vnez.u8 v60  }
0xc0: {  	v50, _, _ =	vpop (xrf0)  }
0xc1: {  	v52, _, _ =	vpop (xrf0)  }
0xc2: {  	[tilespmem:v21+s14+$0x0] =	vst.idx.msk vm3, v11;
	v54 =	vadd.s32 v28, v52  }
0xc3: {  	[tilespmem:v32+s14+$0x0] =	vst.idx.msk vm6, v9;
	v55 =	vadd.s32 $0xFFFFFFFF, v54  }
0xc4: {  	v59 =	vadd.s32 v29, v45;
	v19 =	vadd.s32 v31, v50;
	v56, _, _ =	vpop (xrf0);
	vm6 =	vlt.s32 v55, $0x1FFF;
	[tilespmem:v23+s14+$0x0] =	vst.idx.msk vm15, v5  }
0xc5: {  	v62 =	vadd.s32 $0xFFFFFFFF, v59;
	v58 =	vadd.s32 $0xFFFFFFFF, v19;
	v9 =	vnsel vm6, $0x1FFF, v55;
	[tilespmem:v49+s14+$0x0] =	vst.idx.msk vm9, v3;
	v3, _, _ =	vpop (xrf0)  }
0xc6: {  	vm6 =	vlt.s32 v62, $0x1FFF;
	vm15 =	vlt.s32 v58, $0x1FFF;
	[tilespmem:v20+s14+$0x0] =	vst.idx.msk vm2, v4;
	v3 =	vadd.s32 v24, v3  }
0xc7: {  	v63 =	vadd.s32 v34, v56;
	v61 =	vnsel vm15, $0x1FFF, v58;
	[tilespmem:v53+s14+$0x0] =	vst.idx.msk vm4, v8;
	v3 =	vadd.s32 $0xFFFFFFFF, v3  }
0xc8: {  	v5 =	vnsel vm6, $0x1FFF, v62;
	v8 =	vadd.s32 $0xFFFFFFFF, v63;
	[tilespmem:v22+s14+$0x0] =	vst.idx.msk vm8, v10;
	vm9 =	vlt.s32 v3, $0x1FFF;
	s21 =	spop (v2sf)  }
0xc9: {  	vm15 =	vlt.s32 v8, $0x1FFF;
	v3 =	vnsel vm9, $0x1FFF, v3;
	[tilespmem:v16+s14+$0x0] =	vst.idx.msk vm10, v13;
	s20 =	sadd.s32 $0xF, s21  }
0xca: {  	v8 =	vnsel vm15, $0x1FFF, v8;
	[tilespmem:v7+s14+$0x0] =	vst.idx.msk vm12, v15;
	p0 =	slt.s32 s21, $0x1FF0;
	s20 =	sshra.s32 s20, $0x4  }
0xcb: {  	[tilespmem:v9+s14+$0x0] =	vst.idx.msk vm14, v18;
	s21 =	simm.s32 @!p0 $0x1FF0;
	p0 =	slt.s32 s20, $0x1  }
.Ltmp4:
0xcc: {  	[tilespmem:v61+s14+$0x0] =	vst.idx.msk vm13, v17;
	(pc) =	sbr.rel @p0 .LBB2_9-.Ltmp4, $4  }
0xcd: {  	[tilespmem:v5+s14+$0x0] =	vst.idx.msk vm11, v14  }
0xce: {  	[tilespmem:v3+s14+$0x0] =	vst.idx.msk vm7, v12  }
0xcf: {  	[tilespmem:v8+s14+$0x0] =	vst.idx.msk vm5, v6  }
0xd0: {  	v2 =	vbroadcast v2, $0xF;
	[tilespmem:s21+$0x10000] =	vst v1;
	s21 =	simm.s32 $0x10000  }
0xd1: {  	p1 =	sne.s32 s20, $0x1  }
.Ltmp5:
0xd2: {  	_ = 	snop;
	(pc) =	sbr.rel @!p1 .LBB2_8-.Ltmp5, $2  }
0xd3: {  	_ =	sdelay $0x2  }
0xd4: {  	v3 =	vld [tilespmem:s21+$0x0];
	s22 =	sadd.s32 $0xFFFFFFFF, s20  }
.LBB2_7:
0xd5: {  	p1 =	sne.s32 s22, $0x1;
	_ =	sdelay $0x3  }
0xd6: {  	v3 =	vsub.f32 v3, v2  }
.Ltmp6:
0xd7: {  	(pc) =	sbr.rel @p1 .LBB2_7-.Ltmp6, $3  }
0xd8: {  	v3 =	vmul.f32 $5.000000000e-01, v3;
	_ =	sdelay $0x1  }
0xd9: {  	[tilespmem:s21+$0x0] =	vst v3;
	s21 =	sadd.s32 $0x10, s21  }
0xda: {  	s22 =	sadd.s32 $0xFFFFFFFF, s22;
	v3 =	vld [tilespmem:s21+$0x0]  }
.LBB2_8:
0xdb: {  	_ =	sdelay $0x3  }
0xdc: {  	v3 =	vsub.f32 v3, v2;
	_ =	sdelay $0x1  }
0xdd: {  	v3 =	vmul.f32 $5.000000000e-01, v3;
	_ =	sdelay $0x1  }
0xde: {  	[tilespmem:s21+$0x0] =	vst v3  }
.LBB2_9:
.Ltmp7:
0xdf: {  	(pc) =	sbr.rel .LBB2_10-.Ltmp7, $2  }
0xe0: {  	_ =	sdelay $0x2  }
0xe1: {  	s21 =	simm.s32 $0x0;
	v3 =	vimm.f32 $-1.000000000e+00  }
.LBB2_11:
0xe2: {  	v6 =	vimm.f32 $0.0e+00  }
.LBB2_15:
0xe3: {  	(xrf2) =	vadd.scan.msk.f32 $0xffff, v4  }
0xe4: {  	(xrf2) =	vadd.scan.msk.f32 $0xffff, v6;
	_ =	sdelay $0x8  }
0xe5: {  	v4, _, _ =	vpop (xrf2)  }
0xe6: {  	v5, _, _ =	vpop (xrf2)  }
0xe7: {  	v5 =	vadd.f32 v5, v5;
	_ =	sdelay $0x1  }
0xe8: {  	v5 =	vmax.f32 v5, $1.000000000e-30  }
0xe9: {  	v5 =	vbroadcast v5, $0xF;
	_ =	sdelay $0x1  }
0xea: {  	(erf) = vrcp.f32 v5;
	_ =	sdelay $0x5  }
0xeb: {  	s21 =	sadd.s32 $0x1, s21;
	v4 =	vadd.f32 $-1.000000000e+00, v4  }
0xec: {  	p1 =	sne.s32 s21, $0xC  }
.Ltmp8:
0xed: {  	v4 =	vbroadcast v4, $0xF;
	(pc) =	sbr.rel @!p1 .LBB2_16-.Ltmp8, $3  }
0xee: {  	v5 =	vpop (erf)  }
0xef: {  	v4 =	vmul.f32 v5, v4;
	_ =	sdelay $0x1  }
0xf0: {  	v3 =	vadd.f32 v4, v3  }
.LBB2_10:
.Ltmp9:
0xf1: {  	(pc) =	sbr.rel @p0 .LBB2_11-.Ltmp9, $2  }
0xf2: {  	_ =	sdelay $0x2  }
0xf3: {  	v4 =	vimm.f32 $0.0e+00;
	s23 =	simm.s32 $0x10000  }
0xf4: {  	v5 =	vld [tilespmem:s23+$0x0];
	p1 =	sne.s32 s20, $0x1  }
.Ltmp10:
0xf5: {  	_ = 	snop;
	(pc) =	sbr.rel @!p1 .LBB2_14-.Ltmp10, $2  }
0xf6: {  	_ =	sdelay $0x2  }
0xf7: {  	s22 =	sadd.s32 $0xFFFFFFFF, s20;
	s23 =	sadd.s32 $0x10, s23;
	v6 =	vsub.f32 v5, v3;
	v5 =	vimm.f32 $0.0e+00  }
.LBB2_13:
0xf8: {  	v7 =	vld [tilespmem:s23+$0x0];
	p1 =	sne.s32 s22, $0x1;
	s22 =	sadd.s32 $0xFFFFFFFF, s22  }
.Ltmp11:
0xf9: {  	v6 =	vmax.f32 v6, $0.0e+00;
	(pc) =	sbr.rel @p1 .LBB2_13-.Ltmp11, $3  }
0xfa: {  	v8 =	vmul.f32 v6, v6;
	v4 =	vadd.f32 v6, v4;
	_ =	sdelay $0x1  }
0xfb: {  	v5 =	vadd.f32 v8, v5  }
0xfc: {  	s23 =	sadd.s32 $0x10, s23;
	v6 =	vsub.f32 v7, v3  }
.LBB2_14:
0xfd: {  	_ = 	snop  }
.Ltmp12:
0xfe: {  	v6 =	vmax.f32 v6, $0.0e+00;
	(pc) =	sbr.rel .LBB2_15-.Ltmp12, $2  }
0xff: {  	v7 =	vmul.f32 v6, v6;
	_ =	sdelay $0x1  }
0x100: {  	v6 =	vadd.f32 v6, v4;
	v4 =	vadd.f32 v7, v5;
	_ =	sdelay $0x1  }
.LBB2_16:
0x101: {  	[tilespmem:$0x12000] =	vst v2  }
0x102: {  	s20 =	simm.s32 $0x0;
	[tilespmem:$0x12200] =	vst v3  }
0x103: {  	[tilespmem:s20], [sflag:$0x1] =	stream.strided.gather [hbm4b:s5+s10], $0x8000, s11, s10, $0x38;
	[tilespmem:$0x12400] =	vst v63  }
0x104: {  	_ =	swait.ge [sflag:s15], $0x8000  }
0x105: {  	[sflag:s15] =	ssyncset.done $0x0  }
0x106: {  	s20 =	simm.s32 $0x0;
	[sflag:s15] =	ssyncadd.s32 $0xFFFF8000  }
0x107: {  	v2 =	vld [tilespmem:s20+$0x80E0]  }
0x108: {  	v4 =	vld [tilespmem:s20+$0x80C0]  }
0x109: {  	v3 =	vld [tilespmem:s20+$0x80A0]  }
0x10a: {  	v5 =	vld [tilespmem:s20+$0x8080]  }
0x10b: {  	v6 =	vld [tilespmem:s20+$0x8060]  }
0x10c: {  	v7 =	vld [tilespmem:s20+$0x8040]  }
0x10d: {  	v8 =	vld [tilespmem:s20+$0x8020]  }
0x10e: {  	v9 =	vimm.f32 $-3.000000010e+38;
	s21 =	simm.s32 $0x400;
	v10 =	vimm.f32 $-3.000000010e+38;
	v11 =	vld [tilespmem:s20+$0x8000]  }
.LBB2_17:
0x10f: {  	p0 =	sne.s32 s21, $0x1FC00;
	v12 =	vld [tilespmem:s20+$0x8010]  }
0x110: {  	v13 =	vld [tilespmem:s20+$0x8030]  }
0x111: {  	v14 =	vld [tilespmem:s20+$0x8050]  }
0x112: {  	v15 =	vld [tilespmem:s20+$0x8070]  }
0x113: {  	v16 =	vld [tilespmem:s20+$0x8090]  }
0x114: {  	v9 =	vmax.f32 v9, v11;
	v10 =	vmax.f32 v10, v12;
	v11 =	vld [tilespmem:s20+$0x80B0]  }
0x115: {  	v8 =	vmax.f32 v9, v8;
	v9 =	vmax.f32 v10, v13;
	v10 =	vld [tilespmem:s20+$0x80D0]  }
0x116: {  	v7 =	vmax.f32 v8, v7;
	v8 =	vmax.f32 v9, v14;
	v12 =	vld [tilespmem:s20+$0x80F0];
	s20 =	sshra.s32 s21, $0x2  }
0x117: {  	v6 =	vmax.f32 v7, v6;
	v13 =	vld [tilespmem:s20+$0x80E0];
	v7 =	vmax.f32 v8, v15  }
0x118: {  	v5 =	vmax.f32 v6, v5;
	v14 =	vld [tilespmem:s20+$0x80C0];
	v6 =	vmax.f32 v7, v16  }
0x119: {  	v7 =	vmax.f32 v5, v3;
	v3 =	vld [tilespmem:s20+$0x80A0];
	v6 =	vmax.f32 v6, v11  }
.Ltmp13:
0x11a: {  	v4 =	vmax.f32 v7, v4;
	v5 =	vld [tilespmem:s20+$0x8080];
	v7 =	vmax.f32 v6, v10;
	(pc) =	sbr.rel @p0 .LBB2_17-.Ltmp13, $4  }
0x11b: {  	v9 =	vmax.f32 v4, v2;
	v6 =	vld [tilespmem:s20+$0x8060];
	v10 =	vmax.f32 v7, v12  }
0x11c: {  	v7 =	vld [tilespmem:s20+$0x8040];
	v2 =	vmov v13  }
0x11d: {  	v8 =	vld [tilespmem:s20+$0x8020];
	v4 =	vmov v14  }
0x11e: {  	s21 =	sadd.s32 $0x400, s21;
	v11 =	vld [tilespmem:s20+$0x8000]  }
0x11f: {  	v12 =	vld [tilespmem:s20+$0x8010]  }
0x120: {  	v13 =	vld [tilespmem:s20+$0x8030]  }
0x121: {  	v14 =	vld [tilespmem:s20+$0x8050]  }
0x122: {  	v15 =	vld [tilespmem:s20+$0x8070]  }
0x123: {  	v16 =	vld [tilespmem:s20+$0x8090]  }
0x124: {  	v9 =	vmax.f32 v9, v11;
	v11 =	vld [tilespmem:s20+$0x80B0];
	v10 =	vmax.f32 v10, v12  }
0x125: {  	v8 =	vmax.f32 v9, v8;
	v9 =	vmax.f32 v10, v13;
	v10 =	vld [tilespmem:s20+$0x80D0]  }
0x126: {  	v7 =	vmax.f32 v8, v7;
	v8 =	vmax.f32 v9, v14;
	v9 =	vld [tilespmem:s20+$0x80F0]  }
0x127: {  	v6 =	vmax.f32 v7, v6;
	v7 =	vmax.f32 v8, v15  }
0x128: {  	v5 =	vmax.f32 v6, v5;
	v6 =	vmax.f32 v7, v16  }
0x129: {  	v3 =	vmax.f32 v5, v3;
	v5 =	vmax.f32 v6, v11  }
0x12a: {  	v3 =	vmax.f32 v3, v4;
	v4 =	vmax.f32 v5, v10  }
0x12b: {  	v2 =	vmax.f32 v3, v2;
	v3 =	vmax.f32 v4, v9  }
0x12c: {  	v2 =	vmax.f32 v2, v3  }
0x12d: {  	(xrf0) =	vmax.scan.msk.f32 $0xffff, v2;
	_ =	sdelay $0x5  }
0x12e: {  	v2, _, _ =	vpop (xrf0)  }
0x12f: {  	(v2sf) =	vpush v2, $0xF;
	_ =	sdelay $0x8  }
0x130: {  	s31 =	simm.s32 $0x0  }
0x131: {  	v23 =	vld [tilespmem:s31+$0x8000]  }
0x132: {  	v16 =	vld [tilespmem:s31+$0x8010]  }
0x133: {  	v11 =	vld [tilespmem:s31+$0x8020]  }
0x134: {  	v5 =	vld [tilespmem:s31+$0x8040]  }
0x135: {  	v3 =	vld [tilespmem:s31+$0x8050]  }
0x136: {  	v4 =	vld [tilespmem:s31+$0x8060];
	s21 =	spop (v2sf)  }
0x137: {  	v9 =	vld [tilespmem:s31+$0x8030];
	s21 =	sadd.f32 $-2.000000000e+00, s21  }
0x138: {  	v8 =	vld [tilespmem:s31+$0x8070]  }
0x139: {  	v12 =	vimm.s32 $0x0;
	v7 =	vmov s21  }
0x13a: {  	vm3 =	vge.f32 v11, v7;
	vm13 =	vge.f32 v23, v7;
	vm0 =	vge.f32 v3, v7  }
0x13b: {  	vm1 =	vge.f32 v5, v7;
	vm9 =	vge.f32 v16, v7;
	v6 =	vsel vm3, $0x1, v0  }
0x13c: {  	vm2 =	vge.f32 v4, v7;
	vm6 =	vge.f32 v9, v7;
	v10 =	vsel vm13, $0x1, v0;
	(xrf0) =	vadd.scan.msk.s32 $0xffff, v6  }
0x13d: {  	vm4 =	vge.f32 v8, v7;
	v13 =	vmpcnt.ones.xlane vm13;
	v14 =	vmpcnt.ones.xlane vm1;
	(xrf0) =	vadd.scan.msk.s32 $0xffff, v10  }
0x13e: {  	v15 =	vmpcnt.ones.xlane vm0;
	v6 =	vsel vm0, $0x1, v0;
	v10 =	vsel vm1, $0x1, v0  }
0x13f: {  	v18 =	vadd.s32 v12, v13;
	v13 =	vsel vm9, $0x1, v0;
	(xrf0) =	vadd.scan.msk.s32 $0xffff, v6;
	v6 =	vimm.s32 $0x0  }
0x140: {  	v17 =	vmpcnt.ones.xlane vm2;
	v6 =	vsel vm1, $0xFFFFFFFF, v6;
	(xrf0) =	vadd.scan.msk.s32 $0xffff, v10;
	v10 =	vimm.s32 $0x0  }
0x141: {  	v20 =	vsel vm2, $0x1, v0;
	[tilespmem:$0x1FFC0] =	vst v6;
	v6 =	vmpcnt.ones.xlane vm9;
	v10 =	vsel vm0, $0xFFFFFFFF, v10  }
0x142: {  	v22 =	vmpcnt.ones.xlane vm3;
	v24 =	vmpcnt.ones.xlane vm4;
	(xrf0) =	vadd.scan.msk.s32 $0xffff, v13;
	[tilespmem:$0x1FFD0] =	vst v10;
	v10 =	vld [tilespmem:s31+$0x8080];
	v13, _, _ =	vpop (xrf0)  }
0x143: {  	v33 =	vsel vm4, $0x1, v0;
	v19 =	vadd.s32 v6, v18;
	v6 =	vld [tilespmem:s31+$0x80F0];
	(xrf0) =	vadd.scan.msk.s32 $0xffff, v20;
	v20 =	vmpcnt.ones.xlane vm6;
	v25, _, _ =	vpop (xrf0)  }
0x144: {  	v21 =	vadd.s32 v19, v13;
	v27 =	vadd.s32 v22, v19;
	v25 =	vadd.s32 v25, v12  }
0x145: {  	v21 =	vadd.s32 $0xFFFFFFFF, v21;
	v19 =	vadd.s32 v20, v27;
	v22 =	vadd.s32 $0xFFFFFFFF, v25  }
0x146: {  	v13 =	vld [tilespmem:s31+$0x8090];
	v26, _, _ =	vpop (xrf0);
	v25 =	vsel vm6, $0x1, v0;
	v28 =	vadd.s32 v14, v19;
	vm15 =	vlt.s32 v21, $0x1FFF  }
0x147: {  	v12 =	vld [tilespmem:s31+$0x80E0];
	v20, _, _ =	vpop (xrf0);
	vm0 =	vlt.s32 v22, $0x1FFF;
	vm8 =	vge.f32 v10, v7;
	v29 =	vadd.s32 v15, v28  }
0x148: {  	v61 =	vadd.s32 v28, v26;
	v20 =	vadd.s32 v19, v20;
	vm5 =	vge.f32 v6, v7  }
0x149: {  	v14 =	vld [tilespmem:s31+$0x80D0];
	(xrf0) =	vadd.scan.msk.s32 $0xffff, v25;
	v31 =	vnsel vm0, $0x1FFF, v22;
	v32 =	vadd.s32 v17, v29;
	v34 =	vmpcnt.ones.xlane vm8  }
0x14a: {  	v15 =	vld [tilespmem:s31+$0x80A0];
	v30, _, _ =	vpop (xrf0);
	(xrf0) =	vadd.scan.msk.s32 $0xffff, v33;
	v35 =	vsel vm8, $0x1, v0;
	v33 =	vadd.s32 $0xFFFFFFFF, v61;
	v19 =	vmpcnt.ones.xlane vm5  }
0x14b: {  	v17, _, _ =	vpop (xrf0);
	vm10 =	vge.f32 v13, v7;
	v22 =	vsel vm5, $0x1, v0;
	v18 =	vadd.s32 v18, v30  }
0x14c: {  	v30 =	vadd.s32 $0xFFFFFFFF, v20;
	vm7 =	vge.f32 v12, v7;
	v25 =	vadd.s32 v29, v17  }
0x14d: {  	v17 =	vld [tilespmem:s31+$0x80C0];
	v29 =	vadd.s32 $0xFFFFFFFF, v18;
	v28 =	vmpcnt.ones.xlane vm10;
	v18 =	vadd.s32 $0xFFFFFFFF, v25  }
0x14e: {  	v26 =	vsel vm10, $0x1, v0;
	vm0 =	vlt.s32 v29, $0x1FFF;
	vm12 =	vlt.s32 v18, $0x1FFF  }
0x14f: {  	vm11 =	vge.f32 v14, v7;
	v20 =	vnsel vm12, $0x1FFF, v18;
	v18 =	vld [tilespmem:s31+$0x80B0];
	vm12 =	vge.f32 v15, v7  }
0x150: {  	v25 =	vadd.s32 v24, v32;
	v24 =	vmpcnt.ones.xlane vm11;
	v36, _, _ =	vpop (xrf0);
	[tilespmem:v31+s14+$0x0] =	vst.idx.msk vm13, v23;
	v31 =	vmpcnt.ones.xlane vm12  }
0x151: {  	v23, _, _ =	vpop (xrf0);
	(xrf0) =	vadd.scan.msk.s32 $0xffff, v26;
	v26 =	vnsel vm0, $0x1FFF, v29;
	v36 =	vadd.s32 v27, v36;
	v29 =	vsel vm11, $0x1, v0  }
0x152: {  	vm0 =	vlt.s32 v30, $0x1FFF;
	v62 =	vsel vm12, $0x1, v0;
	vm13 =	vge.f32 v17, v7;
	(xrf0) =	vadd.scan.msk.s32 $0xffff, v35  }
0x153: {  	v27 =	vadd.s32 v32, v23;
	v23 =	vnsel vm0, $0x1FFF, v30;
	v30 =	vadd.s32 v34, v25;
	(xrf0) =	vadd.scan.msk.s32 $0xffff, v29  }
0x154: {  	v32 =	vadd.s32 $0xFFFFFFFF, v36;
	v63 =	vsel vm13, $0x1, v0;
	(xrf0) =	vadd.scan.msk.s32 $0xffff, v62;
	vm14 =	vge.f32 v18, v7  }
0x155: {  	s20 =	simm.s32 $0x400;
	v29 =	vmpcnt.ones.xlane vm13;
	(xrf0) =	vadd.scan.msk.s32 $0xffff, v63;
	v34 =	vmpcnt.ones.xlane vm14;
	v35 =	vsel vm14, $0x1, v0  }
.LBB2_19:
0x156: {  	_ = 	snop  }
0x157: {  	v37, _, _ =	vpop (xrf0)  }
0x158: {  	v28 =	vadd.s32 v28, v30;
	v50, _, _ =	vpop (xrf0)  }
0x159: {  	vm0 =	vlt.s32 v32, $0x1FFF;
	v21 =	vnsel vm15, $0x1FFF, v21;
	(xrf0) =	vadd.scan.msk.s32 $0xffff, v35;
	v52, _, _ =	vpop (xrf0)  }
0x15a: {  	[tilespmem:v26+s14+$0x0] =	vst.idx.msk vm9, v16;
	v26 =	vsel vm7, $0x1, v0;
	v51 =	vadd.s32 v25, v50;
	(xrf0) =	vadd.scan.msk.s32 $0xffff, v22;
	v25, _, _ =	vpop (xrf0)  }
0x15b: {  	v31 =	vadd.s32 v31, v28;
	v25 =	vadd.s32 v28, v25;
	v28, _, _ =	vpop (xrf0);
	(xrf0) =	vadd.scan.msk.s32 $0xffff, v26;
	v26 =	vnsel vm0, $0x1FFF, v32;
	_ =	sdelay $0x1  }
0x15c: {  	v30 =	vadd.s32 v30, v37  }
0x15d: {  	v30 =	vadd.s32 $0xFFFFFFFF, v30  }
0x15e: {  	vm9 =	vlt.s32 v30, $0x1FFF;
	[tilespmem:v21+s14+$0x0] =	vst.idx.msk vm3, v11  }
0x15f: {  	[tilespmem:v26+s14+$0x0] =	vst.idx.msk vm6, v9;
	v9 =	vnsel vm9, $0x1FFF, v30;
	v30 =	vld [tilespmem:$0x1FFC0];
	_ =	sdelay $0x1  }
0x160: {  	vm1 =	vlt.s32 v33, $0x1FFF;
	v22 =	vadd.s32 $0xFFFFFFFF, v51  }
0x161: {  	v27 =	vadd.s32 $0xFFFFFFFF, v27;
	v16 =	vnsel vm1, $0x1FFF, v33;
	vm1 =	vlt.s32 v22, $0x1FFF  }
0x162: {  	v22 =	vnsel vm1, $0x1FFF, v22;
	vm1 =	vlt.s32 v27, $0x1FFF  }
0x163: {  	v25 =	vadd.s32 $0xFFFFFFFF, v25;
	v27 =	vnsel vm1, $0x1FFF, v27;
	vm1 =	vnez.u8 v30  }
0x164: {  	v53 =	vadd.s32 v34, v31;
	vm0 =	vlt.s32 v25, $0x1FFF  }
0x165: {  	v11 =	vnsel vm0, $0x1FFF, v25;
	v25 =	vadd.s32 v53, v28;
	v28 =	vadd.s32 v29, v53  }
0x166: {  	v54, _, _ =	vpop (xrf0)  }
0x167: {  	v36 =	vmpcnt.ones.xlane vm7;
	v29, _, _ =	vpop (xrf0)  }
0x168: {  	v21 =	vadd.s32 v31, v54;
	v31 =	vadd.s32 v28, v52;
	v24 =	vadd.s32 v24, v28;
	v28, _, _ =	vpop (xrf0)  }
0x169: {  	[tilespmem:v23+s14+$0x0] =	vst.idx.msk vm1, v5;
	v5 =	vadd.s32 v24, v28;
	v23 =	vadd.s32 v36, v24;
	v24 =	vld [tilespmem:$0x1FFD0];
	_ =	sdelay $0x4  }
0x16a: {  	vm3 =	vnez.u8 v24;
	_ =	sdelay $0x4  }
0x16b: {  	v21 =	vadd.s32 $0xFFFFFFFF, v21  }
0x16c: {  	v25 =	vadd.s32 $0xFFFFFFFF, v25;
	vm0 =	vlt.s32 v21, $0x1FFF;
	v26 =	vadd.s32 $0xFFFFFFFF, v31;
	[tilespmem:v16+s14+$0x0] =	vst.idx.msk vm3, v3  }
0x16d: {  	v21 =	vnsel vm0, $0x1FFF, v21;
	vm0 =	vlt.s32 v25, $0x1FFF;
	vm1 =	vlt.s32 v26, $0x1FFF;
	[tilespmem:v20+s14+$0x0] =	vst.idx.msk vm2, v4  }
0x16e: {  	v5 =	vadd.s32 $0xFFFFFFFF, v5;
	v16 =	vadd.s32 v23, v29;
	v4 =	vnsel vm0, $0x1FFF, v25;
	[tilespmem:v27+s14+$0x0] =	vst.idx.msk vm4, v8  }
0x16f: {  	v3 =	vnsel vm1, $0x1FFF, v26;
	v16 =	vadd.s32 $0xFFFFFFFF, v16;
	vm0 =	vlt.s32 v5, $0x1FFF;
	[tilespmem:v22+s14+$0x0] =	vst.idx.msk vm8, v10  }
0x170: {  	vm1 =	vlt.s32 v16, $0x1FFF;
	v5 =	vnsel vm0, $0x1FFF, v5;
	[tilespmem:v9+s14+$0x0] =	vst.idx.msk vm10, v13  }
0x171: {  	v8 =	vnsel vm1, $0x1FFF, v16;
	[tilespmem:v11+s14+$0x0] =	vst.idx.msk vm12, v15  }
0x172: {  	[tilespmem:v21+s14+$0x0] =	vst.idx.msk vm14, v18  }
0x173: {  	[tilespmem:v4+s14+$0x0] =	vst.idx.msk vm13, v17  }
0x174: {  	[tilespmem:v3+s14+$0x0] =	vst.idx.msk vm11, v14  }
0x175: {  	s21 =	smov.u32 s20;
	[tilespmem:v5+s14+$0x0] =	vst.idx.msk vm7, v12  }
0x176: {  	s21 =	sshra.s32 s21, $0x2;
	[tilespmem:v8+s14+$0x0] =	vst.idx.msk vm5, v6  }
0x177: {  	v11 =	vld [tilespmem:s21+$0x8020]  }
0x178: {  	v5 =	vld [tilespmem:s21+$0x8040]  }
0x179: {  	v20 =	vld [tilespmem:s21+$0x8000]  }
0x17a: {  	v3 =	vld [tilespmem:s21+$0x8050]  }
0x17b: {  	v16 =	vld [tilespmem:s21+$0x8010];
	_ =	sdelay $0x1  }
0x17c: {  	v4 =	vld [tilespmem:s21+$0x8060]  }
0x17d: {  	v19 =	vadd.s32 v19, v23;
	v9 =	vld [tilespmem:s21+$0x8030];
	vm3 =	vge.f32 v11, v7;
	vm1 =	vge.f32 v5, v7  }
0x17e: {  	v8 =	vld [tilespmem:s21+$0x8070];
	vm12 =	vge.f32 v20, v7;
	vm0 =	vge.f32 v3, v7;
	v6 =	vsel vm3, $0x1, v0  }
0x17f: {  	vm9 =	vge.f32 v16, v7;
	v10 =	vsel vm12, $0x1, v0;
	(xrf0) =	vadd.scan.msk.s32 $0xffff, v6;
	v6 =	vimm.s32 $0x0  }
0x180: {  	v13 =	vmpcnt.ones.xlane vm12;
	v6 =	vsel vm1, $0xFFFFFFFF, v6;
	(xrf0) =	vadd.scan.msk.s32 $0xffff, v10;
	v10 =	vimm.s32 $0x0  }
0x181: {  	vm2 =	vge.f32 v4, v7;
	v14 =	vmpcnt.ones.xlane vm9;
	[tilespmem:$0x1FFC0] =	vst v6;
	v10 =	vsel vm0, $0xFFFFFFFF, v10  }
0x182: {  	v18 =	vmpcnt.ones.xlane vm3;
	v25 =	vadd.s32 v19, v13;
	v6 =	vsel vm0, $0x1, v0;
	[tilespmem:$0x1FFD0] =	vst v10;
	v10 =	vld [tilespmem:s21+$0x8080]  }
0x183: {  	vm6 =	vge.f32 v9, v7;
	vm4 =	vge.f32 v8, v7;
	v17 =	vadd.s32 v14, v25;
	(xrf0) =	vadd.scan.msk.s32 $0xffff, v6;
	v6 =	vld [tilespmem:s21+$0x80F0]  }
0x184: {  	v12 =	vsel vm1, $0x1, v0;
	v22 =	vmpcnt.ones.xlane vm1;
	v29 =	vadd.s32 v18, v17;
	v18 =	vld [tilespmem:s21+$0x80B0]  }
0x185: {  	v23 =	vmpcnt.ones.xlane vm0;
	v26 =	vmpcnt.ones.xlane vm6;
	v13 =	vsel vm9, $0x1, v0;
	(xrf0) =	vadd.scan.msk.s32 $0xffff, v12  }
0x186: {  	v24 =	vmpcnt.ones.xlane vm2;
	v27 =	vmpcnt.ones.xlane vm4;
	v57 =	vsel vm4, $0x1, v0;
	(xrf0) =	vadd.scan.msk.s32 $0xffff, v13;
	v13 =	vld [tilespmem:s21+$0x8090];
	v14, _, _ =	vpop (xrf0)  }
0x187: {  	v12 =	vsel vm2, $0x1, v0;
	v26 =	vadd.s32 v26, v29;
	v21 =	vadd.s32 v17, v14;
	v28, _, _ =	vpop (xrf0)  }
0x188: {  	(xrf0) =	vadd.scan.msk.s32 $0xffff, v12;
	v19 =	vadd.s32 v28, v19;
	v21 =	vadd.s32 $0xFFFFFFFF, v21;
	vm8 =	vge.f32 v10, v7  }
0x189: {  	v12 =	vld [tilespmem:s21+$0x80E0];
	vm5 =	vge.f32 v6, v7;
	vm14 =	vge.f32 v18, v7;
	v30 =	vadd.s32 $0xFFFFFFFF, v19  }
0x18a: {  	v14 =	vld [tilespmem:s21+$0x80D0];
	v28, _, _ =	vpop (xrf0);
	v19 =	vsel vm6, $0x1, v0;
	vm15 =	vlt.s32 v21, $0x1FFF;
	v34 =	vmpcnt.ones.xlane vm14  }
0x18b: {  	v17 =	vld [tilespmem:s21+$0x80C0];
	v35 =	vsel vm14, $0x1, v0;
	v31, _, _ =	vpop (xrf0);
	vm0 =	vlt.s32 v30, $0x1FFF;
	vm10 =	vge.f32 v13, v7  }
0x18c: {  	v31 =	vadd.s32 v26, v31;
	v26 =	vadd.s32 v22, v26;
	v55, _, _ =	vpop (xrf0);
	(xrf0) =	vadd.scan.msk.s32 $0xffff, v19;
	v19 =	vmpcnt.ones.xlane vm5  }
0x18d: {  	v30 =	vnsel vm0, $0x1FFF, v30;
	v22 =	vsel vm5, $0x1, v0;
	v23 =	vadd.s32 v23, v26  }
0x18e: {  	vm7 =	vge.f32 v12, v7;
	v25 =	vadd.s32 v25, v55;
	v56 =	vadd.s32 v24, v23;
	v24, _, _ =	vpop (xrf0);
	(xrf0) =	vadd.scan.msk.s32 $0xffff, v57  }
0x18f: {  	v58 =	vadd.s32 $0xFFFFFFFF, v31;
	v59 =	vadd.s32 v26, v28;
	vm11 =	vge.f32 v14, v7  }
0x190: {  	v15 =	vld [tilespmem:s21+$0x80A0];
	v28 =	vmpcnt.ones.xlane vm10;
	v26 =	vsel vm10, $0x1, v0;
	vm13 =	vge.f32 v17, v7  }
0x191: {  	v32 =	vadd.s32 $0xFFFFFFFF, v25;
	v63 =	vsel vm13, $0x1, v0;
	v23 =	vadd.s32 v23, v24  }
0x192: {  	v33 =	vadd.s32 $0xFFFFFFFF, v59;
	vm0 =	vlt.s32 v32, $0x1FFF;
	v23 =	vadd.s32 $0xFFFFFFFF, v23  }
0x193: {  	p0 =	sne.s32 s20, $0x1FC00;
	v25 =	vadd.s32 v27, v56;
	v24 =	vmpcnt.ones.xlane vm11;
	[tilespmem:v30+s14+$0x0] =	vst.idx.msk vm12, v20;
	vm1 =	vlt.s32 v23, $0x1FFF;
	v27, _, _ =	vpop (xrf0)  }
.Ltmp14:
0x194: {  	v30 =	vmpcnt.ones.xlane vm8;
	v20 =	vnsel vm1, $0x1FFF, v23;
	v23 =	vsel vm8, $0x1, v0;
	v60, _, _ =	vpop (xrf0);
	(xrf0) =	vadd.scan.msk.s32 $0xffff, v26;
	(pc) =	sbr.rel @p0 .LBB2_19-.Ltmp14, $4  }
0x195: {  	vm12 =	vge.f32 v15, v7;
	v61 =	vadd.s32 v29, v27;
	v29 =	vsel vm11, $0x1, v0;
	(xrf0) =	vadd.scan.msk.s32 $0xffff, v23  }
0x196: {  	v31 =	vmpcnt.ones.xlane vm12;
	v62 =	vsel vm12, $0x1, v0;
	v30 =	vadd.s32 v30, v25;
	(xrf0) =	vadd.scan.msk.s32 $0xffff, v29  }
0x197: {  	v26 =	vnsel vm0, $0x1FFF, v32;
	vm0 =	vlt.s32 v58, $0x1FFF;
	v32 =	vadd.s32 $0xFFFFFFFF, v61;
	(xrf0) =	vadd.scan.msk.s32 $0xffff, v62  }
0x198: {  	s20 =	sadd.s32 $0x400, s20;
	v27 =	vadd.s32 v56, v60;
	v23 =	vnsel vm0, $0x1FFF, v58;
	v29 =	vmpcnt.ones.xlane vm13;
	(xrf0) =	vadd.scan.msk.s32 $0xffff, v63  }
0x199: {  	v7 =	vadd.s32 v28, v30  }
0x19a: {  	v28 =	vadd.s32 v31, v7  }
0x19b: {  	v31 =	vadd.s32 v34, v28  }
0x19c: {  	v43 =	vmpcnt.ones.xlane vm7;
	v29 =	vadd.s32 v29, v31  }
0x19d: {  	v36, _, _ =	vpop (xrf0);
	v24 =	vadd.s32 v24, v29  }
0x19e: {  	v21 =	vnsel vm15, $0x1FFF, v21;
	vm0 =	vlt.s32 v32, $0x1FFF;
	v44, _, _ =	vpop (xrf0);
	v34 =	vadd.s32 v43, v24  }
0x19f: {  	vm15 =	vlt.s32 v33, $0x1FFF;
	v48 =	vsel vm7, $0x1, v0;
	v45, _, _ =	vpop (xrf0);
	v19 =	vadd.s32 v19, v34  }
0x1a0: {  	v27 =	vadd.s32 $0xFFFFFFFF, v27;
	v57 =	vld [tilespmem:$0x1FFC0];
	v25 =	vadd.s32 v25, v44;
	v46, _, _ =	vpop (xrf0);
	(v2sf) =	vpush v19, $0x0  }
0x1a1: {  	v60 =	vld [tilespmem:$0x1FFD0];
	v32 =	vnsel vm0, $0x1FFF, v32;
	v47 =	vadd.s32 $0xFFFFFFFF, v25;
	v7 =	vadd.s32 v7, v46  }
0x1a2: {  	(xrf0) =	vadd.scan.msk.s32 $0xffff, v35;
	v49 =	vnsel vm15, $0x1FFF, v33;
	vm15 =	vlt.s32 v47, $0x1FFF;
	v7 =	vadd.s32 $0xFFFFFFFF, v7  }
0x1a3: {  	v51 =	vadd.s32 v30, v36;
	(xrf0) =	vadd.scan.msk.s32 $0xffff, v22;
	v22 =	vnsel vm15, $0x1FFF, v47;
	vm15 =	vlt.s32 v7, $0x1FFF  }
0x1a4: {  	[tilespmem:v26+s14+$0x0] =	vst.idx.msk vm9, v16;
	v16 =	vadd.s32 $0xFFFFFFFF, v51;
	v7 =	vnsel vm15, $0x1FFF, v7;
	vm15 =	vlt.s32 v27, $0x1FFF  }
0x1a5: {  	vm9 =	vlt.s32 v16, $0x1FFF;
	v53 =	vnsel vm15, $0x1FFF, v27;
	vm15 =	vnez.u8 v57  }
0x1a6: {  	(xrf0) =	vadd.scan.msk.s32 $0xffff, v48;
	v16 =	vnsel vm9, $0x1FFF, v16;
	vm9 =	vnez.u8 v60  }
0x1a7: {  	v50, _, _ =	vpop (xrf0)  }
0x1a8: {  	v52, _, _ =	vpop (xrf0)  }
0x1a9: {  	[tilespmem:v21+s14+$0x0] =	vst.idx.msk vm3, v11;
	v54 =	vadd.s32 v28, v52  }
0x1aa: {  	[tilespmem:v32+s14+$0x0] =	vst.idx.msk vm6, v9;
	v55 =	vadd.s32 $0xFFFFFFFF, v54  }
0x1ab: {  	v59 =	vadd.s32 v29, v45;
	v19 =	vadd.s32 v31, v50;
	v56, _, _ =	vpop (xrf0);
	vm6 =	vlt.s32 v55, $0x1FFF;
	[tilespmem:v23+s14+$0x0] =	vst.idx.msk vm15, v5  }
0x1ac: {  	v62 =	vadd.s32 $0xFFFFFFFF, v59;
	v58 =	vadd.s32 $0xFFFFFFFF, v19;
	v9 =	vnsel vm6, $0x1FFF, v55;
	[tilespmem:v49+s14+$0x0] =	vst.idx.msk vm9, v3;
	v3, _, _ =	vpop (xrf0)  }
0x1ad: {  	vm6 =	vlt.s32 v62, $0x1FFF;
	vm15 =	vlt.s32 v58, $0x1FFF;
	[tilespmem:v20+s14+$0x0] =	vst.idx.msk vm2, v4;
	v3 =	vadd.s32 v24, v3  }
0x1ae: {  	v63 =	vadd.s32 v34, v56;
	v61 =	vnsel vm15, $0x1FFF, v58;
	[tilespmem:v53+s14+$0x0] =	vst.idx.msk vm4, v8;
	v3 =	vadd.s32 $0xFFFFFFFF, v3  }
0x1af: {  	v5 =	vnsel vm6, $0x1FFF, v62;
	v8 =	vadd.s32 $0xFFFFFFFF, v63;
	[tilespmem:v22+s14+$0x0] =	vst.idx.msk vm8, v10;
	vm9 =	vlt.s32 v3, $0x1FFF;
	s21 =	spop (v2sf)  }
0x1b0: {  	vm15 =	vlt.s32 v8, $0x1FFF;
	v3 =	vnsel vm9, $0x1FFF, v3;
	[tilespmem:v16+s14+$0x0] =	vst.idx.msk vm10, v13;
	s20 =	sadd.s32 $0xF, s21  }
0x1b1: {  	v8 =	vnsel vm15, $0x1FFF, v8;
	[tilespmem:v7+s14+$0x0] =	vst.idx.msk vm12, v15;
	p0 =	slt.s32 s21, $0x1FF0;
	s20 =	sshra.s32 s20, $0x4  }
0x1b2: {  	[tilespmem:v9+s14+$0x0] =	vst.idx.msk vm14, v18;
	s21 =	simm.s32 @!p0 $0x1FF0;
	p0 =	slt.s32 s20, $0x1  }
.Ltmp15:
0x1b3: {  	[tilespmem:v61+s14+$0x0] =	vst.idx.msk vm13, v17;
	(pc) =	sbr.rel @p0 .LBB2_24-.Ltmp15, $4  }
0x1b4: {  	[tilespmem:v5+s14+$0x0] =	vst.idx.msk vm11, v14  }
0x1b5: {  	[tilespmem:v3+s14+$0x0] =	vst.idx.msk vm7, v12  }
0x1b6: {  	[tilespmem:v8+s14+$0x0] =	vst.idx.msk vm5, v6  }
0x1b7: {  	v2 =	vbroadcast v2, $0xF;
	[tilespmem:s21+$0x10000] =	vst v1;
	s21 =	simm.s32 $0x10000  }
0x1b8: {  	p1 =	sne.s32 s20, $0x1  }
.Ltmp16:
0x1b9: {  	_ = 	snop;
	(pc) =	sbr.rel @!p1 .LBB2_23-.Ltmp16, $2  }
0x1ba: {  	_ =	sdelay $0x2  }
0x1bb: {  	v3 =	vld [tilespmem:s21+$0x0];
	s22 =	sadd.s32 $0xFFFFFFFF, s20  }
.LBB2_22:
0x1bc: {  	p1 =	sne.s32 s22, $0x1;
	_ =	sdelay $0x3  }
0x1bd: {  	v3 =	vsub.f32 v3, v2  }
.Ltmp17:
0x1be: {  	(pc) =	sbr.rel @p1 .LBB2_22-.Ltmp17, $3  }
0x1bf: {  	v3 =	vmul.f32 $5.000000000e-01, v3;
	_ =	sdelay $0x1  }
0x1c0: {  	[tilespmem:s21+$0x0] =	vst v3;
	s21 =	sadd.s32 $0x10, s21  }
0x1c1: {  	s22 =	sadd.s32 $0xFFFFFFFF, s22;
	v3 =	vld [tilespmem:s21+$0x0]  }
.LBB2_23:
0x1c2: {  	_ =	sdelay $0x3  }
0x1c3: {  	v3 =	vsub.f32 v3, v2;
	_ =	sdelay $0x1  }
0x1c4: {  	v3 =	vmul.f32 $5.000000000e-01, v3;
	_ =	sdelay $0x1  }
0x1c5: {  	[tilespmem:s21+$0x0] =	vst v3  }
.LBB2_24:
.Ltmp18:
0x1c6: {  	(pc) =	sbr.rel .LBB2_25-.Ltmp18, $2  }
0x1c7: {  	_ =	sdelay $0x2  }
0x1c8: {  	s21 =	simm.s32 $0x0;
	v3 =	vimm.f32 $-1.000000000e+00  }
.LBB2_26:
0x1c9: {  	v6 =	vimm.f32 $0.0e+00  }
.LBB2_30:
0x1ca: {  	(xrf2) =	vadd.scan.msk.f32 $0xffff, v4  }
0x1cb: {  	(xrf2) =	vadd.scan.msk.f32 $0xffff, v6;
	_ =	sdelay $0x8  }
0x1cc: {  	v4, _, _ =	vpop (xrf2)  }
0x1cd: {  	v5, _, _ =	vpop (xrf2)  }
0x1ce: {  	v5 =	vadd.f32 v5, v5;
	_ =	sdelay $0x1  }
0x1cf: {  	v5 =	vmax.f32 v5, $1.000000000e-30  }
0x1d0: {  	v5 =	vbroadcast v5, $0xF;
	_ =	sdelay $0x1  }
0x1d1: {  	(erf) = vrcp.f32 v5;
	_ =	sdelay $0x5  }
0x1d2: {  	s21 =	sadd.s32 $0x1, s21;
	v4 =	vadd.f32 $-1.000000000e+00, v4  }
0x1d3: {  	p1 =	sne.s32 s21, $0xC  }
.Ltmp19:
0x1d4: {  	v4 =	vbroadcast v4, $0xF;
	(pc) =	sbr.rel @!p1 .LBB2_31-.Ltmp19, $3  }
0x1d5: {  	v5 =	vpop (erf)  }
0x1d6: {  	v4 =	vmul.f32 v5, v4;
	_ =	sdelay $0x1  }
0x1d7: {  	v3 =	vadd.f32 v4, v3  }
.LBB2_25:
.Ltmp20:
0x1d8: {  	(pc) =	sbr.rel @p0 .LBB2_26-.Ltmp20, $2  }
0x1d9: {  	_ =	sdelay $0x2  }
0x1da: {  	v4 =	vimm.f32 $0.0e+00;
	s23 =	simm.s32 $0x10000  }
0x1db: {  	v5 =	vld [tilespmem:s23+$0x0];
	p1 =	sne.s32 s20, $0x1  }
.Ltmp21:
0x1dc: {  	_ = 	snop;
	(pc) =	sbr.rel @!p1 .LBB2_29-.Ltmp21, $2  }
0x1dd: {  	_ =	sdelay $0x2  }
0x1de: {  	s22 =	sadd.s32 $0xFFFFFFFF, s20;
	s23 =	sadd.s32 $0x10, s23;
	v6 =	vsub.f32 v5, v3;
	v5 =	vimm.f32 $0.0e+00  }
.LBB2_28:
0x1df: {  	v7 =	vld [tilespmem:s23+$0x0];
	p1 =	sne.s32 s22, $0x1;
	s22 =	sadd.s32 $0xFFFFFFFF, s22  }
.Ltmp22:
0x1e0: {  	v6 =	vmax.f32 v6, $0.0e+00;
	(pc) =	sbr.rel @p1 .LBB2_28-.Ltmp22, $3  }
0x1e1: {  	v8 =	vmul.f32 v6, v6;
	v4 =	vadd.f32 v6, v4;
	_ =	sdelay $0x1  }
0x1e2: {  	v5 =	vadd.f32 v8, v5  }
0x1e3: {  	s23 =	sadd.s32 $0x10, s23;
	v6 =	vsub.f32 v7, v3  }
.LBB2_29:
0x1e4: {  	_ = 	snop  }
.Ltmp23:
0x1e5: {  	v6 =	vmax.f32 v6, $0.0e+00;
	(pc) =	sbr.rel .LBB2_30-.Ltmp23, $2  }
0x1e6: {  	v7 =	vmul.f32 v6, v6;
	_ =	sdelay $0x1  }
0x1e7: {  	v6 =	vadd.f32 v6, v4;
	v4 =	vadd.f32 v7, v5;
	_ =	sdelay $0x1  }
.LBB2_31:
0x1e8: {  	[tilespmem:$0x12080] =	vst v2  }
0x1e9: {  	[tilespmem:$0x12280] =	vst v3  }
0x1ea: {  	[tilespmem:s12], [sflag:$0x2] =	stream.strided.gather [hbm4b:s6+s10], $0x8000, s11, s10, $0x38;
	[tilespmem:$0x12400] =	vst v63  }
0x1eb: {  	_ =	swait.ge [sflag:s13], $0x8000  }
0x1ec: {  	[sflag:s13] =	ssyncset.done $0x0  }
0x1ed: {  	s20 =	simm.s32 $0x0;
	[sflag:s13] =	ssyncadd.s32 $0xFFFF8000  }
0x1ee: {  	v2 =	vld [tilespmem:s20+$0xE0]  }
0x1ef: {  	v4 =	vld [tilespmem:s20+$0xC0]  }
0x1f0: {  	v3 =	vld [tilespmem:s20+$0xA0]  }
0x1f1: {  	v5 =	vld [tilespmem:s20+$0x80]  }
0x1f2: {  	v6 =	vld [tilespmem:s20+$0x60]  }
0x1f3: {  	v7 =	vld [tilespmem:s20+$0x40]  }
0x1f4: {  	v8 =	vld [tilespmem:s20+$0x20]  }
0x1f5: {  	v9 =	vimm.f32 $-3.000000010e+38;
	s21 =	simm.s32 $0x400;
	v10 =	vimm.f32 $-3.000000010e+38;
	v11 =	vld [tilespmem:s20+$0x0]  }
.LBB2_32:
0x1f6: {  	p0 =	sne.s32 s21, $0x1FC00;
	v12 =	vld [tilespmem:s20+$0x10]  }
0x1f7: {  	v13 =	vld [tilespmem:s20+$0x30]  }
0x1f8: {  	v14 =	vld [tilespmem:s20+$0x50]  }
0x1f9: {  	v15 =	vld [tilespmem:s20+$0x70]  }
0x1fa: {  	v16 =	vld [tilespmem:s20+$0x90]  }
0x1fb: {  	v9 =	vmax.f32 v9, v11;
	v10 =	vmax.f32 v10, v12;
	v11 =	vld [tilespmem:s20+$0xB0]  }
0x1fc: {  	v8 =	vmax.f32 v9, v8;
	v9 =	vmax.f32 v10, v13;
	v10 =	vld [tilespmem:s20+$0xD0]  }
0x1fd: {  	v7 =	vmax.f32 v8, v7;
	v8 =	vmax.f32 v9, v14;
	v12 =	vld [tilespmem:s20+$0xF0];
	s20 =	sshra.s32 s21, $0x2  }
0x1fe: {  	v6 =	vmax.f32 v7, v6;
	v13 =	vld [tilespmem:s20+$0xE0];
	v7 =	vmax.f32 v8, v15  }
0x1ff: {  	v5 =	vmax.f32 v6, v5;
	v14 =	vld [tilespmem:s20+$0xC0];
	v6 =	vmax.f32 v7, v16  }
0x200: {  	v7 =	vmax.f32 v5, v3;
	v3 =	vld [tilespmem:s20+$0xA0];
	v6 =	vmax.f32 v6, v11  }
.Ltmp24:
0x201: {  	v4 =	vmax.f32 v7, v4;
	v5 =	vld [tilespmem:s20+$0x80];
	v7 =	vmax.f32 v6, v10;
	(pc) =	sbr.rel @p0 .LBB2_32-.Ltmp24, $4  }
0x202: {  	v9 =	vmax.f32 v4, v2;
	v6 =	vld [tilespmem:s20+$0x60];
	v10 =	vmax.f32 v7, v12  }
0x203: {  	v7 =	vld [tilespmem:s20+$0x40];
	v2 =	vmov v13  }
0x204: {  	v8 =	vld [tilespmem:s20+$0x20];
	v4 =	vmov v14  }
0x205: {  	s21 =	sadd.s32 $0x400, s21;
	v11 =	vld [tilespmem:s20+$0x0]  }
0x206: {  	v12 =	vld [tilespmem:s20+$0x10]  }
0x207: {  	v13 =	vld [tilespmem:s20+$0x30]  }
0x208: {  	v14 =	vld [tilespmem:s20+$0x50]  }
0x209: {  	v15 =	vld [tilespmem:s20+$0x70]  }
0x20a: {  	v16 =	vld [tilespmem:s20+$0x90]  }
0x20b: {  	v9 =	vmax.f32 v9, v11;
	v11 =	vld [tilespmem:s20+$0xB0];
	v10 =	vmax.f32 v10, v12  }
0x20c: {  	v8 =	vmax.f32 v9, v8;
	v9 =	vmax.f32 v10, v13;
	v10 =	vld [tilespmem:s20+$0xD0]  }
0x20d: {  	v7 =	vmax.f32 v8, v7;
	v8 =	vmax.f32 v9, v14;
	v9 =	vld [tilespmem:s20+$0xF0]  }
0x20e: {  	v6 =	vmax.f32 v7, v6;
	v7 =	vmax.f32 v8, v15  }
0x20f: {  	v5 =	vmax.f32 v6, v5;
	v6 =	vmax.f32 v7, v16  }
0x210: {  	v3 =	vmax.f32 v5, v3;
	v5 =	vmax.f32 v6, v11  }
0x211: {  	v3 =	vmax.f32 v3, v4;
	v4 =	vmax.f32 v5, v10  }
0x212: {  	v2 =	vmax.f32 v3, v2;
	v3 =	vmax.f32 v4, v9  }
0x213: {  	v2 =	vmax.f32 v2, v3  }
0x214: {  	(xrf0) =	vmax.scan.msk.f32 $0xffff, v2;
	_ =	sdelay $0x5  }
0x215: {  	v2, _, _ =	vpop (xrf0)  }
0x216: {  	(v2sf) =	vpush v2, $0xF;
	_ =	sdelay $0x8  }
0x217: {  	s31 =	simm.s32 $0x0  }
0x218: {  	v23 =	vld [tilespmem:s31+$0x0]  }
0x219: {  	v16 =	vld [tilespmem:s31+$0x10]  }
0x21a: {  	v11 =	vld [tilespmem:s31+$0x20]  }
0x21b: {  	v5 =	vld [tilespmem:s31+$0x40]  }
0x21c: {  	v3 =	vld [tilespmem:s31+$0x50]  }
0x21d: {  	v4 =	vld [tilespmem:s31+$0x60];
	s21 =	spop (v2sf)  }
0x21e: {  	v9 =	vld [tilespmem:s31+$0x30];
	s21 =	sadd.f32 $-2.000000000e+00, s21  }
0x21f: {  	v8 =	vld [tilespmem:s31+$0x70]  }
0x220: {  	v12 =	vimm.s32 $0x0;
	v7 =	vmov s21  }
0x221: {  	vm3 =	vge.f32 v11, v7;
	vm13 =	vge.f32 v23, v7;
	vm0 =	vge.f32 v3, v7  }
0x222: {  	vm1 =	vge.f32 v5, v7;
	vm9 =	vge.f32 v16, v7;
	v6 =	vsel vm3, $0x1, v0  }
0x223: {  	vm2 =	vge.f32 v4, v7;
	vm6 =	vge.f32 v9, v7;
	v10 =	vsel vm13, $0x1, v0;
	(xrf0) =	vadd.scan.msk.s32 $0xffff, v6  }
0x224: {  	vm4 =	vge.f32 v8, v7;
	v13 =	vmpcnt.ones.xlane vm13;
	v14 =	vmpcnt.ones.xlane vm1;
	(xrf0) =	vadd.scan.msk.s32 $0xffff, v10  }
0x225: {  	v15 =	vmpcnt.ones.xlane vm0;
	v6 =	vsel vm0, $0x1, v0;
	v10 =	vsel vm1, $0x1, v0  }
0x226: {  	v18 =	vadd.s32 v12, v13;
	v13 =	vsel vm9, $0x1, v0;
	(xrf0) =	vadd.scan.msk.s32 $0xffff, v6;
	v6 =	vimm.s32 $0x0  }
0x227: {  	v17 =	vmpcnt.ones.xlane vm2;
	v6 =	vsel vm1, $0xFFFFFFFF, v6;
	(xrf0) =	vadd.scan.msk.s32 $0xffff, v10;
	v10 =	vimm.s32 $0x0  }
0x228: {  	v20 =	vsel vm2, $0x1, v0;
	[tilespmem:$0x1FFA0] =	vst v6;
	v6 =	vmpcnt.ones.xlane vm9;
	v10 =	vsel vm0, $0xFFFFFFFF, v10  }
0x229: {  	v22 =	vmpcnt.ones.xlane vm3;
	v24 =	vmpcnt.ones.xlane vm4;
	(xrf0) =	vadd.scan.msk.s32 $0xffff, v13;
	[tilespmem:$0x1FFB0] =	vst v10;
	v10 =	vld [tilespmem:s31+$0x80];
	v13, _, _ =	vpop (xrf0)  }
0x22a: {  	v33 =	vsel vm4, $0x1, v0;
	v19 =	vadd.s32 v6, v18;
	v6 =	vld [tilespmem:s31+$0xF0];
	(xrf0) =	vadd.scan.msk.s32 $0xffff, v20;
	v20 =	vmpcnt.ones.xlane vm6;
	v25, _, _ =	vpop (xrf0)  }
0x22b: {  	v21 =	vadd.s32 v19, v13;
	v27 =	vadd.s32 v22, v19;
	v25 =	vadd.s32 v25, v12  }
0x22c: {  	v21 =	vadd.s32 $0xFFFFFFFF, v21;
	v19 =	vadd.s32 v20, v27;
	v22 =	vadd.s32 $0xFFFFFFFF, v25  }
0x22d: {  	v13 =	vld [tilespmem:s31+$0x90];
	v26, _, _ =	vpop (xrf0);
	v25 =	vsel vm6, $0x1, v0;
	v28 =	vadd.s32 v14, v19;
	vm15 =	vlt.s32 v21, $0x1FFF  }
0x22e: {  	v12 =	vld [tilespmem:s31+$0xE0];
	v20, _, _ =	vpop (xrf0);
	vm0 =	vlt.s32 v22, $0x1FFF;
	vm8 =	vge.f32 v10, v7;
	v29 =	vadd.s32 v15, v28  }
0x22f: {  	v61 =	vadd.s32 v28, v26;
	v20 =	vadd.s32 v19, v20;
	vm5 =	vge.f32 v6, v7  }
0x230: {  	v14 =	vld [tilespmem:s31+$0xD0];
	(xrf0) =	vadd.scan.msk.s32 $0xffff, v25;
	v31 =	vnsel vm0, $0x1FFF, v22;
	v32 =	vadd.s32 v17, v29;
	v34 =	vmpcnt.ones.xlane vm8  }
0x231: {  	v15 =	vld [tilespmem:s31+$0xA0];
	v30, _, _ =	vpop (xrf0);
	(xrf0) =	vadd.scan.msk.s32 $0xffff, v33;
	v35 =	vsel vm8, $0x1, v0;
	v33 =	vadd.s32 $0xFFFFFFFF, v61;
	v19 =	vmpcnt.ones.xlane vm5  }
0x232: {  	v17, _, _ =	vpop (xrf0);
	vm10 =	vge.f32 v13, v7;
	v22 =	vsel vm5, $0x1, v0;
	v18 =	vadd.s32 v18, v30  }
0x233: {  	v30 =	vadd.s32 $0xFFFFFFFF, v20;
	vm7 =	vge.f32 v12, v7;
	v25 =	vadd.s32 v29, v17  }
0x234: {  	v17 =	vld [tilespmem:s31+$0xC0];
	v29 =	vadd.s32 $0xFFFFFFFF, v18;
	v28 =	vmpcnt.ones.xlane vm10;
	v18 =	vadd.s32 $0xFFFFFFFF, v25  }
0x235: {  	v26 =	vsel vm10, $0x1, v0;
	vm0 =	vlt.s32 v29, $0x1FFF;
	vm12 =	vlt.s32 v18, $0x1FFF  }
0x236: {  	vm11 =	vge.f32 v14, v7;
	v20 =	vnsel vm12, $0x1FFF, v18;
	v18 =	vld [tilespmem:s31+$0xB0];
	vm12 =	vge.f32 v15, v7  }
0x237: {  	v25 =	vadd.s32 v24, v32;
	v24 =	vmpcnt.ones.xlane vm11;
	v36, _, _ =	vpop (xrf0);
	[tilespmem:v31+s14+$0x0] =	vst.idx.msk vm13, v23;
	v31 =	vmpcnt.ones.xlane vm12  }
0x238: {  	v23, _, _ =	vpop (xrf0);
	(xrf0) =	vadd.scan.msk.s32 $0xffff, v26;
	v26 =	vnsel vm0, $0x1FFF, v29;
	v36 =	vadd.s32 v27, v36;
	v29 =	vsel vm11, $0x1, v0  }
0x239: {  	vm0 =	vlt.s32 v30, $0x1FFF;
	v62 =	vsel vm12, $0x1, v0;
	vm13 =	vge.f32 v17, v7;
	(xrf0) =	vadd.scan.msk.s32 $0xffff, v35  }
0x23a: {  	v27 =	vadd.s32 v32, v23;
	v23 =	vnsel vm0, $0x1FFF, v30;
	v30 =	vadd.s32 v34, v25;
	(xrf0) =	vadd.scan.msk.s32 $0xffff, v29  }
0x23b: {  	v32 =	vadd.s32 $0xFFFFFFFF, v36;
	v63 =	vsel vm13, $0x1, v0;
	(xrf0) =	vadd.scan.msk.s32 $0xffff, v62;
	vm14 =	vge.f32 v18, v7  }
0x23c: {  	s20 =	simm.s32 $0x400;
	v29 =	vmpcnt.ones.xlane vm13;
	(xrf0) =	vadd.scan.msk.s32 $0xffff, v63;
	v34 =	vmpcnt.ones.xlane vm14;
	v35 =	vsel vm14, $0x1, v0  }
.LBB2_34:
0x23d: {  	_ = 	snop  }
0x23e: {  	v37, _, _ =	vpop (xrf0)  }
0x23f: {  	v28 =	vadd.s32 v28, v30;
	v50, _, _ =	vpop (xrf0)  }
0x240: {  	vm0 =	vlt.s32 v32, $0x1FFF;
	v21 =	vnsel vm15, $0x1FFF, v21;
	(xrf0) =	vadd.scan.msk.s32 $0xffff, v35;
	v52, _, _ =	vpop (xrf0)  }
0x241: {  	[tilespmem:v26+s14+$0x0] =	vst.idx.msk vm9, v16;
	v26 =	vsel vm7, $0x1, v0;
	v51 =	vadd.s32 v25, v50;
	(xrf0) =	vadd.scan.msk.s32 $0xffff, v22;
	v25, _, _ =	vpop (xrf0)  }
0x242: {  	v31 =	vadd.s32 v31, v28;
	v25 =	vadd.s32 v28, v25;
	v28, _, _ =	vpop (xrf0);
	(xrf0) =	vadd.scan.msk.s32 $0xffff, v26;
	v26 =	vnsel vm0, $0x1FFF, v32;
	_ =	sdelay $0x1  }
0x243: {  	v30 =	vadd.s32 v30, v37  }
0x244: {  	v30 =	vadd.s32 $0xFFFFFFFF, v30  }
0x245: {  	vm9 =	vlt.s32 v30, $0x1FFF;
	[tilespmem:v21+s14+$0x0] =	vst.idx.msk vm3, v11  }
0x246: {  	[tilespmem:v26+s14+$0x0] =	vst.idx.msk vm6, v9;
	v9 =	vnsel vm9, $0x1FFF, v30;
	v30 =	vld [tilespmem:$0x1FFA0];
	_ =	sdelay $0x1  }
0x247: {  	vm1 =	vlt.s32 v33, $0x1FFF;
	v22 =	vadd.s32 $0xFFFFFFFF, v51  }
0x248: {  	v27 =	vadd.s32 $0xFFFFFFFF, v27;
	v16 =	vnsel vm1, $0x1FFF, v33;
	vm1 =	vlt.s32 v22, $0x1FFF  }
0x249: {  	v22 =	vnsel vm1, $0x1FFF, v22;
	vm1 =	vlt.s32 v27, $0x1FFF  }
0x24a: {  	v25 =	vadd.s32 $0xFFFFFFFF, v25;
	v27 =	vnsel vm1, $0x1FFF, v27;
	vm1 =	vnez.u8 v30  }
0x24b: {  	v53 =	vadd.s32 v34, v31;
	vm0 =	vlt.s32 v25, $0x1FFF  }
0x24c: {  	v11 =	vnsel vm0, $0x1FFF, v25;
	v25 =	vadd.s32 v53, v28;
	v28 =	vadd.s32 v29, v53  }
0x24d: {  	v54, _, _ =	vpop (xrf0)  }
0x24e: {  	v36 =	vmpcnt.ones.xlane vm7;
	v29, _, _ =	vpop (xrf0)  }
0x24f: {  	v21 =	vadd.s32 v31, v54;
	v31 =	vadd.s32 v28, v52;
	v24 =	vadd.s32 v24, v28;
	v28, _, _ =	vpop (xrf0)  }
0x250: {  	[tilespmem:v23+s14+$0x0] =	vst.idx.msk vm1, v5;
	v5 =	vadd.s32 v24, v28;
	v23 =	vadd.s32 v36, v24;
	v24 =	vld [tilespmem:$0x1FFB0];
	_ =	sdelay $0x4  }
0x251: {  	vm3 =	vnez.u8 v24;
	_ =	sdelay $0x4  }
0x252: {  	v21 =	vadd.s32 $0xFFFFFFFF, v21  }
0x253: {  	v25 =	vadd.s32 $0xFFFFFFFF, v25;
	vm0 =	vlt.s32 v21, $0x1FFF;
	v26 =	vadd.s32 $0xFFFFFFFF, v31;
	[tilespmem:v16+s14+$0x0] =	vst.idx.msk vm3, v3  }
0x254: {  	v21 =	vnsel vm0, $0x1FFF, v21;
	vm0 =	vlt.s32 v25, $0x1FFF;
	vm1 =	vlt.s32 v26, $0x1FFF;
	[tilespmem:v20+s14+$0x0] =	vst.idx.msk vm2, v4  }
0x255: {  	v5 =	vadd.s32 $0xFFFFFFFF, v5;
	v16 =	vadd.s32 v23, v29;
	v4 =	vnsel vm0, $0x1FFF, v25;
	[tilespmem:v27+s14+$0x0] =	vst.idx.msk vm4, v8  }
0x256: {  	v3 =	vnsel vm1, $0x1FFF, v26;
	v16 =	vadd.s32 $0xFFFFFFFF, v16;
	vm0 =	vlt.s32 v5, $0x1FFF;
	[tilespmem:v22+s14+$0x0] =	vst.idx.msk vm8, v10  }
0x257: {  	vm1 =	vlt.s32 v16, $0x1FFF;
	v5 =	vnsel vm0, $0x1FFF, v5;
	[tilespmem:v9+s14+$0x0] =	vst.idx.msk vm10, v13  }
0x258: {  	v8 =	vnsel vm1, $0x1FFF, v16;
	[tilespmem:v11+s14+$0x0] =	vst.idx.msk vm12, v15  }
0x259: {  	[tilespmem:v21+s14+$0x0] =	vst.idx.msk vm14, v18  }
0x25a: {  	[tilespmem:v4+s14+$0x0] =	vst.idx.msk vm13, v17  }
0x25b: {  	[tilespmem:v3+s14+$0x0] =	vst.idx.msk vm11, v14  }
0x25c: {  	s21 =	smov.u32 s20;
	[tilespmem:v5+s14+$0x0] =	vst.idx.msk vm7, v12  }
0x25d: {  	s21 =	sshra.s32 s21, $0x2;
	[tilespmem:v8+s14+$0x0] =	vst.idx.msk vm5, v6  }
0x25e: {  	v11 =	vld [tilespmem:s21+$0x20]  }
0x25f: {  	v5 =	vld [tilespmem:s21+$0x40]  }
0x260: {  	v20 =	vld [tilespmem:s21+$0x0]  }
0x261: {  	v3 =	vld [tilespmem:s21+$0x50]  }
0x262: {  	v16 =	vld [tilespmem:s21+$0x10];
	_ =	sdelay $0x1  }
0x263: {  	v4 =	vld [tilespmem:s21+$0x60]  }
0x264: {  	v19 =	vadd.s32 v19, v23;
	v9 =	vld [tilespmem:s21+$0x30];
	vm3 =	vge.f32 v11, v7;
	vm1 =	vge.f32 v5, v7  }
0x265: {  	v8 =	vld [tilespmem:s21+$0x70];
	vm12 =	vge.f32 v20, v7;
	vm0 =	vge.f32 v3, v7;
	v6 =	vsel vm3, $0x1, v0  }
0x266: {  	vm9 =	vge.f32 v16, v7;
	v10 =	vsel vm12, $0x1, v0;
	(xrf0) =	vadd.scan.msk.s32 $0xffff, v6;
	v6 =	vimm.s32 $0x0  }
0x267: {  	v13 =	vmpcnt.ones.xlane vm12;
	v6 =	vsel vm1, $0xFFFFFFFF, v6;
	(xrf0) =	vadd.scan.msk.s32 $0xffff, v10;
	v10 =	vimm.s32 $0x0  }
0x268: {  	vm2 =	vge.f32 v4, v7;
	v14 =	vmpcnt.ones.xlane vm9;
	[tilespmem:$0x1FFA0] =	vst v6;
	v10 =	vsel vm0, $0xFFFFFFFF, v10  }
0x269: {  	v18 =	vmpcnt.ones.xlane vm3;
	v25 =	vadd.s32 v19, v13;
	v6 =	vsel vm0, $0x1, v0;
	[tilespmem:$0x1FFB0] =	vst v10;
	v10 =	vld [tilespmem:s21+$0x80]  }
0x26a: {  	vm6 =	vge.f32 v9, v7;
	vm4 =	vge.f32 v8, v7;
	v17 =	vadd.s32 v14, v25;
	(xrf0) =	vadd.scan.msk.s32 $0xffff, v6;
	v6 =	vld [tilespmem:s21+$0xF0]  }
0x26b: {  	v12 =	vsel vm1, $0x1, v0;
	v22 =	vmpcnt.ones.xlane vm1;
	v29 =	vadd.s32 v18, v17;
	v18 =	vld [tilespmem:s21+$0xB0]  }
0x26c: {  	v23 =	vmpcnt.ones.xlane vm0;
	v26 =	vmpcnt.ones.xlane vm6;
	v13 =	vsel vm9, $0x1, v0;
	(xrf0) =	vadd.scan.msk.s32 $0xffff, v12  }
0x26d: {  	v24 =	vmpcnt.ones.xlane vm2;
	v27 =	vmpcnt.ones.xlane vm4;
	v57 =	vsel vm4, $0x1, v0;
	(xrf0) =	vadd.scan.msk.s32 $0xffff, v13;
	v13 =	vld [tilespmem:s21+$0x90];
	v14, _, _ =	vpop (xrf0)  }
0x26e: {  	v12 =	vsel vm2, $0x1, v0;
	v26 =	vadd.s32 v26, v29;
	v21 =	vadd.s32 v17, v14;
	v28, _, _ =	vpop (xrf0)  }
0x26f: {  	(xrf0) =	vadd.scan.msk.s32 $0xffff, v12;
	v19 =	vadd.s32 v28, v19;
	v21 =	vadd.s32 $0xFFFFFFFF, v21;
	vm8 =	vge.f32 v10, v7  }
0x270: {  	v12 =	vld [tilespmem:s21+$0xE0];
	vm5 =	vge.f32 v6, v7;
	vm14 =	vge.f32 v18, v7;
	v30 =	vadd.s32 $0xFFFFFFFF, v19  }
0x271: {  	v14 =	vld [tilespmem:s21+$0xD0];
	v28, _, _ =	vpop (xrf0);
	v19 =	vsel vm6, $0x1, v0;
	vm15 =	vlt.s32 v21, $0x1FFF;
	v34 =	vmpcnt.ones.xlane vm14  }
0x272: {  	v17 =	vld [tilespmem:s21+$0xC0];
	v35 =	vsel vm14, $0x1, v0;
	v31, _, _ =	vpop (xrf0);
	vm0 =	vlt.s32 v30, $0x1FFF;
	vm10 =	vge.f32 v13, v7  }
0x273: {  	v31 =	vadd.s32 v26, v31;
	v26 =	vadd.s32 v22, v26;
	v55, _, _ =	vpop (xrf0);
	(xrf0) =	vadd.scan.msk.s32 $0xffff, v19;
	v19 =	vmpcnt.ones.xlane vm5  }
0x274: {  	v30 =	vnsel vm0, $0x1FFF, v30;
	v22 =	vsel vm5, $0x1, v0;
	v23 =	vadd.s32 v23, v26  }
0x275: {  	vm7 =	vge.f32 v12, v7;
	v25 =	vadd.s32 v25, v55;
	v56 =	vadd.s32 v24, v23;
	v24, _, _ =	vpop (xrf0);
	(xrf0) =	vadd.scan.msk.s32 $0xffff, v57  }
0x276: {  	v58 =	vadd.s32 $0xFFFFFFFF, v31;
	v59 =	vadd.s32 v26, v28;
	vm11 =	vge.f32 v14, v7  }
0x277: {  	v15 =	vld [tilespmem:s21+$0xA0];
	v28 =	vmpcnt.ones.xlane vm10;
	v26 =	vsel vm10, $0x1, v0;
	vm13 =	vge.f32 v17, v7  }
0x278: {  	v32 =	vadd.s32 $0xFFFFFFFF, v25;
	v63 =	vsel vm13, $0x1, v0;
	v23 =	vadd.s32 v23, v24  }
0x279: {  	v33 =	vadd.s32 $0xFFFFFFFF, v59;
	vm0 =	vlt.s32 v32, $0x1FFF;
	v23 =	vadd.s32 $0xFFFFFFFF, v23  }
0x27a: {  	p0 =	sne.s32 s20, $0x1FC00;
	v25 =	vadd.s32 v27, v56;
	v24 =	vmpcnt.ones.xlane vm11;
	[tilespmem:v30+s14+$0x0] =	vst.idx.msk vm12, v20;
	vm1 =	vlt.s32 v23, $0x1FFF;
	v27, _, _ =	vpop (xrf0)  }
.Ltmp25:
0x27b: {  	v30 =	vmpcnt.ones.xlane vm8;
	v20 =	vnsel vm1, $0x1FFF, v23;
	v23 =	vsel vm8, $0x1, v0;
	v60, _, _ =	vpop (xrf0);
	(xrf0) =	vadd.scan.msk.s32 $0xffff, v26;
	(pc) =	sbr.rel @p0 .LBB2_34-.Ltmp25, $4  }
0x27c: {  	vm12 =	vge.f32 v15, v7;
	v61 =	vadd.s32 v29, v27;
	v29 =	vsel vm11, $0x1, v0;
	(xrf0) =	vadd.scan.msk.s32 $0xffff, v23  }
0x27d: {  	v31 =	vmpcnt.ones.xlane vm12;
	v62 =	vsel vm12, $0x1, v0;
	v30 =	vadd.s32 v30, v25;
	(xrf0) =	vadd.scan.msk.s32 $0xffff, v29  }
0x27e: {  	v26 =	vnsel vm0, $0x1FFF, v32;
	vm0 =	vlt.s32 v58, $0x1FFF;
	v32 =	vadd.s32 $0xFFFFFFFF, v61;
	(xrf0) =	vadd.scan.msk.s32 $0xffff, v62  }
0x27f: {  	s20 =	sadd.s32 $0x400, s20;
	v27 =	vadd.s32 v56, v60;
	v23 =	vnsel vm0, $0x1FFF, v58;
	v29 =	vmpcnt.ones.xlane vm13;
	(xrf0) =	vadd.scan.msk.s32 $0xffff, v63  }
0x280: {  	v7 =	vadd.s32 v28, v30  }
0x281: {  	v28 =	vadd.s32 v31, v7  }
0x282: {  	v31 =	vadd.s32 v34, v28  }
0x283: {  	v43 =	vmpcnt.ones.xlane vm7;
	v29 =	vadd.s32 v29, v31  }
0x284: {  	v36, _, _ =	vpop (xrf0);
	v24 =	vadd.s32 v24, v29  }
0x285: {  	v21 =	vnsel vm15, $0x1FFF, v21;
	vm0 =	vlt.s32 v32, $0x1FFF;
	v44, _, _ =	vpop (xrf0);
	v34 =	vadd.s32 v43, v24  }
0x286: {  	vm15 =	vlt.s32 v33, $0x1FFF;
	v48 =	vsel vm7, $0x1, v0;
	v45, _, _ =	vpop (xrf0);
	v19 =	vadd.s32 v19, v34  }
0x287: {  	v27 =	vadd.s32 $0xFFFFFFFF, v27;
	v57 =	vld [tilespmem:$0x1FFA0];
	v25 =	vadd.s32 v25, v44;
	v46, _, _ =	vpop (xrf0);
	(v2sf) =	vpush v19, $0x0  }
0x288: {  	v60 =	vld [tilespmem:$0x1FFB0];
	v32 =	vnsel vm0, $0x1FFF, v32;
	v47 =	vadd.s32 $0xFFFFFFFF, v25;
	v7 =	vadd.s32 v7, v46  }
0x289: {  	(xrf0) =	vadd.scan.msk.s32 $0xffff, v35;
	v49 =	vnsel vm15, $0x1FFF, v33;
	vm15 =	vlt.s32 v47, $0x1FFF;
	v7 =	vadd.s32 $0xFFFFFFFF, v7  }
0x28a: {  	v51 =	vadd.s32 v30, v36;
	(xrf0) =	vadd.scan.msk.s32 $0xffff, v22;
	v22 =	vnsel vm15, $0x1FFF, v47;
	vm15 =	vlt.s32 v7, $0x1FFF  }
0x28b: {  	[tilespmem:v26+s14+$0x0] =	vst.idx.msk vm9, v16;
	v16 =	vadd.s32 $0xFFFFFFFF, v51;
	v7 =	vnsel vm15, $0x1FFF, v7;
	vm15 =	vlt.s32 v27, $0x1FFF  }
0x28c: {  	vm9 =	vlt.s32 v16, $0x1FFF;
	v53 =	vnsel vm15, $0x1FFF, v27;
	vm15 =	vnez.u8 v57  }
0x28d: {  	(xrf0) =	vadd.scan.msk.s32 $0xffff, v48;
	v16 =	vnsel vm9, $0x1FFF, v16;
	vm9 =	vnez.u8 v60  }
0x28e: {  	v50, _, _ =	vpop (xrf0)  }
0x28f: {  	v52, _, _ =	vpop (xrf0)  }
0x290: {  	[tilespmem:v21+s14+$0x0] =	vst.idx.msk vm3, v11;
	v54 =	vadd.s32 v28, v52  }
0x291: {  	[tilespmem:v32+s14+$0x0] =	vst.idx.msk vm6, v9;
	v55 =	vadd.s32 $0xFFFFFFFF, v54  }
0x292: {  	v59 =	vadd.s32 v29, v45;
	v19 =	vadd.s32 v31, v50;
	v56, _, _ =	vpop (xrf0);
	vm6 =	vlt.s32 v55, $0x1FFF;
	[tilespmem:v23+s14+$0x0] =	vst.idx.msk vm15, v5  }
0x293: {  	v62 =	vadd.s32 $0xFFFFFFFF, v59;
	v58 =	vadd.s32 $0xFFFFFFFF, v19;
	v9 =	vnsel vm6, $0x1FFF, v55;
	[tilespmem:v49+s14+$0x0] =	vst.idx.msk vm9, v3;
	v3, _, _ =	vpop (xrf0)  }
0x294: {  	vm6 =	vlt.s32 v62, $0x1FFF;
	vm15 =	vlt.s32 v58, $0x1FFF;
	[tilespmem:v20+s14+$0x0] =	vst.idx.msk vm2, v4;
	v3 =	vadd.s32 v24, v3  }
0x295: {  	v63 =	vadd.s32 v34, v56;
	v61 =	vnsel vm15, $0x1FFF, v58;
	[tilespmem:v53+s14+$0x0] =	vst.idx.msk vm4, v8;
	v3 =	vadd.s32 $0xFFFFFFFF, v3  }
0x296: {  	v5 =	vnsel vm6, $0x1FFF, v62;
	v8 =	vadd.s32 $0xFFFFFFFF, v63;
	[tilespmem:v22+s14+$0x0] =	vst.idx.msk vm8, v10;
	vm9 =	vlt.s32 v3, $0x1FFF;
	s21 =	spop (v2sf)  }
0x297: {  	vm15 =	vlt.s32 v8, $0x1FFF;
	v3 =	vnsel vm9, $0x1FFF, v3;
	[tilespmem:v16+s14+$0x0] =	vst.idx.msk vm10, v13;
	s20 =	sadd.s32 $0xF, s21  }
0x298: {  	v8 =	vnsel vm15, $0x1FFF, v8;
	[tilespmem:v7+s14+$0x0] =	vst.idx.msk vm12, v15;
	p0 =	slt.s32 s21, $0x1FF0;
	s20 =	sshra.s32 s20, $0x4  }
0x299: {  	[tilespmem:v9+s14+$0x0] =	vst.idx.msk vm14, v18;
	s21 =	simm.s32 @!p0 $0x1FF0;
	p0 =	slt.s32 s20, $0x1  }
.Ltmp26:
0x29a: {  	[tilespmem:v61+s14+$0x0] =	vst.idx.msk vm13, v17;
	(pc) =	sbr.rel @p0 .LBB2_39-.Ltmp26, $4  }
0x29b: {  	[tilespmem:v5+s14+$0x0] =	vst.idx.msk vm11, v14  }
0x29c: {  	[tilespmem:v3+s14+$0x0] =	vst.idx.msk vm7, v12  }
0x29d: {  	[tilespmem:v8+s14+$0x0] =	vst.idx.msk vm5, v6  }
0x29e: {  	v2 =	vbroadcast v2, $0xF;
	[tilespmem:s21+$0x10000] =	vst v1;
	s21 =	simm.s32 $0x10000  }
0x29f: {  	p1 =	sne.s32 s20, $0x1  }
.Ltmp27:
0x2a0: {  	_ = 	snop;
	(pc) =	sbr.rel @!p1 .LBB2_38-.Ltmp27, $2  }
0x2a1: {  	_ =	sdelay $0x2  }
0x2a2: {  	v3 =	vld [tilespmem:s21+$0x0];
	s22 =	sadd.s32 $0xFFFFFFFF, s20  }
.LBB2_37:
0x2a3: {  	p1 =	sne.s32 s22, $0x1;
	_ =	sdelay $0x3  }
0x2a4: {  	v3 =	vsub.f32 v3, v2  }
.Ltmp28:
0x2a5: {  	(pc) =	sbr.rel @p1 .LBB2_37-.Ltmp28, $3  }
0x2a6: {  	v3 =	vmul.f32 $5.000000000e-01, v3;
	_ =	sdelay $0x1  }
0x2a7: {  	[tilespmem:s21+$0x0] =	vst v3;
	s21 =	sadd.s32 $0x10, s21  }
0x2a8: {  	s22 =	sadd.s32 $0xFFFFFFFF, s22;
	v3 =	vld [tilespmem:s21+$0x0]  }
.LBB2_38:
0x2a9: {  	_ =	sdelay $0x3  }
0x2aa: {  	v3 =	vsub.f32 v3, v2;
	_ =	sdelay $0x1  }
0x2ab: {  	v3 =	vmul.f32 $5.000000000e-01, v3;
	_ =	sdelay $0x1  }
0x2ac: {  	[tilespmem:s21+$0x0] =	vst v3  }
.LBB2_39:
.Ltmp29:
0x2ad: {  	(pc) =	sbr.rel .LBB2_40-.Ltmp29, $2  }
0x2ae: {  	_ =	sdelay $0x2  }
0x2af: {  	s21 =	simm.s32 $0x0;
	v3 =	vimm.f32 $-1.000000000e+00  }
.LBB2_41:
0x2b0: {  	v6 =	vimm.f32 $0.0e+00  }
.LBB2_45:
0x2b1: {  	(xrf2) =	vadd.scan.msk.f32 $0xffff, v4  }
0x2b2: {  	(xrf2) =	vadd.scan.msk.f32 $0xffff, v6;
	_ =	sdelay $0x8  }
0x2b3: {  	v4, _, _ =	vpop (xrf2)  }
0x2b4: {  	v5, _, _ =	vpop (xrf2)  }
0x2b5: {  	v5 =	vadd.f32 v5, v5;
	_ =	sdelay $0x1  }
0x2b6: {  	v5 =	vmax.f32 v5, $1.000000000e-30  }
0x2b7: {  	v5 =	vbroadcast v5, $0xF;
	_ =	sdelay $0x1  }
0x2b8: {  	(erf) = vrcp.f32 v5;
	_ =	sdelay $0x5  }
0x2b9: {  	s21 =	sadd.s32 $0x1, s21;
	v4 =	vadd.f32 $-1.000000000e+00, v4  }
0x2ba: {  	p1 =	sne.s32 s21, $0xC  }
.Ltmp30:
0x2bb: {  	v4 =	vbroadcast v4, $0xF;
	(pc) =	sbr.rel @!p1 .LBB2_46-.Ltmp30, $3  }
0x2bc: {  	v5 =	vpop (erf)  }
0x2bd: {  	v4 =	vmul.f32 v5, v4;
	_ =	sdelay $0x1  }
0x2be: {  	v3 =	vadd.f32 v4, v3  }
.LBB2_40:
.Ltmp31:
0x2bf: {  	(pc) =	sbr.rel @p0 .LBB2_41-.Ltmp31, $2  }
0x2c0: {  	_ =	sdelay $0x2  }
0x2c1: {  	v4 =	vimm.f32 $0.0e+00;
	s23 =	simm.s32 $0x10000  }
0x2c2: {  	v5 =	vld [tilespmem:s23+$0x0];
	p1 =	sne.s32 s20, $0x1  }
.Ltmp32:
0x2c3: {  	_ = 	snop;
	(pc) =	sbr.rel @!p1 .LBB2_44-.Ltmp32, $2  }
0x2c4: {  	_ =	sdelay $0x2  }
0x2c5: {  	s22 =	sadd.s32 $0xFFFFFFFF, s20;
	s23 =	sadd.s32 $0x10, s23;
	v6 =	vsub.f32 v5, v3;
	v5 =	vimm.f32 $0.0e+00  }
.LBB2_43:
0x2c6: {  	v7 =	vld [tilespmem:s23+$0x0];
	p1 =	sne.s32 s22, $0x1;
	s22 =	sadd.s32 $0xFFFFFFFF, s22  }
.Ltmp33:
0x2c7: {  	v6 =	vmax.f32 v6, $0.0e+00;
	(pc) =	sbr.rel @p1 .LBB2_43-.Ltmp33, $3  }
0x2c8: {  	v8 =	vmul.f32 v6, v6;
	v4 =	vadd.f32 v6, v4;
	_ =	sdelay $0x1  }
0x2c9: {  	v5 =	vadd.f32 v8, v5  }
0x2ca: {  	s23 =	sadd.s32 $0x10, s23;
	v6 =	vsub.f32 v7, v3  }
.LBB2_44:
0x2cb: {  	_ = 	snop  }
.Ltmp34:
0x2cc: {  	v6 =	vmax.f32 v6, $0.0e+00;
	(pc) =	sbr.rel .LBB2_45-.Ltmp34, $2  }
0x2cd: {  	v7 =	vmul.f32 v6, v6;
	_ =	sdelay $0x1  }
0x2ce: {  	v6 =	vadd.f32 v6, v4;
	v4 =	vadd.f32 v7, v5;
	_ =	sdelay $0x1  }
.LBB2_46:
0x2cf: {  	[tilespmem:$0x12100] =	vst v2  }
0x2d0: {  	[tilespmem:$0x12300] =	vst v3  }
0x2d1: {  	_ =	swait.ge [sflag:s15], $0x8000  }
0x2d2: {  	[sflag:s15] =	ssyncset.done $0x0  }
0x2d3: {  	s20 =	simm.s32 $0x0;
	[sflag:s15] =	ssyncadd.s32 $0xFFFF8000  }
0x2d4: {  	v2 =	vld [tilespmem:s20+$0x80E0]  }
0x2d5: {  	v4 =	vld [tilespmem:s20+$0x80C0]  }
0x2d6: {  	v3 =	vld [tilespmem:s20+$0x80A0]  }
0x2d7: {  	v5 =	vld [tilespmem:s20+$0x8080]  }
0x2d8: {  	v6 =	vld [tilespmem:s20+$0x8060]  }
0x2d9: {  	v7 =	vld [tilespmem:s20+$0x8040]  }
0x2da: {  	v8 =	vld [tilespmem:s20+$0x8020]  }
0x2db: {  	v9 =	vimm.f32 $-3.000000010e+38;
	s21 =	simm.s32 $0x400;
	v10 =	vimm.f32 $-3.000000010e+38;
	v11 =	vld [tilespmem:s20+$0x8000]  }
.LBB2_47:
0x2dc: {  	p0 =	sne.s32 s21, $0x1FC00;
	v12 =	vld [tilespmem:s20+$0x8010]  }
0x2dd: {  	v13 =	vld [tilespmem:s20+$0x8030]  }
0x2de: {  	v14 =	vld [tilespmem:s20+$0x8050]  }
0x2df: {  	v15 =	vld [tilespmem:s20+$0x8070]  }
0x2e0: {  	v16 =	vld [tilespmem:s20+$0x8090]  }
0x2e1: {  	v9 =	vmax.f32 v9, v11;
	v10 =	vmax.f32 v10, v12;
	v11 =	vld [tilespmem:s20+$0x80B0]  }
0x2e2: {  	v8 =	vmax.f32 v9, v8;
	v9 =	vmax.f32 v10, v13;
	v10 =	vld [tilespmem:s20+$0x80D0]  }
0x2e3: {  	v7 =	vmax.f32 v8, v7;
	v8 =	vmax.f32 v9, v14;
	v12 =	vld [tilespmem:s20+$0x80F0];
	s20 =	sshra.s32 s21, $0x2  }
0x2e4: {  	v6 =	vmax.f32 v7, v6;
	v13 =	vld [tilespmem:s20+$0x80E0];
	v7 =	vmax.f32 v8, v15  }
0x2e5: {  	v5 =	vmax.f32 v6, v5;
	v14 =	vld [tilespmem:s20+$0x80C0];
	v6 =	vmax.f32 v7, v16  }
0x2e6: {  	v7 =	vmax.f32 v5, v3;
	v3 =	vld [tilespmem:s20+$0x80A0];
	v6 =	vmax.f32 v6, v11  }
.Ltmp35:
0x2e7: {  	v4 =	vmax.f32 v7, v4;
	v5 =	vld [tilespmem:s20+$0x8080];
	v7 =	vmax.f32 v6, v10;
	(pc) =	sbr.rel @p0 .LBB2_47-.Ltmp35, $4  }
0x2e8: {  	v9 =	vmax.f32 v4, v2;
	v6 =	vld [tilespmem:s20+$0x8060];
	v10 =	vmax.f32 v7, v12  }
0x2e9: {  	v7 =	vld [tilespmem:s20+$0x8040];
	v2 =	vmov v13  }
0x2ea: {  	v8 =	vld [tilespmem:s20+$0x8020];
	v4 =	vmov v14  }
0x2eb: {  	s21 =	sadd.s32 $0x400, s21;
	v11 =	vld [tilespmem:s20+$0x8000]  }
0x2ec: {  	v12 =	vld [tilespmem:s20+$0x8010]  }
0x2ed: {  	v13 =	vld [tilespmem:s20+$0x8030]  }
0x2ee: {  	v14 =	vld [tilespmem:s20+$0x8050]  }
0x2ef: {  	v15 =	vld [tilespmem:s20+$0x8070]  }
0x2f0: {  	v16 =	vld [tilespmem:s20+$0x8090]  }
0x2f1: {  	v9 =	vmax.f32 v9, v11;
	v11 =	vld [tilespmem:s20+$0x80B0];
	v10 =	vmax.f32 v10, v12  }
0x2f2: {  	v8 =	vmax.f32 v9, v8;
	v9 =	vmax.f32 v10, v13;
	v10 =	vld [tilespmem:s20+$0x80D0]  }
0x2f3: {  	v7 =	vmax.f32 v8, v7;
	v8 =	vmax.f32 v9, v14;
	v9 =	vld [tilespmem:s20+$0x80F0]  }
0x2f4: {  	v6 =	vmax.f32 v7, v6;
	v7 =	vmax.f32 v8, v15  }
0x2f5: {  	v5 =	vmax.f32 v6, v5;
	v6 =	vmax.f32 v7, v16  }
0x2f6: {  	v3 =	vmax.f32 v5, v3;
	v5 =	vmax.f32 v6, v11  }
0x2f7: {  	v3 =	vmax.f32 v3, v4;
	v4 =	vmax.f32 v5, v10  }
0x2f8: {  	v2 =	vmax.f32 v3, v2;
	v3 =	vmax.f32 v4, v9  }
0x2f9: {  	v2 =	vmax.f32 v2, v3  }
0x2fa: {  	(xrf0) =	vmax.scan.msk.f32 $0xffff, v2;
	_ =	sdelay $0x5  }
0x2fb: {  	v2, _, _ =	vpop (xrf0)  }
0x2fc: {  	(v2sf) =	vpush v2, $0xF;
	_ =	sdelay $0x8  }
0x2fd: {  	s31 =	simm.s32 $0x0  }
0x2fe: {  	v23 =	vld [tilespmem:s31+$0x8000]  }
0x2ff: {  	v16 =	vld [tilespmem:s31+$0x8010]  }
0x300: {  	v11 =	vld [tilespmem:s31+$0x8020]  }
0x301: {  	v5 =	vld [tilespmem:s31+$0x8040]  }
0x302: {  	v3 =	vld [tilespmem:s31+$0x8050]  }
0x303: {  	v4 =	vld [tilespmem:s31+$0x8060];
	s21 =	spop (v2sf)  }
0x304: {  	v9 =	vld [tilespmem:s31+$0x8030];
	s21 =	sadd.f32 $-2.000000000e+00, s21  }
0x305: {  	v8 =	vld [tilespmem:s31+$0x8070]  }
0x306: {  	v12 =	vimm.s32 $0x0;
	v7 =	vmov s21  }
0x307: {  	vm3 =	vge.f32 v11, v7;
	vm13 =	vge.f32 v23, v7;
	vm0 =	vge.f32 v3, v7  }
0x308: {  	vm1 =	vge.f32 v5, v7;
	vm9 =	vge.f32 v16, v7;
	v6 =	vsel vm3, $0x1, v0  }
0x309: {  	vm2 =	vge.f32 v4, v7;
	vm6 =	vge.f32 v9, v7;
	v10 =	vsel vm13, $0x1, v0;
	(xrf0) =	vadd.scan.msk.s32 $0xffff, v6  }
0x30a: {  	vm4 =	vge.f32 v8, v7;
	v13 =	vmpcnt.ones.xlane vm13;
	v14 =	vmpcnt.ones.xlane vm1;
	(xrf0) =	vadd.scan.msk.s32 $0xffff, v10  }
0x30b: {  	v15 =	vmpcnt.ones.xlane vm0;
	v6 =	vsel vm0, $0x1, v0;
	v10 =	vsel vm1, $0x1, v0  }
0x30c: {  	v18 =	vadd.s32 v12, v13;
	v13 =	vsel vm9, $0x1, v0;
	(xrf0) =	vadd.scan.msk.s32 $0xffff, v6;
	v6 =	vimm.s32 $0x0  }
0x30d: {  	v17 =	vmpcnt.ones.xlane vm2;
	v6 =	vsel vm1, $0xFFFFFFFF, v6;
	(xrf0) =	vadd.scan.msk.s32 $0xffff, v10;
	v10 =	vimm.s32 $0x0  }
0x30e: {  	v20 =	vsel vm2, $0x1, v0;
	[tilespmem:$0x1FF80] =	vst v6;
	v6 =	vmpcnt.ones.xlane vm9;
	v10 =	vsel vm0, $0xFFFFFFFF, v10  }
0x30f: {  	v22 =	vmpcnt.ones.xlane vm3;
	v24 =	vmpcnt.ones.xlane vm4;
	(xrf0) =	vadd.scan.msk.s32 $0xffff, v13;
	[tilespmem:$0x1FF90] =	vst v10;
	v10 =	vld [tilespmem:s31+$0x8080];
	v13, _, _ =	vpop (xrf0)  }
0x310: {  	v33 =	vsel vm4, $0x1, v0;
	v19 =	vadd.s32 v6, v18;
	v6 =	vld [tilespmem:s31+$0x80F0];
	(xrf0) =	vadd.scan.msk.s32 $0xffff, v20;
	v20 =	vmpcnt.ones.xlane vm6;
	v25, _, _ =	vpop (xrf0)  }
0x311: {  	v21 =	vadd.s32 v19, v13;
	v27 =	vadd.s32 v22, v19;
	v25 =	vadd.s32 v25, v12  }
0x312: {  	v21 =	vadd.s32 $0xFFFFFFFF, v21;
	v19 =	vadd.s32 v20, v27;
	v22 =	vadd.s32 $0xFFFFFFFF, v25  }
0x313: {  	v13 =	vld [tilespmem:s31+$0x8090];
	v26, _, _ =	vpop (xrf0);
	v25 =	vsel vm6, $0x1, v0;
	v28 =	vadd.s32 v14, v19;
	vm15 =	vlt.s32 v21, $0x1FFF  }
0x314: {  	v12 =	vld [tilespmem:s31+$0x80E0];
	v20, _, _ =	vpop (xrf0);
	vm0 =	vlt.s32 v22, $0x1FFF;
	vm8 =	vge.f32 v10, v7;
	v29 =	vadd.s32 v15, v28  }
0x315: {  	v61 =	vadd.s32 v28, v26;
	v20 =	vadd.s32 v19, v20;
	vm5 =	vge.f32 v6, v7  }
0x316: {  	v14 =	vld [tilespmem:s31+$0x80D0];
	(xrf0) =	vadd.scan.msk.s32 $0xffff, v25;
	v31 =	vnsel vm0, $0x1FFF, v22;
	v32 =	vadd.s32 v17, v29;
	v34 =	vmpcnt.ones.xlane vm8  }
0x317: {  	v15 =	vld [tilespmem:s31+$0x80A0];
	v30, _, _ =	vpop (xrf0);
	(xrf0) =	vadd.scan.msk.s32 $0xffff, v33;
	v35 =	vsel vm8, $0x1, v0;
	v33 =	vadd.s32 $0xFFFFFFFF, v61;
	v19 =	vmpcnt.ones.xlane vm5  }
0x318: {  	v17, _, _ =	vpop (xrf0);
	vm10 =	vge.f32 v13, v7;
	v22 =	vsel vm5, $0x1, v0;
	v18 =	vadd.s32 v18, v30  }
0x319: {  	v30 =	vadd.s32 $0xFFFFFFFF, v20;
	vm7 =	vge.f32 v12, v7;
	v25 =	vadd.s32 v29, v17  }
0x31a: {  	v17 =	vld [tilespmem:s31+$0x80C0];
	v29 =	vadd.s32 $0xFFFFFFFF, v18;
	v28 =	vmpcnt.ones.xlane vm10;
	v18 =	vadd.s32 $0xFFFFFFFF, v25  }
0x31b: {  	v26 =	vsel vm10, $0x1, v0;
	vm0 =	vlt.s32 v29, $0x1FFF;
	vm12 =	vlt.s32 v18, $0x1FFF  }
0x31c: {  	vm11 =	vge.f32 v14, v7;
	v20 =	vnsel vm12, $0x1FFF, v18;
	v18 =	vld [tilespmem:s31+$0x80B0];
	vm12 =	vge.f32 v15, v7  }
0x31d: {  	v25 =	vadd.s32 v24, v32;
	v24 =	vmpcnt.ones.xlane vm11;
	v36, _, _ =	vpop (xrf0);
	[tilespmem:v31+s14+$0x0] =	vst.idx.msk vm13, v23;
	v31 =	vmpcnt.ones.xlane vm12  }
0x31e: {  	v23, _, _ =	vpop (xrf0);
	(xrf0) =	vadd.scan.msk.s32 $0xffff, v26;
	v26 =	vnsel vm0, $0x1FFF, v29;
	v36 =	vadd.s32 v27, v36;
	v29 =	vsel vm11, $0x1, v0  }
0x31f: {  	vm0 =	vlt.s32 v30, $0x1FFF;
	v62 =	vsel vm12, $0x1, v0;
	vm13 =	vge.f32 v17, v7;
	(xrf0) =	vadd.scan.msk.s32 $0xffff, v35  }
0x320: {  	v27 =	vadd.s32 v32, v23;
	v23 =	vnsel vm0, $0x1FFF, v30;
	v30 =	vadd.s32 v34, v25;
	(xrf0) =	vadd.scan.msk.s32 $0xffff, v29  }
0x321: {  	v32 =	vadd.s32 $0xFFFFFFFF, v36;
	v63 =	vsel vm13, $0x1, v0;
	(xrf0) =	vadd.scan.msk.s32 $0xffff, v62;
	vm14 =	vge.f32 v18, v7  }
0x322: {  	s20 =	simm.s32 $0x400;
	v29 =	vmpcnt.ones.xlane vm13;
	(xrf0) =	vadd.scan.msk.s32 $0xffff, v63;
	v34 =	vmpcnt.ones.xlane vm14;
	v35 =	vsel vm14, $0x1, v0  }
.LBB2_49:
0x323: {  	_ = 	snop  }
0x324: {  	v37, _, _ =	vpop (xrf0)  }
0x325: {  	v28 =	vadd.s32 v28, v30;
	v50, _, _ =	vpop (xrf0)  }
0x326: {  	vm0 =	vlt.s32 v32, $0x1FFF;
	v21 =	vnsel vm15, $0x1FFF, v21;
	(xrf0) =	vadd.scan.msk.s32 $0xffff, v35;
	v52, _, _ =	vpop (xrf0)  }
0x327: {  	[tilespmem:v26+s14+$0x0] =	vst.idx.msk vm9, v16;
	v26 =	vsel vm7, $0x1, v0;
	v51 =	vadd.s32 v25, v50;
	(xrf0) =	vadd.scan.msk.s32 $0xffff, v22;
	v25, _, _ =	vpop (xrf0)  }
0x328: {  	v31 =	vadd.s32 v31, v28;
	v25 =	vadd.s32 v28, v25;
	v28, _, _ =	vpop (xrf0);
	(xrf0) =	vadd.scan.msk.s32 $0xffff, v26;
	v26 =	vnsel vm0, $0x1FFF, v32;
	_ =	sdelay $0x1  }
0x329: {  	v30 =	vadd.s32 v30, v37  }
0x32a: {  	v30 =	vadd.s32 $0xFFFFFFFF, v30  }
0x32b: {  	vm9 =	vlt.s32 v30, $0x1FFF;
	[tilespmem:v21+s14+$0x0] =	vst.idx.msk vm3, v11  }
0x32c: {  	[tilespmem:v26+s14+$0x0] =	vst.idx.msk vm6, v9;
	v9 =	vnsel vm9, $0x1FFF, v30;
	v30 =	vld [tilespmem:$0x1FF80];
	_ =	sdelay $0x1  }
0x32d: {  	vm1 =	vlt.s32 v33, $0x1FFF;
	v22 =	vadd.s32 $0xFFFFFFFF, v51  }
0x32e: {  	v27 =	vadd.s32 $0xFFFFFFFF, v27;
	v16 =	vnsel vm1, $0x1FFF, v33;
	vm1 =	vlt.s32 v22, $0x1FFF  }
0x32f: {  	v22 =	vnsel vm1, $0x1FFF, v22;
	vm1 =	vlt.s32 v27, $0x1FFF  }
0x330: {  	v25 =	vadd.s32 $0xFFFFFFFF, v25;
	v27 =	vnsel vm1, $0x1FFF, v27;
	vm1 =	vnez.u8 v30  }
0x331: {  	v53 =	vadd.s32 v34, v31;
	vm0 =	vlt.s32 v25, $0x1FFF  }
0x332: {  	v11 =	vnsel vm0, $0x1FFF, v25;
	v25 =	vadd.s32 v53, v28;
	v28 =	vadd.s32 v29, v53  }
0x333: {  	v54, _, _ =	vpop (xrf0)  }
0x334: {  	v36 =	vmpcnt.ones.xlane vm7;
	v29, _, _ =	vpop (xrf0)  }
0x335: {  	v21 =	vadd.s32 v31, v54;
	v31 =	vadd.s32 v28, v52;
	v24 =	vadd.s32 v24, v28;
	v28, _, _ =	vpop (xrf0)  }
0x336: {  	[tilespmem:v23+s14+$0x0] =	vst.idx.msk vm1, v5;
	v5 =	vadd.s32 v24, v28;
	v23 =	vadd.s32 v36, v24;
	v24 =	vld [tilespmem:$0x1FF90];
	_ =	sdelay $0x4  }
0x337: {  	vm3 =	vnez.u8 v24;
	_ =	sdelay $0x4  }
0x338: {  	v21 =	vadd.s32 $0xFFFFFFFF, v21  }
0x339: {  	v25 =	vadd.s32 $0xFFFFFFFF, v25;
	vm0 =	vlt.s32 v21, $0x1FFF;
	v26 =	vadd.s32 $0xFFFFFFFF, v31;
	[tilespmem:v16+s14+$0x0] =	vst.idx.msk vm3, v3  }
0x33a: {  	v21 =	vnsel vm0, $0x1FFF, v21;
	vm0 =	vlt.s32 v25, $0x1FFF;
	vm1 =	vlt.s32 v26, $0x1FFF;
	[tilespmem:v20+s14+$0x0] =	vst.idx.msk vm2, v4  }
0x33b: {  	v5 =	vadd.s32 $0xFFFFFFFF, v5;
	v16 =	vadd.s32 v23, v29;
	v4 =	vnsel vm0, $0x1FFF, v25;
	[tilespmem:v27+s14+$0x0] =	vst.idx.msk vm4, v8  }
0x33c: {  	v3 =	vnsel vm1, $0x1FFF, v26;
	v16 =	vadd.s32 $0xFFFFFFFF, v16;
	vm0 =	vlt.s32 v5, $0x1FFF;
	[tilespmem:v22+s14+$0x0] =	vst.idx.msk vm8, v10  }
0x33d: {  	vm1 =	vlt.s32 v16, $0x1FFF;
	v5 =	vnsel vm0, $0x1FFF, v5;
	[tilespmem:v9+s14+$0x0] =	vst.idx.msk vm10, v13  }
0x33e: {  	v8 =	vnsel vm1, $0x1FFF, v16;
	[tilespmem:v11+s14+$0x0] =	vst.idx.msk vm12, v15  }
0x33f: {  	[tilespmem:v21+s14+$0x0] =	vst.idx.msk vm14, v18  }
0x340: {  	[tilespmem:v4+s14+$0x0] =	vst.idx.msk vm13, v17  }
0x341: {  	[tilespmem:v3+s14+$0x0] =	vst.idx.msk vm11, v14  }
0x342: {  	s21 =	smov.u32 s20;
	[tilespmem:v5+s14+$0x0] =	vst.idx.msk vm7, v12  }
0x343: {  	s21 =	sshra.s32 s21, $0x2;
	[tilespmem:v8+s14+$0x0] =	vst.idx.msk vm5, v6  }
0x344: {  	v11 =	vld [tilespmem:s21+$0x8020]  }
0x345: {  	v5 =	vld [tilespmem:s21+$0x8040]  }
0x346: {  	v20 =	vld [tilespmem:s21+$0x8000]  }
0x347: {  	v3 =	vld [tilespmem:s21+$0x8050]  }
0x348: {  	v16 =	vld [tilespmem:s21+$0x8010];
	_ =	sdelay $0x1  }
0x349: {  	v4 =	vld [tilespmem:s21+$0x8060]  }
0x34a: {  	v19 =	vadd.s32 v19, v23;
	v9 =	vld [tilespmem:s21+$0x8030];
	vm3 =	vge.f32 v11, v7;
	vm1 =	vge.f32 v5, v7  }
0x34b: {  	v8 =	vld [tilespmem:s21+$0x8070];
	vm12 =	vge.f32 v20, v7;
	vm0 =	vge.f32 v3, v7;
	v6 =	vsel vm3, $0x1, v0  }
0x34c: {  	vm9 =	vge.f32 v16, v7;
	v10 =	vsel vm12, $0x1, v0;
	(xrf0) =	vadd.scan.msk.s32 $0xffff, v6;
	v6 =	vimm.s32 $0x0  }
0x34d: {  	v13 =	vmpcnt.ones.xlane vm12;
	v6 =	vsel vm1, $0xFFFFFFFF, v6;
	(xrf0) =	vadd.scan.msk.s32 $0xffff, v10;
	v10 =	vimm.s32 $0x0  }
0x34e: {  	vm2 =	vge.f32 v4, v7;
	v14 =	vmpcnt.ones.xlane vm9;
	[tilespmem:$0x1FF80] =	vst v6;
	v10 =	vsel vm0, $0xFFFFFFFF, v10  }
0x34f: {  	v18 =	vmpcnt.ones.xlane vm3;
	v25 =	vadd.s32 v19, v13;
	v6 =	vsel vm0, $0x1, v0;
	[tilespmem:$0x1FF90] =	vst v10;
	v10 =	vld [tilespmem:s21+$0x8080]  }
0x350: {  	vm6 =	vge.f32 v9, v7;
	vm4 =	vge.f32 v8, v7;
	v17 =	vadd.s32 v14, v25;
	(xrf0) =	vadd.scan.msk.s32 $0xffff, v6;
	v6 =	vld [tilespmem:s21+$0x80F0]  }
0x351: {  	v12 =	vsel vm1, $0x1, v0;
	v22 =	vmpcnt.ones.xlane vm1;
	v29 =	vadd.s32 v18, v17;
	v18 =	vld [tilespmem:s21+$0x80B0]  }
0x352: {  	v23 =	vmpcnt.ones.xlane vm0;
	v26 =	vmpcnt.ones.xlane vm6;
	v13 =	vsel vm9, $0x1, v0;
	(xrf0) =	vadd.scan.msk.s32 $0xffff, v12  }
0x353: {  	v24 =	vmpcnt.ones.xlane vm2;
	v27 =	vmpcnt.ones.xlane vm4;
	v57 =	vsel vm4, $0x1, v0;
	(xrf0) =	vadd.scan.msk.s32 $0xffff, v13;
	v13 =	vld [tilespmem:s21+$0x8090];
	v14, _, _ =	vpop (xrf0)  }
0x354: {  	v12 =	vsel vm2, $0x1, v0;
	v26 =	vadd.s32 v26, v29;
	v21 =	vadd.s32 v17, v14;
	v28, _, _ =	vpop (xrf0)  }
0x355: {  	(xrf0) =	vadd.scan.msk.s32 $0xffff, v12;
	v19 =	vadd.s32 v28, v19;
	v21 =	vadd.s32 $0xFFFFFFFF, v21;
	vm8 =	vge.f32 v10, v7  }
0x356: {  	v12 =	vld [tilespmem:s21+$0x80E0];
	vm5 =	vge.f32 v6, v7;
	vm14 =	vge.f32 v18, v7;
	v30 =	vadd.s32 $0xFFFFFFFF, v19  }
0x357: {  	v14 =	vld [tilespmem:s21+$0x80D0];
	v28, _, _ =	vpop (xrf0);
	v19 =	vsel vm6, $0x1, v0;
	vm15 =	vlt.s32 v21, $0x1FFF;
	v34 =	vmpcnt.ones.xlane vm14  }
0x358: {  	v17 =	vld [tilespmem:s21+$0x80C0];
	v35 =	vsel vm14, $0x1, v0;
	v31, _, _ =	vpop (xrf0);
	vm0 =	vlt.s32 v30, $0x1FFF;
	vm10 =	vge.f32 v13, v7  }
0x359: {  	v31 =	vadd.s32 v26, v31;
	v26 =	vadd.s32 v22, v26;
	v55, _, _ =	vpop (xrf0);
	(xrf0) =	vadd.scan.msk.s32 $0xffff, v19;
	v19 =	vmpcnt.ones.xlane vm5  }
0x35a: {  	v30 =	vnsel vm0, $0x1FFF, v30;
	v22 =	vsel vm5, $0x1, v0;
	v23 =	vadd.s32 v23, v26  }
0x35b: {  	vm7 =	vge.f32 v12, v7;
	v25 =	vadd.s32 v25, v55;
	v56 =	vadd.s32 v24, v23;
	v24, _, _ =	vpop (xrf0);
	(xrf0) =	vadd.scan.msk.s32 $0xffff, v57  }
0x35c: {  	v58 =	vadd.s32 $0xFFFFFFFF, v31;
	v59 =	vadd.s32 v26, v28;
	vm11 =	vge.f32 v14, v7  }
0x35d: {  	v15 =	vld [tilespmem:s21+$0x80A0];
	v28 =	vmpcnt.ones.xlane vm10;
	v26 =	vsel vm10, $0x1, v0;
	vm13 =	vge.f32 v17, v7  }
0x35e: {  	v32 =	vadd.s32 $0xFFFFFFFF, v25;
	v63 =	vsel vm13, $0x1, v0;
	v23 =	vadd.s32 v23, v24  }
0x35f: {  	v33 =	vadd.s32 $0xFFFFFFFF, v59;
	vm0 =	vlt.s32 v32, $0x1FFF;
	v23 =	vadd.s32 $0xFFFFFFFF, v23  }
0x360: {  	p0 =	sne.s32 s20, $0x1FC00;
	v25 =	vadd.s32 v27, v56;
	v24 =	vmpcnt.ones.xlane vm11;
	[tilespmem:v30+s14+$0x0] =	vst.idx.msk vm12, v20;
	vm1 =	vlt.s32 v23, $0x1FFF;
	v27, _, _ =	vpop (xrf0)  }
.Ltmp36:
0x361: {  	v30 =	vmpcnt.ones.xlane vm8;
	v20 =	vnsel vm1, $0x1FFF, v23;
	v23 =	vsel vm8, $0x1, v0;
	v60, _, _ =	vpop (xrf0);
	(xrf0) =	vadd.scan.msk.s32 $0xffff, v26;
	(pc) =	sbr.rel @p0 .LBB2_49-.Ltmp36, $4  }
0x362: {  	vm12 =	vge.f32 v15, v7;
	v61 =	vadd.s32 v29, v27;
	v29 =	vsel vm11, $0x1, v0;
	(xrf0) =	vadd.scan.msk.s32 $0xffff, v23  }
0x363: {  	v31 =	vmpcnt.ones.xlane vm12;
	v62 =	vsel vm12, $0x1, v0;
	v30 =	vadd.s32 v30, v25;
	(xrf0) =	vadd.scan.msk.s32 $0xffff, v29  }
0x364: {  	v26 =	vnsel vm0, $0x1FFF, v32;
	vm0 =	vlt.s32 v58, $0x1FFF;
	v32 =	vadd.s32 $0xFFFFFFFF, v61;
	(xrf0) =	vadd.scan.msk.s32 $0xffff, v62  }
0x365: {  	s20 =	sadd.s32 $0x400, s20;
	v27 =	vadd.s32 v56, v60;
	v23 =	vnsel vm0, $0x1FFF, v58;
	v29 =	vmpcnt.ones.xlane vm13;
	(xrf0) =	vadd.scan.msk.s32 $0xffff, v63  }
0x366: {  	v7 =	vadd.s32 v28, v30  }
0x367: {  	v28 =	vadd.s32 v31, v7  }
0x368: {  	v31 =	vadd.s32 v34, v28  }
0x369: {  	v43 =	vmpcnt.ones.xlane vm7;
	v29 =	vadd.s32 v29, v31  }
0x36a: {  	v36, _, _ =	vpop (xrf0);
	v24 =	vadd.s32 v24, v29  }
0x36b: {  	v21 =	vnsel vm15, $0x1FFF, v21;
	vm0 =	vlt.s32 v32, $0x1FFF;
	v44, _, _ =	vpop (xrf0);
	v34 =	vadd.s32 v43, v24  }
0x36c: {  	vm15 =	vlt.s32 v33, $0x1FFF;
	v48 =	vsel vm7, $0x1, v0;
	v45, _, _ =	vpop (xrf0);
	v19 =	vadd.s32 v19, v34  }
0x36d: {  	v27 =	vadd.s32 $0xFFFFFFFF, v27;
	v57 =	vld [tilespmem:$0x1FF80];
	v25 =	vadd.s32 v25, v44;
	v46, _, _ =	vpop (xrf0);
	(v2sf) =	vpush v19, $0x0  }
0x36e: {  	v60 =	vld [tilespmem:$0x1FF90];
	v32 =	vnsel vm0, $0x1FFF, v32;
	v47 =	vadd.s32 $0xFFFFFFFF, v25;
	v7 =	vadd.s32 v7, v46  }
0x36f: {  	(xrf0) =	vadd.scan.msk.s32 $0xffff, v35;
	v49 =	vnsel vm15, $0x1FFF, v33;
	vm15 =	vlt.s32 v47, $0x1FFF;
	v7 =	vadd.s32 $0xFFFFFFFF, v7  }
0x370: {  	v51 =	vadd.s32 v30, v36;
	(xrf0) =	vadd.scan.msk.s32 $0xffff, v22;
	v22 =	vnsel vm15, $0x1FFF, v47;
	vm15 =	vlt.s32 v7, $0x1FFF  }
0x371: {  	[tilespmem:v26+s14+$0x0] =	vst.idx.msk vm9, v16;
	v16 =	vadd.s32 $0xFFFFFFFF, v51;
	v7 =	vnsel vm15, $0x1FFF, v7;
	vm15 =	vlt.s32 v27, $0x1FFF  }
0x372: {  	vm9 =	vlt.s32 v16, $0x1FFF;
	v53 =	vnsel vm15, $0x1FFF, v27;
	vm15 =	vnez.u8 v57  }
0x373: {  	(xrf0) =	vadd.scan.msk.s32 $0xffff, v48;
	v16 =	vnsel vm9, $0x1FFF, v16;
	vm9 =	vnez.u8 v60  }
0x374: {  	v50, _, _ =	vpop (xrf0)  }
0x375: {  	v52, _, _ =	vpop (xrf0)  }
0x376: {  	[tilespmem:v21+s14+$0x0] =	vst.idx.msk vm3, v11;
	v54 =	vadd.s32 v28, v52  }
0x377: {  	[tilespmem:v32+s14+$0x0] =	vst.idx.msk vm6, v9;
	v55 =	vadd.s32 $0xFFFFFFFF, v54  }
0x378: {  	v59 =	vadd.s32 v29, v45;
	v19 =	vadd.s32 v31, v50;
	v56, _, _ =	vpop (xrf0);
	vm6 =	vlt.s32 v55, $0x1FFF;
	[tilespmem:v23+s14+$0x0] =	vst.idx.msk vm15, v5  }
0x379: {  	v62 =	vadd.s32 $0xFFFFFFFF, v59;
	v58 =	vadd.s32 $0xFFFFFFFF, v19;
	v9 =	vnsel vm6, $0x1FFF, v55;
	[tilespmem:v49+s14+$0x0] =	vst.idx.msk vm9, v3;
	v3, _, _ =	vpop (xrf0)  }
0x37a: {  	vm6 =	vlt.s32 v62, $0x1FFF;
	vm15 =	vlt.s32 v58, $0x1FFF;
	[tilespmem:v20+s14+$0x0] =	vst.idx.msk vm2, v4;
	v3 =	vadd.s32 v24, v3  }
0x37b: {  	v63 =	vadd.s32 v34, v56;
	v61 =	vnsel vm15, $0x1FFF, v58;
	[tilespmem:v53+s14+$0x0] =	vst.idx.msk vm4, v8;
	v3 =	vadd.s32 $0xFFFFFFFF, v3  }
0x37c: {  	v5 =	vnsel vm6, $0x1FFF, v62;
	v8 =	vadd.s32 $0xFFFFFFFF, v63;
	[tilespmem:v22+s14+$0x0] =	vst.idx.msk vm8, v10;
	vm9 =	vlt.s32 v3, $0x1FFF;
	s21 =	spop (v2sf)  }
0x37d: {  	vm15 =	vlt.s32 v8, $0x1FFF;
	v3 =	vnsel vm9, $0x1FFF, v3;
	[tilespmem:v16+s14+$0x0] =	vst.idx.msk vm10, v13;
	s20 =	sadd.s32 $0xF, s21  }
0x37e: {  	v8 =	vnsel vm15, $0x1FFF, v8;
	[tilespmem:v7+s14+$0x0] =	vst.idx.msk vm12, v15;
	p0 =	slt.s32 s21, $0x1FF0;
	s20 =	sshra.s32 s20, $0x4  }
0x37f: {  	[tilespmem:v9+s14+$0x0] =	vst.idx.msk vm14, v18;
	s21 =	simm.s32 @!p0 $0x1FF0;
	p0 =	slt.s32 s20, $0x1  }
.Ltmp37:
0x380: {  	[tilespmem:v61+s14+$0x0] =	vst.idx.msk vm13, v17;
	(pc) =	sbr.rel @p0 .LBB2_54-.Ltmp37, $4  }
0x381: {  	[tilespmem:v5+s14+$0x0] =	vst.idx.msk vm11, v14  }
0x382: {  	[tilespmem:v3+s14+$0x0] =	vst.idx.msk vm7, v12  }
0x383: {  	v2 =	vbroadcast v2, $0xF;
	[tilespmem:v8+s14+$0x0] =	vst.idx.msk vm5, v6  }
0x384: {  	[tilespmem:s21+$0x10000] =	vst v1;
	s21 =	simm.s32 $0x10000  }
0x385: {  	p1 =	sne.s32 s20, $0x1  }
.Ltmp38:
0x386: {  	_ = 	snop;
	(pc) =	sbr.rel @!p1 .LBB2_53-.Ltmp38, $2  }
0x387: {  	_ =	sdelay $0x2  }
0x388: {  	v3 =	vld [tilespmem:s21+$0x0];
	s22 =	sadd.s32 $0xFFFFFFFF, s20  }
.LBB2_52:
0x389: {  	p1 =	sne.s32 s22, $0x1;
	_ =	sdelay $0x3  }
0x38a: {  	v3 =	vsub.f32 v3, v2  }
.Ltmp39:
0x38b: {  	(pc) =	sbr.rel @p1 .LBB2_52-.Ltmp39, $3  }
0x38c: {  	v3 =	vmul.f32 $5.000000000e-01, v3;
	_ =	sdelay $0x1  }
0x38d: {  	[tilespmem:s21+$0x0] =	vst v3;
	s21 =	sadd.s32 $0x10, s21  }
0x38e: {  	s22 =	sadd.s32 $0xFFFFFFFF, s22;
	v3 =	vld [tilespmem:s21+$0x0]  }
.LBB2_53:
0x38f: {  	_ =	sdelay $0x3  }
0x390: {  	v3 =	vsub.f32 v3, v2;
	_ =	sdelay $0x1  }
0x391: {  	v3 =	vmul.f32 $5.000000000e-01, v3;
	_ =	sdelay $0x1  }
0x392: {  	[tilespmem:s21+$0x0] =	vst v3  }
.LBB2_54:
.Ltmp40:
0x393: {  	(pc) =	sbr.rel .LBB2_55-.Ltmp40, $2  }
0x394: {  	_ =	sdelay $0x2  }
0x395: {  	s21 =	simm.s32 $0x0;
	v3 =	vimm.f32 $-1.000000000e+00  }
.LBB2_56:
0x396: {  	v6 =	vimm.f32 $0.0e+00  }
.LBB2_60:
0x397: {  	(xrf2) =	vadd.scan.msk.f32 $0xffff, v4  }
0x398: {  	(xrf2) =	vadd.scan.msk.f32 $0xffff, v6;
	_ =	sdelay $0x8  }
0x399: {  	v4, _, _ =	vpop (xrf2)  }
0x39a: {  	v5, _, _ =	vpop (xrf2)  }
0x39b: {  	v5 =	vadd.f32 v5, v5;
	_ =	sdelay $0x1  }
0x39c: {  	v5 =	vmax.f32 v5, $1.000000000e-30  }
0x39d: {  	v5 =	vbroadcast v5, $0xF;
	_ =	sdelay $0x1  }
0x39e: {  	(erf) = vrcp.f32 v5;
	_ =	sdelay $0x5  }
0x39f: {  	s21 =	sadd.s32 $0x1, s21;
	v4 =	vadd.f32 $-1.000000000e+00, v4  }
0x3a0: {  	p1 =	sne.s32 s21, $0xC  }
.Ltmp41:
0x3a1: {  	v4 =	vbroadcast v4, $0xF;
	(pc) =	sbr.rel @!p1 .LBB2_61-.Ltmp41, $3  }
0x3a2: {  	v5 =	vpop (erf)  }
0x3a3: {  	v4 =	vmul.f32 v5, v4;
	_ =	sdelay $0x1  }
0x3a4: {  	v3 =	vadd.f32 v4, v3  }
.LBB2_55:
.Ltmp42:
0x3a5: {  	(pc) =	sbr.rel @p0 .LBB2_56-.Ltmp42, $2  }
0x3a6: {  	_ =	sdelay $0x2  }
0x3a7: {  	v4 =	vimm.f32 $0.0e+00;
	s23 =	simm.s32 $0x10000  }
0x3a8: {  	v5 =	vld [tilespmem:s23+$0x0];
	p1 =	sne.s32 s20, $0x1  }
.Ltmp43:
0x3a9: {  	_ = 	snop;
	(pc) =	sbr.rel @!p1 .LBB2_59-.Ltmp43, $2  }
0x3aa: {  	_ =	sdelay $0x2  }
0x3ab: {  	s22 =	sadd.s32 $0xFFFFFFFF, s20;
	s23 =	sadd.s32 $0x10, s23;
	v6 =	vsub.f32 v5, v3;
	v5 =	vimm.f32 $0.0e+00  }
.LBB2_58:
0x3ac: {  	v7 =	vld [tilespmem:s23+$0x0];
	p1 =	sne.s32 s22, $0x1;
	s22 =	sadd.s32 $0xFFFFFFFF, s22  }
.Ltmp44:
0x3ad: {  	v6 =	vmax.f32 v6, $0.0e+00;
	(pc) =	sbr.rel @p1 .LBB2_58-.Ltmp44, $3  }
0x3ae: {  	v8 =	vmul.f32 v6, v6;
	v4 =	vadd.f32 v6, v4;
	_ =	sdelay $0x1  }
0x3af: {  	v5 =	vadd.f32 v8, v5  }
0x3b0: {  	s23 =	sadd.s32 $0x10, s23;
	v6 =	vsub.f32 v7, v3  }
.LBB2_59:
0x3b1: {  	_ = 	snop  }
.Ltmp45:
0x3b2: {  	v6 =	vmax.f32 v6, $0.0e+00;
	(pc) =	sbr.rel .LBB2_60-.Ltmp45, $2  }
0x3b3: {  	v7 =	vmul.f32 v6, v6;
	_ =	sdelay $0x1  }
0x3b4: {  	v6 =	vadd.f32 v6, v4;
	v4 =	vadd.f32 v7, v5;
	_ =	sdelay $0x1  }
.LBB2_62:
0x3b5: {  	_ =	sfence.sel $0x180000  }
0x3b6: {  	[bflag:$0x0] =	sbarrier.arrive $0xFFFF  }
0x3b7: {  	p0 =	sne.s32 s1, $0x0;
	_ =	strace $0x90000047  }
0x3b8: {  	s0 =	sadd.s32 @!p0 $0x100000, s0;
	[bflag:$0x2] =	sbarrier.arrive $0xFFFF  }
0x3b9: {  	[sflag:s0] =	ssyncadd.tile.s32 @!p0 $0x1;
	_ =	shalt  }
.Lfunc_end2:
_tile_overlayer_lowered:
.L_overlay_start_2:
0x3ba: {  	(tag) =	ssettag $0x2  }
0x3bb: {  	s0 =	rddreg [dreg:$0x0];
	s2 =	stileid.u32  }
0x3bc: {  	s1 =	rddreg [dreg:$0x1];
	p0 =	sne.s32 s2, $0x0  }
0x3bd: {  	s3 =	rddreg [dreg:$0x2];
	[bflag:$0x3] =	sbarrier.arrive $0xFFFF;
	s2 =	simm.s32 @!p0 $0x1C03  }
0x3be: {  	[timem:s3], [sflag:s2] =	dma.local @!p0 [hbm:s0], s1  }
0x3bf: {  	s0 =	simm.s32 @!p0 $0x3  }
0x3c0: {  	_ =	swait.ge @!p0 [sflag:s0], s1  }
0x3c1: {  	s1 =	ssub.s32 @!p0 $0x0, s1;
	[sflag:s0] =	ssyncset.done @!p0 $0x0  }
0x3c2: {  	[sflag:s0] =	ssyncadd.s32 @!p0 s1  }
0x3c3: {  	[bflag:$0x3] =	sbarrier.arrive $0xFFFF  }
0x3c4: {  	_ =	shalt  }

</sc_bundles>
